<compile_context>
chip_gen: v7x
topology: tpu7x:2x2x1
jax: 0.10.2.dev20260603
libtpu: 0.0.44.dev20260713+nightly
codegen_flags: <defaults>
</compile_context>

<pallas_src>
import functools

import jax
import jax.numpy as jnp
from jax import lax
from jax.experimental import pallas as pl
from jax.experimental.pallas import tpu as pltpu
from jax.experimental.pallas import tpu_sc as plsc

N_USERS = 4000
N_NODES = 10000
N_EDGES = 320000
D = 128

NC = 2
NS = 16
NW = NC * NS

CB = 64
NCHUNK = 80
NPASS = 2
EW = CB * NCHUNK * NPASS
EPAD = EW * NW

C_FAST = 118
C_SLOW = 42
FAST_CORE = 0

ROWS = 10240
RPS = ROWS // NS
DEGW = 16


def _mesh():
    return plsc.VectorSubcoreMesh(core_axis_name="c", subcore_axis_name="s")



def _sc_deg(dstw, zD):

    @functools.partial(
        pl.kernel,
        mesh=_mesh(),
        out_type=jax.ShapeDtypeStruct((NC, ROWS, D), jnp.float32),
        scratch_types=[
            pltpu.VMEM((NCHUNK, CB), jnp.int32),
            pltpu.VMEM((CB, D), jnp.float32),
            pltpu.VMEM_SHARED((ROWS, D), jnp.float32),
        ],
    )
    def body(dstw_hbm, zD_hbm, out_hbm, dst_v, ones_v, acc_sh):
        cid = lax.axis_index("c")
        sid = lax.axis_index("s")
        wid = sid * NC + cid

        @pl.when(sid == 0)
        def _():
            pltpu.sync_copy(zD_hbm, acc_sh)

        orow = jnp.ones((16,), jnp.float32)

        def _ones(i, carry):
            for j in range(D // 16):
                ones_v[i, pl.ds(j * 16, 16)] = orow
            return carry

        lax.fori_loop(0, CB, _ones, 0)
        plsc.subcore_barrier()

        for p in range(NPASS):
            pltpu.sync_copy(dstw_hbm.at[wid, p], dst_v)

            def _scat(j, carry):
                pltpu.sync_copy(ones_v, acc_sh.at[dst_v.at[j]], add=True)
                return carry

            lax.fori_loop(0, NCHUNK, _scat, 0)

        plsc.subcore_barrier()

        @pl.when(sid == 0)
        def _():
            pltpu.sync_copy(acc_sh, out_hbm.at[cid])

    return body(dstw, zD)


def _sc_layer(embS, srcf, dstf, srcs, dsts, zD):

    @functools.partial(
        pl.kernel,
        mesh=_mesh(),
        out_type=jax.ShapeDtypeStruct((NC, ROWS, D), jnp.float32),
        scratch_types=[
            pltpu.VMEM((C_FAST, CB), jnp.int32),
            pltpu.VMEM((C_FAST, CB), jnp.int32),
            pltpu.VMEM((CB, D), jnp.float32),
            pltpu.VMEM((CB, D), jnp.float32),
            pltpu.VMEM_SHARED((ROWS, D), jnp.float32),
            pltpu.SemaphoreType.DMA,
            pltpu.SemaphoreType.DMA,
        ],
    )
    def body(embS_hbm, srcf_hbm, dstf_hbm, srcs_hbm, dsts_hbm, zD_hbm, out_hbm,
             src_v, dst_v, buf0, buf1, acc_sh, sem0, sem1):
        cid = lax.axis_index("c")
        sid = lax.axis_index("s")

        @pl.when(sid == 0)
        def _():
            pltpu.sync_copy(zD_hbm, acc_sh)

        plsc.subcore_barrier()

        bufs = (buf0, buf1)
        sems = (sem0, sem1)

        def edge_phase(src_hbm, dst_hbm, nchunk):
            for p in range(NPASS):
                pltpu.sync_copy(src_hbm.at[sid, p], src_v.at[pl.ds(0, nchunk)])
                pltpu.sync_copy(dst_hbm.at[sid, p], dst_v.at[pl.ds(0, nchunk)])
                pltpu.async_copy(embS_hbm.at[src_v.at[0]], buf0, sem0)
                pltpu.async_copy(embS_hbm.at[src_v.at[1]], buf1, sem1)

                def _step(i, carry):
                    g = i * 2
                    for b in range(2):
                        j = g + b
                        pltpu.make_async_copy(embS_hbm.at[src_v.at[j]], bufs[b], sems[b]).wait()
                        pltpu.sync_copy(bufs[b], acc_sh.at[dst_v.at[j]], add=True)
                        pltpu.async_copy(embS_hbm.at[src_v.at[j + 2]], bufs[b], sems[b])
                    return carry

                lax.fori_loop(0, (nchunk - 2) // 2, _step, 0)
                for b in range(2):
                    j = nchunk - 2 + b
                    pltpu.make_async_copy(embS_hbm.at[src_v.at[j]], bufs[b], sems[b]).wait()
                    pltpu.sync_copy(bufs[b], acc_sh.at[dst_v.at[j]], add=True)

        @pl.when(cid == FAST_CORE)
        def _():
            edge_phase(srcf_hbm, dstf_hbm, C_FAST)

        @pl.when(cid == 1 - FAST_CORE)
        def _():
            edge_phase(srcs_hbm, dsts_hbm, C_SLOW)

        plsc.subcore_barrier()

        @pl.when(sid == 0)
        def _():
            pltpu.sync_copy(acc_sh, out_hbm.at[cid])

    return body(embS, srcf, dstf, srcs, dsts, zD)



def _tc_proj(uf, bn, bg, et, wu, bu, wn, bb, wg, bg2):

    def body(uf_r, bn_r, bg_r, et_r, wu_r, bu_r, wn_r, bb_r, wg_r, bg2_r, emb0_o):
        dn = (((1,), (1,)), ((), ()))
        hi = lax.Precision.HIGHEST
        up = lax.dot_general(uf_r[...], wu_r[...], dn, precision=hi,
                             preferred_element_type=jnp.float32) + bu_r[...]
        bp = (lax.dot_general(bn_r[...], wn_r[...], dn, precision=hi,
                              preferred_element_type=jnp.float32) + bb_r[...]
              + lax.dot_general(bg_r[...], wg_r[...], dn, precision=hi,
                                preferred_element_type=jnp.float32) + bg2_r[...])
        emb0_o[0:N_USERS, :] = et_r[0:N_USERS, :] + up
        emb0_o[N_USERS:N_NODES, :] = et_r[N_USERS:N_NODES, :] + bp

    return pl.pallas_call(
        body,
        out_shape=jax.ShapeDtypeStruct((N_NODES, D), jnp.float32),
    )(uf, bn, bg, et, wu, bu, wn, bb, wg, bg2)


def _tc_scale(degp, emb0p):

    def body(degp_r, emb0p_r, dinvB_o, embS_o):
        deg = degp_r[0, :, 0:1] + degp_r[1, :, 0:1]
        dinv = jnp.where(deg > 0.0, lax.rsqrt(deg), 0.0)
        dinvB = jnp.broadcast_to(dinv, (ROWS, D))
        dinvB_o[...] = dinvB
        embS_o[...] = emb0p_r[...] * dinvB

    return pl.pallas_call(
        body,
        out_shape=[
            jax.ShapeDtypeStruct((ROWS, D), jnp.float32),
            jax.ShapeDtypeStruct((ROWS, D), jnp.float32),
        ],
    )(degp, emb0p)


def _tc_combine(p, dinvB, accp, final):

    def body(p_r, dinv_r, acc_r, *outs):
        s = (p_r[0] + p_r[1]) * dinv_r[...]
        a = acc_r[...] + s
        if final:
            outs[0][...] = a[0:N_NODES, :] * 0.25
        else:
            outs[0][...] = s * dinv_r[...]
            outs[1][...] = a

    if final:
        shapes = [jax.ShapeDtypeStruct((N_NODES, D), jnp.float32)]
    else:
        shapes = [jax.ShapeDtypeStruct((ROWS, D), jnp.float32),
                  jax.ShapeDtypeStruct((ROWS, D), jnp.float32)]
    return pl.pallas_call(body, out_shape=shapes)(p, dinvB, accp)



def kernel(edge_index, user_features, book_num_features, book_genre_features,
           emb_table, W_user, b_user, W_bnum, b_bnum, W_bgen, b_bgen):
    src = edge_index[0].astype(jnp.int32)
    dst = edge_index[1].astype(jnp.int32)
    npad = EPAD - N_EDGES
    src_flat = jnp.concatenate([src, jnp.zeros((npad,), jnp.int32)])
    dst_flat = jnp.concatenate([dst, jnp.full((npad,), N_NODES, jnp.int32)])
    dstw = dst_flat.reshape(NW, NPASS, NCHUNK, CB)
    e_fast = NS * NPASS * C_FAST * CB
    srcw_f = src_flat[:e_fast].reshape(NS, NPASS, C_FAST, CB)
    dstw_f = dst_flat[:e_fast].reshape(NS, NPASS, C_FAST, CB)
    srcw_s = src_flat[e_fast:].reshape(NS, NPASS, C_SLOW, CB)
    dstw_s = dst_flat[e_fast:].reshape(NS, NPASS, C_SLOW, CB)

    zD = jnp.zeros((ROWS, D), jnp.float32)
    degp = _sc_deg(dstw, zD)
    emb0 = _tc_proj(
        user_features, book_num_features, book_genre_features, emb_table,
        W_user, b_user.reshape(1, D), W_bnum, b_bnum.reshape(1, D),
        W_bgen, b_bgen.reshape(1, D))
    emb0p = jnp.pad(emb0, ((0, ROWS - N_NODES), (0, 0)))
    dinvB, embS = _tc_scale(degp, emb0p)

    acc = emb0p
    out = None
    for layer in range(3):
        p = _sc_layer(embS, srcw_f, dstw_f, srcw_s, dstw_s, zD)
        if layer < 2:
            embS, acc = _tc_combine(p, dinvB, acc, final=False)
        else:
            out = _tc_combine(p, dinvB, acc, final=True)[0]
    return emb0, out

# --- scband reference (transcript-rebuilt; emitter-appended) ---
"""Pipeline reference for scband-rating-prediction-gnn-16750372455064 (READ-ONLY COPY).

The authoritative reference and input builder live on the scoring server;
editing this copy changes nothing except your own understanding.
"""

import jax, jax.numpy as jnp
import numpy as np

N_USERS = 4000
N_BOOKS = 6000
N_NODES = 10000
N_EDGES = 320000
LATENT = 128
N_LAYERS = 3


def setup_inputs(seed: int = 0) -> dict:
    key = jax.random.key(seed)
    ks = jax.random.split(key, 12)
    edge_index = jax.random.randint(ks[0], (2, N_EDGES), 0, N_NODES, dtype=jnp.int32)
    user_features = jax.random.normal(ks[1], (N_USERS, 32), dtype=jnp.float32)
    book_num_features = jax.random.normal(ks[2], (N_BOOKS, 16), dtype=jnp.float32)
    book_genre_features = jax.random.normal(ks[3], (N_BOOKS, 24), dtype=jnp.float32)
    # LightGCN init: normal std=0.1
    emb_table = 0.1 * jax.random.normal(ks[4], (N_NODES, LATENT), dtype=jnp.float32)
    W_user = 0.1 * jax.random.normal(ks[5], (LATENT, 32), dtype=jnp.float32)
    b_user = jnp.zeros((LATENT,), dtype=jnp.float32)
    W_bnum = 0.1 * jax.random.normal(ks[6], (LATENT, 16), dtype=jnp.float32)
    b_bnum = jnp.zeros((LATENT,), dtype=jnp.float32)
    W_bgen = 0.1 * jax.random.normal(ks[7], (LATENT, 24), dtype=jnp.float32)
    b_bgen = jnp.zeros((LATENT,), dtype=jnp.float32)
    return {
        "edge_index": edge_index,
        "user_features": user_features,
        "book_num_features": book_num_features,
        "book_genre_features": book_genre_features,
        "emb_table": emb_table,
        "W_user": W_user,
        "b_user": b_user,
        "W_bnum": W_bnum,
        "b_bnum": b_bnum,
        "W_bgen": W_bgen,
        "b_bgen": b_bgen,
    }


def reference(edge_index, user_features, book_num_features, book_genre_features,
              emb_table, W_user, b_user, W_bnum, b_bnum, W_bgen, b_bgen):
    # feature projections
    user_proj = user_features @ W_user.T + b_user
    book_proj = (book_num_features @ W_bnum.T + b_bnum) + (book_genre_features @ W_bgen.T + b_bgen)
    # emb0 = embedding.weight.clone(); emb0[:U] += user_proj; emb0[U:] += book_proj
    emb0 = emb_table.at[:N_USERS].add(user_proj)
    emb0 = emb0.at[N_USERS:].add(book_proj)
    src = edge_index[0]
    dst = edge_index[1]
    # degree over destination nodes (same in every LightGCNConv layer)
    deg = jnp.zeros((N_NODES,), dtype=jnp.float32).at[dst].add(1.0)
    dinv = jnp.where(deg > 0, deg ** -0.5, 0.0)
    norm = dinv[src] * dinv[dst]
    embs = [emb0]
    emb = emb0
    for _ in range(N_LAYERS):
        # message: norm.view(-1,1) * x_j ; aggregate: scatter-add at dst
        msg = norm[:, None] * jnp.take(emb, src, axis=0)
        emb = jax.ops.segment_sum(msg, dst, num_segments=N_NODES)
        embs.append(emb)
    out = jnp.mean(jnp.stack(embs, axis=0), axis=0)
    return (emb0, out)

if __name__ == "__main__":
    import jax
    _d = setup_inputs()
    print(jax.jit(kernel)(*tuple(_d.values())))

</pallas_src>

<mosaic_0001>
#map = affine_map<(d0, d1) -> (0, 0)>
#map1 = affine_map<(d0, d1) -> (0, 0, 0, 0)>
#map2 = affine_map<(d0, d1) -> (0, 0, 0)>
module attributes {stable_mosaic.version = 14 : i64} {
  func.func @body(%arg0: i32, %arg1: i32, %arg2: memref<10240x128xf32, #tpu.memory_space<hbm>>, %arg3: memref<16x2x118x64xi32, #tpu.memory_space<hbm>>, %arg4: memref<16x2x118x64xi32, #tpu.memory_space<hbm>>, %arg5: memref<16x2x42x64xi32, #tpu.memory_space<hbm>>, %arg6: memref<16x2x42x64xi32, #tpu.memory_space<hbm>>, %arg7: memref<10240x128xf32, #tpu.memory_space<hbm>>, %arg8: memref<2x10240x128xf32, #tpu.memory_space<hbm>>, %arg9: memref<118x64xi32, #tpu.memory_space<vmem>>, %arg10: memref<118x64xi32, #tpu.memory_space<vmem>>, %arg11: memref<64x128xf32, #tpu.memory_space<vmem>>, %arg12: memref<64x128xf32, #tpu.memory_space<vmem>>, %arg13: memref<10240x128xf32, #tpu.memory_space<vmem_shared>>, %arg14: memref<!tpu.dma_semaphore, #tpu.memory_space<semaphore_mem>>, %arg15: memref<!tpu.dma_semaphore, #tpu.memory_space<semaphore_mem>>) attributes {dimension_semantics = [#tpu.dimension_semantics<core_parallel>, #tpu.dimension_semantics<subcore_parallel>], iteration_bounds = array<i64: 2, 16>, scalar_prefetch = 0 : i64, scratch_operands = 7 : i64, tpu.core_type = #tpu.core_type<sc_vector_subcore>, window_params = [{transform_indices = #map}, {transform_indices = #map1}, {transform_indices = #map1}, {transform_indices = #map1}, {transform_indices = #map1}, {transform_indices = #map}, {transform_indices = #map2}]} {
    %eq3A = arith.constant 0 : i32
    %eq3A_0 = arith.cmpi eq, %arg1, %eq3A : i32
    %convert_element_type3A = arith.extui %eq3A_0 : i1 to i32
    %cond3A = arith.constant 0 : i32
    %cond3A_1 = arith.cmpi ne, %convert_element_type3A, %cond3A : i32
    scf.if %cond3A_1 {
      "tpu.region"() ({
        %run_scoped3A = tpu.sem_alloc : memref<!tpu.dma_semaphore, #tpu.memory_space<semaphore_mem>>
        tpu.enqueue_dma source(%arg7 : memref<10240x128xf32, #tpu.memory_space<hbm>>) target(%arg13 : memref<10240x128xf32, #tpu.memory_space<vmem_shared>>) target_semaphore(%run_scoped3A : memref<!tpu.dma_semaphore, #tpu.memory_space<semaphore_mem>>)
        tpu.wait_dma2 semaphore(%run_scoped3A : memref<!tpu.dma_semaphore, #tpu.memory_space<semaphore_mem>>) src(%arg7 : memref<10240x128xf32, #tpu.memory_space<hbm>>) dst(%arg13 : memref<10240x128xf32, #tpu.memory_space<vmem_shared>>)
        tpu.yield
      }) : () -> ()
    } else {
    }
    %barrier3A = arith.constant 0 : index
    tpu.barrier barrier_id(%barrier3A)
    %eq3A_2 = arith.constant 0 : i32
    %eq3A_3 = arith.cmpi eq, %arg0, %eq3A_2 : i32
    %convert_element_type3A_4 = arith.extui %eq3A_3 : i1 to i32
    %cond3A_5 = arith.constant 0 : i32
    %cond3A_6 = arith.cmpi ne, %convert_element_type3A_4, %cond3A_5 : i32
    scf.if %cond3A_6 {
      %run_scoped3A = arith.constant 0 : i32
      "tpu.region"() ({
        %run_scoped3A_90 = tpu.sem_alloc : memref<!tpu.dma_semaphore, #tpu.memory_space<semaphore_mem>>
        %dma_start3A_91 = arith.constant 0 : i32
        %dma_start3A_92 = arith.constant 0 : i32
        %dma_start3A_93 = tpu.memref_slice %arg9[%dma_start3A_91, %dma_start3A_92] : memref<118x64xi32, #tpu.memory_space<vmem>> -> memref<118x64xi32, #tpu.memory_space<vmem>>
        %dma_start3A_94 = arith.constant 0 : i32
        %dma_start3A_95 = arith.constant 0 : i32
        %dma_start3A_96 = tpu.memref_slice %arg3[%arg1, %run_scoped3A, %dma_start3A_94, %dma_start3A_95] : memref<16x2x118x64xi32, #tpu.memory_space<hbm>> -> memref<1x1x118x64xi32, #tpu.memory_space<hbm>>
        %dma_start3A_97 = tpu.memref_squeeze %dma_start3A_96 : memref<1x1x118x64xi32, #tpu.memory_space<hbm>> -> memref<118x64xi32, #tpu.memory_space<hbm>>
        %dma_start3A_98 = arith.constant 0 : i32
        %dma_start3A_99 = arith.constant 0 : i32
        %dma_start3A_100 = tpu.memref_slice %arg9[%dma_start3A_98, %dma_start3A_99] : memref<118x64xi32, #tpu.memory_space<vmem>> -> memref<118x64xi32, #tpu.memory_space<vmem>>
        %dma_start3A_101 = arith.constant 0 : i32
        %dma_start3A_102 = arith.constant 0 : i32
        %dma_start3A_103 = tpu.memref_slice %arg3[%arg1, %run_scoped3A, %dma_start3A_101, %dma_start3A_102] : memref<16x2x118x64xi32, #tpu.memory_space<hbm>> -> memref<1x1x118x64xi32, #tpu.memory_space<hbm>>
        %dma_start3A_104 = tpu.memref_squeeze %dma_start3A_103 : memref<1x1x118x64xi32, #tpu.memory_space<hbm>> -> memref<118x64xi32, #tpu.memory_space<hbm>>
        tpu.enqueue_dma source(%dma_start3A_104 : memref<118x64xi32, #tpu.memory_space<hbm>>) target(%dma_start3A_100 : memref<118x64xi32, #tpu.memory_space<vmem>>) target_semaphore(%run_scoped3A_90 : memref<!tpu.dma_semaphore, #tpu.memory_space<semaphore_mem>>)
        %dma_wait3A_105 = arith.constant 0 : i32
        %dma_wait3A_106 = arith.constant 0 : i32
        %dma_wait3A_107 = tpu.memref_slice %arg9[%dma_wait3A_105, %dma_wait3A_106] : memref<118x64xi32, #tpu.memory_space<vmem>> -> memref<118x64xi32, #tpu.memory_space<vmem>>
        %dma_wait3A_108 = arith.constant 0 : i32
        %dma_wait3A_109 = arith.constant 0 : i32
        %dma_wait3A_110 = tpu.memref_slice %arg3[%arg1, %run_scoped3A, %dma_wait3A_108, %dma_wait3A_109] : memref<16x2x118x64xi32, #tpu.memory_space<hbm>> -> memref<1x1x118x64xi32, #tpu.memory_space<hbm>>
        %dma_wait3A_111 = tpu.memref_squeeze %dma_wait3A_110 : memref<1x1x118x64xi32, #tpu.memory_space<hbm>> -> memref<118x64xi32, #tpu.memory_space<hbm>>
        %dma_wait3A_112 = arith.constant 0 : i32
        %dma_wait3A_113 = arith.constant 0 : i32
        %dma_wait3A_114 = tpu.memref_slice %arg9[%dma_wait3A_112, %dma_wait3A_113] : memref<118x64xi32, #tpu.memory_space<vmem>> -> memref<118x64xi32, #tpu.memory_space<vmem>>
        %dma_wait3A_115 = arith.constant 0 : i32
        %dma_wait3A_116 = arith.constant 0 : i32
        %dma_wait3A_117 = tpu.memref_slice %arg3[%arg1, %run_scoped3A, %dma_wait3A_115, %dma_wait3A_116] : memref<16x2x118x64xi32, #tpu.memory_space<hbm>> -> memref<1x1x118x64xi32, #tpu.memory_space<hbm>>
        %dma_wait3A_118 = tpu.memref_squeeze %dma_wait3A_117 : memref<1x1x118x64xi32, #tpu.memory_space<hbm>> -> memref<118x64xi32, #tpu.memory_space<hbm>>
        tpu.wait_dma2 semaphore(%run_scoped3A_90 : memref<!tpu.dma_semaphore, #tpu.memory_space<semaphore_mem>>) src(%dma_wait3A_118 : memref<118x64xi32, #tpu.memory_space<hbm>>) dst(%dma_wait3A_114 : memref<118x64xi32, #tpu.memory_space<vmem>>)
        tpu.yield
      }) : () -> ()
      %run_scoped3A_18 = arith.constant 0 : i32
      "tpu.region"() ({
        %run_scoped3A_90 = tpu.sem_alloc : memref<!tpu.dma_semaphore, #tpu.memory_space<semaphore_mem>>
        %dma_start3A_91 = arith.constant 0 : i32
        %dma_start3A_92 = arith.constant 0 : i32
        %dma_start3A_93 = tpu.memref_slice %arg10[%dma_start3A_91, %dma_start3A_92] : memref<118x64xi32, #tpu.memory_space<vmem>> -> memref<118x64xi32, #tpu.memory_space<vmem>>
        %dma_start3A_94 = arith.constant 0 : i32
        %dma_start3A_95 = arith.constant 0 : i32
        %dma_start3A_96 = tpu.memref_slice %arg4[%arg1, %run_scoped3A_18, %dma_start3A_94, %dma_start3A_95] : memref<16x2x118x64xi32, #tpu.memory_space<hbm>> -> memref<1x1x118x64xi32, #tpu.memory_space<hbm>>
        %dma_start3A_97 = tpu.memref_squeeze %dma_start3A_96 : memref<1x1x118x64xi32, #tpu.memory_space<hbm>> -> memref<118x64xi32, #tpu.memory_space<hbm>>
        %dma_start3A_98 = arith.constant 0 : i32
        %dma_start3A_99 = arith.constant 0 : i32
        %dma_start3A_100 = tpu.memref_slice %arg10[%dma_start3A_98, %dma_start3A_99] : memref<118x64xi32, #tpu.memory_space<vmem>> -> memref<118x64xi32, #tpu.memory_space<vmem>>
        %dma_start3A_101 = arith.constant 0 : i32
        %dma_start3A_102 = arith.constant 0 : i32
        %dma_start3A_103 = tpu.memref_slice %arg4[%arg1, %run_scoped3A_18, %dma_start3A_101, %dma_start3A_102] : memref<16x2x118x64xi32, #tpu.memory_space<hbm>> -> memref<1x1x118x64xi32, #tpu.memory_space<hbm>>
        %dma_start3A_104 = tpu.memref_squeeze %dma_start3A_103 : memref<1x1x118x64xi32, #tpu.memory_space<hbm>> -> memref<118x64xi32, #tpu.memory_space<hbm>>
        tpu.enqueue_dma source(%dma_start3A_104 : memref<118x64xi32, #tpu.memory_space<hbm>>) target(%dma_start3A_100 : memref<118x64xi32, #tpu.memory_space<vmem>>) target_semaphore(%run_scoped3A_90 : memref<!tpu.dma_semaphore, #tpu.memory_space<semaphore_mem>>)
        %dma_wait3A_105 = arith.constant 0 : i32
        %dma_wait3A_106 = arith.constant 0 : i32
        %dma_wait3A_107 = tpu.memref_slice %arg10[%dma_wait3A_105, %dma_wait3A_106] : memref<118x64xi32, #tpu.memory_space<vmem>> -> memref<118x64xi32, #tpu.memory_space<vmem>>
        %dma_wait3A_108 = arith.constant 0 : i32
        %dma_wait3A_109 = arith.constant 0 : i32
        %dma_wait3A_110 = tpu.memref_slice %arg4[%arg1, %run_scoped3A_18, %dma_wait3A_108, %dma_wait3A_109] : memref<16x2x118x64xi32, #tpu.memory_space<hbm>> -> memref<1x1x118x64xi32, #tpu.memory_space<hbm>>
        %dma_wait3A_111 = tpu.memref_squeeze %dma_wait3A_110 : memref<1x1x118x64xi32, #tpu.memory_space<hbm>> -> memref<118x64xi32, #tpu.memory_space<hbm>>
        %dma_wait3A_112 = arith.constant 0 : i32
        %dma_wait3A_113 = arith.constant 0 : i32
        %dma_wait3A_114 = tpu.memref_slice %arg10[%dma_wait3A_112, %dma_wait3A_113] : memref<118x64xi32, #tpu.memory_space<vmem>> -> memref<118x64xi32, #tpu.memory_space<vmem>>
        %dma_wait3A_115 = arith.constant 0 : i32
        %dma_wait3A_116 = arith.constant 0 : i32
        %dma_wait3A_117 = tpu.memref_slice %arg4[%arg1, %run_scoped3A_18, %dma_wait3A_115, %dma_wait3A_116] : memref<16x2x118x64xi32, #tpu.memory_space<hbm>> -> memref<1x1x118x64xi32, #tpu.memory_space<hbm>>
        %dma_wait3A_118 = tpu.memref_squeeze %dma_wait3A_117 : memref<1x1x118x64xi32, #tpu.memory_space<hbm>> -> memref<118x64xi32, #tpu.memory_space<hbm>>
        tpu.wait_dma2 semaphore(%run_scoped3A_90 : memref<!tpu.dma_semaphore, #tpu.memory_space<semaphore_mem>>) src(%dma_wait3A_118 : memref<118x64xi32, #tpu.memory_space<hbm>>) dst(%dma_wait3A_114 : memref<118x64xi32, #tpu.memory_space<vmem>>)
        tpu.yield
      }) : () -> ()
      %dma_start3A = arith.constant 0 : i32
      %dma_start3A_19 = arith.constant 0 : i32
      %dma_start3A_20 = tpu.memref_slice %arg9[%dma_start3A, %dma_start3A_19] : memref<118x64xi32, #tpu.memory_space<vmem>> -> memref<1x64xi32, #tpu.memory_space<vmem>>
      %dma_start3A_21 = tpu.memref_squeeze %dma_start3A_20 : memref<1x64xi32, #tpu.memory_space<vmem>> -> memref<64xi32, #tpu.memory_space<vmem>>
      %dma_start3A_22 = arith.constant 0 : i32
      %dma_start3A_23 = arith.constant 0 : i32
      %dma_start3A_24 = tpu.memref_slice %arg2[%dma_start3A_22, %dma_start3A_23] : memref<10240x128xf32, #tpu.memory_space<hbm>> -> memref<10240x128xf32, #tpu.memory_space<hbm>>
      tpu.enqueue_indirect_dma source(%dma_start3A_24 : memref<10240x128xf32, #tpu.memory_space<hbm>>) target(%arg11 : memref<64x128xf32, #tpu.memory_space<vmem>>) offsets(%dma_start3A_21 : memref<64xi32, #tpu.memory_space<vmem>>) semaphore(%arg14 : memref<!tpu.dma_semaphore, #tpu.memory_space<semaphore_mem>>)
      %dma_start3A_25 = arith.constant 1 : i32
      %dma_start3A_26 = arith.constant 0 : i32
      %dma_start3A_27 = tpu.memref_slice %arg9[%dma_start3A_25, %dma_start3A_26] : memref<118x64xi32, #tpu.memory_space<vmem>> -> memref<1x64xi32, #tpu.memory_space<vmem>>
      %dma_start3A_28 = tpu.memref_squeeze %dma_start3A_27 : memref<1x64xi32, #tpu.memory_space<vmem>> -> memref<64xi32, #tpu.memory_space<vmem>>
      %dma_start3A_29 = arith.constant 0 : i32
      %dma_start3A_30 = arith.constant 0 : i32
      %dma_start3A_31 = tpu.memref_slice %arg2[%dma_start3A_29, %dma_start3A_30] : memref<10240x128xf32, #tpu.memory_space<hbm>> -> memref<10240x128xf32, #tpu.memory_space<hbm>>
      tpu.enqueue_indirect_dma source(%dma_start3A_31 : memref<10240x128xf32, #tpu.memory_space<hbm>>) target(%arg12 : memref<64x128xf32, #tpu.memory_space<vmem>>) offsets(%dma_start3A_28 : memref<64xi32, #tpu.memory_space<vmem>>) semaphore(%arg15 : memref<!tpu.dma_semaphore, #tpu.memory_space<semaphore_mem>>)
      %scan3A = arith.constant 0 : i32
      %scan3A_32 = arith.constant 0 : i32
      %scan3A_33 = arith.constant 58 : i32
      %scan3A_34 = arith.addi %scan3A_32, %scan3A_33 : i32
      %scan3A_35 = arith.constant 1 : i32
      scf.for %scan3A_90 = %scan3A_32 to %scan3A_34 step %scan3A_35  : i32 {
        %mul3A = arith.constant 2 : i32
        %mul3A_91 = arith.muli %scan3A_90, %mul3A : i32
        %add3A = arith.constant 0 : i32
        %add3A_92 = arith.addi %mul3A_91, %add3A : i32
        %dma_wait3A_93 = arith.constant 0 : i32
        %dma_wait3A_94 = tpu.memref_slice %arg9[%add3A_92, %dma_wait3A_93] : memref<118x64xi32, #tpu.memory_space<vmem>> -> memref<1x64xi32, #tpu.memory_space<vmem>>
        %dma_wait3A_95 = tpu.memref_squeeze %dma_wait3A_94 : memref<1x64xi32, #tpu.memory_space<vmem>> -> memref<64xi32, #tpu.memory_space<vmem>>
        %dma_wait3A_96 = arith.constant 0 : i32
        %dma_wait3A_97 = arith.constant 0 : i32
        %dma_wait3A_98 = tpu.memref_slice %arg2[%dma_wait3A_96, %dma_wait3A_97] : memref<10240x128xf32, #tpu.memory_space<hbm>> -> memref<10240x128xf32, #tpu.memory_space<hbm>>
        tpu.wait_indirect_dma semaphore(%arg14 : memref<!tpu.dma_semaphore, #tpu.memory_space<semaphore_mem>>) src(%dma_wait3A_98 : memref<10240x128xf32, #tpu.memory_space<hbm>>) dst(%arg11 : memref<64x128xf32, #tpu.memory_space<vmem>>)
        "tpu.region"() ({
          %run_scoped3A_123 = tpu.sem_alloc : memref<!tpu.dma_semaphore, #tpu.memory_space<semaphore_mem>>
          %dma_start3A_124 = arith.constant 0 : i32
          %dma_start3A_125 = tpu.memref_slice %arg10[%add3A_92, %dma_start3A_124] : memref<118x64xi32, #tpu.memory_space<vmem>> -> memref<1x64xi32, #tpu.memory_space<vmem>>
          %dma_start3A_126 = tpu.memref_squeeze %dma_start3A_125 : memref<1x64xi32, #tpu.memory_space<vmem>> -> memref<64xi32, #tpu.memory_space<vmem>>
          %dma_start3A_127 = arith.constant 0 : i32
          %dma_start3A_128 = arith.constant 0 : i32
          %dma_start3A_129 = tpu.memref_slice %arg13[%dma_start3A_127, %dma_start3A_128] : memref<10240x128xf32, #tpu.memory_space<vmem_shared>> -> memref<10240x128xf32, #tpu.memory_space<vmem_shared>>
          tpu.enqueue_indirect_dma source(%arg11 : memref<64x128xf32, #tpu.memory_space<vmem>>) target(%dma_start3A_129 : memref<10240x128xf32, #tpu.memory_space<vmem_shared>>) offsets(%dma_start3A_126 : memref<64xi32, #tpu.memory_space<vmem>>) semaphore(%run_scoped3A_123 : memref<!tpu.dma_semaphore, #tpu.memory_space<semaphore_mem>>) {add = true}
          %dma_wait3A_130 = arith.constant 0 : i32
          %dma_wait3A_131 = tpu.memref_slice %arg10[%add3A_92, %dma_wait3A_130] : memref<118x64xi32, #tpu.memory_space<vmem>> -> memref<1x64xi32, #tpu.memory_space<vmem>>
          %dma_wait3A_132 = tpu.memref_squeeze %dma_wait3A_131 : memref<1x64xi32, #tpu.memory_space<vmem>> -> memref<64xi32, #tpu.memory_space<vmem>>
          %dma_wait3A_133 = arith.constant 0 : i32
          %dma_wait3A_134 = arith.constant 0 : i32
          %dma_wait3A_135 = tpu.memref_slice %arg13[%dma_wait3A_133, %dma_wait3A_134] : memref<10240x128xf32, #tpu.memory_space<vmem_shared>> -> memref<10240x128xf32, #tpu.memory_space<vmem_shared>>
          tpu.wait_indirect_dma semaphore(%run_scoped3A_123 : memref<!tpu.dma_semaphore, #tpu.memory_space<semaphore_mem>>) src(%arg11 : memref<64x128xf32, #tpu.memory_space<vmem>>) dst(%dma_wait3A_135 : memref<10240x128xf32, #tpu.memory_space<vmem_shared>>)
          tpu.yield
        }) : () -> ()
        %add3A_99 = arith.constant 2 : i32
        %add3A_100 = arith.addi %add3A_92, %add3A_99 : i32
        %dma_start3A_101 = arith.constant 0 : i32
        %dma_start3A_102 = tpu.memref_slice %arg9[%add3A_100, %dma_start3A_101] : memref<118x64xi32, #tpu.memory_space<vmem>> -> memref<1x64xi32, #tpu.memory_space<vmem>>
        %dma_start3A_103 = tpu.memref_squeeze %dma_start3A_102 : memref<1x64xi32, #tpu.memory_space<vmem>> -> memref<64xi32, #tpu.memory_space<vmem>>
        %dma_start3A_104 = arith.constant 0 : i32
        %dma_start3A_105 = arith.constant 0 : i32
        %dma_start3A_106 = tpu.memref_slice %arg2[%dma_start3A_104, %dma_start3A_105] : memref<10240x128xf32, #tpu.memory_space<hbm>> -> memref<10240x128xf32, #tpu.memory_space<hbm>>
        tpu.enqueue_indirect_dma source(%dma_start3A_106 : memref<10240x128xf32, #tpu.memory_space<hbm>>) target(%arg11 : memref<64x128xf32, #tpu.memory_space<vmem>>) offsets(%dma_start3A_103 : memref<64xi32, #tpu.memory_space<vmem>>) semaphore(%arg14 : memref<!tpu.dma_semaphore, #tpu.memory_space<semaphore_mem>>)
        %add3A_107 = arith.constant 1 : i32
        %add3A_108 = arith.addi %mul3A_91, %add3A_107 : i32
        %dma_wait3A_109 = arith.constant 0 : i32
        %dma_wait3A_110 = tpu.memref_slice %arg9[%add3A_108, %dma_wait3A_109] : memref<118x64xi32, #tpu.memory_space<vmem>> -> memref<1x64xi32, #tpu.memory_space<vmem>>
        %dma_wait3A_111 = tpu.memref_squeeze %dma_wait3A_110 : memref<1x64xi32, #tpu.memory_space<vmem>> -> memref<64xi32, #tpu.memory_space<vmem>>
        %dma_wait3A_112 = arith.constant 0 : i32
        %dma_wait3A_113 = arith.constant 0 : i32
        %dma_wait3A_114 = tpu.memref_slice %arg2[%dma_wait3A_112, %dma_wait3A_113] : memref<10240x128xf32, #tpu.memory_space<hbm>> -> memref<10240x128xf32, #tpu.memory_space<hbm>>
        tpu.wait_indirect_dma semaphore(%arg15 : memref<!tpu.dma_semaphore, #tpu.memory_space<semaphore_mem>>) src(%dma_wait3A_114 : memref<10240x128xf32, #tpu.memory_space<hbm>>) dst(%arg12 : memref<64x128xf32, #tpu.memory_space<vmem>>)
        "tpu.region"() ({
          %run_scoped3A_123 = tpu.sem_alloc : memref<!tpu.dma_semaphore, #tpu.memory_space<semaphore_mem>>
          %dma_start3A_124 = arith.constant 0 : i32
          %dma_start3A_125 = tpu.memref_slice %arg10[%add3A_108, %dma_start3A_124] : memref<118x64xi32, #tpu.memory_space<vmem>> -> memref<1x64xi32, #tpu.memory_space<vmem>>
          %dma_start3A_126 = tpu.memref_squeeze %dma_start3A_125 : memref<1x64xi32, #tpu.memory_space<vmem>> -> memref<64xi32, #tpu.memory_space<vmem>>
          %dma_start3A_127 = arith.constant 0 : i32
          %dma_start3A_128 = arith.constant 0 : i32
          %dma_start3A_129 = tpu.memref_slice %arg13[%dma_start3A_127, %dma_start3A_128] : memref<10240x128xf32, #tpu.memory_space<vmem_shared>> -> memref<10240x128xf32, #tpu.memory_space<vmem_shared>>
          tpu.enqueue_indirect_dma source(%arg12 : memref<64x128xf32, #tpu.memory_space<vmem>>) target(%dma_start3A_129 : memref<10240x128xf32, #tpu.memory_space<vmem_shared>>) offsets(%dma_start3A_126 : memref<64xi32, #tpu.memory_space<vmem>>) semaphore(%run_scoped3A_123 : memref<!tpu.dma_semaphore, #tpu.memory_space<semaphore_mem>>) {add = true}
          %dma_wait3A_130 = arith.constant 0 : i32
          %dma_wait3A_131 = tpu.memref_slice %arg10[%add3A_108, %dma_wait3A_130] : memref<118x64xi32, #tpu.memory_space<vmem>> -> memref<1x64xi32, #tpu.memory_space<vmem>>
          %dma_wait3A_132 = tpu.memref_squeeze %dma_wait3A_131 : memref<1x64xi32, #tpu.memory_space<vmem>> -> memref<64xi32, #tpu.memory_space<vmem>>
          %dma_wait3A_133 = arith.constant 0 : i32
          %dma_wait3A_134 = arith.constant 0 : i32
          %dma_wait3A_135 = tpu.memref_slice %arg13[%dma_wait3A_133, %dma_wait3A_134] : memref<10240x128xf32, #tpu.memory_space<vmem_shared>> -> memref<10240x128xf32, #tpu.memory_space<vmem_shared>>
          tpu.wait_indirect_dma semaphore(%run_scoped3A_123 : memref<!tpu.dma_semaphore, #tpu.memory_space<semaphore_mem>>) src(%arg12 : memref<64x128xf32, #tpu.memory_space<vmem>>) dst(%dma_wait3A_135 : memref<10240x128xf32, #tpu.memory_space<vmem_shared>>)
          tpu.yield
        }) : () -> ()
        %add3A_115 = arith.constant 2 : i32
        %add3A_116 = arith.addi %add3A_108, %add3A_115 : i32
        %dma_start3A_117 = arith.constant 0 : i32
        %dma_start3A_118 = tpu.memref_slice %arg9[%add3A_116, %dma_start3A_117] : memref<118x64xi32, #tpu.memory_space<vmem>> -> memref<1x64xi32, #tpu.memory_space<vmem>>
        %dma_start3A_119 = tpu.memref_squeeze %dma_start3A_118 : memref<1x64xi32, #tpu.memory_space<vmem>> -> memref<64xi32, #tpu.memory_space<vmem>>
        %dma_start3A_120 = arith.constant 0 : i32
        %dma_start3A_121 = arith.constant 0 : i32
        %dma_start3A_122 = tpu.memref_slice %arg2[%dma_start3A_120, %dma_start3A_121] : memref<10240x128xf32, #tpu.memory_space<hbm>> -> memref<10240x128xf32, #tpu.memory_space<hbm>>
        tpu.enqueue_indirect_dma source(%dma_start3A_122 : memref<10240x128xf32, #tpu.memory_space<hbm>>) target(%arg12 : memref<64x128xf32, #tpu.memory_space<vmem>>) offsets(%dma_start3A_119 : memref<64xi32, #tpu.memory_space<vmem>>) semaphore(%arg15 : memref<!tpu.dma_semaphore, #tpu.memory_space<semaphore_mem>>)
      }
      %scan3A_36 = arith.constant 58 : i32
      %dma_wait3A = arith.constant 116 : i32
      %dma_wait3A_37 = arith.constant 0 : i32
      %dma_wait3A_38 = tpu.memref_slice %arg9[%dma_wait3A, %dma_wait3A_37] : memref<118x64xi32, #tpu.memory_space<vmem>> -> memref<1x64xi32, #tpu.memory_space<vmem>>
      %dma_wait3A_39 = tpu.memref_squeeze %dma_wait3A_38 : memref<1x64xi32, #tpu.memory_space<vmem>> -> memref<64xi32, #tpu.memory_space<vmem>>
      %dma_wait3A_40 = arith.constant 0 : i32
      %dma_wait3A_41 = arith.constant 0 : i32
      %dma_wait3A_42 = tpu.memref_slice %arg2[%dma_wait3A_40, %dma_wait3A_41] : memref<10240x128xf32, #tpu.memory_space<hbm>> -> memref<10240x128xf32, #tpu.memory_space<hbm>>
      tpu.wait_indirect_dma semaphore(%arg14 : memref<!tpu.dma_semaphore, #tpu.memory_space<semaphore_mem>>) src(%dma_wait3A_42 : memref<10240x128xf32, #tpu.memory_space<hbm>>) dst(%arg11 : memref<64x128xf32, #tpu.memory_space<vmem>>)
      %run_scoped3A_43 = arith.constant 116 : i32
      "tpu.region"() ({
        %run_scoped3A_90 = tpu.sem_alloc : memref<!tpu.dma_semaphore, #tpu.memory_space<semaphore_mem>>
        %dma_start3A_91 = arith.constant 0 : i32
        %dma_start3A_92 = tpu.memref_slice %arg10[%run_scoped3A_43, %dma_start3A_91] : memref<118x64xi32, #tpu.memory_space<vmem>> -> memref<1x64xi32, #tpu.memory_space<vmem>>
        %dma_start3A_93 = tpu.memref_squeeze %dma_start3A_92 : memref<1x64xi32, #tpu.memory_space<vmem>> -> memref<64xi32, #tpu.memory_space<vmem>>
        %dma_start3A_94 = arith.constant 0 : i32
        %dma_start3A_95 = arith.constant 0 : i32
        %dma_start3A_96 = tpu.memref_slice %arg13[%dma_start3A_94, %dma_start3A_95] : memref<10240x128xf32, #tpu.memory_space<vmem_shared>> -> memref<10240x128xf32, #tpu.memory_space<vmem_shared>>
        tpu.enqueue_indirect_dma source(%arg11 : memref<64x128xf32, #tpu.memory_space<vmem>>) target(%dma_start3A_96 : memref<10240x128xf32, #tpu.memory_space<vmem_shared>>) offsets(%dma_start3A_93 : memref<64xi32, #tpu.memory_space<vmem>>) semaphore(%run_scoped3A_90 : memref<!tpu.dma_semaphore, #tpu.memory_space<semaphore_mem>>) {add = true}
        %dma_wait3A_97 = arith.constant 0 : i32
        %dma_wait3A_98 = tpu.memref_slice %arg10[%run_scoped3A_43, %dma_wait3A_97] : memref<118x64xi32, #tpu.memory_space<vmem>> -> memref<1x64xi32, #tpu.memory_space<vmem>>
        %dma_wait3A_99 = tpu.memref_squeeze %dma_wait3A_98 : memref<1x64xi32, #tpu.memory_space<vmem>> -> memref<64xi32, #tpu.memory_space<vmem>>
        %dma_wait3A_100 = arith.constant 0 : i32
        %dma_wait3A_101 = arith.constant 0 : i32
        %dma_wait3A_102 = tpu.memref_slice %arg13[%dma_wait3A_100, %dma_wait3A_101] : memref<10240x128xf32, #tpu.memory_space<vmem_shared>> -> memref<10240x128xf32, #tpu.memory_space<vmem_shared>>
        tpu.wait_indirect_dma semaphore(%run_scoped3A_90 : memref<!tpu.dma_semaphore, #tpu.memory_space<semaphore_mem>>) src(%arg11 : memref<64x128xf32, #tpu.memory_space<vmem>>) dst(%dma_wait3A_102 : memref<10240x128xf32, #tpu.memory_space<vmem_shared>>)
        tpu.yield
      }) : () -> ()
      %dma_wait3A_44 = arith.constant 117 : i32
      %dma_wait3A_45 = arith.constant 0 : i32
      %dma_wait3A_46 = tpu.memref_slice %arg9[%dma_wait3A_44, %dma_wait3A_45] : memref<118x64xi32, #tpu.memory_space<vmem>> -> memref<1x64xi32, #tpu.memory_space<vmem>>
      %dma_wait3A_47 = tpu.memref_squeeze %dma_wait3A_46 : memref<1x64xi32, #tpu.memory_space<vmem>> -> memref<64xi32, #tpu.memory_space<vmem>>
      %dma_wait3A_48 = arith.constant 0 : i32
      %dma_wait3A_49 = arith.constant 0 : i32
      %dma_wait3A_50 = tpu.memref_slice %arg2[%dma_wait3A_48, %dma_wait3A_49] : memref<10240x128xf32, #tpu.memory_space<hbm>> -> memref<10240x128xf32, #tpu.memory_space<hbm>>
      tpu.wait_indirect_dma semaphore(%arg15 : memref<!tpu.dma_semaphore, #tpu.memory_space<semaphore_mem>>) src(%dma_wait3A_50 : memref<10240x128xf32, #tpu.memory_space<hbm>>) dst(%arg12 : memref<64x128xf32, #tpu.memory_space<vmem>>)
      %run_scoped3A_51 = arith.constant 117 : i32
      "tpu.region"() ({
        %run_scoped3A_90 = tpu.sem_alloc : memref<!tpu.dma_semaphore, #tpu.memory_space<semaphore_mem>>
        %dma_start3A_91 = arith.constant 0 : i32
        %dma_start3A_92 = tpu.memref_slice %arg10[%run_scoped3A_51, %dma_start3A_91] : memref<118x64xi32, #tpu.memory_space<vmem>> -> memref<1x64xi32, #tpu.memory_space<vmem>>
        %dma_start3A_93 = tpu.memref_squeeze %dma_start3A_92 : memref<1x64xi32, #tpu.memory_space<vmem>> -> memref<64xi32, #tpu.memory_space<vmem>>
        %dma_start3A_94 = arith.constant 0 : i32
        %dma_start3A_95 = arith.constant 0 : i32
        %dma_start3A_96 = tpu.memref_slice %arg13[%dma_start3A_94, %dma_start3A_95] : memref<10240x128xf32, #tpu.memory_space<vmem_shared>> -> memref<10240x128xf32, #tpu.memory_space<vmem_shared>>
        tpu.enqueue_indirect_dma source(%arg12 : memref<64x128xf32, #tpu.memory_space<vmem>>) target(%dma_start3A_96 : memref<10240x128xf32, #tpu.memory_space<vmem_shared>>) offsets(%dma_start3A_93 : memref<64xi32, #tpu.memory_space<vmem>>) semaphore(%run_scoped3A_90 : memref<!tpu.dma_semaphore, #tpu.memory_space<semaphore_mem>>) {add = true}
        %dma_wait3A_97 = arith.constant 0 : i32
        %dma_wait3A_98 = tpu.memref_slice %arg10[%run_scoped3A_51, %dma_wait3A_97] : memref<118x64xi32, #tpu.memory_space<vmem>> -> memref<1x64xi32, #tpu.memory_space<vmem>>
        %dma_wait3A_99 = tpu.memref_squeeze %dma_wait3A_98 : memref<1x64xi32, #tpu.memory_space<vmem>> -> memref<64xi32, #tpu.memory_space<vmem>>
        %dma_wait3A_100 = arith.constant 0 : i32
        %dma_wait3A_101 = arith.constant 0 : i32
        %dma_wait3A_102 = tpu.memref_slice %arg13[%dma_wait3A_100, %dma_wait3A_101] : memref<10240x128xf32, #tpu.memory_space<vmem_shared>> -> memref<10240x128xf32, #tpu.memory_space<vmem_shared>>
        tpu.wait_indirect_dma semaphore(%run_scoped3A_90 : memref<!tpu.dma_semaphore, #tpu.memory_space<semaphore_mem>>) src(%arg12 : memref<64x128xf32, #tpu.memory_space<vmem>>) dst(%dma_wait3A_102 : memref<10240x128xf32, #tpu.memory_space<vmem_shared>>)
        tpu.yield
      }) : () -> ()
      %run_scoped3A_52 = arith.constant 1 : i32
      "tpu.region"() ({
        %run_scoped3A_90 = tpu.sem_alloc : memref<!tpu.dma_semaphore, #tpu.memory_space<semaphore_mem>>
        %dma_start3A_91 = arith.constant 0 : i32
        %dma_start3A_92 = arith.constant 0 : i32
        %dma_start3A_93 = tpu.memref_slice %arg9[%dma_start3A_91, %dma_start3A_92] : memref<118x64xi32, #tpu.memory_space<vmem>> -> memref<118x64xi32, #tpu.memory_space<vmem>>
        %dma_start3A_94 = arith.constant 0 : i32
        %dma_start3A_95 = arith.constant 0 : i32
        %dma_start3A_96 = tpu.memref_slice %arg3[%arg1, %run_scoped3A_52, %dma_start3A_94, %dma_start3A_95] : memref<16x2x118x64xi32, #tpu.memory_space<hbm>> -> memref<1x1x118x64xi32, #tpu.memory_space<hbm>>
        %dma_start3A_97 = tpu.memref_squeeze %dma_start3A_96 : memref<1x1x118x64xi32, #tpu.memory_space<hbm>> -> memref<118x64xi32, #tpu.memory_space<hbm>>
        %dma_start3A_98 = arith.constant 0 : i32
        %dma_start3A_99 = arith.constant 0 : i32
        %dma_start3A_100 = tpu.memref_slice %arg9[%dma_start3A_98, %dma_start3A_99] : memref<118x64xi32, #tpu.memory_space<vmem>> -> memref<118x64xi32, #tpu.memory_space<vmem>>
        %dma_start3A_101 = arith.constant 0 : i32
        %dma_start3A_102 = arith.constant 0 : i32
        %dma_start3A_103 = tpu.memref_slice %arg3[%arg1, %run_scoped3A_52, %dma_start3A_101, %dma_start3A_102] : memref<16x2x118x64xi32, #tpu.memory_space<hbm>> -> memref<1x1x118x64xi32, #tpu.memory_space<hbm>>
        %dma_start3A_104 = tpu.memref_squeeze %dma_start3A_103 : memref<1x1x118x64xi32, #tpu.memory_space<hbm>> -> memref<118x64xi32, #tpu.memory_space<hbm>>
        tpu.enqueue_dma source(%dma_start3A_104 : memref<118x64xi32, #tpu.memory_space<hbm>>) target(%dma_start3A_100 : memref<118x64xi32, #tpu.memory_space<vmem>>) target_semaphore(%run_scoped3A_90 : memref<!tpu.dma_semaphore, #tpu.memory_space<semaphore_mem>>)
        %dma_wait3A_105 = arith.constant 0 : i32
        %dma_wait3A_106 = arith.constant 0 : i32
        %dma_wait3A_107 = tpu.memref_slice %arg9[%dma_wait3A_105, %dma_wait3A_106] : memref<118x64xi32, #tpu.memory_space<vmem>> -> memref<118x64xi32, #tpu.memory_space<vmem>>
        %dma_wait3A_108 = arith.constant 0 : i32
        %dma_wait3A_109 = arith.constant 0 : i32
        %dma_wait3A_110 = tpu.memref_slice %arg3[%arg1, %run_scoped3A_52, %dma_wait3A_108, %dma_wait3A_109] : memref<16x2x118x64xi32, #tpu.memory_space<hbm>> -> memref<1x1x118x64xi32, #tpu.memory_space<hbm>>
        %dma_wait3A_111 = tpu.memref_squeeze %dma_wait3A_110 : memref<1x1x118x64xi32, #tpu.memory_space<hbm>> -> memref<118x64xi32, #tpu.memory_space<hbm>>
        %dma_wait3A_112 = arith.constant 0 : i32
        %dma_wait3A_113 = arith.constant 0 : i32
        %dma_wait3A_114 = tpu.memref_slice %arg9[%dma_wait3A_112, %dma_wait3A_113] : memref<118x64xi32, #tpu.memory_space<vmem>> -> memref<118x64xi32, #tpu.memory_space<vmem>>
        %dma_wait3A_115 = arith.constant 0 : i32
        %dma_wait3A_116 = arith.constant 0 : i32
        %dma_wait3A_117 = tpu.memref_slice %arg3[%arg1, %run_scoped3A_52, %dma_wait3A_115, %dma_wait3A_116] : memref<16x2x118x64xi32, #tpu.memory_space<hbm>> -> memref<1x1x118x64xi32, #tpu.memory_space<hbm>>
        %dma_wait3A_118 = tpu.memref_squeeze %dma_wait3A_117 : memref<1x1x118x64xi32, #tpu.memory_space<hbm>> -> memref<118x64xi32, #tpu.memory_space<hbm>>
        tpu.wait_dma2 semaphore(%run_scoped3A_90 : memref<!tpu.dma_semaphore, #tpu.memory_space<semaphore_mem>>) src(%dma_wait3A_118 : memref<118x64xi32, #tpu.memory_space<hbm>>) dst(%dma_wait3A_114 : memref<118x64xi32, #tpu.memory_space<vmem>>)
        tpu.yield
      }) : () -> ()
      %run_scoped3A_53 = arith.constant 1 : i32
      "tpu.region"() ({
        %run_scoped3A_90 = tpu.sem_alloc : memref<!tpu.dma_semaphore, #tpu.memory_space<semaphore_mem>>
        %dma_start3A_91 = arith.constant 0 : i32
        %dma_start3A_92 = arith.constant 0 : i32
        %dma_start3A_93 = tpu.memref_slice %arg10[%dma_start3A_91, %dma_start3A_92] : memref<118x64xi32, #tpu.memory_space<vmem>> -> memref<118x64xi32, #tpu.memory_space<vmem>>
        %dma_start3A_94 = arith.constant 0 : i32
        %dma_start3A_95 = arith.constant 0 : i32
        %dma_start3A_96 = tpu.memref_slice %arg4[%arg1, %run_scoped3A_53, %dma_start3A_94, %dma_start3A_95] : memref<16x2x118x64xi32, #tpu.memory_space<hbm>> -> memref<1x1x118x64xi32, #tpu.memory_space<hbm>>
        %dma_start3A_97 = tpu.memref_squeeze %dma_start3A_96 : memref<1x1x118x64xi32, #tpu.memory_space<hbm>> -> memref<118x64xi32, #tpu.memory_space<hbm>>
        %dma_start3A_98 = arith.constant 0 : i32
        %dma_start3A_99 = arith.constant 0 : i32
        %dma_start3A_100 = tpu.memref_slice %arg10[%dma_start3A_98, %dma_start3A_99] : memref<118x64xi32, #tpu.memory_space<vmem>> -> memref<118x64xi32, #tpu.memory_space<vmem>>
        %dma_start3A_101 = arith.constant 0 : i32
        %dma_start3A_102 = arith.constant 0 : i32
        %dma_start3A_103 = tpu.memref_slice %arg4[%arg1, %run_scoped3A_53, %dma_start3A_101, %dma_start3A_102] : memref<16x2x118x64xi32, #tpu.memory_space<hbm>> -> memref<1x1x118x64xi32, #tpu.memory_space<hbm>>
        %dma_start3A_104 = tpu.memref_squeeze %dma_start3A_103 : memref<1x1x118x64xi32, #tpu.memory_space<hbm>> -> memref<118x64xi32, #tpu.memory_space<hbm>>
        tpu.enqueue_dma source(%dma_start3A_104 : memref<118x64xi32, #tpu.memory_space<hbm>>) target(%dma_start3A_100 : memref<118x64xi32, #tpu.memory_space<vmem>>) target_semaphore(%run_scoped3A_90 : memref<!tpu.dma_semaphore, #tpu.memory_space<semaphore_mem>>)
        %dma_wait3A_105 = arith.constant 0 : i32
        %dma_wait3A_106 = arith.constant 0 : i32
        %dma_wait3A_107 = tpu.memref_slice %arg10[%dma_wait3A_105, %dma_wait3A_106] : memref<118x64xi32, #tpu.memory_space<vmem>> -> memref<118x64xi32, #tpu.memory_space<vmem>>
        %dma_wait3A_108 = arith.constant 0 : i32
        %dma_wait3A_109 = arith.constant 0 : i32
        %dma_wait3A_110 = tpu.memref_slice %arg4[%arg1, %run_scoped3A_53, %dma_wait3A_108, %dma_wait3A_109] : memref<16x2x118x64xi32, #tpu.memory_space<hbm>> -> memref<1x1x118x64xi32, #tpu.memory_space<hbm>>
        %dma_wait3A_111 = tpu.memref_squeeze %dma_wait3A_110 : memref<1x1x118x64xi32, #tpu.memory_space<hbm>> -> memref<118x64xi32, #tpu.memory_space<hbm>>
        %dma_wait3A_112 = arith.constant 0 : i32
        %dma_wait3A_113 = arith.constant 0 : i32
        %dma_wait3A_114 = tpu.memref_slice %arg10[%dma_wait3A_112, %dma_wait3A_113] : memref<118x64xi32, #tpu.memory_space<vmem>> -> memref<118x64xi32, #tpu.memory_space<vmem>>
        %dma_wait3A_115 = arith.constant 0 : i32
        %dma_wait3A_116 = arith.constant 0 : i32
        %dma_wait3A_117 = tpu.memref_slice %arg4[%arg1, %run_scoped3A_53, %dma_wait3A_115, %dma_wait3A_116] : memref<16x2x118x64xi32, #tpu.memory_space<hbm>> -> memref<1x1x118x64xi32, #tpu.memory_space<hbm>>
        %dma_wait3A_118 = tpu.memref_squeeze %dma_wait3A_117 : memref<1x1x118x64xi32, #tpu.memory_space<hbm>> -> memref<118x64xi32, #tpu.memory_space<hbm>>
        tpu.wait_dma2 semaphore(%run_scoped3A_90 : memref<!tpu.dma_semaphore, #tpu.memory_space<semaphore_mem>>) src(%dma_wait3A_118 : memref<118x64xi32, #tpu.memory_space<hbm>>) dst(%dma_wait3A_114 : memref<118x64xi32, #tpu.memory_space<vmem>>)
        tpu.yield
      }) : () -> ()
      %dma_start3A_54 = arith.constant 0 : i32
      %dma_start3A_55 = arith.constant 0 : i32
      %dma_start3A_56 = tpu.memref_slice %arg9[%dma_start3A_54, %dma_start3A_55] : memref<118x64xi32, #tpu.memory_space<vmem>> -> memref<1x64xi32, #tpu.memory_space<vmem>>
      %dma_start3A_57 = tpu.memref_squeeze %dma_start3A_56 : memref<1x64xi32, #tpu.memory_space<vmem>> -> memref<64xi32, #tpu.memory_space<vmem>>
      %dma_start3A_58 = arith.constant 0 : i32
      %dma_start3A_59 = arith.constant 0 : i32
      %dma_start3A_60 = tpu.memref_slice %arg2[%dma_start3A_58, %dma_start3A_59] : memref<10240x128xf32, #tpu.memory_space<hbm>> -> memref<10240x128xf32, #tpu.memory_space<hbm>>
      tpu.enqueue_indirect_dma source(%dma_start3A_60 : memref<10240x128xf32, #tpu.memory_space<hbm>>) target(%arg11 : memref<64x128xf32, #tpu.memory_space<vmem>>) offsets(%dma_start3A_57 : memref<64xi32, #tpu.memory_space<vmem>>) semaphore(%arg14 : memref<!tpu.dma_semaphore, #tpu.memory_space<semaphore_mem>>)
      %dma_start3A_61 = arith.constant 1 : i32
      %dma_start3A_62 = arith.constant 0 : i32
      %dma_start3A_63 = tpu.memref_slice %arg9[%dma_start3A_61, %dma_start3A_62] : memref<118x64xi32, #tpu.memory_space<vmem>> -> memref<1x64xi32, #tpu.memory_space<vmem>>
      %dma_start3A_64 = tpu.memref_squeeze %dma_start3A_63 : memref<1x64xi32, #tpu.memory_space<vmem>> -> memref<64xi32, #tpu.memory_space<vmem>>
      %dma_start3A_65 = arith.constant 0 : i32
      %dma_start3A_66 = arith.constant 0 : i32
      %dma_start3A_67 = tpu.memref_slice %arg2[%dma_start3A_65, %dma_start3A_66] : memref<10240x128xf32, #tpu.memory_space<hbm>> -> memref<10240x128xf32, #tpu.memory_space<hbm>>
      tpu.enqueue_indirect_dma source(%dma_start3A_67 : memref<10240x128xf32, #tpu.memory_space<hbm>>) target(%arg12 : memref<64x128xf32, #tpu.memory_space<vmem>>) offsets(%dma_start3A_64 : memref<64xi32, #tpu.memory_space<vmem>>) semaphore(%arg15 : memref<!tpu.dma_semaphore, #tpu.memory_space<semaphore_mem>>)
      %scan3A_68 = arith.constant 0 : i32
      %scan3A_69 = arith.constant 0 : i32
      %scan3A_70 = arith.constant 58 : i32
      %scan3A_71 = arith.addi %scan3A_69, %scan3A_70 : i32
      %scan3A_72 = arith.constant 1 : i32
      scf.for %scan3A_90 = %scan3A_69 to %scan3A_71 step %scan3A_72  : i32 {
        %mul3A = arith.constant 2 : i32
        %mul3A_91 = arith.muli %scan3A_90, %mul3A : i32
        %add3A = arith.constant 0 : i32
        %add3A_92 = arith.addi %mul3A_91, %add3A : i32
        %dma_wait3A_93 = arith.constant 0 : i32
        %dma_wait3A_94 = tpu.memref_slice %arg9[%add3A_92, %dma_wait3A_93] : memref<118x64xi32, #tpu.memory_space<vmem>> -> memref<1x64xi32, #tpu.memory_space<vmem>>
        %dma_wait3A_95 = tpu.memref_squeeze %dma_wait3A_94 : memref<1x64xi32, #tpu.memory_space<vmem>> -> memref<64xi32, #tpu.memory_space<vmem>>
        %dma_wait3A_96 = arith.constant 0 : i32
        %dma_wait3A_97 = arith.constant 0 : i32
        %dma_wait3A_98 = tpu.memref_slice %arg2[%dma_wait3A_96, %dma_wait3A_97] : memref<10240x128xf32, #tpu.memory_space<hbm>> -> memref<10240x128xf32, #tpu.memory_space<hbm>>
        tpu.wait_indirect_dma semaphore(%arg14 : memref<!tpu.dma_semaphore, #tpu.memory_space<semaphore_mem>>) src(%dma_wait3A_98 : memref<10240x128xf32, #tpu.memory_space<hbm>>) dst(%arg11 : memref<64x128xf32, #tpu.memory_space<vmem>>)
        "tpu.region"() ({
          %run_scoped3A_123 = tpu.sem_alloc : memref<!tpu.dma_semaphore, #tpu.memory_space<semaphore_mem>>
          %dma_start3A_124 = arith.constant 0 : i32
          %dma_start3A_125 = tpu.memref_slice %arg10[%add3A_92, %dma_start3A_124] : memref<118x64xi32, #tpu.memory_space<vmem>> -> memref<1x64xi32, #tpu.memory_space<vmem>>
          %dma_start3A_126 = tpu.memref_squeeze %dma_start3A_125 : memref<1x64xi32, #tpu.memory_space<vmem>> -> memref<64xi32, #tpu.memory_space<vmem>>
          %dma_start3A_127 = arith.constant 0 : i32
          %dma_start3A_128 = arith.constant 0 : i32
          %dma_start3A_129 = tpu.memref_slice %arg13[%dma_start3A_127, %dma_start3A_128] : memref<10240x128xf32, #tpu.memory_space<vmem_shared>> -> memref<10240x128xf32, #tpu.memory_space<vmem_shared>>
          tpu.enqueue_indirect_dma source(%arg11 : memref<64x128xf32, #tpu.memory_space<vmem>>) target(%dma_start3A_129 : memref<10240x128xf32, #tpu.memory_space<vmem_shared>>) offsets(%dma_start3A_126 : memref<64xi32, #tpu.memory_space<vmem>>) semaphore(%run_scoped3A_123 : memref<!tpu.dma_semaphore, #tpu.memory_space<semaphore_mem>>) {add = true}
          %dma_wait3A_130 = arith.constant 0 : i32
          %dma_wait3A_131 = tpu.memref_slice %arg10[%add3A_92, %dma_wait3A_130] : memref<118x64xi32, #tpu.memory_space<vmem>> -> memref<1x64xi32, #tpu.memory_space<vmem>>
          %dma_wait3A_132 = tpu.memref_squeeze %dma_wait3A_131 : memref<1x64xi32, #tpu.memory_space<vmem>> -> memref<64xi32, #tpu.memory_space<vmem>>
          %dma_wait3A_133 = arith.constant 0 : i32
          %dma_wait3A_134 = arith.constant 0 : i32
          %dma_wait3A_135 = tpu.memref_slice %arg13[%dma_wait3A_133, %dma_wait3A_134] : memref<10240x128xf32, #tpu.memory_space<vmem_shared>> -> memref<10240x128xf32, #tpu.memory_space<vmem_shared>>
          tpu.wait_indirect_dma semaphore(%run_scoped3A_123 : memref<!tpu.dma_semaphore, #tpu.memory_space<semaphore_mem>>) src(%arg11 : memref<64x128xf32, #tpu.memory_space<vmem>>) dst(%dma_wait3A_135 : memref<10240x128xf32, #tpu.memory_space<vmem_shared>>)
          tpu.yield
        }) : () -> ()
        %add3A_99 = arith.constant 2 : i32
        %add3A_100 = arith.addi %add3A_92, %add3A_99 : i32
        %dma_start3A_101 = arith.constant 0 : i32
        %dma_start3A_102 = tpu.memref_slice %arg9[%add3A_100, %dma_start3A_101] : memref<118x64xi32, #tpu.memory_space<vmem>> -> memref<1x64xi32, #tpu.memory_space<vmem>>
        %dma_start3A_103 = tpu.memref_squeeze %dma_start3A_102 : memref<1x64xi32, #tpu.memory_space<vmem>> -> memref<64xi32, #tpu.memory_space<vmem>>
        %dma_start3A_104 = arith.constant 0 : i32
        %dma_start3A_105 = arith.constant 0 : i32
        %dma_start3A_106 = tpu.memref_slice %arg2[%dma_start3A_104, %dma_start3A_105] : memref<10240x128xf32, #tpu.memory_space<hbm>> -> memref<10240x128xf32, #tpu.memory_space<hbm>>
        tpu.enqueue_indirect_dma source(%dma_start3A_106 : memref<10240x128xf32, #tpu.memory_space<hbm>>) target(%arg11 : memref<64x128xf32, #tpu.memory_space<vmem>>) offsets(%dma_start3A_103 : memref<64xi32, #tpu.memory_space<vmem>>) semaphore(%arg14 : memref<!tpu.dma_semaphore, #tpu.memory_space<semaphore_mem>>)
        %add3A_107 = arith.constant 1 : i32
        %add3A_108 = arith.addi %mul3A_91, %add3A_107 : i32
        %dma_wait3A_109 = arith.constant 0 : i32
        %dma_wait3A_110 = tpu.memref_slice %arg9[%add3A_108, %dma_wait3A_109] : memref<118x64xi32, #tpu.memory_space<vmem>> -> memref<1x64xi32, #tpu.memory_space<vmem>>
        %dma_wait3A_111 = tpu.memref_squeeze %dma_wait3A_110 : memref<1x64xi32, #tpu.memory_space<vmem>> -> memref<64xi32, #tpu.memory_space<vmem>>
        %dma_wait3A_112 = arith.constant 0 : i32
        %dma_wait3A_113 = arith.constant 0 : i32
        %dma_wait3A_114 = tpu.memref_slice %arg2[%dma_wait3A_112, %dma_wait3A_113] : memref<10240x128xf32, #tpu.memory_space<hbm>> -> memref<10240x128xf32, #tpu.memory_space<hbm>>
        tpu.wait_indirect_dma semaphore(%arg15 : memref<!tpu.dma_semaphore, #tpu.memory_space<semaphore_mem>>) src(%dma_wait3A_114 : memref<10240x128xf32, #tpu.memory_space<hbm>>) dst(%arg12 : memref<64x128xf32, #tpu.memory_space<vmem>>)
        "tpu.region"() ({
          %run_scoped3A_123 = tpu.sem_alloc : memref<!tpu.dma_semaphore, #tpu.memory_space<semaphore_mem>>
          %dma_start3A_124 = arith.constant 0 : i32
          %dma_start3A_125 = tpu.memref_slice %arg10[%add3A_108, %dma_start3A_124] : memref<118x64xi32, #tpu.memory_space<vmem>> -> memref<1x64xi32, #tpu.memory_space<vmem>>
          %dma_start3A_126 = tpu.memref_squeeze %dma_start3A_125 : memref<1x64xi32, #tpu.memory_space<vmem>> -> memref<64xi32, #tpu.memory_space<vmem>>
          %dma_start3A_127 = arith.constant 0 : i32
          %dma_start3A_128 = arith.constant 0 : i32
          %dma_start3A_129 = tpu.memref_slice %arg13[%dma_start3A_127, %dma_start3A_128] : memref<10240x128xf32, #tpu.memory_space<vmem_shared>> -> memref<10240x128xf32, #tpu.memory_space<vmem_shared>>
          tpu.enqueue_indirect_dma source(%arg12 : memref<64x128xf32, #tpu.memory_space<vmem>>) target(%dma_start3A_129 : memref<10240x128xf32, #tpu.memory_space<vmem_shared>>) offsets(%dma_start3A_126 : memref<64xi32, #tpu.memory_space<vmem>>) semaphore(%run_scoped3A_123 : memref<!tpu.dma_semaphore, #tpu.memory_space<semaphore_mem>>) {add = true}
          %dma_wait3A_130 = arith.constant 0 : i32
          %dma_wait3A_131 = tpu.memref_slice %arg10[%add3A_108, %dma_wait3A_130] : memref<118x64xi32, #tpu.memory_space<vmem>> -> memref<1x64xi32, #tpu.memory_space<vmem>>
          %dma_wait3A_132 = tpu.memref_squeeze %dma_wait3A_131 : memref<1x64xi32, #tpu.memory_space<vmem>> -> memref<64xi32, #tpu.memory_space<vmem>>
          %dma_wait3A_133 = arith.constant 0 : i32
          %dma_wait3A_134 = arith.constant 0 : i32
          %dma_wait3A_135 = tpu.memref_slice %arg13[%dma_wait3A_133, %dma_wait3A_134] : memref<10240x128xf32, #tpu.memory_space<vmem_shared>> -> memref<10240x128xf32, #tpu.memory_space<vmem_shared>>
          tpu.wait_indirect_dma semaphore(%run_scoped3A_123 : memref<!tpu.dma_semaphore, #tpu.memory_space<semaphore_mem>>) src(%arg12 : memref<64x128xf32, #tpu.memory_space<vmem>>) dst(%dma_wait3A_135 : memref<10240x128xf32, #tpu.memory_space<vmem_shared>>)
          tpu.yield
        }) : () -> ()
        %add3A_115 = arith.constant 2 : i32
        %add3A_116 = arith.addi %add3A_108, %add3A_115 : i32
        %dma_start3A_117 = arith.constant 0 : i32
        %dma_start3A_118 = tpu.memref_slice %arg9[%add3A_116, %dma_start3A_117] : memref<118x64xi32, #tpu.memory_space<vmem>> -> memref<1x64xi32, #tpu.memory_space<vmem>>
        %dma_start3A_119 = tpu.memref_squeeze %dma_start3A_118 : memref<1x64xi32, #tpu.memory_space<vmem>> -> memref<64xi32, #tpu.memory_space<vmem>>
        %dma_start3A_120 = arith.constant 0 : i32
        %dma_start3A_121 = arith.constant 0 : i32
        %dma_start3A_122 = tpu.memref_slice %arg2[%dma_start3A_120, %dma_start3A_121] : memref<10240x128xf32, #tpu.memory_space<hbm>> -> memref<10240x128xf32, #tpu.memory_space<hbm>>
        tpu.enqueue_indirect_dma source(%dma_start3A_122 : memref<10240x128xf32, #tpu.memory_space<hbm>>) target(%arg12 : memref<64x128xf32, #tpu.memory_space<vmem>>) offsets(%dma_start3A_119 : memref<64xi32, #tpu.memory_space<vmem>>) semaphore(%arg15 : memref<!tpu.dma_semaphore, #tpu.memory_space<semaphore_mem>>)
      }
      %scan3A_73 = arith.constant 58 : i32
      %dma_wait3A_74 = arith.constant 116 : i32
      %dma_wait3A_75 = arith.constant 0 : i32
      %dma_wait3A_76 = tpu.memref_slice %arg9[%dma_wait3A_74, %dma_wait3A_75] : memref<118x64xi32, #tpu.memory_space<vmem>> -> memref<1x64xi32, #tpu.memory_space<vmem>>
      %dma_wait3A_77 = tpu.memref_squeeze %dma_wait3A_76 : memref<1x64xi32, #tpu.memory_space<vmem>> -> memref<64xi32, #tpu.memory_space<vmem>>
      %dma_wait3A_78 = arith.constant 0 : i32
      %dma_wait3A_79 = arith.constant 0 : i32
      %dma_wait3A_80 = tpu.memref_slice %arg2[%dma_wait3A_78, %dma_wait3A_79] : memref<10240x128xf32, #tpu.memory_space<hbm>> -> memref<10240x128xf32, #tpu.memory_space<hbm>>
      tpu.wait_indirect_dma semaphore(%arg14 : memref<!tpu.dma_semaphore, #tpu.memory_space<semaphore_mem>>) src(%dma_wait3A_80 : memref<10240x128xf32, #tpu.memory_space<hbm>>) dst(%arg11 : memref<64x128xf32, #tpu.memory_space<vmem>>)
      %run_scoped3A_81 = arith.constant 116 : i32
      "tpu.region"() ({
        %run_scoped3A_90 = tpu.sem_alloc : memref<!tpu.dma_semaphore, #tpu.memory_space<semaphore_mem>>
        %dma_start3A_91 = arith.constant 0 : i32
        %dma_start3A_92 = tpu.memref_slice %arg10[%run_scoped3A_81, %dma_start3A_91] : memref<118x64xi32, #tpu.memory_space<vmem>> -> memref<1x64xi32, #tpu.memory_space<vmem>>
        %dma_start3A_93 = tpu.memref_squeeze %dma_start3A_92 : memref<1x64xi32, #tpu.memory_space<vmem>> -> memref<64xi32, #tpu.memory_space<vmem>>
        %dma_start3A_94 = arith.constant 0 : i32
        %dma_start3A_95 = arith.constant 0 : i32
        %dma_start3A_96 = tpu.memref_slice %arg13[%dma_start3A_94, %dma_start3A_95] : memref<10240x128xf32, #tpu.memory_space<vmem_shared>> -> memref<10240x128xf32, #tpu.memory_space<vmem_shared>>
        tpu.enqueue_indirect_dma source(%arg11 : memref<64x128xf32, #tpu.memory_space<vmem>>) target(%dma_start3A_96 : memref<10240x128xf32, #tpu.memory_space<vmem_shared>>) offsets(%dma_start3A_93 : memref<64xi32, #tpu.memory_space<vmem>>) semaphore(%run_scoped3A_90 : memref<!tpu.dma_semaphore, #tpu.memory_space<semaphore_mem>>) {add = true}
        %dma_wait3A_97 = arith.constant 0 : i32
        %dma_wait3A_98 = tpu.memref_slice %arg10[%run_scoped3A_81, %dma_wait3A_97] : memref<118x64xi32, #tpu.memory_space<vmem>> -> memref<1x64xi32, #tpu.memory_space<vmem>>
        %dma_wait3A_99 = tpu.memref_squeeze %dma_wait3A_98 : memref<1x64xi32, #tpu.memory_space<vmem>> -> memref<64xi32, #tpu.memory_space<vmem>>
        %dma_wait3A_100 = arith.constant 0 : i32
        %dma_wait3A_101 = arith.constant 0 : i32
        %dma_wait3A_102 = tpu.memref_slice %arg13[%dma_wait3A_100, %dma_wait3A_101] : memref<10240x128xf32, #tpu.memory_space<vmem_shared>> -> memref<10240x128xf32, #tpu.memory_space<vmem_shared>>
        tpu.wait_indirect_dma semaphore(%run_scoped3A_90 : memref<!tpu.dma_semaphore, #tpu.memory_space<semaphore_mem>>) src(%arg11 : memref<64x128xf32, #tpu.memory_space<vmem>>) dst(%dma_wait3A_102 : memref<10240x128xf32, #tpu.memory_space<vmem_shared>>)
        tpu.yield
      }) : () -> ()
      %dma_wait3A_82 = arith.constant 117 : i32
      %dma_wait3A_83 = arith.constant 0 : i32
      %dma_wait3A_84 = tpu.memref_slice %arg9[%dma_wait3A_82, %dma_wait3A_83] : memref<118x64xi32, #tpu.memory_space<vmem>> -> memref<1x64xi32, #tpu.memory_space<vmem>>
      %dma_wait3A_85 = tpu.memref_squeeze %dma_wait3A_84 : memref<1x64xi32, #tpu.memory_space<vmem>> -> memref<64xi32, #tpu.memory_space<vmem>>
      %dma_wait3A_86 = arith.constant 0 : i32
      %dma_wait3A_87 = arith.constant 0 : i32
      %dma_wait3A_88 = tpu.memref_slice %arg2[%dma_wait3A_86, %dma_wait3A_87] : memref<10240x128xf32, #tpu.memory_space<hbm>> -> memref<10240x128xf32, #tpu.memory_space<hbm>>
      tpu.wait_indirect_dma semaphore(%arg15 : memref<!tpu.dma_semaphore, #tpu.memory_space<semaphore_mem>>) src(%dma_wait3A_88 : memref<10240x128xf32, #tpu.memory_space<hbm>>) dst(%arg12 : memref<64x128xf32, #tpu.memory_space<vmem>>)
      %run_scoped3A_89 = arith.constant 117 : i32
      "tpu.region"() ({
        %run_scoped3A_90 = tpu.sem_alloc : memref<!tpu.dma_semaphore, #tpu.memory_space<semaphore_mem>>
        %dma_start3A_91 = arith.constant 0 : i32
        %dma_start3A_92 = tpu.memref_slice %arg10[%run_scoped3A_89, %dma_start3A_91] : memref<118x64xi32, #tpu.memory_space<vmem>> -> memref<1x64xi32, #tpu.memory_space<vmem>>
        %dma_start3A_93 = tpu.memref_squeeze %dma_start3A_92 : memref<1x64xi32, #tpu.memory_space<vmem>> -> memref<64xi32, #tpu.memory_space<vmem>>
        %dma_start3A_94 = arith.constant 0 : i32
        %dma_start3A_95 = arith.constant 0 : i32
        %dma_start3A_96 = tpu.memref_slice %arg13[%dma_start3A_94, %dma_start3A_95] : memref<10240x128xf32, #tpu.memory_space<vmem_shared>> -> memref<10240x128xf32, #tpu.memory_space<vmem_shared>>
        tpu.enqueue_indirect_dma source(%arg12 : memref<64x128xf32, #tpu.memory_space<vmem>>) target(%dma_start3A_96 : memref<10240x128xf32, #tpu.memory_space<vmem_shared>>) offsets(%dma_start3A_93 : memref<64xi32, #tpu.memory_space<vmem>>) semaphore(%run_scoped3A_90 : memref<!tpu.dma_semaphore, #tpu.memory_space<semaphore_mem>>) {add = true}
        %dma_wait3A_97 = arith.constant 0 : i32
        %dma_wait3A_98 = tpu.memref_slice %arg10[%run_scoped3A_89, %dma_wait3A_97] : memref<118x64xi32, #tpu.memory_space<vmem>> -> memref<1x64xi32, #tpu.memory_space<vmem>>
        %dma_wait3A_99 = tpu.memref_squeeze %dma_wait3A_98 : memref<1x64xi32, #tpu.memory_space<vmem>> -> memref<64xi32, #tpu.memory_space<vmem>>
        %dma_wait3A_100 = arith.constant 0 : i32
        %dma_wait3A_101 = arith.constant 0 : i32
        %dma_wait3A_102 = tpu.memref_slice %arg13[%dma_wait3A_100, %dma_wait3A_101] : memref<10240x128xf32, #tpu.memory_space<vmem_shared>> -> memref<10240x128xf32, #tpu.memory_space<vmem_shared>>
        tpu.wait_indirect_dma semaphore(%run_scoped3A_90 : memref<!tpu.dma_semaphore, #tpu.memory_space<semaphore_mem>>) src(%arg12 : memref<64x128xf32, #tpu.memory_space<vmem>>) dst(%dma_wait3A_102 : memref<10240x128xf32, #tpu.memory_space<vmem_shared>>)
        tpu.yield
      }) : () -> ()
    } else {
    }
    %eq3A_7 = arith.constant 1 : i32
    %eq3A_8 = arith.cmpi eq, %arg0, %eq3A_7 : i32
    %convert_element_type3A_9 = arith.extui %eq3A_8 : i1 to i32
    %cond3A_10 = arith.constant 0 : i32
    %cond3A_11 = arith.cmpi ne, %convert_element_type3A_9, %cond3A_10 : i32
    scf.if %cond3A_11 {
      %run_scoped3A = arith.constant 0 : i32
      "tpu.region"() ({
        %run_scoped3A_90 = tpu.sem_alloc : memref<!tpu.dma_semaphore, #tpu.memory_space<semaphore_mem>>
        %dma_start3A_91 = arith.constant 0 : i32
        %dma_start3A_92 = arith.constant 0 : i32
        %dma_start3A_93 = tpu.memref_slice %arg9[%dma_start3A_91, %dma_start3A_92] : memref<118x64xi32, #tpu.memory_space<vmem>> -> memref<42x64xi32, #tpu.memory_space<vmem>>
        %dma_start3A_94 = arith.constant 0 : i32
        %dma_start3A_95 = arith.constant 0 : i32
        %dma_start3A_96 = tpu.memref_slice %arg5[%arg1, %run_scoped3A, %dma_start3A_94, %dma_start3A_95] : memref<16x2x42x64xi32, #tpu.memory_space<hbm>> -> memref<1x1x42x64xi32, #tpu.memory_space<hbm>>
        %dma_start3A_97 = tpu.memref_squeeze %dma_start3A_96 : memref<1x1x42x64xi32, #tpu.memory_space<hbm>> -> memref<42x64xi32, #tpu.memory_space<hbm>>
        %dma_start3A_98 = arith.constant 0 : i32
        %dma_start3A_99 = arith.constant 0 : i32
        %dma_start3A_100 = tpu.memref_slice %arg9[%dma_start3A_98, %dma_start3A_99] : memref<118x64xi32, #tpu.memory_space<vmem>> -> memref<42x64xi32, #tpu.memory_space<vmem>>
        %dma_start3A_101 = arith.constant 0 : i32
        %dma_start3A_102 = arith.constant 0 : i32
        %dma_start3A_103 = tpu.memref_slice %arg5[%arg1, %run_scoped3A, %dma_start3A_101, %dma_start3A_102] : memref<16x2x42x64xi32, #tpu.memory_space<hbm>> -> memref<1x1x42x64xi32, #tpu.memory_space<hbm>>
        %dma_start3A_104 = tpu.memref_squeeze %dma_start3A_103 : memref<1x1x42x64xi32, #tpu.memory_space<hbm>> -> memref<42x64xi32, #tpu.memory_space<hbm>>
        tpu.enqueue_dma source(%dma_start3A_104 : memref<42x64xi32, #tpu.memory_space<hbm>>) target(%dma_start3A_100 : memref<42x64xi32, #tpu.memory_space<vmem>>) target_semaphore(%run_scoped3A_90 : memref<!tpu.dma_semaphore, #tpu.memory_space<semaphore_mem>>)
        %dma_wait3A_105 = arith.constant 0 : i32
        %dma_wait3A_106 = arith.constant 0 : i32
        %dma_wait3A_107 = tpu.memref_slice %arg9[%dma_wait3A_105, %dma_wait3A_106] : memref<118x64xi32, #tpu.memory_space<vmem>> -> memref<42x64xi32, #tpu.memory_space<vmem>>
        %dma_wait3A_108 = arith.constant 0 : i32
        %dma_wait3A_109 = arith.constant 0 : i32
        %dma_wait3A_110 = tpu.memref_slice %arg5[%arg1, %run_scoped3A, %dma_wait3A_108, %dma_wait3A_109] : memref<16x2x42x64xi32, #tpu.memory_space<hbm>> -> memref<1x1x42x64xi32, #tpu.memory_space<hbm>>
        %dma_wait3A_111 = tpu.memref_squeeze %dma_wait3A_110 : memref<1x1x42x64xi32, #tpu.memory_space<hbm>> -> memref<42x64xi32, #tpu.memory_space<hbm>>
        %dma_wait3A_112 = arith.constant 0 : i32
        %dma_wait3A_113 = arith.constant 0 : i32
        %dma_wait3A_114 = tpu.memref_slice %arg9[%dma_wait3A_112, %dma_wait3A_113] : memref<118x64xi32, #tpu.memory_space<vmem>> -> memref<42x64xi32, #tpu.memory_space<vmem>>
        %dma_wait3A_115 = arith.constant 0 : i32
        %dma_wait3A_116 = arith.constant 0 : i32
        %dma_wait3A_117 = tpu.memref_slice %arg5[%arg1, %run_scoped3A, %dma_wait3A_115, %dma_wait3A_116] : memref<16x2x42x64xi32, #tpu.memory_space<hbm>> -> memref<1x1x42x64xi32, #tpu.memory_space<hbm>>
        %dma_wait3A_118 = tpu.memref_squeeze %dma_wait3A_117 : memref<1x1x42x64xi32, #tpu.memory_space<hbm>> -> memref<42x64xi32, #tpu.memory_space<hbm>>
        tpu.wait_dma2 semaphore(%run_scoped3A_90 : memref<!tpu.dma_semaphore, #tpu.memory_space<semaphore_mem>>) src(%dma_wait3A_118 : memref<42x64xi32, #tpu.memory_space<hbm>>) dst(%dma_wait3A_114 : memref<42x64xi32, #tpu.memory_space<vmem>>)
        tpu.yield
      }) : () -> ()
      %run_scoped3A_18 = arith.constant 0 : i32
      "tpu.region"() ({
        %run_scoped3A_90 = tpu.sem_alloc : memref<!tpu.dma_semaphore, #tpu.memory_space<semaphore_mem>>
        %dma_start3A_91 = arith.constant 0 : i32
        %dma_start3A_92 = arith.constant 0 : i32
        %dma_start3A_93 = tpu.memref_slice %arg10[%dma_start3A_91, %dma_start3A_92] : memref<118x64xi32, #tpu.memory_space<vmem>> -> memref<42x64xi32, #tpu.memory_space<vmem>>
        %dma_start3A_94 = arith.constant 0 : i32
        %dma_start3A_95 = arith.constant 0 : i32
        %dma_start3A_96 = tpu.memref_slice %arg6[%arg1, %run_scoped3A_18, %dma_start3A_94, %dma_start3A_95] : memref<16x2x42x64xi32, #tpu.memory_space<hbm>> -> memref<1x1x42x64xi32, #tpu.memory_space<hbm>>
        %dma_start3A_97 = tpu.memref_squeeze %dma_start3A_96 : memref<1x1x42x64xi32, #tpu.memory_space<hbm>> -> memref<42x64xi32, #tpu.memory_space<hbm>>
        %dma_start3A_98 = arith.constant 0 : i32
        %dma_start3A_99 = arith.constant 0 : i32
        %dma_start3A_100 = tpu.memref_slice %arg10[%dma_start3A_98, %dma_start3A_99] : memref<118x64xi32, #tpu.memory_space<vmem>> -> memref<42x64xi32, #tpu.memory_space<vmem>>
        %dma_start3A_101 = arith.constant 0 : i32
        %dma_start3A_102 = arith.constant 0 : i32
        %dma_start3A_103 = tpu.memref_slice %arg6[%arg1, %run_scoped3A_18, %dma_start3A_101, %dma_start3A_102] : memref<16x2x42x64xi32, #tpu.memory_space<hbm>> -> memref<1x1x42x64xi32, #tpu.memory_space<hbm>>
        %dma_start3A_104 = tpu.memref_squeeze %dma_start3A_103 : memref<1x1x42x64xi32, #tpu.memory_space<hbm>> -> memref<42x64xi32, #tpu.memory_space<hbm>>
        tpu.enqueue_dma source(%dma_start3A_104 : memref<42x64xi32, #tpu.memory_space<hbm>>) target(%dma_start3A_100 : memref<42x64xi32, #tpu.memory_space<vmem>>) target_semaphore(%run_scoped3A_90 : memref<!tpu.dma_semaphore, #tpu.memory_space<semaphore_mem>>)
        %dma_wait3A_105 = arith.constant 0 : i32
        %dma_wait3A_106 = arith.constant 0 : i32
        %dma_wait3A_107 = tpu.memref_slice %arg10[%dma_wait3A_105, %dma_wait3A_106] : memref<118x64xi32, #tpu.memory_space<vmem>> -> memref<42x64xi32, #tpu.memory_space<vmem>>
        %dma_wait3A_108 = arith.constant 0 : i32
        %dma_wait3A_109 = arith.constant 0 : i32
        %dma_wait3A_110 = tpu.memref_slice %arg6[%arg1, %run_scoped3A_18, %dma_wait3A_108, %dma_wait3A_109] : memref<16x2x42x64xi32, #tpu.memory_space<hbm>> -> memref<1x1x42x64xi32, #tpu.memory_space<hbm>>
        %dma_wait3A_111 = tpu.memref_squeeze %dma_wait3A_110 : memref<1x1x42x64xi32, #tpu.memory_space<hbm>> -> memref<42x64xi32, #tpu.memory_space<hbm>>
        %dma_wait3A_112 = arith.constant 0 : i32
        %dma_wait3A_113 = arith.constant 0 : i32
        %dma_wait3A_114 = tpu.memref_slice %arg10[%dma_wait3A_112, %dma_wait3A_113] : memref<118x64xi32, #tpu.memory_space<vmem>> -> memref<42x64xi32, #tpu.memory_space<vmem>>
        %dma_wait3A_115 = arith.constant 0 : i32
        %dma_wait3A_116 = arith.constant 0 : i32
        %dma_wait3A_117 = tpu.memref_slice %arg6[%arg1, %run_scoped3A_18, %dma_wait3A_115, %dma_wait3A_116] : memref<16x2x42x64xi32, #tpu.memory_space<hbm>> -> memref<1x1x42x64xi32, #tpu.memory_space<hbm>>
        %dma_wait3A_118 = tpu.memref_squeeze %dma_wait3A_117 : memref<1x1x42x64xi32, #tpu.memory_space<hbm>> -> memref<42x64xi32, #tpu.memory_space<hbm>>
        tpu.wait_dma2 semaphore(%run_scoped3A_90 : memref<!tpu.dma_semaphore, #tpu.memory_space<semaphore_mem>>) src(%dma_wait3A_118 : memref<42x64xi32, #tpu.memory_space<hbm>>) dst(%dma_wait3A_114 : memref<42x64xi32, #tpu.memory_space<vmem>>)
        tpu.yield
      }) : () -> ()
      %dma_start3A = arith.constant 0 : i32
      %dma_start3A_19 = arith.constant 0 : i32
      %dma_start3A_20 = tpu.memref_slice %arg9[%dma_start3A, %dma_start3A_19] : memref<118x64xi32, #tpu.memory_space<vmem>> -> memref<1x64xi32, #tpu.memory_space<vmem>>
      %dma_start3A_21 = tpu.memref_squeeze %dma_start3A_20 : memref<1x64xi32, #tpu.memory_space<vmem>> -> memref<64xi32, #tpu.memory_space<vmem>>
      %dma_start3A_22 = arith.constant 0 : i32
      %dma_start3A_23 = arith.constant 0 : i32
      %dma_start3A_24 = tpu.memref_slice %arg2[%dma_start3A_22, %dma_start3A_23] : memref<10240x128xf32, #tpu.memory_space<hbm>> -> memref<10240x128xf32, #tpu.memory_space<hbm>>
      tpu.enqueue_indirect_dma source(%dma_start3A_24 : memref<10240x128xf32, #tpu.memory_space<hbm>>) target(%arg11 : memref<64x128xf32, #tpu.memory_space<vmem>>) offsets(%dma_start3A_21 : memref<64xi32, #tpu.memory_space<vmem>>) semaphore(%arg14 : memref<!tpu.dma_semaphore, #tpu.memory_space<semaphore_mem>>)
      %dma_start3A_25 = arith.constant 1 : i32
      %dma_start3A_26 = arith.constant 0 : i32
      %dma_start3A_27 = tpu.memref_slice %arg9[%dma_start3A_25, %dma_start3A_26] : memref<118x64xi32, #tpu.memory_space<vmem>> -> memref<1x64xi32, #tpu.memory_space<vmem>>
      %dma_start3A_28 = tpu.memref_squeeze %dma_start3A_27 : memref<1x64xi32, #tpu.memory_space<vmem>> -> memref<64xi32, #tpu.memory_space<vmem>>
      %dma_start3A_29 = arith.constant 0 : i32
      %dma_start3A_30 = arith.constant 0 : i32
      %dma_start3A_31 = tpu.memref_slice %arg2[%dma_start3A_29, %dma_start3A_30] : memref<10240x128xf32, #tpu.memory_space<hbm>> -> memref<10240x128xf32, #tpu.memory_space<hbm>>
      tpu.enqueue_indirect_dma source(%dma_start3A_31 : memref<10240x128xf32, #tpu.memory_space<hbm>>) target(%arg12 : memref<64x128xf32, #tpu.memory_space<vmem>>) offsets(%dma_start3A_28 : memref<64xi32, #tpu.memory_space<vmem>>) semaphore(%arg15 : memref<!tpu.dma_semaphore, #tpu.memory_space<semaphore_mem>>)
      %scan3A = arith.constant 0 : i32
      %scan3A_32 = arith.constant 0 : i32
      %scan3A_33 = arith.constant 20 : i32
      %scan3A_34 = arith.addi %scan3A_32, %scan3A_33 : i32
      %scan3A_35 = arith.constant 1 : i32
      scf.for %scan3A_90 = %scan3A_32 to %scan3A_34 step %scan3A_35  : i32 {
        %mul3A = arith.constant 2 : i32
        %mul3A_91 = arith.muli %scan3A_90, %mul3A : i32
        %add3A = arith.constant 0 : i32
        %add3A_92 = arith.addi %mul3A_91, %add3A : i32
        %dma_wait3A_93 = arith.constant 0 : i32
        %dma_wait3A_94 = tpu.memref_slice %arg9[%add3A_92, %dma_wait3A_93] : memref<118x64xi32, #tpu.memory_space<vmem>> -> memref<1x64xi32, #tpu.memory_space<vmem>>
        %dma_wait3A_95 = tpu.memref_squeeze %dma_wait3A_94 : memref<1x64xi32, #tpu.memory_space<vmem>> -> memref<64xi32, #tpu.memory_space<vmem>>
        %dma_wait3A_96 = arith.constant 0 : i32
        %dma_wait3A_97 = arith.constant 0 : i32
        %dma_wait3A_98 = tpu.memref_slice %arg2[%dma_wait3A_96, %dma_wait3A_97] : memref<10240x128xf32, #tpu.memory_space<hbm>> -> memref<10240x128xf32, #tpu.memory_space<hbm>>
        tpu.wait_indirect_dma semaphore(%arg14 : memref<!tpu.dma_semaphore, #tpu.memory_space<semaphore_mem>>) src(%dma_wait3A_98 : memref<10240x128xf32, #tpu.memory_space<hbm>>) dst(%arg11 : memref<64x128xf32, #tpu.memory_space<vmem>>)
        "tpu.region"() ({
          %run_scoped3A_123 = tpu.sem_alloc : memref<!tpu.dma_semaphore, #tpu.memory_space<semaphore_mem>>
          %dma_start3A_124 = arith.constant 0 : i32
          %dma_start3A_125 = tpu.memref_slice %arg10[%add3A_92, %dma_start3A_124] : memref<118x64xi32, #tpu.memory_space<vmem>> -> memref<1x64xi32, #tpu.memory_space<vmem>>
          %dma_start3A_126 = tpu.memref_squeeze %dma_start3A_125 : memref<1x64xi32, #tpu.memory_space<vmem>> -> memref<64xi32, #tpu.memory_space<vmem>>
          %dma_start3A_127 = arith.constant 0 : i32
          %dma_start3A_128 = arith.constant 0 : i32
          %dma_start3A_129 = tpu.memref_slice %arg13[%dma_start3A_127, %dma_start3A_128] : memref<10240x128xf32, #tpu.memory_space<vmem_shared>> -> memref<10240x128xf32, #tpu.memory_space<vmem_shared>>
          tpu.enqueue_indirect_dma source(%arg11 : memref<64x128xf32, #tpu.memory_space<vmem>>) target(%dma_start3A_129 : memref<10240x128xf32, #tpu.memory_space<vmem_shared>>) offsets(%dma_start3A_126 : memref<64xi32, #tpu.memory_space<vmem>>) semaphore(%run_scoped3A_123 : memref<!tpu.dma_semaphore, #tpu.memory_space<semaphore_mem>>) {add = true}
          %dma_wait3A_130 = arith.constant 0 : i32
          %dma_wait3A_131 = tpu.memref_slice %arg10[%add3A_92, %dma_wait3A_130] : memref<118x64xi32, #tpu.memory_space<vmem>> -> memref<1x64xi32, #tpu.memory_space<vmem>>
          %dma_wait3A_132 = tpu.memref_squeeze %dma_wait3A_131 : memref<1x64xi32, #tpu.memory_space<vmem>> -> memref<64xi32, #tpu.memory_space<vmem>>
          %dma_wait3A_133 = arith.constant 0 : i32
          %dma_wait3A_134 = arith.constant 0 : i32
          %dma_wait3A_135 = tpu.memref_slice %arg13[%dma_wait3A_133, %dma_wait3A_134] : memref<10240x128xf32, #tpu.memory_space<vmem_shared>> -> memref<10240x128xf32, #tpu.memory_space<vmem_shared>>
          tpu.wait_indirect_dma semaphore(%run_scoped3A_123 : memref<!tpu.dma_semaphore, #tpu.memory_space<semaphore_mem>>) src(%arg11 : memref<64x128xf32, #tpu.memory_space<vmem>>) dst(%dma_wait3A_135 : memref<10240x128xf32, #tpu.memory_space<vmem_shared>>)
          tpu.yield
        }) : () -> ()
        %add3A_99 = arith.constant 2 : i32
        %add3A_100 = arith.addi %add3A_92, %add3A_99 : i32
        %dma_start3A_101 = arith.constant 0 : i32
        %dma_start3A_102 = tpu.memref_slice %arg9[%add3A_100, %dma_start3A_101] : memref<118x64xi32, #tpu.memory_space<vmem>> -> memref<1x64xi32, #tpu.memory_space<vmem>>
        %dma_start3A_103 = tpu.memref_squeeze %dma_start3A_102 : memref<1x64xi32, #tpu.memory_space<vmem>> -> memref<64xi32, #tpu.memory_space<vmem>>
        %dma_start3A_104 = arith.constant 0 : i32
        %dma_start3A_105 = arith.constant 0 : i32
        %dma_start3A_106 = tpu.memref_slice %arg2[%dma_start3A_104, %dma_start3A_105] : memref<10240x128xf32, #tpu.memory_space<hbm>> -> memref<10240x128xf32, #tpu.memory_space<hbm>>
        tpu.enqueue_indirect_dma source(%dma_start3A_106 : memref<10240x128xf32, #tpu.memory_space<hbm>>) target(%arg11 : memref<64x128xf32, #tpu.memory_space<vmem>>) offsets(%dma_start3A_103 : memref<64xi32, #tpu.memory_space<vmem>>) semaphore(%arg14 : memref<!tpu.dma_semaphore, #tpu.memory_space<semaphore_mem>>)
        %add3A_107 = arith.constant 1 : i32
        %add3A_108 = arith.addi %mul3A_91, %add3A_107 : i32
        %dma_wait3A_109 = arith.constant 0 : i32
        %dma_wait3A_110 = tpu.memref_slice %arg9[%add3A_108, %dma_wait3A_109] : memref<118x64xi32, #tpu.memory_space<vmem>> -> memref<1x64xi32, #tpu.memory_space<vmem>>
        %dma_wait3A_111 = tpu.memref_squeeze %dma_wait3A_110 : memref<1x64xi32, #tpu.memory_space<vmem>> -> memref<64xi32, #tpu.memory_space<vmem>>
        %dma_wait3A_112 = arith.constant 0 : i32
        %dma_wait3A_113 = arith.constant 0 : i32
        %dma_wait3A_114 = tpu.memref_slice %arg2[%dma_wait3A_112, %dma_wait3A_113] : memref<10240x128xf32, #tpu.memory_space<hbm>> -> memref<10240x128xf32, #tpu.memory_space<hbm>>
        tpu.wait_indirect_dma semaphore(%arg15 : memref<!tpu.dma_semaphore, #tpu.memory_space<semaphore_mem>>) src(%dma_wait3A_114 : memref<10240x128xf32, #tpu.memory_space<hbm>>) dst(%arg12 : memref<64x128xf32, #tpu.memory_space<vmem>>)
        "tpu.region"() ({
          %run_scoped3A_123 = tpu.sem_alloc : memref<!tpu.dma_semaphore, #tpu.memory_space<semaphore_mem>>
          %dma_start3A_124 = arith.constant 0 : i32
          %dma_start3A_125 = tpu.memref_slice %arg10[%add3A_108, %dma_start3A_124] : memref<118x64xi32, #tpu.memory_space<vmem>> -> memref<1x64xi32, #tpu.memory_space<vmem>>
          %dma_start3A_126 = tpu.memref_squeeze %dma_start3A_125 : memref<1x64xi32, #tpu.memory_space<vmem>> -> memref<64xi32, #tpu.memory_space<vmem>>
          %dma_start3A_127 = arith.constant 0 : i32
          %dma_start3A_128 = arith.constant 0 : i32
          %dma_start3A_129 = tpu.memref_slice %arg13[%dma_start3A_127, %dma_start3A_128] : memref<10240x128xf32, #tpu.memory_space<vmem_shared>> -> memref<10240x128xf32, #tpu.memory_space<vmem_shared>>
          tpu.enqueue_indirect_dma source(%arg12 : memref<64x128xf32, #tpu.memory_space<vmem>>) target(%dma_start3A_129 : memref<10240x128xf32, #tpu.memory_space<vmem_shared>>) offsets(%dma_start3A_126 : memref<64xi32, #tpu.memory_space<vmem>>) semaphore(%run_scoped3A_123 : memref<!tpu.dma_semaphore, #tpu.memory_space<semaphore_mem>>) {add = true}
          %dma_wait3A_130 = arith.constant 0 : i32
          %dma_wait3A_131 = tpu.memref_slice %arg10[%add3A_108, %dma_wait3A_130] : memref<118x64xi32, #tpu.memory_space<vmem>> -> memref<1x64xi32, #tpu.memory_space<vmem>>
          %dma_wait3A_132 = tpu.memref_squeeze %dma_wait3A_131 : memref<1x64xi32, #tpu.memory_space<vmem>> -> memref<64xi32, #tpu.memory_space<vmem>>
          %dma_wait3A_133 = arith.constant 0 : i32
          %dma_wait3A_134 = arith.constant 0 : i32
          %dma_wait3A_135 = tpu.memref_slice %arg13[%dma_wait3A_133, %dma_wait3A_134] : memref<10240x128xf32, #tpu.memory_space<vmem_shared>> -> memref<10240x128xf32, #tpu.memory_space<vmem_shared>>
          tpu.wait_indirect_dma semaphore(%run_scoped3A_123 : memref<!tpu.dma_semaphore, #tpu.memory_space<semaphore_mem>>) src(%arg12 : memref<64x128xf32, #tpu.memory_space<vmem>>) dst(%dma_wait3A_135 : memref<10240x128xf32, #tpu.memory_space<vmem_shared>>)
          tpu.yield
        }) : () -> ()
        %add3A_115 = arith.constant 2 : i32
        %add3A_116 = arith.addi %add3A_108, %add3A_115 : i32
        %dma_start3A_117 = arith.constant 0 : i32
        %dma_start3A_118 = tpu.memref_slice %arg9[%add3A_116, %dma_start3A_117] : memref<118x64xi32, #tpu.memory_space<vmem>> -> memref<1x64xi32, #tpu.memory_space<vmem>>
        %dma_start3A_119 = tpu.memref_squeeze %dma_start3A_118 : memref<1x64xi32, #tpu.memory_space<vmem>> -> memref<64xi32, #tpu.memory_space<vmem>>
        %dma_start3A_120 = arith.constant 0 : i32
        %dma_start3A_121 = arith.constant 0 : i32
        %dma_start3A_122 = tpu.memref_slice %arg2[%dma_start3A_120, %dma_start3A_121] : memref<10240x128xf32, #tpu.memory_space<hbm>> -> memref<10240x128xf32, #tpu.memory_space<hbm>>
        tpu.enqueue_indirect_dma source(%dma_start3A_122 : memref<10240x128xf32, #tpu.memory_space<hbm>>) target(%arg12 : memref<64x128xf32, #tpu.memory_space<vmem>>) offsets(%dma_start3A_119 : memref<64xi32, #tpu.memory_space<vmem>>) semaphore(%arg15 : memref<!tpu.dma_semaphore, #tpu.memory_space<semaphore_mem>>)
      }
      %scan3A_36 = arith.constant 20 : i32
      %dma_wait3A = arith.constant 40 : i32
      %dma_wait3A_37 = arith.constant 0 : i32
      %dma_wait3A_38 = tpu.memref_slice %arg9[%dma_wait3A, %dma_wait3A_37] : memref<118x64xi32, #tpu.memory_space<vmem>> -> memref<1x64xi32, #tpu.memory_space<vmem>>
      %dma_wait3A_39 = tpu.memref_squeeze %dma_wait3A_38 : memref<1x64xi32, #tpu.memory_space<vmem>> -> memref<64xi32, #tpu.memory_space<vmem>>
      %dma_wait3A_40 = arith.constant 0 : i32
      %dma_wait3A_41 = arith.constant 0 : i32
      %dma_wait3A_42 = tpu.memref_slice %arg2[%dma_wait3A_40, %dma_wait3A_41] : memref<10240x128xf32, #tpu.memory_space<hbm>> -> memref<10240x128xf32, #tpu.memory_space<hbm>>
      tpu.wait_indirect_dma semaphore(%arg14 : memref<!tpu.dma_semaphore, #tpu.memory_space<semaphore_mem>>) src(%dma_wait3A_42 : memref<10240x128xf32, #tpu.memory_space<hbm>>) dst(%arg11 : memref<64x128xf32, #tpu.memory_space<vmem>>)
      %run_scoped3A_43 = arith.constant 40 : i32
      "tpu.region"() ({
        %run_scoped3A_90 = tpu.sem_alloc : memref<!tpu.dma_semaphore, #tpu.memory_space<semaphore_mem>>
        %dma_start3A_91 = arith.constant 0 : i32
        %dma_start3A_92 = tpu.memref_slice %arg10[%run_scoped3A_43, %dma_start3A_91] : memref<118x64xi32, #tpu.memory_space<vmem>> -> memref<1x64xi32, #tpu.memory_space<vmem>>
        %dma_start3A_93 = tpu.memref_squeeze %dma_start3A_92 : memref<1x64xi32, #tpu.memory_space<vmem>> -> memref<64xi32, #tpu.memory_space<vmem>>
        %dma_start3A_94 = arith.constant 0 : i32
        %dma_start3A_95 = arith.constant 0 : i32
        %dma_start3A_96 = tpu.memref_slice %arg13[%dma_start3A_94, %dma_start3A_95] : memref<10240x128xf32, #tpu.memory_space<vmem_shared>> -> memref<10240x128xf32, #tpu.memory_space<vmem_shared>>
        tpu.enqueue_indirect_dma source(%arg11 : memref<64x128xf32, #tpu.memory_space<vmem>>) target(%dma_start3A_96 : memref<10240x128xf32, #tpu.memory_space<vmem_shared>>) offsets(%dma_start3A_93 : memref<64xi32, #tpu.memory_space<vmem>>) semaphore(%run_scoped3A_90 : memref<!tpu.dma_semaphore, #tpu.memory_space<semaphore_mem>>) {add = true}
        %dma_wait3A_97 = arith.constant 0 : i32
        %dma_wait3A_98 = tpu.memref_slice %arg10[%run_scoped3A_43, %dma_wait3A_97] : memref<118x64xi32, #tpu.memory_space<vmem>> -> memref<1x64xi32, #tpu.memory_space<vmem>>
        %dma_wait3A_99 = tpu.memref_squeeze %dma_wait3A_98 : memref<1x64xi32, #tpu.memory_space<vmem>> -> memref<64xi32, #tpu.memory_space<vmem>>
        %dma_wait3A_100 = arith.constant 0 : i32
        %dma_wait3A_101 = arith.constant 0 : i32
        %dma_wait3A_102 = tpu.memref_slice %arg13[%dma_wait3A_100, %dma_wait3A_101] : memref<10240x128xf32, #tpu.memory_space<vmem_shared>> -> memref<10240x128xf32, #tpu.memory_space<vmem_shared>>
        tpu.wait_indirect_dma semaphore(%run_scoped3A_90 : memref<!tpu.dma_semaphore, #tpu.memory_space<semaphore_mem>>) src(%arg11 : memref<64x128xf32, #tpu.memory_space<vmem>>) dst(%dma_wait3A_102 : memref<10240x128xf32, #tpu.memory_space<vmem_shared>>)
        tpu.yield
      }) : () -> ()
      %dma_wait3A_44 = arith.constant 41 : i32
      %dma_wait3A_45 = arith.constant 0 : i32
      %dma_wait3A_46 = tpu.memref_slice %arg9[%dma_wait3A_44, %dma_wait3A_45] : memref<118x64xi32, #tpu.memory_space<vmem>> -> memref<1x64xi32, #tpu.memory_space<vmem>>
      %dma_wait3A_47 = tpu.memref_squeeze %dma_wait3A_46 : memref<1x64xi32, #tpu.memory_space<vmem>> -> memref<64xi32, #tpu.memory_space<vmem>>
      %dma_wait3A_48 = arith.constant 0 : i32
      %dma_wait3A_49 = arith.constant 0 : i32
      %dma_wait3A_50 = tpu.memref_slice %arg2[%dma_wait3A_48, %dma_wait3A_49] : memref<10240x128xf32, #tpu.memory_space<hbm>> -> memref<10240x128xf32, #tpu.memory_space<hbm>>
      tpu.wait_indirect_dma semaphore(%arg15 : memref<!tpu.dma_semaphore, #tpu.memory_space<semaphore_mem>>) src(%dma_wait3A_50 : memref<10240x128xf32, #tpu.memory_space<hbm>>) dst(%arg12 : memref<64x128xf32, #tpu.memory_space<vmem>>)
      %run_scoped3A_51 = arith.constant 41 : i32
      "tpu.region"() ({
        %run_scoped3A_90 = tpu.sem_alloc : memref<!tpu.dma_semaphore, #tpu.memory_space<semaphore_mem>>
        %dma_start3A_91 = arith.constant 0 : i32
        %dma_start3A_92 = tpu.memref_slice %arg10[%run_scoped3A_51, %dma_start3A_91] : memref<118x64xi32, #tpu.memory_space<vmem>> -> memref<1x64xi32, #tpu.memory_space<vmem>>
        %dma_start3A_93 = tpu.memref_squeeze %dma_start3A_92 : memref<1x64xi32, #tpu.memory_space<vmem>> -> memref<64xi32, #tpu.memory_space<vmem>>
        %dma_start3A_94 = arith.constant 0 : i32
        %dma_start3A_95 = arith.constant 0 : i32
        %dma_start3A_96 = tpu.memref_slice %arg13[%dma_start3A_94, %dma_start3A_95] : memref<10240x128xf32, #tpu.memory_space<vmem_shared>> -> memref<10240x128xf32, #tpu.memory_space<vmem_shared>>
        tpu.enqueue_indirect_dma source(%arg12 : memref<64x128xf32, #tpu.memory_space<vmem>>) target(%dma_start3A_96 : memref<10240x128xf32, #tpu.memory_space<vmem_shared>>) offsets(%dma_start3A_93 : memref<64xi32, #tpu.memory_space<vmem>>) semaphore(%run_scoped3A_90 : memref<!tpu.dma_semaphore, #tpu.memory_space<semaphore_mem>>) {add = true}
        %dma_wait3A_97 = arith.constant 0 : i32
        %dma_wait3A_98 = tpu.memref_slice %arg10[%run_scoped3A_51, %dma_wait3A_97] : memref<118x64xi32, #tpu.memory_space<vmem>> -> memref<1x64xi32, #tpu.memory_space<vmem>>
        %dma_wait3A_99 = tpu.memref_squeeze %dma_wait3A_98 : memref<1x64xi32, #tpu.memory_space<vmem>> -> memref<64xi32, #tpu.memory_space<vmem>>
        %dma_wait3A_100 = arith.constant 0 : i32
        %dma_wait3A_101 = arith.constant 0 : i32
        %dma_wait3A_102 = tpu.memref_slice %arg13[%dma_wait3A_100, %dma_wait3A_101] : memref<10240x128xf32, #tpu.memory_space<vmem_shared>> -> memref<10240x128xf32, #tpu.memory_space<vmem_shared>>
        tpu.wait_indirect_dma semaphore(%run_scoped3A_90 : memref<!tpu.dma_semaphore, #tpu.memory_space<semaphore_mem>>) src(%arg12 : memref<64x128xf32, #tpu.memory_space<vmem>>) dst(%dma_wait3A_102 : memref<10240x128xf32, #tpu.memory_space<vmem_shared>>)
        tpu.yield
      }) : () -> ()
      %run_scoped3A_52 = arith.constant 1 : i32
      "tpu.region"() ({
        %run_scoped3A_90 = tpu.sem_alloc : memref<!tpu.dma_semaphore, #tpu.memory_space<semaphore_mem>>
        %dma_start3A_91 = arith.constant 0 : i32
        %dma_start3A_92 = arith.constant 0 : i32
        %dma_start3A_93 = tpu.memref_slice %arg9[%dma_start3A_91, %dma_start3A_92] : memref<118x64xi32, #tpu.memory_space<vmem>> -> memref<42x64xi32, #tpu.memory_space<vmem>>
        %dma_start3A_94 = arith.constant 0 : i32
        %dma_start3A_95 = arith.constant 0 : i32
        %dma_start3A_96 = tpu.memref_slice %arg5[%arg1, %run_scoped3A_52, %dma_start3A_94, %dma_start3A_95] : memref<16x2x42x64xi32, #tpu.memory_space<hbm>> -> memref<1x1x42x64xi32, #tpu.memory_space<hbm>>
        %dma_start3A_97 = tpu.memref_squeeze %dma_start3A_96 : memref<1x1x42x64xi32, #tpu.memory_space<hbm>> -> memref<42x64xi32, #tpu.memory_space<hbm>>
        %dma_start3A_98 = arith.constant 0 : i32
        %dma_start3A_99 = arith.constant 0 : i32
        %dma_start3A_100 = tpu.memref_slice %arg9[%dma_start3A_98, %dma_start3A_99] : memref<118x64xi32, #tpu.memory_space<vmem>> -> memref<42x64xi32, #tpu.memory_space<vmem>>
        %dma_start3A_101 = arith.constant 0 : i32
        %dma_start3A_102 = arith.constant 0 : i32
        %dma_start3A_103 = tpu.memref_slice %arg5[%arg1, %run_scoped3A_52, %dma_start3A_101, %dma_start3A_102] : memref<16x2x42x64xi32, #tpu.memory_space<hbm>> -> memref<1x1x42x64xi32, #tpu.memory_space<hbm>>
        %dma_start3A_104 = tpu.memref_squeeze %dma_start3A_103 : memref<1x1x42x64xi32, #tpu.memory_space<hbm>> -> memref<42x64xi32, #tpu.memory_space<hbm>>
        tpu.enqueue_dma source(%dma_start3A_104 : memref<42x64xi32, #tpu.memory_space<hbm>>) target(%dma_start3A_100 : memref<42x64xi32, #tpu.memory_space<vmem>>) target_semaphore(%run_scoped3A_90 : memref<!tpu.dma_semaphore, #tpu.memory_space<semaphore_mem>>)
        %dma_wait3A_105 = arith.constant 0 : i32
        %dma_wait3A_106 = arith.constant 0 : i32
        %dma_wait3A_107 = tpu.memref_slice %arg9[%dma_wait3A_105, %dma_wait3A_106] : memref<118x64xi32, #tpu.memory_space<vmem>> -> memref<42x64xi32, #tpu.memory_space<vmem>>
        %dma_wait3A_108 = arith.constant 0 : i32
        %dma_wait3A_109 = arith.constant 0 : i32
        %dma_wait3A_110 = tpu.memref_slice %arg5[%arg1, %run_scoped3A_52, %dma_wait3A_108, %dma_wait3A_109] : memref<16x2x42x64xi32, #tpu.memory_space<hbm>> -> memref<1x1x42x64xi32, #tpu.memory_space<hbm>>
        %dma_wait3A_111 = tpu.memref_squeeze %dma_wait3A_110 : memref<1x1x42x64xi32, #tpu.memory_space<hbm>> -> memref<42x64xi32, #tpu.memory_space<hbm>>
        %dma_wait3A_112 = arith.constant 0 : i32
        %dma_wait3A_113 = arith.constant 0 : i32
        %dma_wait3A_114 = tpu.memref_slice %arg9[%dma_wait3A_112, %dma_wait3A_113] : memref<118x64xi32, #tpu.memory_space<vmem>> -> memref<42x64xi32, #tpu.memory_space<vmem>>
        %dma_wait3A_115 = arith.constant 0 : i32
        %dma_wait3A_116 = arith.constant 0 : i32
        %dma_wait3A_117 = tpu.memref_slice %arg5[%arg1, %run_scoped3A_52, %dma_wait3A_115, %dma_wait3A_116] : memref<16x2x42x64xi32, #tpu.memory_space<hbm>> -> memref<1x1x42x64xi32, #tpu.memory_space<hbm>>
        %dma_wait3A_118 = tpu.memref_squeeze %dma_wait3A_117 : memref<1x1x42x64xi32, #tpu.memory_space<hbm>> -> memref<42x64xi32, #tpu.memory_space<hbm>>
        tpu.wait_dma2 semaphore(%run_scoped3A_90 : memref<!tpu.dma_semaphore, #tpu.memory_space<semaphore_mem>>) src(%dma_wait3A_118 : memref<42x64xi32, #tpu.memory_space<hbm>>) dst(%dma_wait3A_114 : memref<42x64xi32, #tpu.memory_space<vmem>>)
        tpu.yield
      }) : () -> ()
      %run_scoped3A_53 = arith.constant 1 : i32
      "tpu.region"() ({
        %run_scoped3A_90 = tpu.sem_alloc : memref<!tpu.dma_semaphore, #tpu.memory_space<semaphore_mem>>
        %dma_start3A_91 = arith.constant 0 : i32
        %dma_start3A_92 = arith.constant 0 : i32
        %dma_start3A_93 = tpu.memref_slice %arg10[%dma_start3A_91, %dma_start3A_92] : memref<118x64xi32, #tpu.memory_space<vmem>> -> memref<42x64xi32, #tpu.memory_space<vmem>>
        %dma_start3A_94 = arith.constant 0 : i32
        %dma_start3A_95 = arith.constant 0 : i32
        %dma_start3A_96 = tpu.memref_slice %arg6[%arg1, %run_scoped3A_53, %dma_start3A_94, %dma_start3A_95] : memref<16x2x42x64xi32, #tpu.memory_space<hbm>> -> memref<1x1x42x64xi32, #tpu.memory_space<hbm>>
        %dma_start3A_97 = tpu.memref_squeeze %dma_start3A_96 : memref<1x1x42x64xi32, #tpu.memory_space<hbm>> -> memref<42x64xi32, #tpu.memory_space<hbm>>
        %dma_start3A_98 = arith.constant 0 : i32
        %dma_start3A_99 = arith.constant 0 : i32
        %dma_start3A_100 = tpu.memref_slice %arg10[%dma_start3A_98, %dma_start3A_99] : memref<118x64xi32, #tpu.memory_space<vmem>> -> memref<42x64xi32, #tpu.memory_space<vmem>>
        %dma_start3A_101 = arith.constant 0 : i32
        %dma_start3A_102 = arith.constant 0 : i32
        %dma_start3A_103 = tpu.memref_slice %arg6[%arg1, %run_scoped3A_53, %dma_start3A_101, %dma_start3A_102] : memref<16x2x42x64xi32, #tpu.memory_space<hbm>> -> memref<1x1x42x64xi32, #tpu.memory_space<hbm>>
        %dma_start3A_104 = tpu.memref_squeeze %dma_start3A_103 : memref<1x1x42x64xi32, #tpu.memory_space<hbm>> -> memref<42x64xi32, #tpu.memory_space<hbm>>
        tpu.enqueue_dma source(%dma_start3A_104 : memref<42x64xi32, #tpu.memory_space<hbm>>) target(%dma_start3A_100 : memref<42x64xi32, #tpu.memory_space<vmem>>) target_semaphore(%run_scoped3A_90 : memref<!tpu.dma_semaphore, #tpu.memory_space<semaphore_mem>>)
        %dma_wait3A_105 = arith.constant 0 : i32
        %dma_wait3A_106 = arith.constant 0 : i32
        %dma_wait3A_107 = tpu.memref_slice %arg10[%dma_wait3A_105, %dma_wait3A_106] : memref<118x64xi32, #tpu.memory_space<vmem>> -> memref<42x64xi32, #tpu.memory_space<vmem>>
        %dma_wait3A_108 = arith.constant 0 : i32
        %dma_wait3A_109 = arith.constant 0 : i32
        %dma_wait3A_110 = tpu.memref_slice %arg6[%arg1, %run_scoped3A_53, %dma_wait3A_108, %dma_wait3A_109] : memref<16x2x42x64xi32, #tpu.memory_space<hbm>> -> memref<1x1x42x64xi32, #tpu.memory_space<hbm>>
        %dma_wait3A_111 = tpu.memref_squeeze %dma_wait3A_110 : memref<1x1x42x64xi32, #tpu.memory_space<hbm>> -> memref<42x64xi32, #tpu.memory_space<hbm>>
        %dma_wait3A_112 = arith.constant 0 : i32
        %dma_wait3A_113 = arith.constant 0 : i32
        %dma_wait3A_114 = tpu.memref_slice %arg10[%dma_wait3A_112, %dma_wait3A_113] : memref<118x64xi32, #tpu.memory_space<vmem>> -> memref<42x64xi32, #tpu.memory_space<vmem>>
        %dma_wait3A_115 = arith.constant 0 : i32
        %dma_wait3A_116 = arith.constant 0 : i32
        %dma_wait3A_117 = tpu.memref_slice %arg6[%arg1, %run_scoped3A_53, %dma_wait3A_115, %dma_wait3A_116] : memref<16x2x42x64xi32, #tpu.memory_space<hbm>> -> memref<1x1x42x64xi32, #tpu.memory_space<hbm>>
        %dma_wait3A_118 = tpu.memref_squeeze %dma_wait3A_117 : memref<1x1x42x64xi32, #tpu.memory_space<hbm>> -> memref<42x64xi32, #tpu.memory_space<hbm>>
        tpu.wait_dma2 semaphore(%run_scoped3A_90 : memref<!tpu.dma_semaphore, #tpu.memory_space<semaphore_mem>>) src(%dma_wait3A_118 : memref<42x64xi32, #tpu.memory_space<hbm>>) dst(%dma_wait3A_114 : memref<42x64xi32, #tpu.memory_space<vmem>>)
        tpu.yield
      }) : () -> ()
      %dma_start3A_54 = arith.constant 0 : i32
      %dma_start3A_55 = arith.constant 0 : i32
      %dma_start3A_56 = tpu.memref_slice %arg9[%dma_start3A_54, %dma_start3A_55] : memref<118x64xi32, #tpu.memory_space<vmem>> -> memref<1x64xi32, #tpu.memory_space<vmem>>
      %dma_start3A_57 = tpu.memref_squeeze %dma_start3A_56 : memref<1x64xi32, #tpu.memory_space<vmem>> -> memref<64xi32, #tpu.memory_space<vmem>>
      %dma_start3A_58 = arith.constant 0 : i32
      %dma_start3A_59 = arith.constant 0 : i32
      %dma_start3A_60 = tpu.memref_slice %arg2[%dma_start3A_58, %dma_start3A_59] : memref<10240x128xf32, #tpu.memory_space<hbm>> -> memref<10240x128xf32, #tpu.memory_space<hbm>>
      tpu.enqueue_indirect_dma source(%dma_start3A_60 : memref<10240x128xf32, #tpu.memory_space<hbm>>) target(%arg11 : memref<64x128xf32, #tpu.memory_space<vmem>>) offsets(%dma_start3A_57 : memref<64xi32, #tpu.memory_space<vmem>>) semaphore(%arg14 : memref<!tpu.dma_semaphore, #tpu.memory_space<semaphore_mem>>)
      %dma_start3A_61 = arith.constant 1 : i32
      %dma_start3A_62 = arith.constant 0 : i32
      %dma_start3A_63 = tpu.memref_slice %arg9[%dma_start3A_61, %dma_start3A_62] : memref<118x64xi32, #tpu.memory_space<vmem>> -> memref<1x64xi32, #tpu.memory_space<vmem>>
      %dma_start3A_64 = tpu.memref_squeeze %dma_start3A_63 : memref<1x64xi32, #tpu.memory_space<vmem>> -> memref<64xi32, #tpu.memory_space<vmem>>
      %dma_start3A_65 = arith.constant 0 : i32
      %dma_start3A_66 = arith.constant 0 : i32
      %dma_start3A_67 = tpu.memref_slice %arg2[%dma_start3A_65, %dma_start3A_66] : memref<10240x128xf32, #tpu.memory_space<hbm>> -> memref<10240x128xf32, #tpu.memory_space<hbm>>
      tpu.enqueue_indirect_dma source(%dma_start3A_67 : memref<10240x128xf32, #tpu.memory_space<hbm>>) target(%arg12 : memref<64x128xf32, #tpu.memory_space<vmem>>) offsets(%dma_start3A_64 : memref<64xi32, #tpu.memory_space<vmem>>) semaphore(%arg15 : memref<!tpu.dma_semaphore, #tpu.memory_space<semaphore_mem>>)
      %scan3A_68 = arith.constant 0 : i32
      %scan3A_69 = arith.constant 0 : i32
      %scan3A_70 = arith.constant 20 : i32
      %scan3A_71 = arith.addi %scan3A_69, %scan3A_70 : i32
      %scan3A_72 = arith.constant 1 : i32
      scf.for %scan3A_90 = %scan3A_69 to %scan3A_71 step %scan3A_72  : i32 {
        %mul3A = arith.constant 2 : i32
        %mul3A_91 = arith.muli %scan3A_90, %mul3A : i32
        %add3A = arith.constant 0 : i32
        %add3A_92 = arith.addi %mul3A_91, %add3A : i32
        %dma_wait3A_93 = arith.constant 0 : i32
        %dma_wait3A_94 = tpu.memref_slice %arg9[%add3A_92, %dma_wait3A_93] : memref<118x64xi32, #tpu.memory_space<vmem>> -> memref<1x64xi32, #tpu.memory_space<vmem>>
        %dma_wait3A_95 = tpu.memref_squeeze %dma_wait3A_94 : memref<1x64xi32, #tpu.memory_space<vmem>> -> memref<64xi32, #tpu.memory_space<vmem>>
        %dma_wait3A_96 = arith.constant 0 : i32
        %dma_wait3A_97 = arith.constant 0 : i32
        %dma_wait3A_98 = tpu.memref_slice %arg2[%dma_wait3A_96, %dma_wait3A_97] : memref<10240x128xf32, #tpu.memory_space<hbm>> -> memref<10240x128xf32, #tpu.memory_space<hbm>>
        tpu.wait_indirect_dma semaphore(%arg14 : memref<!tpu.dma_semaphore, #tpu.memory_space<semaphore_mem>>) src(%dma_wait3A_98 : memref<10240x128xf32, #tpu.memory_space<hbm>>) dst(%arg11 : memref<64x128xf32, #tpu.memory_space<vmem>>)
        "tpu.region"() ({
          %run_scoped3A_123 = tpu.sem_alloc : memref<!tpu.dma_semaphore, #tpu.memory_space<semaphore_mem>>
          %dma_start3A_124 = arith.constant 0 : i32
          %dma_start3A_125 = tpu.memref_slice %arg10[%add3A_92, %dma_start3A_124] : memref<118x64xi32, #tpu.memory_space<vmem>> -> memref<1x64xi32, #tpu.memory_space<vmem>>
          %dma_start3A_126 = tpu.memref_squeeze %dma_start3A_125 : memref<1x64xi32, #tpu.memory_space<vmem>> -> memref<64xi32, #tpu.memory_space<vmem>>
          %dma_start3A_127 = arith.constant 0 : i32
          %dma_start3A_128 = arith.constant 0 : i32
          %dma_start3A_129 = tpu.memref_slice %arg13[%dma_start3A_127, %dma_start3A_128] : memref<10240x128xf32, #tpu.memory_space<vmem_shared>> -> memref<10240x128xf32, #tpu.memory_space<vmem_shared>>
          tpu.enqueue_indirect_dma source(%arg11 : memref<64x128xf32, #tpu.memory_space<vmem>>) target(%dma_start3A_129 : memref<10240x128xf32, #tpu.memory_space<vmem_shared>>) offsets(%dma_start3A_126 : memref<64xi32, #tpu.memory_space<vmem>>) semaphore(%run_scoped3A_123 : memref<!tpu.dma_semaphore, #tpu.memory_space<semaphore_mem>>) {add = true}
          %dma_wait3A_130 = arith.constant 0 : i32
          %dma_wait3A_131 = tpu.memref_slice %arg10[%add3A_92, %dma_wait3A_130] : memref<118x64xi32, #tpu.memory_space<vmem>> -> memref<1x64xi32, #tpu.memory_space<vmem>>
          %dma_wait3A_132 = tpu.memref_squeeze %dma_wait3A_131 : memref<1x64xi32, #tpu.memory_space<vmem>> -> memref<64xi32, #tpu.memory_space<vmem>>
          %dma_wait3A_133 = arith.constant 0 : i32
          %dma_wait3A_134 = arith.constant 0 : i32
          %dma_wait3A_135 = tpu.memref_slice %arg13[%dma_wait3A_133, %dma_wait3A_134] : memref<10240x128xf32, #tpu.memory_space<vmem_shared>> -> memref<10240x128xf32, #tpu.memory_space<vmem_shared>>
          tpu.wait_indirect_dma semaphore(%run_scoped3A_123 : memref<!tpu.dma_semaphore, #tpu.memory_space<semaphore_mem>>) src(%arg11 : memref<64x128xf32, #tpu.memory_space<vmem>>) dst(%dma_wait3A_135 : memref<10240x128xf32, #tpu.memory_space<vmem_shared>>)
          tpu.yield
        }) : () -> ()
        %add3A_99 = arith.constant 2 : i32
        %add3A_100 = arith.addi %add3A_92, %add3A_99 : i32
        %dma_start3A_101 = arith.constant 0 : i32
        %dma_start3A_102 = tpu.memref_slice %arg9[%add3A_100, %dma_start3A_101] : memref<118x64xi32, #tpu.memory_space<vmem>> -> memref<1x64xi32, #tpu.memory_space<vmem>>
        %dma_start3A_103 = tpu.memref_squeeze %dma_start3A_102 : memref<1x64xi32, #tpu.memory_space<vmem>> -> memref<64xi32, #tpu.memory_space<vmem>>
        %dma_start3A_104 = arith.constant 0 : i32
        %dma_start3A_105 = arith.constant 0 : i32
        %dma_start3A_106 = tpu.memref_slice %arg2[%dma_start3A_104, %dma_start3A_105] : memref<10240x128xf32, #tpu.memory_space<hbm>> -> memref<10240x128xf32, #tpu.memory_space<hbm>>
        tpu.enqueue_indirect_dma source(%dma_start3A_106 : memref<10240x128xf32, #tpu.memory_space<hbm>>) target(%arg11 : memref<64x128xf32, #tpu.memory_space<vmem>>) offsets(%dma_start3A_103 : memref<64xi32, #tpu.memory_space<vmem>>) semaphore(%arg14 : memref<!tpu.dma_semaphore, #tpu.memory_space<semaphore_mem>>)
        %add3A_107 = arith.constant 1 : i32
        %add3A_108 = arith.addi %mul3A_91, %add3A_107 : i32
        %dma_wait3A_109 = arith.constant 0 : i32
        %dma_wait3A_110 = tpu.memref_slice %arg9[%add3A_108, %dma_wait3A_109] : memref<118x64xi32, #tpu.memory_space<vmem>> -> memref<1x64xi32, #tpu.memory_space<vmem>>
        %dma_wait3A_111 = tpu.memref_squeeze %dma_wait3A_110 : memref<1x64xi32, #tpu.memory_space<vmem>> -> memref<64xi32, #tpu.memory_space<vmem>>
        %dma_wait3A_112 = arith.constant 0 : i32
        %dma_wait3A_113 = arith.constant 0 : i32
        %dma_wait3A_114 = tpu.memref_slice %arg2[%dma_wait3A_112, %dma_wait3A_113] : memref<10240x128xf32, #tpu.memory_space<hbm>> -> memref<10240x128xf32, #tpu.memory_space<hbm>>
        tpu.wait_indirect_dma semaphore(%arg15 : memref<!tpu.dma_semaphore, #tpu.memory_space<semaphore_mem>>) src(%dma_wait3A_114 : memref<10240x128xf32, #tpu.memory_space<hbm>>) dst(%arg12 : memref<64x128xf32, #tpu.memory_space<vmem>>)
        "tpu.region"() ({
          %run_scoped3A_123 = tpu.sem_alloc : memref<!tpu.dma_semaphore, #tpu.memory_space<semaphore_mem>>
          %dma_start3A_124 = arith.constant 0 : i32
          %dma_start3A_125 = tpu.memref_slice %arg10[%add3A_108, %dma_start3A_124] : memref<118x64xi32, #tpu.memory_space<vmem>> -> memref<1x64xi32, #tpu.memory_space<vmem>>
          %dma_start3A_126 = tpu.memref_squeeze %dma_start3A_125 : memref<1x64xi32, #tpu.memory_space<vmem>> -> memref<64xi32, #tpu.memory_space<vmem>>
          %dma_start3A_127 = arith.constant 0 : i32
          %dma_start3A_128 = arith.constant 0 : i32
          %dma_start3A_129 = tpu.memref_slice %arg13[%dma_start3A_127, %dma_start3A_128] : memref<10240x128xf32, #tpu.memory_space<vmem_shared>> -> memref<10240x128xf32, #tpu.memory_space<vmem_shared>>
          tpu.enqueue_indirect_dma source(%arg12 : memref<64x128xf32, #tpu.memory_space<vmem>>) target(%dma_start3A_129 : memref<10240x128xf32, #tpu.memory_space<vmem_shared>>) offsets(%dma_start3A_126 : memref<64xi32, #tpu.memory_space<vmem>>) semaphore(%run_scoped3A_123 : memref<!tpu.dma_semaphore, #tpu.memory_space<semaphore_mem>>) {add = true}
          %dma_wait3A_130 = arith.constant 0 : i32
          %dma_wait3A_131 = tpu.memref_slice %arg10[%add3A_108, %dma_wait3A_130] : memref<118x64xi32, #tpu.memory_space<vmem>> -> memref<1x64xi32, #tpu.memory_space<vmem>>
          %dma_wait3A_132 = tpu.memref_squeeze %dma_wait3A_131 : memref<1x64xi32, #tpu.memory_space<vmem>> -> memref<64xi32, #tpu.memory_space<vmem>>
          %dma_wait3A_133 = arith.constant 0 : i32
          %dma_wait3A_134 = arith.constant 0 : i32
          %dma_wait3A_135 = tpu.memref_slice %arg13[%dma_wait3A_133, %dma_wait3A_134] : memref<10240x128xf32, #tpu.memory_space<vmem_shared>> -> memref<10240x128xf32, #tpu.memory_space<vmem_shared>>
          tpu.wait_indirect_dma semaphore(%run_scoped3A_123 : memref<!tpu.dma_semaphore, #tpu.memory_space<semaphore_mem>>) src(%arg12 : memref<64x128xf32, #tpu.memory_space<vmem>>) dst(%dma_wait3A_135 : memref<10240x128xf32, #tpu.memory_space<vmem_shared>>)
          tpu.yield
        }) : () -> ()
        %add3A_115 = arith.constant 2 : i32
        %add3A_116 = arith.addi %add3A_108, %add3A_115 : i32
        %dma_start3A_117 = arith.constant 0 : i32
        %dma_start3A_118 = tpu.memref_slice %arg9[%add3A_116, %dma_start3A_117] : memref<118x64xi32, #tpu.memory_space<vmem>> -> memref<1x64xi32, #tpu.memory_space<vmem>>
        %dma_start3A_119 = tpu.memref_squeeze %dma_start3A_118 : memref<1x64xi32, #tpu.memory_space<vmem>> -> memref<64xi32, #tpu.memory_space<vmem>>
        %dma_start3A_120 = arith.constant 0 : i32
        %dma_start3A_121 = arith.constant 0 : i32
        %dma_start3A_122 = tpu.memref_slice %arg2[%dma_start3A_120, %dma_start3A_121] : memref<10240x128xf32, #tpu.memory_space<hbm>> -> memref<10240x128xf32, #tpu.memory_space<hbm>>
        tpu.enqueue_indirect_dma source(%dma_start3A_122 : memref<10240x128xf32, #tpu.memory_space<hbm>>) target(%arg12 : memref<64x128xf32, #tpu.memory_space<vmem>>) offsets(%dma_start3A_119 : memref<64xi32, #tpu.memory_space<vmem>>) semaphore(%arg15 : memref<!tpu.dma_semaphore, #tpu.memory_space<semaphore_mem>>)
      }
      %scan3A_73 = arith.constant 20 : i32
      %dma_wait3A_74 = arith.constant 40 : i32
      %dma_wait3A_75 = arith.constant 0 : i32
      %dma_wait3A_76 = tpu.memref_slice %arg9[%dma_wait3A_74, %dma_wait3A_75] : memref<118x64xi32, #tpu.memory_space<vmem>> -> memref<1x64xi32, #tpu.memory_space<vmem>>
      %dma_wait3A_77 = tpu.memref_squeeze %dma_wait3A_76 : memref<1x64xi32, #tpu.memory_space<vmem>> -> memref<64xi32, #tpu.memory_space<vmem>>
      %dma_wait3A_78 = arith.constant 0 : i32
      %dma_wait3A_79 = arith.constant 0 : i32
      %dma_wait3A_80 = tpu.memref_slice %arg2[%dma_wait3A_78, %dma_wait3A_79] : memref<10240x128xf32, #tpu.memory_space<hbm>> -> memref<10240x128xf32, #tpu.memory_space<hbm>>
      tpu.wait_indirect_dma semaphore(%arg14 : memref<!tpu.dma_semaphore, #tpu.memory_space<semaphore_mem>>) src(%dma_wait3A_80 : memref<10240x128xf32, #tpu.memory_space<hbm>>) dst(%arg11 : memref<64x128xf32, #tpu.memory_space<vmem>>)
      %run_scoped3A_81 = arith.constant 40 : i32
      "tpu.region"() ({
        %run_scoped3A_90 = tpu.sem_alloc : memref<!tpu.dma_semaphore, #tpu.memory_space<semaphore_mem>>
        %dma_start3A_91 = arith.constant 0 : i32
        %dma_start3A_92 = tpu.memref_slice %arg10[%run_scoped3A_81, %dma_start3A_91] : memref<118x64xi32, #tpu.memory_space<vmem>> -> memref<1x64xi32, #tpu.memory_space<vmem>>
        %dma_start3A_93 = tpu.memref_squeeze %dma_start3A_92 : memref<1x64xi32, #tpu.memory_space<vmem>> -> memref<64xi32, #tpu.memory_space<vmem>>
        %dma_start3A_94 = arith.constant 0 : i32
        %dma_start3A_95 = arith.constant 0 : i32
        %dma_start3A_96 = tpu.memref_slice %arg13[%dma_start3A_94, %dma_start3A_95] : memref<10240x128xf32, #tpu.memory_space<vmem_shared>> -> memref<10240x128xf32, #tpu.memory_space<vmem_shared>>
        tpu.enqueue_indirect_dma source(%arg11 : memref<64x128xf32, #tpu.memory_space<vmem>>) target(%dma_start3A_96 : memref<10240x128xf32, #tpu.memory_space<vmem_shared>>) offsets(%dma_start3A_93 : memref<64xi32, #tpu.memory_space<vmem>>) semaphore(%run_scoped3A_90 : memref<!tpu.dma_semaphore, #tpu.memory_space<semaphore_mem>>) {add = true}
        %dma_wait3A_97 = arith.constant 0 : i32
        %dma_wait3A_98 = tpu.memref_slice %arg10[%run_scoped3A_81, %dma_wait3A_97] : memref<118x64xi32, #tpu.memory_space<vmem>> -> memref<1x64xi32, #tpu.memory_space<vmem>>
        %dma_wait3A_99 = tpu.memref_squeeze %dma_wait3A_98 : memref<1x64xi32, #tpu.memory_space<vmem>> -> memref<64xi32, #tpu.memory_space<vmem>>
        %dma_wait3A_100 = arith.constant 0 : i32
        %dma_wait3A_101 = arith.constant 0 : i32
        %dma_wait3A_102 = tpu.memref_slice %arg13[%dma_wait3A_100, %dma_wait3A_101] : memref<10240x128xf32, #tpu.memory_space<vmem_shared>> -> memref<10240x128xf32, #tpu.memory_space<vmem_shared>>
        tpu.wait_indirect_dma semaphore(%run_scoped3A_90 : memref<!tpu.dma_semaphore, #tpu.memory_space<semaphore_mem>>) src(%arg11 : memref<64x128xf32, #tpu.memory_space<vmem>>) dst(%dma_wait3A_102 : memref<10240x128xf32, #tpu.memory_space<vmem_shared>>)
        tpu.yield
      }) : () -> ()
      %dma_wait3A_82 = arith.constant 41 : i32
      %dma_wait3A_83 = arith.constant 0 : i32
      %dma_wait3A_84 = tpu.memref_slice %arg9[%dma_wait3A_82, %dma_wait3A_83] : memref<118x64xi32, #tpu.memory_space<vmem>> -> memref<1x64xi32, #tpu.memory_space<vmem>>
      %dma_wait3A_85 = tpu.memref_squeeze %dma_wait3A_84 : memref<1x64xi32, #tpu.memory_space<vmem>> -> memref<64xi32, #tpu.memory_space<vmem>>
      %dma_wait3A_86 = arith.constant 0 : i32
      %dma_wait3A_87 = arith.constant 0 : i32
      %dma_wait3A_88 = tpu.memref_slice %arg2[%dma_wait3A_86, %dma_wait3A_87] : memref<10240x128xf32, #tpu.memory_space<hbm>> -> memref<10240x128xf32, #tpu.memory_space<hbm>>
      tpu.wait_indirect_dma semaphore(%arg15 : memref<!tpu.dma_semaphore, #tpu.memory_space<semaphore_mem>>) src(%dma_wait3A_88 : memref<10240x128xf32, #tpu.memory_space<hbm>>) dst(%arg12 : memref<64x128xf32, #tpu.memory_space<vmem>>)
      %run_scoped3A_89 = arith.constant 41 : i32
      "tpu.region"() ({
        %run_scoped3A_90 = tpu.sem_alloc : memref<!tpu.dma_semaphore, #tpu.memory_space<semaphore_mem>>
        %dma_start3A_91 = arith.constant 0 : i32
        %dma_start3A_92 = tpu.memref_slice %arg10[%run_scoped3A_89, %dma_start3A_91] : memref<118x64xi32, #tpu.memory_space<vmem>> -> memref<1x64xi32, #tpu.memory_space<vmem>>
        %dma_start3A_93 = tpu.memref_squeeze %dma_start3A_92 : memref<1x64xi32, #tpu.memory_space<vmem>> -> memref<64xi32, #tpu.memory_space<vmem>>
        %dma_start3A_94 = arith.constant 0 : i32
        %dma_start3A_95 = arith.constant 0 : i32
        %dma_start3A_96 = tpu.memref_slice %arg13[%dma_start3A_94, %dma_start3A_95] : memref<10240x128xf32, #tpu.memory_space<vmem_shared>> -> memref<10240x128xf32, #tpu.memory_space<vmem_shared>>
        tpu.enqueue_indirect_dma source(%arg12 : memref<64x128xf32, #tpu.memory_space<vmem>>) target(%dma_start3A_96 : memref<10240x128xf32, #tpu.memory_space<vmem_shared>>) offsets(%dma_start3A_93 : memref<64xi32, #tpu.memory_space<vmem>>) semaphore(%run_scoped3A_90 : memref<!tpu.dma_semaphore, #tpu.memory_space<semaphore_mem>>) {add = true}
        %dma_wait3A_97 = arith.constant 0 : i32
        %dma_wait3A_98 = tpu.memref_slice %arg10[%run_scoped3A_89, %dma_wait3A_97] : memref<118x64xi32, #tpu.memory_space<vmem>> -> memref<1x64xi32, #tpu.memory_space<vmem>>
        %dma_wait3A_99 = tpu.memref_squeeze %dma_wait3A_98 : memref<1x64xi32, #tpu.memory_space<vmem>> -> memref<64xi32, #tpu.memory_space<vmem>>
        %dma_wait3A_100 = arith.constant 0 : i32
        %dma_wait3A_101 = arith.constant 0 : i32
        %dma_wait3A_102 = tpu.memref_slice %arg13[%dma_wait3A_100, %dma_wait3A_101] : memref<10240x128xf32, #tpu.memory_space<vmem_shared>> -> memref<10240x128xf32, #tpu.memory_space<vmem_shared>>
        tpu.wait_indirect_dma semaphore(%run_scoped3A_90 : memref<!tpu.dma_semaphore, #tpu.memory_space<semaphore_mem>>) src(%arg12 : memref<64x128xf32, #tpu.memory_space<vmem>>) dst(%dma_wait3A_102 : memref<10240x128xf32, #tpu.memory_space<vmem_shared>>)
        tpu.yield
      }) : () -> ()
    } else {
    }
    %barrier3A_12 = arith.constant 0 : index
    tpu.barrier barrier_id(%barrier3A_12)
    %eq3A_13 = arith.constant 0 : i32
    %eq3A_14 = arith.cmpi eq, %arg1, %eq3A_13 : i32
    %convert_element_type3A_15 = arith.extui %eq3A_14 : i1 to i32
    %cond3A_16 = arith.constant 0 : i32
    %cond3A_17 = arith.cmpi ne, %convert_element_type3A_15, %cond3A_16 : i32
    scf.if %cond3A_17 {
      "tpu.region"() ({
        %run_scoped3A = tpu.sem_alloc : memref<!tpu.dma_semaphore, #tpu.memory_space<semaphore_mem>>
        %dma_start3A = arith.constant 0 : i32
        %dma_start3A_18 = arith.constant 0 : i32
        %dma_start3A_19 = tpu.memref_slice %arg8[%arg0, %dma_start3A, %dma_start3A_18] : memref<2x10240x128xf32, #tpu.memory_space<hbm>> -> memref<1x10240x128xf32, #tpu.memory_space<hbm>>
        %dma_start3A_20 = tpu.memref_squeeze %dma_start3A_19 : memref<1x10240x128xf32, #tpu.memory_space<hbm>> -> memref<10240x128xf32, #tpu.memory_space<hbm>>
        tpu.enqueue_dma source(%arg13 : memref<10240x128xf32, #tpu.memory_space<vmem_shared>>) target(%dma_start3A_20 : memref<10240x128xf32, #tpu.memory_space<hbm>>) target_semaphore(%run_scoped3A : memref<!tpu.dma_semaphore, #tpu.memory_space<semaphore_mem>>)
        %dma_wait3A = arith.constant 0 : i32
        %dma_wait3A_21 = arith.constant 0 : i32
        %dma_wait3A_22 = tpu.memref_slice %arg8[%arg0, %dma_wait3A, %dma_wait3A_21] : memref<2x10240x128xf32, #tpu.memory_space<hbm>> -> memref<1x10240x128xf32, #tpu.memory_space<hbm>>
        %dma_wait3A_23 = tpu.memref_squeeze %dma_wait3A_22 : memref<1x10240x128xf32, #tpu.memory_space<hbm>> -> memref<10240x128xf32, #tpu.memory_space<hbm>>
        tpu.wait_dma2 semaphore(%run_scoped3A : memref<!tpu.dma_semaphore, #tpu.memory_space<semaphore_mem>>) src(%arg13 : memref<10240x128xf32, #tpu.memory_space<vmem_shared>>) dst(%dma_wait3A_23 : memref<10240x128xf32, #tpu.memory_space<hbm>>)
        tpu.yield
      }) : () -> ()
    } else {
    }
    return
  }
}

#map = affine_map<(d0, d1) -> (0, 0)>
#map1 = affine_map<(d0, d1) -> (0, 0, 0, 0)>
#map2 = affine_map<(d0, d1) -> (0, 0, 0)>
module attributes {stable_mosaic.version = 14 : i64} {
  func.func @body(%arg0: i32, %arg1: i32, %arg2: memref<10240x128xf32, #tpu.memory_space<hbm>>, %arg3: memref<16x2x118x64xi32, #tpu.memory_space<hbm>>, %arg4: memref<16x2x118x64xi32, #tpu.memory_space<hbm>>, %arg5: memref<16x2x42x64xi32, #tpu.memory_space<hbm>>, %arg6: memref<16x2x42x64xi32, #tpu.memory_space<hbm>>, %arg7: memref<10240x128xf32, #tpu.memory_space<hbm>>, %arg8: memref<2x10240x128xf32, #tpu.memory_space<hbm>>, %arg9: memref<118x64xi32, #tpu.memory_space<vmem>>, %arg10: memref<118x64xi32, #tpu.memory_space<vmem>>, %arg11: memref<64x128xf32, #tpu.memory_space<vmem>>, %arg12: memref<64x128xf32, #tpu.memory_space<vmem>>, %arg13: memref<10240x128xf32, #tpu.memory_space<vmem_shared>>, %arg14: memref<!tpu.dma_semaphore, #tpu.memory_space<semaphore_mem>>, %arg15: memref<!tpu.dma_semaphore, #tpu.memory_space<semaphore_mem>>) attributes {dimension_semantics = [#tpu.dimension_semantics<core_parallel>, #tpu.dimension_semantics<subcore_parallel>], iteration_bounds = array<i64: 2, 16>, scalar_prefetch = 0 : i64, scratch_operands = 7 : i64, tpu.core_type = #tpu.core_type<sc_vector_subcore>, window_params = [{transform_indices = #map}, {transform_indices = #map1}, {transform_indices = #map1}, {transform_indices = #map1}, {transform_indices = #map1}, {transform_indices = #map}, {transform_indices = #map2}]} {
    %eq3A = arith.constant 0 : i32
    %eq3A_0 = arith.cmpi eq, %arg1, %eq3A : i32
    %convert_element_type3A = arith.extui %eq3A_0 : i1 to i32
    %cond3A = arith.constant 0 : i32
    %cond3A_1 = arith.cmpi ne, %convert_element_type3A, %cond3A : i32
    scf.if %cond3A_1 {
      "tpu.region"() ({
        %run_scoped3A = tpu.sem_alloc : memref<!tpu.dma_semaphore, #tpu.memory_space<semaphore_mem>>
        tpu.enqueue_dma source(%arg7 : memref<10240x128xf32, #tpu.memory_space<hbm>>) target(%arg13 : memref<10240x128xf32, #tpu.memory_space<vmem_shared>>) target_semaphore(%run_scoped3A : memref<!tpu.dma_semaphore, #tpu.memory_space<semaphore_mem>>)
        tpu.wait_dma2 semaphore(%run_scoped3A : memref<!tpu.dma_semaphore, #tpu.memory_space<semaphore_mem>>) src(%arg7 : memref<10240x128xf32, #tpu.memory_space<hbm>>) dst(%arg13 : memref<10240x128xf32, #tpu.memory_space<vmem_shared>>)
        tpu.yield
      }) : () -> ()
    } else {
    }
    %barrier3A = arith.constant 0 : index
    tpu.barrier barrier_id(%barrier3A)
    %eq3A_2 = arith.constant 0 : i32
    %eq3A_3 = arith.cmpi eq, %arg0, %eq3A_2 : i32
    %convert_element_type3A_4 = arith.extui %eq3A_3 : i1 to i32
    %cond3A_5 = arith.constant 0 : i32
    %cond3A_6 = arith.cmpi ne, %convert_element_type3A_4, %cond3A_5 : i32
    scf.if %cond3A_6 {
      %run_scoped3A = arith.constant 0 : i32
      "tpu.region"() ({
        %run_scoped3A_90 = tpu.sem_alloc : memref<!tpu.dma_semaphore, #tpu.memory_space<semaphore_mem>>
        %dma_start3A_91 = arith.constant 0 : i32
        %dma_start3A_92 = arith.constant 0 : i32
        %dma_start3A_93 = tpu.memref_slice %arg9[%dma_start3A_91, %dma_start3A_92] : memref<118x64xi32, #tpu.memory_space<vmem>> -> memref<118x64xi32, #tpu.memory_space<vmem>>
        %dma_start3A_94 = arith.constant 0 : i32
        %dma_start3A_95 = arith.constant 0 : i32
        %dma_start3A_96 = tpu.memref_slice %arg3[%arg1, %run_scoped3A, %dma_start3A_94, %dma_start3A_95] : memref<16x2x118x64xi32, #tpu.memory_space<hbm>> -> memref<1x1x118x64xi32, #tpu.memory_space<hbm>>
        %dma_start3A_97 = tpu.memref_squeeze %dma_start3A_96 : memref<1x1x118x64xi32, #tpu.memory_space<hbm>> -> memref<118x64xi32, #tpu.memory_space<hbm>>
        %dma_start3A_98 = arith.constant 0 : i32
        %dma_start3A_99 = arith.constant 0 : i32
        %dma_start3A_100 = tpu.memref_slice %arg9[%dma_start3A_98, %dma_start3A_99] : memref<118x64xi32, #tpu.memory_space<vmem>> -> memref<118x64xi32, #tpu.memory_space<vmem>>
        %dma_start3A_101 = arith.constant 0 : i32
        %dma_start3A_102 = arith.constant 0 : i32
        %dma_start3A_103 = tpu.memref_slice %arg3[%arg1, %run_scoped3A, %dma_start3A_101, %dma_start3A_102] : memref<16x2x118x64xi32, #tpu.memory_space<hbm>> -> memref<1x1x118x64xi32, #tpu.memory_space<hbm>>
        %dma_start3A_104 = tpu.memref_squeeze %dma_start3A_103 : memref<1x1x118x64xi32, #tpu.memory_space<hbm>> -> memref<118x64xi32, #tpu.memory_space<hbm>>
        tpu.enqueue_dma source(%dma_start3A_104 : memref<118x64xi32, #tpu.memory_space<hbm>>) target(%dma_start3A_100 : memref<118x64xi32, #tpu.memory_space<vmem>>) target_semaphore(%run_scoped3A_90 : memref<!tpu.dma_semaphore, #tpu.memory_space<semaphore_mem>>)
        %dma_wait3A_105 = arith.constant 0 : i32
        %dma_wait3A_106 = arith.constant 0 : i32
        %dma_wait3A_107 = tpu.memref_slice %arg9[%dma_wait3A_105, %dma_wait3A_106] : memref<118x64xi32, #tpu.memory_space<vmem>> -> memref<118x64xi32, #tpu.memory_space<vmem>>
        %dma_wait3A_108 = arith.constant 0 : i32
        %dma_wait3A_109 = arith.constant 0 : i32
        %dma_wait3A_110 = tpu.memref_slice %arg3[%arg1, %run_scoped3A, %dma_wait3A_108, %dma_wait3A_109] : memref<16x2x118x64xi32, #tpu.memory_space<hbm>> -> memref<1x1x118x64xi32, #tpu.memory_space<hbm>>
        %dma_wait3A_111 = tpu.memref_squeeze %dma_wait3A_110 : memref<1x1x118x64xi32, #tpu.memory_space<hbm>> -> memref<118x64xi32, #tpu.memory_space<hbm>>
        %dma_wait3A_112 = arith.constant 0 : i32
        %dma_wait3A_113 = arith.constant 0 : i32
        %dma_wait3A_114 = tpu.memref_slice %arg9[%dma_wait3A_112, %dma_wait3A_113] : memref<118x64xi32, #tpu.memory_space<vmem>> -> memref<118x64xi32, #tpu.memory_space<vmem>>
        %dma_wait3A_115 = arith.constant 0 : i32
        %dma_wait3A_116 = arith.constant 0 : i32
        %dma_wait3A_117 = tpu.memref_slice %arg3[%arg1, %run_scoped3A, %dma_wait3A_115, %dma_wait3A_116] : memref<16x2x118x64xi32, #tpu.memory_space<hbm>> -> memref<1x1x118x64xi32, #tpu.memory_space<hbm>>
        %dma_wait3A_118 = tpu.memref_squeeze %dma_wait3A_117 : memref<1x1x118x64xi32, #tpu.memory_space<hbm>> -> memref<118x64xi32, #tpu.memory_space<hbm>>
        tpu.wait_dma2 semaphore(%run_scoped3A_90 : memref<!tpu.dma_semaphore, #tpu.memory_space<semaphore_mem>>) src(%dma_wait3A_118 : memref<118x64xi32, #tpu.memory_space<hbm>>) dst(%dma_wait3A_114 : memref<118x64xi32, #tpu.memory_space<vmem>>)
        tpu.yield
      }) : () -> ()
      %run_scoped3A_18 = arith.constant 0 : i32
      "tpu.region"() ({
        %run_scoped3A_90 = tpu.sem_alloc : memref<!tpu.dma_semaphore, #tpu.memory_space<semaphore_mem>>
        %dma_start3A_91 = arith.constant 0 : i32
        %dma_start3A_92 = arith.constant 0 : i32
        %dma_start3A_93 = tpu.memref_slice %arg10[%dma_start3A_91, %dma_start3A_92] : memref<118x64xi32, #tpu.memory_space<vmem>> -> memref<118x64xi32, #tpu.memory_space<vmem>>
        %dma_start3A_94 = arith.constant 0 : i32
        %dma_start3A_95 = arith.constant 0 : i32
        %dma_start3A_96 = tpu.memref_slice %arg4[%arg1, %run_scoped3A_18, %dma_start3A_94, %dma_start3A_95] : memref<16x2x118x64xi32, #tpu.memory_space<hbm>> -> memref<1x1x118x64xi32, #tpu.memory_space<hbm>>
        %dma_start3A_97 = tpu.memref_squeeze %dma_start3A_96 : memref<1x1x118x64xi32, #tpu.memory_space<hbm>> -> memref<118x64xi32, #tpu.memory_space<hbm>>
        %dma_start3A_98 = arith.constant 0 : i32
        %dma_start3A_99 = arith.constant 0 : i32
        %dma_start3A_100 = tpu.memref_slice %arg10[%dma_start3A_98, %dma_start3A_99] : memref<118x64xi32, #tpu.memory_space<vmem>> -> memref<118x64xi32, #tpu.memory_space<vmem>>
        %dma_start3A_101 = arith.constant 0 : i32
        %dma_start3A_102 = arith.constant 0 : i32
        %dma_start3A_103 = tpu.memref_slice %arg4[%arg1, %run_scoped3A_18, %dma_start3A_101, %dma_start3A_102] : memref<16x2x118x64xi32, #tpu.memory_space<hbm>> -> memref<1x1x118x64xi32, #tpu.memory_space<hbm>>
        %dma_start3A_104 = tpu.memref_squeeze %dma_start3A_103 : memref<1x1x118x64xi32, #tpu.memory_space<hbm>> -> memref<118x64xi32, #tpu.memory_space<hbm>>
        tpu.enqueue_dma source(%dma_start3A_104 : memref<118x64xi32, #tpu.memory_space<hbm>>) target(%dma_start3A_100 : memref<118x64xi32, #tpu.memory_space<vmem>>) target_semaphore(%run_scoped3A_90 : memref<!tpu.dma_semaphore, #tpu.memory_space<semaphore_mem>>)
        %dma_wait3A_105 = arith.constant 0 : i32
        %dma_wait3A_106 = arith.constant 0 : i32
        %dma_wait3A_107 = tpu.memref_slice %arg10[%dma_wait3A_105, %dma_wait3A_106] : memref<118x64xi32, #tpu.memory_space<vmem>> -> memref<118x64xi32, #tpu.memory_space<vmem>>
        %dma_wait3A_108 = arith.constant 0 : i32
        %dma_wait3A_109 = arith.constant 0 : i32
        %dma_wait3A_110 = tpu.memref_slice %arg4[%arg1, %run_scoped3A_18, %dma_wait3A_108, %dma_wait3A_109] : memref<16x2x118x64xi32, #tpu.memory_space<hbm>> -> memref<1x1x118x64xi32, #tpu.memory_space<hbm>>
        %dma_wait3A_111 = tpu.memref_squeeze %dma_wait3A_110 : memref<1x1x118x64xi32, #tpu.memory_space<hbm>> -> memref<118x64xi32, #tpu.memory_space<hbm>>
        %dma_wait3A_112 = arith.constant 0 : i32
        %dma_wait3A_113 = arith.constant 0 : i32
        %dma_wait3A_114 = tpu.memref_slice %arg10[%dma_wait3A_112, %dma_wait3A_113] : memref<118x64xi32, #tpu.memory_space<vmem>> -> memref<118x64xi32, #tpu.memory_space<vmem>>
        %dma_wait3A_115 = arith.constant 0 : i32
        %dma_wait3A_116 = arith.constant 0 : i32
        %dma_wait3A_117 = tpu.memref_slice %arg4[%arg1, %run_scoped3A_18, %dma_wait3A_115, %dma_wait3A_116] : memref<16x2x118x64xi32, #tpu.memory_space<hbm>> -> memref<1x1x118x64xi32, #tpu.memory_space<hbm>>
        %dma_wait3A_118 = tpu.memref_squeeze %dma_wait3A_117 : memref<1x1x118x64xi32, #tpu.memory_space<hbm>> -> memref<118x64xi32, #tpu.memory_space<hbm>>
        tpu.wait_dma2 semaphore(%run_scoped3A_90 : memref<!tpu.dma_semaphore, #tpu.memory_space<semaphore_mem>>) src(%dma_wait3A_118 : memref<118x64xi32, #tpu.memory_space<hbm>>) dst(%dma_wait3A_114 : memref<118x64xi32, #tpu.memory_space<vmem>>)
        tpu.yield
      }) : () -> ()
      %dma_start3A = arith.constant 0 : i32
      %dma_start3A_19 = arith.constant 0 : i32
      %dma_start3A_20 = tpu.memref_slice %arg9[%dma_start3A, %dma_start3A_19] : memref<118x64xi32, #tpu.memory_space<vmem>> -> memref<1x64xi32, #tpu.memory_space<vmem>>
      %dma_start3A_21 = tpu.memref_squeeze %dma_start3A_20 : memref<1x64xi32, #tpu.memory_space<vmem>> -> memref<64xi32, #tpu.memory_space<vmem>>
      %dma_start3A_22 = arith.constant 0 : i32
      %dma_start3A_23 = arith.constant 0 : i32
      %dma_start3A_24 = tpu.memref_slice %arg2[%dma_start3A_22, %dma_start3A_23] : memref<10240x128xf32, #tpu.memory_space<hbm>> -> memref<10240x128xf32, #tpu.memory_space<hbm>>
      tpu.enqueue_indirect_dma source(%dma_start3A_24 : memref<10240x128xf32, #tpu.memory_space<hbm>>) target(%arg11 : memref<64x128xf32, #tpu.memory_space<vmem>>) offsets(%dma_start3A_21 : memref<64xi32, #tpu.memory_space<vmem>>) semaphore(%arg14 : memref<!tpu.dma_semaphore, #tpu.memory_space<semaphore_mem>>)
      %dma_start3A_25 = arith.constant 1 : i32
      %dma_start3A_26 = arith.constant 0 : i32
      %dma_start3A_27 = tpu.memref_slice %arg9[%dma_start3A_25, %dma_start3A_26] : memref<118x64xi32, #tpu.memory_space<vmem>> -> memref<1x64xi32, #tpu.memory_space<vmem>>
      %dma_start3A_28 = tpu.memref_squeeze %dma_start3A_27 : memref<1x64xi32, #tpu.memory_space<vmem>> -> memref<64xi32, #tpu.memory_space<vmem>>
      %dma_start3A_29 = arith.constant 0 : i32
      %dma_start3A_30 = arith.constant 0 : i32
      %dma_start3A_31 = tpu.memref_slice %arg2[%dma_start3A_29, %dma_start3A_30] : memref<10240x128xf32, #tpu.memory_space<hbm>> -> memref<10240x128xf32, #tpu.memory_space<hbm>>
      tpu.enqueue_indirect_dma source(%dma_start3A_31 : memref<10240x128xf32, #tpu.memory_space<hbm>>) target(%arg12 : memref<64x128xf32, #tpu.memory_space<vmem>>) offsets(%dma_start3A_28 : memref<64xi32, #tpu.memory_space<vmem>>) semaphore(%arg15 : memref<!tpu.dma_semaphore, #tpu.memory_space<semaphore_mem>>)
      %scan3A = arith.constant 0 : i32
      %scan3A_32 = arith.constant 0 : i32
      %scan3A_33 = arith.constant 58 : i32
      %scan3A_34 = arith.addi %scan3A_32, %scan3A_33 : i32
      %scan3A_35 = arith.constant 1 : i32
      scf.for %scan3A_90 = %scan3A_32 to %scan3A_34 step %scan3A_35  : i32 {
        %mul3A = arith.constant 2 : i32
        %mul3A_91 = arith.muli %scan3A_90, %mul3A : i32
        %add3A = arith.constant 0 : i32
        %add3A_92 = arith.addi %mul3A_91, %add3A : i32
        %dma_wait3A_93 = arith.constant 0 : i32
        %dma_wait3A_94 = tpu.memref_slice %arg9[%add3A_92, %dma_wait3A_93] : memref<118x64xi32, #tpu.memory_space<vmem>> -> memref<1x64xi32, #tpu.memory_space<vmem>>
        %dma_wait3A_95 = tpu.memref_squeeze %dma_wait3A_94 : memref<1x64xi32, #tpu.memory_space<vmem>> -> memref<64xi32, #tpu.memory_space<vmem>>
        %dma_wait3A_96 = arith.constant 0 : i32
        %dma_wait3A_97 = arith.constant 0 : i32
        %dma_wait3A_98 = tpu.memref_slice %arg2[%dma_wait3A_96, %dma_wait3A_97] : memref<10240x128xf32, #tpu.memory_space<hbm>> -> memref<10240x128xf32, #tpu.memory_space<hbm>>
        tpu.wait_indirect_dma semaphore(%arg14 : memref<!tpu.dma_semaphore, #tpu.memory_space<semaphore_mem>>) src(%dma_wait3A_98 : memref<10240x128xf32, #tpu.memory_space<hbm>>) dst(%arg11 : memref<64x128xf32, #tpu.memory_space<vmem>>)
        "tpu.region"() ({
          %run_scoped3A_123 = tpu.sem_alloc : memref<!tpu.dma_semaphore, #tpu.memory_space<semaphore_mem>>
          %dma_start3A_124 = arith.constant 0 : i32
          %dma_start3A_125 = tpu.memref_slice %arg10[%add3A_92, %dma_start3A_124] : memref<118x64xi32, #tpu.memory_space<vmem>> -> memref<1x64xi32, #tpu.memory_space<vmem>>
          %dma_start3A_126 = tpu.memref_squeeze %dma_start3A_125 : memref<1x64xi32, #tpu.memory_space<vmem>> -> memref<64xi32, #tpu.memory_space<vmem>>
          %dma_start3A_127 = arith.constant 0 : i32
          %dma_start3A_128 = arith.constant 0 : i32
          %dma_start3A_129 = tpu.memref_slice %arg13[%dma_start3A_127, %dma_start3A_128] : memref<10240x128xf32, #tpu.memory_space<vmem_shared>> -> memref<10240x128xf32, #tpu.memory_space<vmem_shared>>
          tpu.enqueue_indirect_dma source(%arg11 : memref<64x128xf32, #tpu.memory_space<vmem>>) target(%dma_start3A_129 : memref<10240x128xf32, #tpu.memory_space<vmem_shared>>) offsets(%dma_start3A_126 : memref<64xi32, #tpu.memory_space<vmem>>) semaphore(%run_scoped3A_123 : memref<!tpu.dma_semaphore, #tpu.memory_space<semaphore_mem>>) {add = true}
          %dma_wait3A_130 = arith.constant 0 : i32
          %dma_wait3A_131 = tpu.memref_slice %arg10[%add3A_92, %dma_wait3A_130] : memref<118x64xi32, #tpu.memory_space<vmem>> -> memref<1x64xi32, #tpu.memory_space<vmem>>
          %dma_wait3A_132 = tpu.memref_squeeze %dma_wait3A_131 : memref<1x64xi32, #tpu.memory_space<vmem>> -> memref<64xi32, #tpu.memory_space<vmem>>
          %dma_wait3A_133 = arith.constant 0 : i32
          %dma_wait3A_134 = arith.constant 0 : i32
          %dma_wait3A_135 = tpu.memref_slice %arg13[%dma_wait3A_133, %dma_wait3A_134] : memref<10240x128xf32, #tpu.memory_space<vmem_shared>> -> memref<10240x128xf32, #tpu.memory_space<vmem_shared>>
          tpu.wait_indirect_dma semaphore(%run_scoped3A_123 : memref<!tpu.dma_semaphore, #tpu.memory_space<semaphore_mem>>) src(%arg11 : memref<64x128xf32, #tpu.memory_space<vmem>>) dst(%dma_wait3A_135 : memref<10240x128xf32, #tpu.memory_space<vmem_shared>>)
          tpu.yield
        }) : () -> ()
        %add3A_99 = arith.constant 2 : i32
        %add3A_100 = arith.addi %add3A_92, %add3A_99 : i32
        %dma_start3A_101 = arith.constant 0 : i32
        %dma_start3A_102 = tpu.memref_slice %arg9[%add3A_100, %dma_start3A_101] : memref<118x64xi32, #tpu.memory_space<vmem>> -> memref<1x64xi32, #tpu.memory_space<vmem>>
        %dma_start3A_103 = tpu.memref_squeeze %dma_start3A_102 : memref<1x64xi32, #tpu.memory_space<vmem>> -> memref<64xi32, #tpu.memory_space<vmem>>
        %dma_start3A_104 = arith.constant 0 : i32
        %dma_start3A_105 = arith.constant 0 : i32
        %dma_start3A_106 = tpu.memref_slice %arg2[%dma_start3A_104, %dma_start3A_105] : memref<10240x128xf32, #tpu.memory_space<hbm>> -> memref<10240x128xf32, #tpu.memory_space<hbm>>
        tpu.enqueue_indirect_dma source(%dma_start3A_106 : memref<10240x128xf32, #tpu.memory_space<hbm>>) target(%arg11 : memref<64x128xf32, #tpu.memory_space<vmem>>) offsets(%dma_start3A_103 : memref<64xi32, #tpu.memory_space<vmem>>) semaphore(%arg14 : memref<!tpu.dma_semaphore, #tpu.memory_space<semaphore_mem>>)
        %add3A_107 = arith.constant 1 : i32
        %add3A_108 = arith.addi %mul3A_91, %add3A_107 : i32
        %dma_wait3A_109 = arith.constant 0 : i32
        %dma_wait3A_110 = tpu.memref_slice %arg9[%add3A_108, %dma_wait3A_109] : memref<118x64xi32, #tpu.memory_space<vmem>> -> memref<1x64xi32, #tpu.memory_space<vmem>>
        %dma_wait3A_111 = tpu.memref_squeeze %dma_wait3A_110 : memref<1x64xi32, #tpu.memory_space<vmem>> -> memref<64xi32, #tpu.memory_space<vmem>>
        %dma_wait3A_112 = arith.constant 0 : i32
        %dma_wait3A_113 = arith.constant 0 : i32
        %dma_wait3A_114 = tpu.memref_slice %arg2[%dma_wait3A_112, %dma_wait3A_113] : memref<10240x128xf32, #tpu.memory_space<hbm>> -> memref<10240x128xf32, #tpu.memory_space<hbm>>
        tpu.wait_indirect_dma semaphore(%arg15 : memref<!tpu.dma_semaphore, #tpu.memory_space<semaphore_mem>>) src(%dma_wait3A_114 : memref<10240x128xf32, #tpu.memory_space<hbm>>) dst(%arg12 : memref<64x128xf32, #tpu.memory_space<vmem>>)
        "tpu.region"() ({
          %run_scoped3A_123 = tpu.sem_alloc : memref<!tpu.dma_semaphore, #tpu.memory_space<semaphore_mem>>
          %dma_start3A_124 = arith.constant 0 : i32
          %dma_start3A_125 = tpu.memref_slice %arg10[%add3A_108, %dma_start3A_124] : memref<118x64xi32, #tpu.memory_space<vmem>> -> memref<1x64xi32, #tpu.memory_space<vmem>>
          %dma_start3A_126 = tpu.memref_squeeze %dma_start3A_125 : memref<1x64xi32, #tpu.memory_space<vmem>> -> memref<64xi32, #tpu.memory_space<vmem>>
          %dma_start3A_127 = arith.constant 0 : i32
          %dma_start3A_128 = arith.constant 0 : i32
          %dma_start3A_129 = tpu.memref_slice %arg13[%dma_start3A_127, %dma_start3A_128] : memref<10240x128xf32, #tpu.memory_space<vmem_shared>> -> memref<10240x128xf32, #tpu.memory_space<vmem_shared>>
          tpu.enqueue_indirect_dma source(%arg12 : memref<64x128xf32, #tpu.memory_space<vmem>>) target(%dma_start3A_129 : memref<10240x128xf32, #tpu.memory_space<vmem_shared>>) offsets(%dma_start3A_126 : memref<64xi32, #tpu.memory_space<vmem>>) semaphore(%run_scoped3A_123 : memref<!tpu.dma_semaphore, #tpu.memory_space<semaphore_mem>>) {add = true}
          %dma_wait3A_130 = arith.constant 0 : i32
          %dma_wait3A_131 = tpu.memref_slice %arg10[%add3A_108, %dma_wait3A_130] : memref<118x64xi32, #tpu.memory_space<vmem>> -> memref<1x64xi32, #tpu.memory_space<vmem>>
          %dma_wait3A_132 = tpu.memref_squeeze %dma_wait3A_131 : memref<1x64xi32, #tpu.memory_space<vmem>> -> memref<64xi32, #tpu.memory_space<vmem>>
          %dma_wait3A_133 = arith.constant 0 : i32
          %dma_wait3A_134 = arith.constant 0 : i32
          %dma_wait3A_135 = tpu.memref_slice %arg13[%dma_wait3A_133, %dma_wait3A_134] : memref<10240x128xf32, #tpu.memory_space<vmem_shared>> -> memref<10240x128xf32, #tpu.memory_space<vmem_shared>>
          tpu.wait_indirect_dma semaphore(%run_scoped3A_123 : memref<!tpu.dma_semaphore, #tpu.memory_space<semaphore_mem>>) src(%arg12 : memref<64x128xf32, #tpu.memory_space<vmem>>) dst(%dma_wait3A_135 : memref<10240x128xf32, #tpu.memory_space<vmem_shared>>)
          tpu.yield
        }) : () -> ()
        %add3A_115 = arith.constant 2 : i32
        %add3A_116 = arith.addi %add3A_108, %add3A_115 : i32
        %dma_start3A_117 = arith.constant 0 : i32
        %dma_start3A_118 = tpu.memref_slice %arg9[%add3A_116, %dma_start3A_117] : memref<118x64xi32, #tpu.memory_space<vmem>> -> memref<1x64xi32, #tpu.memory_space<vmem>>
        %dma_start3A_119 = tpu.memref_squeeze %dma_start3A_118 : memref<1x64xi32, #tpu.memory_space<vmem>> -> memref<64xi32, #tpu.memory_space<vmem>>
        %dma_start3A_120 = arith.constant 0 : i32
        %dma_start3A_121 = arith.constant 0 : i32
        %dma_start3A_122 = tpu.memref_slice %arg2[%dma_start3A_120, %dma_start3A_121] : memref<10240x128xf32, #tpu.memory_space<hbm>> -> memref<10240x128xf32, #tpu.memory_space<hbm>>
        tpu.enqueue_indirect_dma source(%dma_start3A_122 : memref<10240x128xf32, #tpu.memory_space<hbm>>) target(%arg12 : memref<64x128xf32, #tpu.memory_space<vmem>>) offsets(%dma_start3A_119 : memref<64xi32, #tpu.memory_space<vmem>>) semaphore(%arg15 : memref<!tpu.dma_semaphore, #tpu.memory_space<semaphore_mem>>)
      }
      %scan3A_36 = arith.constant 58 : i32
      %dma_wait3A = arith.constant 116 : i32
      %dma_wait3A_37 = arith.constant 0 : i32
      %dma_wait3A_38 = tpu.memref_slice %arg9[%dma_wait3A, %dma_wait3A_37] : memref<118x64xi32, #tpu.memory_space<vmem>> -> memref<1x64xi32, #tpu.memory_space<vmem>>
      %dma_wait3A_39 = tpu.memref_squeeze %dma_wait3A_38 : memref<1x64xi32, #tpu.memory_space<vmem>> -> memref<64xi32, #tpu.memory_space<vmem>>
      %dma_wait3A_40 = arith.constant 0 : i32
      %dma_wait3A_41 = arith.constant 0 : i32
      %dma_wait3A_42 = tpu.memref_slice %arg2[%dma_wait3A_40, %dma_wait3A_41] : memref<10240x128xf32, #tpu.memory_space<hbm>> -> memref<10240x128xf32, #tpu.memory_space<hbm>>
      tpu.wait_indirect_dma semaphore(%arg14 : memref<!tpu.dma_semaphore, #tpu.memory_space<semaphore_mem>>) src(%dma_wait3A_42 : memref<10240x128xf32, #tpu.memory_space<hbm>>) dst(%arg11 : memref<64x128xf32, #tpu.memory_space<vmem>>)
      %run_scoped3A_43 = arith.constant 116 : i32
      "tpu.region"() ({
        %run_scoped3A_90 = tpu.sem_alloc : memref<!tpu.dma_semaphore, #tpu.memory_space<semaphore_mem>>
        %dma_start3A_91 = arith.constant 0 : i32
        %dma_start3A_92 = tpu.memref_slice %arg10[%run_scoped3A_43, %dma_start3A_91] : memref<118x64xi32, #tpu.memory_space<vmem>> -> memref<1x64xi32, #tpu.memory_space<vmem>>
        %dma_start3A_93 = tpu.memref_squeeze %dma_start3A_92 : memref<1x64xi32, #tpu.memory_space<vmem>> -> memref<64xi32, #tpu.memory_space<vmem>>
        %dma_start3A_94 = arith.constant 0 : i32
        %dma_start3A_95 = arith.constant 0 : i32
        %dma_start3A_96 = tpu.memref_slice %arg13[%dma_start3A_94, %dma_start3A_95] : memref<10240x128xf32, #tpu.memory_space<vmem_shared>> -> memref<10240x128xf32, #tpu.memory_space<vmem_shared>>
        tpu.enqueue_indirect_dma source(%arg11 : memref<64x128xf32, #tpu.memory_space<vmem>>) target(%dma_start3A_96 : memref<10240x128xf32, #tpu.memory_space<vmem_shared>>) offsets(%dma_start3A_93 : memref<64xi32, #tpu.memory_space<vmem>>) semaphore(%run_scoped3A_90 : memref<!tpu.dma_semaphore, #tpu.memory_space<semaphore_mem>>) {add = true}
        %dma_wait3A_97 = arith.constant 0 : i32
        %dma_wait3A_98 = tpu.memref_slice %arg10[%run_scoped3A_43, %dma_wait3A_97] : memref<118x64xi32, #tpu.memory_space<vmem>> -> memref<1x64xi32, #tpu.memory_space<vmem>>
        %dma_wait3A_99 = tpu.memref_squeeze %dma_wait3A_98 : memref<1x64xi32, #tpu.memory_space<vmem>> -> memref<64xi32, #tpu.memory_space<vmem>>
        %dma_wait3A_100 = arith.constant 0 : i32
        %dma_wait3A_101 = arith.constant 0 : i32
        %dma_wait3A_102 = tpu.memref_slice %arg13[%dma_wait3A_100, %dma_wait3A_101] : memref<10240x128xf32, #tpu.memory_space<vmem_shared>> -> memref<10240x128xf32, #tpu.memory_space<vmem_shared>>
        tpu.wait_indirect_dma semaphore(%run_scoped3A_90 : memref<!tpu.dma_semaphore, #tpu.memory_space<semaphore_mem>>) src(%arg11 : memref<64x128xf32, #tpu.memory_space<vmem>>) dst(%dma_wait3A_102 : memref<10240x128xf32, #tpu.memory_space<vmem_shared>>)
        tpu.yield
      }) : () -> ()
      %dma_wait3A_44 = arith.constant 117 : i32
      %dma_wait3A_45 = arith.constant 0 : i32
      %dma_wait3A_46 = tpu.memref_slice %arg9[%dma_wait3A_44, %dma_wait3A_45] : memref<118x64xi32, #tpu.memory_space<vmem>> -> memref<1x64xi32, #tpu.memory_space<vmem>>
      %dma_wait3A_47 = tpu.memref_squeeze %dma_wait3A_46 : memref<1x64xi32, #tpu.memory_space<vmem>> -> memref<64xi32, #tpu.memory_space<vmem>>
      %dma_wait3A_48 = arith.constant 0 : i32
      %dma_wait3A_49 = arith.constant 0 : i32
      %dma_wait3A_50 = tpu.memref_slice %arg2[%dma_wait3A_48, %dma_wait3A_49] : memref<10240x128xf32, #tpu.memory_space<hbm>> -> memref<10240x128xf32, #tpu.memory_space<hbm>>
      tpu.wait_indirect_dma semaphore(%arg15 : memref<!tpu.dma_semaphore, #tpu.memory_space<semaphore_mem>>) src(%dma_wait3A_50 : memref<10240x128xf32, #tpu.memory_space<hbm>>) dst(%arg12 : memref<64x128xf32, #tpu.memory_space<vmem>>)
      %run_scoped3A_51 = arith.constant 117 : i32
      "tpu.region"() ({
        %run_scoped3A_90 = tpu.sem_alloc : memref<!tpu.dma_semaphore, #tpu.memory_space<semaphore_mem>>
        %dma_start3A_91 = arith.constant 0 : i32
        %dma_start3A_92 = tpu.memref_slice %arg10[%run_scoped3A_51, %dma_start3A_91] : memref<118x64xi32, #tpu.memory_space<vmem>> -> memref<1x64xi32, #tpu.memory_space<vmem>>
        %dma_start3A_93 = tpu.memref_squeeze %dma_start3A_92 : memref<1x64xi32, #tpu.memory_space<vmem>> -> memref<64xi32, #tpu.memory_space<vmem>>
        %dma_start3A_94 = arith.constant 0 : i32
        %dma_start3A_95 = arith.constant 0 : i32
        %dma_start3A_96 = tpu.memref_slice %arg13[%dma_start3A_94, %dma_start3A_95] : memref<10240x128xf32, #tpu.memory_space<vmem_shared>> -> memref<10240x128xf32, #tpu.memory_space<vmem_shared>>
        tpu.enqueue_indirect_dma source(%arg12 : memref<64x128xf32, #tpu.memory_space<vmem>>) target(%dma_start3A_96 : memref<10240x128xf32, #tpu.memory_space<vmem_shared>>) offsets(%dma_start3A_93 : memref<64xi32, #tpu.memory_space<vmem>>) semaphore(%run_scoped3A_90 : memref<!tpu.dma_semaphore, #tpu.memory_space<semaphore_mem>>) {add = true}
        %dma_wait3A_97 = arith.constant 0 : i32
        %dma_wait3A_98 = tpu.memref_slice %arg10[%run_scoped3A_51, %dma_wait3A_97] : memref<118x64xi32, #tpu.memory_space<vmem>> -> memref<1x64xi32, #tpu.memory_space<vmem>>
        %dma_wait3A_99 = tpu.memref_squeeze %dma_wait3A_98 : memref<1x64xi32, #tpu.memory_space<vmem>> -> memref<64xi32, #tpu.memory_space<vmem>>
        %dma_wait3A_100 = arith.constant 0 : i32
        %dma_wait3A_101 = arith.constant 0 : i32
        %dma_wait3A_102 = tpu.memref_slice %arg13[%dma_wait3A_100, %dma_wait3A_101] : memref<10240x128xf32, #tpu.memory_space<vmem_shared>> -> memref<10240x128xf32, #tpu.memory_space<vmem_shared>>
        tpu.wait_indirect_dma semaphore(%run_scoped3A_90 : memref<!tpu.dma_semaphore, #tpu.memory_space<semaphore_mem>>) src(%arg12 : memref<64x128xf32, #tpu.memory_space<vmem>>) dst(%dma_wait3A_102 : memref<10240x128xf32, #tpu.memory_space<vmem_shared>>)
        tpu.yield
      }) : () -> ()
      %run_scoped3A_52 = arith.constant 1 : i32
      "tpu.region"() ({
        %run_scoped3A_90 = tpu.sem_alloc : memref<!tpu.dma_semaphore, #tpu.memory_space<semaphore_mem>>
        %dma_start3A_91 = arith.constant 0 : i32
        %dma_start3A_92 = arith.constant 0 : i32
        %dma_start3A_93 = tpu.memref_slice %arg9[%dma_start3A_91, %dma_start3A_92] : memref<118x64xi32, #tpu.memory_space<vmem>> -> memref<118x64xi32, #tpu.memory_space<vmem>>
        %dma_start3A_94 = arith.constant 0 : i32
        %dma_start3A_95 = arith.constant 0 : i32
        %dma_start3A_96 = tpu.memref_slice %arg3[%arg1, %run_scoped3A_52, %dma_start3A_94, %dma_start3A_95] : memref<16x2x118x64xi32, #tpu.memory_space<hbm>> -> memref<1x1x118x64xi32, #tpu.memory_space<hbm>>
        %dma_start3A_97 = tpu.memref_squeeze %dma_start3A_96 : memref<1x1x118x64xi32, #tpu.memory_space<hbm>> -> memref<118x64xi32, #tpu.memory_space<hbm>>
        %dma_start3A_98 = arith.constant 0 : i32
        %dma_start3A_99 = arith.constant 0 : i32
        %dma_start3A_100 = tpu.memref_slice %arg9[%dma_start3A_98, %dma_start3A_99] : memref<118x64xi32, #tpu.memory_space<vmem>> -> memref<118x64xi32, #tpu.memory_space<vmem>>
        %dma_start3A_101 = arith.constant 0 : i32
        %dma_start3A_102 = arith.constant 0 : i32
        %dma_start3A_103 = tpu.memref_slice %arg3[%arg1, %run_scoped3A_52, %dma_start3A_101, %dma_start3A_102] : memref<16x2x118x64xi32, #tpu.memory_space<hbm>> -> memref<1x1x118x64xi32, #tpu.memory_space<hbm>>
        %dma_start3A_104 = tpu.memref_squeeze %dma_start3A_103 : memref<1x1x118x64xi32, #tpu.memory_space<hbm>> -> memref<118x64xi32, #tpu.memory_space<hbm>>
        tpu.enqueue_dma source(%dma_start3A_104 : memref<118x64xi32, #tpu.memory_space<hbm>>) target(%dma_start3A_100 : memref<118x64xi32, #tpu.memory_space<vmem>>) target_semaphore(%run_scoped3A_90 : memref<!tpu.dma_semaphore, #tpu.memory_space<semaphore_mem>>)
        %dma_wait3A_105 = arith.constant 0 : i32
        %dma_wait3A_106 = arith.constant 0 : i32
        %dma_wait3A_107 = tpu.memref_slice %arg9[%dma_wait3A_105, %dma_wait3A_106] : memref<118x64xi32, #tpu.memory_space<vmem>> -> memref<118x64xi32, #tpu.memory_space<vmem>>
        %dma_wait3A_108 = arith.constant 0 : i32
        %dma_wait3A_109 = arith.constant 0 : i32
        %dma_wait3A_110 = tpu.memref_slice %arg3[%arg1, %run_scoped3A_52, %dma_wait3A_108, %dma_wait3A_109] : memref<16x2x118x64xi32, #tpu.memory_space<hbm>> -> memref<1x1x118x64xi32, #tpu.memory_space<hbm>>
        %dma_wait3A_111 = tpu.memref_squeeze %dma_wait3A_110 : memref<1x1x118x64xi32, #tpu.memory_space<hbm>> -> memref<118x64xi32, #tpu.memory_space<hbm>>
        %dma_wait3A_112 = arith.constant 0 : i32
        %dma_wait3A_113 = arith.constant 0 : i32
        %dma_wait3A_114 = tpu.memref_slice %arg9[%dma_wait3A_112, %dma_wait3A_113] : memref<118x64xi32, #tpu.memory_space<vmem>> -> memref<118x64xi32, #tpu.memory_space<vmem>>
        %dma_wait3A_115 = arith.constant 0 : i32
        %dma_wait3A_116 = arith.constant 0 : i32
        %dma_wait3A_117 = tpu.memref_slice %arg3[%arg1, %run_scoped3A_52, %dma_wait3A_115, %dma_wait3A_116] : memref<16x2x118x64xi32, #tpu.memory_space<hbm>> -> memref<1x1x118x64xi32, #tpu.memory_space<hbm>>
        %dma_wait3A_118 = tpu.memref_squeeze %dma_wait3A_117 : memref<1x1x118x64xi32, #tpu.memory_space<hbm>> -> memref<118x64xi32, #tpu.memory_space<hbm>>
        tpu.wait_dma2 semaphore(%run_scoped3A_90 : memref<!tpu.dma_semaphore, #tpu.memory_space<semaphore_mem>>) src(%dma_wait3A_118 : memref<118x64xi32, #tpu.memory_space<hbm>>) dst(%dma_wait3A_114 : memref<118x64xi32, #tpu.memory_space<vmem>>)
        tpu.yield
      }) : () -> ()
      %run_scoped3A_53 = arith.constant 1 : i32
      "tpu.region"() ({
        %run_scoped3A_90 = tpu.sem_alloc : memref<!tpu.dma_semaphore, #tpu.memory_space<semaphore_mem>>
        %dma_start3A_91 = arith.constant 0 : i32
        %dma_start3A_92 = arith.constant 0 : i32
        %dma_start3A_93 = tpu.memref_slice %arg10[%dma_start3A_91, %dma_start3A_92] : memref<118x64xi32, #tpu.memory_space<vmem>> -> memref<118x64xi32, #tpu.memory_space<vmem>>
        %dma_start3A_94 = arith.constant 0 : i32
        %dma_start3A_95 = arith.constant 0 : i32
        %dma_start3A_96 = tpu.memref_slice %arg4[%arg1, %run_scoped3A_53, %dma_start3A_94, %dma_start3A_95] : memref<16x2x118x64xi32, #tpu.memory_space<hbm>> -> memref<1x1x118x64xi32, #tpu.memory_space<hbm>>
        %dma_start3A_97 = tpu.memref_squeeze %dma_start3A_96 : memref<1x1x118x64xi32, #tpu.memory_space<hbm>> -> memref<118x64xi32, #tpu.memory_space<hbm>>
        %dma_start3A_98 = arith.constant 0 : i32
        %dma_start3A_99 = arith.constant 0 : i32
        %dma_start3A_100 = tpu.memref_slice %arg10[%dma_start3A_98, %dma_start3A_99] : memref<118x64xi32, #tpu.memory_space<vmem>> -> memref<118x64xi32, #tpu.memory_space<vmem>>
        %dma_start3A_101 = arith.constant 0 : i32
        %dma_start3A_102 = arith.constant 0 : i32
        %dma_start3A_103 = tpu.memref_slice %arg4[%arg1, %run_scoped3A_53, %dma_start3A_101, %dma_start3A_102] : memref<16x2x118x64xi32, #tpu.memory_space<hbm>> -> memref<1x1x118x64xi32, #tpu.memory_space<hbm>>
        %dma_start3A_104 = tpu.memref_squeeze %dma_start3A_103 : memref<1x1x118x64xi32, #tpu.memory_space<hbm>> -> memref<118x64xi32, #tpu.memory_space<hbm>>
        tpu.enqueue_dma source(%dma_start3A_104 : memref<118x64xi32, #tpu.memory_space<hbm>>) target(%dma_start3A_100 : memref<118x64xi32, #tpu.memory_space<vmem>>) target_semaphore(%run_scoped3A_90 : memref<!tpu.dma_semaphore, #tpu.memory_space<semaphore_mem>>)
        %dma_wait3A_105 = arith.constant 0 : i32
        %dma_wait3A_106 = arith.constant 0 : i32
        %dma_wait3A_107 = tpu.memref_slice %arg10[%dma_wait3A_105, %dma_wait3A_106] : memref<118x64xi32, #tpu.memory_space<vmem>> -> memref<118x64xi32, #tpu.memory_space<vmem>>
        %dma_wait3A_108 = arith.constant 0 : i32
        %dma_wait3A_109 = arith.constant 0 : i32
        %dma_wait3A_110 = tpu.memref_slice %arg4[%arg1, %run_scoped3A_53, %dma_wait3A_108, %dma_wait3A_109] : memref<16x2x118x64xi32, #tpu.memory_space<hbm>> -> memref<1x1x118x64xi32, #tpu.memory_space<hbm>>
        %dma_wait3A_111 = tpu.memref_squeeze %dma_wait3A_110 : memref<1x1x118x64xi32, #tpu.memory_space<hbm>> -> memref<118x64xi32, #tpu.memory_space<hbm>>
        %dma_wait3A_112 = arith.constant 0 : i32
        %dma_wait3A_113 = arith.constant 0 : i32
        %dma_wait3A_114 = tpu.memref_slice %arg10[%dma_wait3A_112, %dma_wait3A_113] : memref<118x64xi32, #tpu.memory_space<vmem>> -> memref<118x64xi32, #tpu.memory_space<vmem>>
        %dma_wait3A_115 = arith.constant 0 : i32
        %dma_wait3A_116 = arith.constant 0 : i32
        %dma_wait3A_117 = tpu.memref_slice %arg4[%arg1, %run_scoped3A_53, %dma_wait3A_115, %dma_wait3A_116] : memref<16x2x118x64xi32, #tpu.memory_space<hbm>> -> memref<1x1x118x64xi32, #tpu.memory_space<hbm>>
        %dma_wait3A_118 = tpu.memref_squeeze %dma_wait3A_117 : memref<1x1x118x64xi32, #tpu.memory_space<hbm>> -> memref<118x64xi32, #tpu.memory_space<hbm>>
        tpu.wait_dma2 semaphore(%run_scoped3A_90 : memref<!tpu.dma_semaphore, #tpu.memory_space<semaphore_mem>>) src(%dma_wait3A_118 : memref<118x64xi32, #tpu.memory_space<hbm>>) dst(%dma_wait3A_114 : memref<118x64xi32, #tpu.memory_space<vmem>>)
        tpu.yield
      }) : () -> ()
      %dma_start3A_54 = arith.constant 0 : i32
      %dma_start3A_55 = arith.constant 0 : i32
      %dma_start3A_56 = tpu.memref_slice %arg9[%dma_start3A_54, %dma_start3A_55] : memref<118x64xi32, #tpu.memory_space<vmem>> -> memref<1x64xi32, #tpu.memory_space<vmem>>
      %dma_start3A_57 = tpu.memref_squeeze %dma_start3A_56 : memref<1x64xi32, #tpu.memory_space<vmem>> -> memref<64xi32, #tpu.memory_space<vmem>>
      %dma_start3A_58 = arith.constant 0 : i32
      %dma_start3A_59 = arith.constant 0 : i32
      %dma_start3A_60 = tpu.memref_slice %arg2[%dma_start3A_58, %dma_start3A_59] : memref<10240x128xf32, #tpu.memory_space<hbm>> -> memref<10240x128xf32, #tpu.memory_space<hbm>>
      tpu.enqueue_indirect_dma source(%dma_start3A_60 : memref<10240x128xf32, #tpu.memory_space<hbm>>) target(%arg11 : memref<64x128xf32, #tpu.memory_space<vmem>>) offsets(%dma_start3A_57 : memref<64xi32, #tpu.memory_space<vmem>>) semaphore(%arg14 : memref<!tpu.dma_semaphore, #tpu.memory_space<semaphore_mem>>)
      %dma_start3A_61 = arith.constant 1 : i32
      %dma_start3A_62 = arith.constant 0 : i32
      %dma_start3A_63 = tpu.memref_slice %arg9[%dma_start3A_61, %dma_start3A_62] : memref<118x64xi32, #tpu.memory_space<vmem>> -> memref<1x64xi32, #tpu.memory_space<vmem>>
      %dma_start3A_64 = tpu.memref_squeeze %dma_start3A_63 : memref<1x64xi32, #tpu.memory_space<vmem>> -> memref<64xi32, #tpu.memory_space<vmem>>
      %dma_start3A_65 = arith.constant 0 : i32
      %dma_start3A_66 = arith.constant 0 : i32
      %dma_start3A_67 = tpu.memref_slice %arg2[%dma_start3A_65, %dma_start3A_66] : memref<10240x128xf32, #tpu.memory_space<hbm>> -> memref<10240x128xf32, #tpu.memory_space<hbm>>
      tpu.enqueue_indirect_dma source(%dma_start3A_67 : memref<10240x128xf32, #tpu.memory_space<hbm>>) target(%arg12 : memref<64x128xf32, #tpu.memory_space<vmem>>) offsets(%dma_start3A_64 : memref<64xi32, #tpu.memory_space<vmem>>) semaphore(%arg15 : memref<!tpu.dma_semaphore, #tpu.memory_space<semaphore_mem>>)
      %scan3A_68 = arith.constant 0 : i32
      %scan3A_69 = arith.constant 0 : i32
      %scan3A_70 = arith.constant 58 : i32
      %scan3A_71 = arith.addi %scan3A_69, %scan3A_70 : i32
      %scan3A_72 = arith.constant 1 : i32
      scf.for %scan3A_90 = %scan3A_69 to %scan3A_71 step %scan3A_72  : i32 {
        %mul3A = arith.constant 2 : i32
        %mul3A_91 = arith.muli %scan3A_90, %mul3A : i32
        %add3A = arith.constant 0 : i32
        %add3A_92 = arith.addi %mul3A_91, %add3A : i32
        %dma_wait3A_93 = arith.constant 0 : i32
        %dma_wait3A_94 = tpu.memref_slice %arg9[%add3A_92, %dma_wait3A_93] : memref<118x64xi32, #tpu.memory_space<vmem>> -> memref<1x64xi32, #tpu.memory_space<vmem>>
        %dma_wait3A_95 = tpu.memref_squeeze %dma_wait3A_94 : memref<1x64xi32, #tpu.memory_space<vmem>> -> memref<64xi32, #tpu.memory_space<vmem>>
        %dma_wait3A_96 = arith.constant 0 : i32
        %dma_wait3A_97 = arith.constant 0 : i32
        %dma_wait3A_98 = tpu.memref_slice %arg2[%dma_wait3A_96, %dma_wait3A_97] : memref<10240x128xf32, #tpu.memory_space<hbm>> -> memref<10240x128xf32, #tpu.memory_space<hbm>>
        tpu.wait_indirect_dma semaphore(%arg14 : memref<!tpu.dma_semaphore, #tpu.memory_space<semaphore_mem>>) src(%dma_wait3A_98 : memref<10240x128xf32, #tpu.memory_space<hbm>>) dst(%arg11 : memref<64x128xf32, #tpu.memory_space<vmem>>)
        "tpu.region"() ({
          %run_scoped3A_123 = tpu.sem_alloc : memref<!tpu.dma_semaphore, #tpu.memory_space<semaphore_mem>>
          %dma_start3A_124 = arith.constant 0 : i32
          %dma_start3A_125 = tpu.memref_slice %arg10[%add3A_92, %dma_start3A_124] : memref<118x64xi32, #tpu.memory_space<vmem>> -> memref<1x64xi32, #tpu.memory_space<vmem>>
          %dma_start3A_126 = tpu.memref_squeeze %dma_start3A_125 : memref<1x64xi32, #tpu.memory_space<vmem>> -> memref<64xi32, #tpu.memory_space<vmem>>
          %dma_start3A_127 = arith.constant 0 : i32
          %dma_start3A_128 = arith.constant 0 : i32
          %dma_start3A_129 = tpu.memref_slice %arg13[%dma_start3A_127, %dma_start3A_128] : memref<10240x128xf32, #tpu.memory_space<vmem_shared>> -> memref<10240x128xf32, #tpu.memory_space<vmem_shared>>
          tpu.enqueue_indirect_dma source(%arg11 : memref<64x128xf32, #tpu.memory_space<vmem>>) target(%dma_start3A_129 : memref<10240x128xf32, #tpu.memory_space<vmem_shared>>) offsets(%dma_start3A_126 : memref<64xi32, #tpu.memory_space<vmem>>) semaphore(%run_scoped3A_123 : memref<!tpu.dma_semaphore, #tpu.memory_space<semaphore_mem>>) {add = true}
          %dma_wait3A_130 = arith.constant 0 : i32
          %dma_wait3A_131 = tpu.memref_slice %arg10[%add3A_92, %dma_wait3A_130] : memref<118x64xi32, #tpu.memory_space<vmem>> -> memref<1x64xi32, #tpu.memory_space<vmem>>
          %dma_wait3A_132 = tpu.memref_squeeze %dma_wait3A_131 : memref<1x64xi32, #tpu.memory_space<vmem>> -> memref<64xi32, #tpu.memory_space<vmem>>
          %dma_wait3A_133 = arith.constant 0 : i32
          %dma_wait3A_134 = arith.constant 0 : i32
          %dma_wait3A_135 = tpu.memref_slice %arg13[%dma_wait3A_133, %dma_wait3A_134] : memref<10240x128xf32, #tpu.memory_space<vmem_shared>> -> memref<10240x128xf32, #tpu.memory_space<vmem_shared>>
          tpu.wait_indirect_dma semaphore(%run_scoped3A_123 : memref<!tpu.dma_semaphore, #tpu.memory_space<semaphore_mem>>) src(%arg11 : memref<64x128xf32, #tpu.memory_space<vmem>>) dst(%dma_wait3A_135 : memref<10240x128xf32, #tpu.memory_space<vmem_shared>>)
          tpu.yield
        }) : () -> ()
        %add3A_99 = arith.constant 2 : i32
        %add3A_100 = arith.addi %add3A_92, %add3A_99 : i32
        %dma_start3A_101 = arith.constant 0 : i32
        %dma_start3A_102 = tpu.memref_slice %arg9[%add3A_100, %dma_start3A_101] : memref<118x64xi32, #tpu.memory_space<vmem>> -> memref<1x64xi32, #tpu.memory_space<vmem>>
        %dma_start3A_103 = tpu.memref_squeeze %dma_start3A_102 : memref<1x64xi32, #tpu.memory_space<vmem>> -> memref<64xi32, #tpu.memory_space<vmem>>
        %dma_start3A_104 = arith.constant 0 : i32
        %dma_start3A_105 = arith.constant 0 : i32
        %dma_start3A_106 = tpu.memref_slice %arg2[%dma_start3A_104, %dma_start3A_105] : memref<10240x128xf32, #tpu.memory_space<hbm>> -> memref<10240x128xf32, #tpu.memory_space<hbm>>
        tpu.enqueue_indirect_dma source(%dma_start3A_106 : memref<10240x128xf32, #tpu.memory_space<hbm>>) target(%arg11 : memref<64x128xf32, #tpu.memory_space<vmem>>) offsets(%dma_start3A_103 : memref<64xi32, #tpu.memory_space<vmem>>) semaphore(%arg14 : memref<!tpu.dma_semaphore, #tpu.memory_space<semaphore_mem>>)
        %add3A_107 = arith.constant 1 : i32
        %add3A_108 = arith.addi %mul3A_91, %add3A_107 : i32
        %dma_wait3A_109 = arith.constant 0 : i32
        %dma_wait3A_110 = tpu.memref_slice %arg9[%add3A_108, %dma_wait3A_109] : memref<118x64xi32, #tpu.memory_space<vmem>> -> memref<1x64xi32, #tpu.memory_space<vmem>>
        %dma_wait3A_111 = tpu.memref_squeeze %dma_wait3A_110 : memref<1x64xi32, #tpu.memory_space<vmem>> -> memref<64xi32, #tpu.memory_space<vmem>>
        %dma_wait3A_112 = arith.constant 0 : i32
        %dma_wait3A_113 = arith.constant 0 : i32
        %dma_wait3A_114 = tpu.memref_slice %arg2[%dma_wait3A_112, %dma_wait3A_113] : memref<10240x128xf32, #tpu.memory_space<hbm>> -> memref<10240x128xf32, #tpu.memory_space<hbm>>
        tpu.wait_indirect_dma semaphore(%arg15 : memref<!tpu.dma_semaphore, #tpu.memory_space<semaphore_mem>>) src(%dma_wait3A_114 : memref<10240x128xf32, #tpu.memory_space<hbm>>) dst(%arg12 : memref<64x128xf32, #tpu.memory_space<vmem>>)
        "tpu.region"() ({
          %run_scoped3A_123 = tpu.sem_alloc : memref<!tpu.dma_semaphore, #tpu.memory_space<semaphore_mem>>
          %dma_start3A_124 = arith.constant 0 : i32
          %dma_start3A_125 = tpu.memref_slice %arg10[%add3A_108, %dma_start3A_124] : memref<118x64xi32, #tpu.memory_space<vmem>> -> memref<1x64xi32, #tpu.memory_space<vmem>>
          %dma_start3A_126 = tpu.memref_squeeze %dma_start3A_125 : memref<1x64xi32, #tpu.memory_space<vmem>> -> memref<64xi32, #tpu.memory_space<vmem>>
          %dma_start3A_127 = arith.constant 0 : i32
          %dma_start3A_128 = arith.constant 0 : i32
          %dma_start3A_129 = tpu.memref_slice %arg13[%dma_start3A_127, %dma_start3A_128] : memref<10240x128xf32, #tpu.memory_space<vmem_shared>> -> memref<10240x128xf32, #tpu.memory_space<vmem_shared>>
          tpu.enqueue_indirect_dma source(%arg12 : memref<64x128xf32, #tpu.memory_space<vmem>>) target(%dma_start3A_129 : memref<10240x128xf32, #tpu.memory_space<vmem_shared>>) offsets(%dma_start3A_126 : memref<64xi32, #tpu.memory_space<vmem>>) semaphore(%run_scoped3A_123 : memref<!tpu.dma_semaphore, #tpu.memory_space<semaphore_mem>>) {add = true}
          %dma_wait3A_130 = arith.constant 0 : i32
          %dma_wait3A_131 = tpu.memref_slice %arg10[%add3A_108, %dma_wait3A_130] : memref<118x64xi32, #tpu.memory_space<vmem>> -> memref<1x64xi32, #tpu.memory_space<vmem>>
          %dma_wait3A_132 = tpu.memref_squeeze %dma_wait3A_131 : memref<1x64xi32, #tpu.memory_space<vmem>> -> memref<64xi32, #tpu.memory_space<vmem>>
          %dma_wait3A_133 = arith.constant 0 : i32
          %dma_wait3A_134 = arith.constant 0 : i32
          %dma_wait3A_135 = tpu.memref_slice %arg13[%dma_wait3A_133, %dma_wait3A_134] : memref<10240x128xf32, #tpu.memory_space<vmem_shared>> -> memref<10240x128xf32, #tpu.memory_space<vmem_shared>>
          tpu.wait_indirect_dma semaphore(%run_scoped3A_123 : memref<!tpu.dma_semaphore, #tpu.memory_space<semaphore_mem>>) src(%arg12 : memref<64x128xf32, #tpu.memory_space<vmem>>) dst(%dma_wait3A_135 : memref<10240x128xf32, #tpu.memory_space<vmem_shared>>)
          tpu.yield
        }) : () -> ()
        %add3A_115 = arith.constant 2 : i32
        %add3A_116 = arith.addi %add3A_108, %add3A_115 : i32
        %dma_start3A_117 = arith.constant 0 : i32
        %dma_start3A_118 = tpu.memref_slice %arg9[%add3A_116, %dma_start3A_117] : memref<118x64xi32, #tpu.memory_space<vmem>> -> memref<1x64xi32, #tpu.memory_space<vmem>>
        %dma_start3A_119 = tpu.memref_squeeze %dma_start3A_118 : memref<1x64xi32, #tpu.memory_space<vmem>> -> memref<64xi32, #tpu.memory_space<vmem>>
        %dma_start3A_120 = arith.constant 0 : i32
        %dma_start3A_121 = arith.constant 0 : i32
        %dma_start3A_122 = tpu.memref_slice %arg2[%dma_start3A_120, %dma_start3A_121] : memref<10240x128xf32, #tpu.memory_space<hbm>> -> memref<10240x128xf32, #tpu.memory_space<hbm>>
        tpu.enqueue_indirect_dma source(%dma_start3A_122 : memref<10240x128xf32, #tpu.memory_space<hbm>>) target(%arg12 : memref<64x128xf32, #tpu.memory_space<vmem>>) offsets(%dma_start3A_119 : memref<64xi32, #tpu.memory_space<vmem>>) semaphore(%arg15 : memref<!tpu.dma_semaphore, #tpu.memory_space<semaphore_mem>>)
      }
      %scan3A_73 = arith.constant 58 : i32
      %dma_wait3A_74 = arith.constant 116 : i32
      %dma_wait3A_75 = arith.constant 0 : i32
      %dma_wait3A_76 = tpu.memref_slice %arg9[%dma_wait3A_74, %dma_wait3A_75] : memref<118x64xi32, #tpu.memory_space<vmem>> -> memref<1x64xi32, #tpu.memory_space<vmem>>
      %dma_wait3A_77 = tpu.memref_squeeze %dma_wait3A_76 : memref<1x64xi32, #tpu.memory_space<vmem>> -> memref<64xi32, #tpu.memory_space<vmem>>
      %dma_wait3A_78 = arith.constant 0 : i32
      %dma_wait3A_79 = arith.constant 0 : i32
      %dma_wait3A_80 = tpu.memref_slice %arg2[%dma_wait3A_78, %dma_wait3A_79] : memref<10240x128xf32, #tpu.memory_space<hbm>> -> memref<10240x128xf32, #tpu.memory_space<hbm>>
      tpu.wait_indirect_dma semaphore(%arg14 : memref<!tpu.dma_semaphore, #tpu.memory_space<semaphore_mem>>) src(%dma_wait3A_80 : memref<10240x128xf32, #tpu.memory_space<hbm>>) dst(%arg11 : memref<64x128xf32, #tpu.memory_space<vmem>>)
      %run_scoped3A_81 = arith.constant 116 : i32
      "tpu.region"() ({
        %run_scoped3A_90 = tpu.sem_alloc : memref<!tpu.dma_semaphore, #tpu.memory_space<semaphore_mem>>
        %dma_start3A_91 = arith.constant 0 : i32
        %dma_start3A_92 = tpu.memref_slice %arg10[%run_scoped3A_81, %dma_start3A_91] : memref<118x64xi32, #tpu.memory_space<vmem>> -> memref<1x64xi32, #tpu.memory_space<vmem>>
        %dma_start3A_93 = tpu.memref_squeeze %dma_start3A_92 : memref<1x64xi32, #tpu.memory_space<vmem>> -> memref<64xi32, #tpu.memory_space<vmem>>
        %dma_start3A_94 = arith.constant 0 : i32
        %dma_start3A_95 = arith.constant 0 : i32
        %dma_start3A_96 = tpu.memref_slice %arg13[%dma_start3A_94, %dma_start3A_95] : memref<10240x128xf32, #tpu.memory_space<vmem_shared>> -> memref<10240x128xf32, #tpu.memory_space<vmem_shared>>
        tpu.enqueue_indirect_dma source(%arg11 : memref<64x128xf32, #tpu.memory_space<vmem>>) target(%dma_start3A_96 : memref<10240x128xf32, #tpu.memory_space<vmem_shared>>) offsets(%dma_start3A_93 : memref<64xi32, #tpu.memory_space<vmem>>) semaphore(%run_scoped3A_90 : memref<!tpu.dma_semaphore, #tpu.memory_space<semaphore_mem>>) {add = true}
        %dma_wait3A_97 = arith.constant 0 : i32
        %dma_wait3A_98 = tpu.memref_slice %arg10[%run_scoped3A_81, %dma_wait3A_97] : memref<118x64xi32, #tpu.memory_space<vmem>> -> memref<1x64xi32, #tpu.memory_space<vmem>>
        %dma_wait3A_99 = tpu.memref_squeeze %dma_wait3A_98 : memref<1x64xi32, #tpu.memory_space<vmem>> -> memref<64xi32, #tpu.memory_space<vmem>>
        %dma_wait3A_100 = arith.constant 0 : i32
        %dma_wait3A_101 = arith.constant 0 : i32
        %dma_wait3A_102 = tpu.memref_slice %arg13[%dma_wait3A_100, %dma_wait3A_101] : memref<10240x128xf32, #tpu.memory_space<vmem_shared>> -> memref<10240x128xf32, #tpu.memory_space<vmem_shared>>
        tpu.wait_indirect_dma semaphore(%run_scoped3A_90 : memref<!tpu.dma_semaphore, #tpu.memory_space<semaphore_mem>>) src(%arg11 : memref<64x128xf32, #tpu.memory_space<vmem>>) dst(%dma_wait3A_102 : memref<10240x128xf32, #tpu.memory_space<vmem_shared>>)
        tpu.yield
      }) : () -> ()
      %dma_wait3A_82 = arith.constant 117 : i32
      %dma_wait3A_83 = arith.constant 0 : i32
      %dma_wait3A_84 = tpu.memref_slice %arg9[%dma_wait3A_82, %dma_wait3A_83] : memref<118x64xi32, #tpu.memory_space<vmem>> -> memref<1x64xi32, #tpu.memory_space<vmem>>
      %dma_wait3A_85 = tpu.memref_squeeze %dma_wait3A_84 : memref<1x64xi32, #tpu.memory_space<vmem>> -> memref<64xi32, #tpu.memory_space<vmem>>
      %dma_wait3A_86 = arith.constant 0 : i32
      %dma_wait3A_87 = arith.constant 0 : i32
      %dma_wait3A_88 = tpu.memref_slice %arg2[%dma_wait3A_86, %dma_wait3A_87] : memref<10240x128xf32, #tpu.memory_space<hbm>> -> memref<10240x128xf32, #tpu.memory_space<hbm>>
      tpu.wait_indirect_dma semaphore(%arg15 : memref<!tpu.dma_semaphore, #tpu.memory_space<semaphore_mem>>) src(%dma_wait3A_88 : memref<10240x128xf32, #tpu.memory_space<hbm>>) dst(%arg12 : memref<64x128xf32, #tpu.memory_space<vmem>>)
      %run_scoped3A_89 = arith.constant 117 : i32
      "tpu.region"() ({
        %run_scoped3A_90 = tpu.sem_alloc : memref<!tpu.dma_semaphore, #tpu.memory_space<semaphore_mem>>
        %dma_start3A_91 = arith.constant 0 : i32
        %dma_start3A_92 = tpu.memref_slice %arg10[%run_scoped3A_89, %dma_start3A_91] : memref<118x64xi32, #tpu.memory_space<vmem>> -> memref<1x64xi32, #tpu.memory_space<vmem>>
        %dma_start3A_93 = tpu.memref_squeeze %dma_start3A_92 : memref<1x64xi32, #tpu.memory_space<vmem>> -> memref<64xi32, #tpu.memory_space<vmem>>
        %dma_start3A_94 = arith.constant 0 : i32
        %dma_start3A_95 = arith.constant 0 : i32
        %dma_start3A_96 = tpu.memref_slice %arg13[%dma_start3A_94, %dma_start3A_95] : memref<10240x128xf32, #tpu.memory_space<vmem_shared>> -> memref<10240x128xf32, #tpu.memory_space<vmem_shared>>
        tpu.enqueue_indirect_dma source(%arg12 : memref<64x128xf32, #tpu.memory_space<vmem>>) target(%dma_start3A_96 : memref<10240x128xf32, #tpu.memory_space<vmem_shared>>) offsets(%dma_start3A_93 : memref<64xi32, #tpu.memory_space<vmem>>) semaphore(%run_scoped3A_90 : memref<!tpu.dma_semaphore, #tpu.memory_space<semaphore_mem>>) {add = true}
        %dma_wait3A_97 = arith.constant 0 : i32
        %dma_wait3A_98 = tpu.memref_slice %arg10[%run_scoped3A_89, %dma_wait3A_97] : memref<118x64xi32, #tpu.memory_space<vmem>> -> memref<1x64xi32, #tpu.memory_space<vmem>>
        %dma_wait3A_99 = tpu.memref_squeeze %dma_wait3A_98 : memref<1x64xi32, #tpu.memory_space<vmem>> -> memref<64xi32, #tpu.memory_space<vmem>>
        %dma_wait3A_100 = arith.constant 0 : i32
        %dma_wait3A_101 = arith.constant 0 : i32
        %dma_wait3A_102 = tpu.memref_slice %arg13[%dma_wait3A_100, %dma_wait3A_101] : memref<10240x128xf32, #tpu.memory_space<vmem_shared>> -> memref<10240x128xf32, #tpu.memory_space<vmem_shared>>
        tpu.wait_indirect_dma semaphore(%run_scoped3A_90 : memref<!tpu.dma_semaphore, #tpu.memory_space<semaphore_mem>>) src(%arg12 : memref<64x128xf32, #tpu.memory_space<vmem>>) dst(%dma_wait3A_102 : memref<10240x128xf32, #tpu.memory_space<vmem_shared>>)
        tpu.yield
      }) : () -> ()
    } else {
    }
    %eq3A_7 = arith.constant 1 : i32
    %eq3A_8 = arith.cmpi eq, %arg0, %eq3A_7 : i32
    %convert_element_type3A_9 = arith.extui %eq3A_8 : i1 to i32
    %cond3A_10 = arith.constant 0 : i32
    %cond3A_11 = arith.cmpi ne, %convert_element_type3A_9, %cond3A_10 : i32
    scf.if %cond3A_11 {
      %run_scoped3A = arith.constant 0 : i32
      "tpu.region"() ({
        %run_scoped3A_90 = tpu.sem_alloc : memref<!tpu.dma_semaphore, #tpu.memory_space<semaphore_mem>>
        %dma_start3A_91 = arith.constant 0 : i32
        %dma_start3A_92 = arith.constant 0 : i32
        %dma_start3A_93 = tpu.memref_slice %arg9[%dma_start3A_91, %dma_start3A_92] : memref<118x64xi32, #tpu.memory_space<vmem>> -> memref<42x64xi32, #tpu.memory_space<vmem>>
        %dma_start3A_94 = arith.constant 0 : i32
        %dma_start3A_95 = arith.constant 0 : i32
        %dma_start3A_96 = tpu.memref_slice %arg5[%arg1, %run_scoped3A, %dma_start3A_94, %dma_start3A_95] : memref<16x2x42x64xi32, #tpu.memory_space<hbm>> -> memref<1x1x42x64xi32, #tpu.memory_space<hbm>>
        %dma_start3A_97 = tpu.memref_squeeze %dma_start3A_96 : memref<1x1x42x64xi32, #tpu.memory_space<hbm>> -> memref<42x64xi32, #tpu.memory_space<hbm>>
        %dma_start3A_98 = arith.constant 0 : i32
        %dma_start3A_99 = arith.constant 0 : i32
        %dma_start3A_100 = tpu.memref_slice %arg9[%dma_start3A_98, %dma_start3A_99] : memref<118x64xi32, #tpu.memory_space<vmem>> -> memref<42x64xi32, #tpu.memory_space<vmem>>
        %dma_start3A_101 = arith.constant 0 : i32
        %dma_start3A_102 = arith.constant 0 : i32
        %dma_start3A_103 = tpu.memref_slice %arg5[%arg1, %run_scoped3A, %dma_start3A_101, %dma_start3A_102] : memref<16x2x42x64xi32, #tpu.memory_space<hbm>> -> memref<1x1x42x64xi32, #tpu.memory_space<hbm>>
        %dma_start3A_104 = tpu.memref_squeeze %dma_start3A_103 : memref<1x1x42x64xi32, #tpu.memory_space<hbm>> -> memref<42x64xi32, #tpu.memory_space<hbm>>
        tpu.enqueue_dma source(%dma_start3A_104 : memref<42x64xi32, #tpu.memory_space<hbm>>) target(%dma_start3A_100 : memref<42x64xi32, #tpu.memory_space<vmem>>) target_semaphore(%run_scoped3A_90 : memref<!tpu.dma_semaphore, #tpu.memory_space<semaphore_mem>>)
        %dma_wait3A_105 = arith.constant 0 : i32
        %dma_wait3A_106 = arith.constant 0 : i32
        %dma_wait3A_107 = tpu.memref_slice %arg9[%dma_wait3A_105, %dma_wait3A_106] : memref<118x64xi32, #tpu.memory_space<vmem>> -> memref<42x64xi32, #tpu.memory_space<vmem>>
        %dma_wait3A_108 = arith.constant 0 : i32
        %dma_wait3A_109 = arith.constant 0 : i32
        %dma_wait3A_110 = tpu.memref_slice %arg5[%arg1, %run_scoped3A, %dma_wait3A_108, %dma_wait3A_109] : memref<16x2x42x64xi32, #tpu.memory_space<hbm>> -> memref<1x1x42x64xi32, #tpu.memory_space<hbm>>
        %dma_wait3A_111 = tpu.memref_squeeze %dma_wait3A_110 : memref<1x1x42x64xi32, #tpu.memory_space<hbm>> -> memref<42x64xi32, #tpu.memory_space<hbm>>
        %dma_wait3A_112 = arith.constant 0 : i32
        %dma_wait3A_113 = arith.constant 0 : i32
        %dma_wait3A_114 = tpu.memref_slice %arg9[%dma_wait3A_112, %dma_wait3A_113] : memref<118x64xi32, #tpu.memory_space<vmem>> -> memref<42x64xi32, #tpu.memory_space<vmem>>
        %dma_wait3A_115 = arith.constant 0 : i32
        %dma_wait3A_116 = arith.constant 0 : i32
        %dma_wait3A_117 = tpu.memref_slice %arg5[%arg1, %run_scoped3A, %dma_wait3A_115, %dma_wait3A_116] : memref<16x2x42x64xi32, #tpu.memory_space<hbm>> -> memref<1x1x42x64xi32, #tpu.memory_space<hbm>>
        %dma_wait3A_118 = tpu.memref_squeeze %dma_wait3A_117 : memref<1x1x42x64xi32, #tpu.memory_space<hbm>> -> memref<42x64xi32, #tpu.memory_space<hbm>>
        tpu.wait_dma2 semaphore(%run_scoped3A_90 : memref<!tpu.dma_semaphore, #tpu.memory_space<semaphore_mem>>) src(%dma_wait3A_118 : memref<42x64xi32, #tpu.memory_space<hbm>>) dst(%dma_wait3A_114 : memref<42x64xi32, #tpu.memory_space<vmem>>)
        tpu.yield
      }) : () -> ()
      %run_scoped3A_18 = arith.constant 0 : i32
      "tpu.region"() ({
        %run_scoped3A_90 = tpu.sem_alloc : memref<!tpu.dma_semaphore, #tpu.memory_space<semaphore_mem>>
        %dma_start3A_91 = arith.constant 0 : i32
        %dma_start3A_92 = arith.constant 0 : i32
        %dma_start3A_93 = tpu.memref_slice %arg10[%dma_start3A_91, %dma_start3A_92] : memref<118x64xi32, #tpu.memory_space<vmem>> -> memref<42x64xi32, #tpu.memory_space<vmem>>
        %dma_start3A_94 = arith.constant 0 : i32
        %dma_start3A_95 = arith.constant 0 : i32
        %dma_start3A_96 = tpu.memref_slice %arg6[%arg1, %run_scoped3A_18, %dma_start3A_94, %dma_start3A_95] : memref<16x2x42x64xi32, #tpu.memory_space<hbm>> -> memref<1x1x42x64xi32, #tpu.memory_space<hbm>>
        %dma_start3A_97 = tpu.memref_squeeze %dma_start3A_96 : memref<1x1x42x64xi32, #tpu.memory_space<hbm>> -> memref<42x64xi32, #tpu.memory_space<hbm>>
        %dma_start3A_98 = arith.constant 0 : i32
        %dma_start3A_99 = arith.constant 0 : i32
        %dma_start3A_100 = tpu.memref_slice %arg10[%dma_start3A_98, %dma_start3A_99] : memref<118x64xi32, #tpu.memory_space<vmem>> -> memref<42x64xi32, #tpu.memory_space<vmem>>
        %dma_start3A_101 = arith.constant 0 : i32
        %dma_start3A_102 = arith.constant 0 : i32
        %dma_start3A_103 = tpu.memref_slice %arg6[%arg1, %run_scoped3A_18, %dma_start3A_101, %dma_start3A_102] : memref<16x2x42x64xi32, #tpu.memory_space<hbm>> -> memref<1x1x42x64xi32, #tpu.memory_space<hbm>>
        %dma_start3A_104 = tpu.memref_squeeze %dma_start3A_103 : memref<1x1x42x64xi32, #tpu.memory_space<hbm>> -> memref<42x64xi32, #tpu.memory_space<hbm>>
        tpu.enqueue_dma source(%dma_start3A_104 : memref<42x64xi32, #tpu.memory_space<hbm>>) target(%dma_start3A_100 : memref<42x64xi32, #tpu.memory_space<vmem>>) target_semaphore(%run_scoped3A_90 : memref<!tpu.dma_semaphore, #tpu.memory_space<semaphore_mem>>)
        %dma_wait3A_105 = arith.constant 0 : i32
        %dma_wait3A_106 = arith.constant 0 : i32
        %dma_wait3A_107 = tpu.memref_slice %arg10[%dma_wait3A_105, %dma_wait3A_106] : memref<118x64xi32, #tpu.memory_space<vmem>> -> memref<42x64xi32, #tpu.memory_space<vmem>>
        %dma_wait3A_108 = arith.constant 0 : i32
        %dma_wait3A_109 = arith.constant 0 : i32
        %dma_wait3A_110 = tpu.memref_slice %arg6[%arg1, %run_scoped3A_18, %dma_wait3A_108, %dma_wait3A_109] : memref<16x2x42x64xi32, #tpu.memory_space<hbm>> -> memref<1x1x42x64xi32, #tpu.memory_space<hbm>>
        %dma_wait3A_111 = tpu.memref_squeeze %dma_wait3A_110 : memref<1x1x42x64xi32, #tpu.memory_space<hbm>> -> memref<42x64xi32, #tpu.memory_space<hbm>>
        %dma_wait3A_112 = arith.constant 0 : i32
        %dma_wait3A_113 = arith.constant 0 : i32
        %dma_wait3A_114 = tpu.memref_slice %arg10[%dma_wait3A_112, %dma_wait3A_113] : memref<118x64xi32, #tpu.memory_space<vmem>> -> memref<42x64xi32, #tpu.memory_space<vmem>>
        %dma_wait3A_115 = arith.constant 0 : i32
        %dma_wait3A_116 = arith.constant 0 : i32
        %dma_wait3A_117 = tpu.memref_slice %arg6[%arg1, %run_scoped3A_18, %dma_wait3A_115, %dma_wait3A_116] : memref<16x2x42x64xi32, #tpu.memory_space<hbm>> -> memref<1x1x42x64xi32, #tpu.memory_space<hbm>>
        %dma_wait3A_118 = tpu.memref_squeeze %dma_wait3A_117 : memref<1x1x42x64xi32, #tpu.memory_space<hbm>> -> memref<42x64xi32, #tpu.memory_space<hbm>>
        tpu.wait_dma2 semaphore(%run_scoped3A_90 : memref<!tpu.dma_semaphore, #tpu.memory_space<semaphore_mem>>) src(%dma_wait3A_118 : memref<42x64xi32, #tpu.memory_space<hbm>>) dst(%dma_wait3A_114 : memref<42x64xi32, #tpu.memory_space<vmem>>)
        tpu.yield
      }) : () -> ()
      %dma_start3A = arith.constant 0 : i32
      %dma_start3A_19 = arith.constant 0 : i32
      %dma_start3A_20 = tpu.memref_slice %arg9[%dma_start3A, %dma_start3A_19] : memref<118x64xi32, #tpu.memory_space<vmem>> -> memref<1x64xi32, #tpu.memory_space<vmem>>
      %dma_start3A_21 = tpu.memref_squeeze %dma_start3A_20 : memref<1x64xi32, #tpu.memory_space<vmem>> -> memref<64xi32, #tpu.memory_space<vmem>>
      %dma_start3A_22 = arith.constant 0 : i32
      %dma_start3A_23 = arith.constant 0 : i32
      %dma_start3A_24 = tpu.memref_slice %arg2[%dma_start3A_22, %dma_start3A_23] : memref<10240x128xf32, #tpu.memory_space<hbm>> -> memref<10240x128xf32, #tpu.memory_space<hbm>>
      tpu.enqueue_indirect_dma source(%dma_start3A_24 : memref<10240x128xf32, #tpu.memory_space<hbm>>) target(%arg11 : memref<64x128xf32, #tpu.memory_space<vmem>>) offsets(%dma_start3A_21 : memref<64xi32, #tpu.memory_space<vmem>>) semaphore(%arg14 : memref<!tpu.dma_semaphore, #tpu.memory_space<semaphore_mem>>)
      %dma_start3A_25 = arith.constant 1 : i32
      %dma_start3A_26 = arith.constant 0 : i32
      %dma_start3A_27 = tpu.memref_slice %arg9[%dma_start3A_25, %dma_start3A_26] : memref<118x64xi32, #tpu.memory_space<vmem>> -> memref<1x64xi32, #tpu.memory_space<vmem>>
      %dma_start3A_28 = tpu.memref_squeeze %dma_start3A_27 : memref<1x64xi32, #tpu.memory_space<vmem>> -> memref<64xi32, #tpu.memory_space<vmem>>
      %dma_start3A_29 = arith.constant 0 : i32
      %dma_start3A_30 = arith.constant 0 : i32
      %dma_start3A_31 = tpu.memref_slice %arg2[%dma_start3A_29, %dma_start3A_30] : memref<10240x128xf32, #tpu.memory_space<hbm>> -> memref<10240x128xf32, #tpu.memory_space<hbm>>
      tpu.enqueue_indirect_dma source(%dma_start3A_31 : memref<10240x128xf32, #tpu.memory_space<hbm>>) target(%arg12 : memref<64x128xf32, #tpu.memory_space<vmem>>) offsets(%dma_start3A_28 : memref<64xi32, #tpu.memory_space<vmem>>) semaphore(%arg15 : memref<!tpu.dma_semaphore, #tpu.memory_space<semaphore_mem>>)
      %scan3A = arith.constant 0 : i32
      %scan3A_32 = arith.constant 0 : i32
      %scan3A_33 = arith.constant 20 : i32
      %scan3A_34 = arith.addi %scan3A_32, %scan3A_33 : i32
      %scan3A_35 = arith.constant 1 : i32
      scf.for %scan3A_90 = %scan3A_32 to %scan3A_34 step %scan3A_35  : i32 {
        %mul3A = arith.constant 2 : i32
        %mul3A_91 = arith.muli %scan3A_90, %mul3A : i32
        %add3A = arith.constant 0 : i32
        %add3A_92 = arith.addi %mul3A_91, %add3A : i32
        %dma_wait3A_93 = arith.constant 0 : i32
        %dma_wait3A_94 = tpu.memref_slice %arg9[%add3A_92, %dma_wait3A_93] : memref<118x64xi32, #tpu.memory_space<vmem>> -> memref<1x64xi32, #tpu.memory_space<vmem>>
        %dma_wait3A_95 = tpu.memref_squeeze %dma_wait3A_94 : memref<1x64xi32, #tpu.memory_space<vmem>> -> memref<64xi32, #tpu.memory_space<vmem>>
        %dma_wait3A_96 = arith.constant 0 : i32
        %dma_wait3A_97 = arith.constant 0 : i32
        %dma_wait3A_98 = tpu.memref_slice %arg2[%dma_wait3A_96, %dma_wait3A_97] : memref<10240x128xf32, #tpu.memory_space<hbm>> -> memref<10240x128xf32, #tpu.memory_space<hbm>>
        tpu.wait_indirect_dma semaphore(%arg14 : memref<!tpu.dma_semaphore, #tpu.memory_space<semaphore_mem>>) src(%dma_wait3A_98 : memref<10240x128xf32, #tpu.memory_space<hbm>>) dst(%arg11 : memref<64x128xf32, #tpu.memory_space<vmem>>)
        "tpu.region"() ({
          %run_scoped3A_123 = tpu.sem_alloc : memref<!tpu.dma_semaphore, #tpu.memory_space<semaphore_mem>>
          %dma_start3A_124 = arith.constant 0 : i32
          %dma_start3A_125 = tpu.memref_slice %arg10[%add3A_92, %dma_start3A_124] : memref<118x64xi32, #tpu.memory_space<vmem>> -> memref<1x64xi32, #tpu.memory_space<vmem>>
          %dma_start3A_126 = tpu.memref_squeeze %dma_start3A_125 : memref<1x64xi32, #tpu.memory_space<vmem>> -> memref<64xi32, #tpu.memory_space<vmem>>
          %dma_start3A_127 = arith.constant 0 : i32
          %dma_start3A_128 = arith.constant 0 : i32
          %dma_start3A_129 = tpu.memref_slice %arg13[%dma_start3A_127, %dma_start3A_128] : memref<10240x128xf32, #tpu.memory_space<vmem_shared>> -> memref<10240x128xf32, #tpu.memory_space<vmem_shared>>
          tpu.enqueue_indirect_dma source(%arg11 : memref<64x128xf32, #tpu.memory_space<vmem>>) target(%dma_start3A_129 : memref<10240x128xf32, #tpu.memory_space<vmem_shared>>) offsets(%dma_start3A_126 : memref<64xi32, #tpu.memory_space<vmem>>) semaphore(%run_scoped3A_123 : memref<!tpu.dma_semaphore, #tpu.memory_space<semaphore_mem>>) {add = true}
          %dma_wait3A_130 = arith.constant 0 : i32
          %dma_wait3A_131 = tpu.memref_slice %arg10[%add3A_92, %dma_wait3A_130] : memref<118x64xi32, #tpu.memory_space<vmem>> -> memref<1x64xi32, #tpu.memory_space<vmem>>
          %dma_wait3A_132 = tpu.memref_squeeze %dma_wait3A_131 : memref<1x64xi32, #tpu.memory_space<vmem>> -> memref<64xi32, #tpu.memory_space<vmem>>
          %dma_wait3A_133 = arith.constant 0 : i32
          %dma_wait3A_134 = arith.constant 0 : i32
          %dma_wait3A_135 = tpu.memref_slice %arg13[%dma_wait3A_133, %dma_wait3A_134] : memref<10240x128xf32, #tpu.memory_space<vmem_shared>> -> memref<10240x128xf32, #tpu.memory_space<vmem_shared>>
          tpu.wait_indirect_dma semaphore(%run_scoped3A_123 : memref<!tpu.dma_semaphore, #tpu.memory_space<semaphore_mem>>) src(%arg11 : memref<64x128xf32, #tpu.memory_space<vmem>>) dst(%dma_wait3A_135 : memref<10240x128xf32, #tpu.memory_space<vmem_shared>>)
          tpu.yield
        }) : () -> ()
        %add3A_99 = arith.constant 2 : i32
        %add3A_100 = arith.addi %add3A_92, %add3A_99 : i32
        %dma_start3A_101 = arith.constant 0 : i32
        %dma_start3A_102 = tpu.memref_slice %arg9[%add3A_100, %dma_start3A_101] : memref<118x64xi32, #tpu.memory_space<vmem>> -> memref<1x64xi32, #tpu.memory_space<vmem>>
        %dma_start3A_103 = tpu.memref_squeeze %dma_start3A_102 : memref<1x64xi32, #tpu.memory_space<vmem>> -> memref<64xi32, #tpu.memory_space<vmem>>
        %dma_start3A_104 = arith.constant 0 : i32
        %dma_start3A_105 = arith.constant 0 : i32
        %dma_start3A_106 = tpu.memref_slice %arg2[%dma_start3A_104, %dma_start3A_105] : memref<10240x128xf32, #tpu.memory_space<hbm>> -> memref<10240x128xf32, #tpu.memory_space<hbm>>
        tpu.enqueue_indirect_dma source(%dma_start3A_106 : memref<10240x128xf32, #tpu.memory_space<hbm>>) target(%arg11 : memref<64x128xf32, #tpu.memory_space<vmem>>) offsets(%dma_start3A_103 : memref<64xi32, #tpu.memory_space<vmem>>) semaphore(%arg14 : memref<!tpu.dma_semaphore, #tpu.memory_space<semaphore_mem>>)
        %add3A_107 = arith.constant 1 : i32
        %add3A_108 = arith.addi %mul3A_91, %add3A_107 : i32
        %dma_wait3A_109 = arith.constant 0 : i32
        %dma_wait3A_110 = tpu.memref_slice %arg9[%add3A_108, %dma_wait3A_109] : memref<118x64xi32, #tpu.memory_space<vmem>> -> memref<1x64xi32, #tpu.memory_space<vmem>>
        %dma_wait3A_111 = tpu.memref_squeeze %dma_wait3A_110 : memref<1x64xi32, #tpu.memory_space<vmem>> -> memref<64xi32, #tpu.memory_space<vmem>>
        %dma_wait3A_112 = arith.constant 0 : i32
        %dma_wait3A_113 = arith.constant 0 : i32
        %dma_wait3A_114 = tpu.memref_slice %arg2[%dma_wait3A_112, %dma_wait3A_113] : memref<10240x128xf32, #tpu.memory_space<hbm>> -> memref<10240x128xf32, #tpu.memory_space<hbm>>
        tpu.wait_indirect_dma semaphore(%arg15 : memref<!tpu.dma_semaphore, #tpu.memory_space<semaphore_mem>>) src(%dma_wait3A_114 : memref<10240x128xf32, #tpu.memory_space<hbm>>) dst(%arg12 : memref<64x128xf32, #tpu.memory_space<vmem>>)
        "tpu.region"() ({
          %run_scoped3A_123 = tpu.sem_alloc : memref<!tpu.dma_semaphore, #tpu.memory_space<semaphore_mem>>
          %dma_start3A_124 = arith.constant 0 : i32
          %dma_start3A_125 = tpu.memref_slice %arg10[%add3A_108, %dma_start3A_124] : memref<118x64xi32, #tpu.memory_space<vmem>> -> memref<1x64xi32, #tpu.memory_space<vmem>>
          %dma_start3A_126 = tpu.memref_squeeze %dma_start3A_125 : memref<1x64xi32, #tpu.memory_space<vmem>> -> memref<64xi32, #tpu.memory_space<vmem>>
          %dma_start3A_127 = arith.constant 0 : i32
          %dma_start3A_128 = arith.constant 0 : i32
          %dma_start3A_129 = tpu.memref_slice %arg13[%dma_start3A_127, %dma_start3A_128] : memref<10240x128xf32, #tpu.memory_space<vmem_shared>> -> memref<10240x128xf32, #tpu.memory_space<vmem_shared>>
          tpu.enqueue_indirect_dma source(%arg12 : memref<64x128xf32, #tpu.memory_space<vmem>>) target(%dma_start3A_129 : memref<10240x128xf32, #tpu.memory_space<vmem_shared>>) offsets(%dma_start3A_126 : memref<64xi32, #tpu.memory_space<vmem>>) semaphore(%run_scoped3A_123 : memref<!tpu.dma_semaphore, #tpu.memory_space<semaphore_mem>>) {add = true}
          %dma_wait3A_130 = arith.constant 0 : i32
          %dma_wait3A_131 = tpu.memref_slice %arg10[%add3A_108, %dma_wait3A_130] : memref<118x64xi32, #tpu.memory_space<vmem>> -> memref<1x64xi32, #tpu.memory_space<vmem>>
          %dma_wait3A_132 = tpu.memref_squeeze %dma_wait3A_131 : memref<1x64xi32, #tpu.memory_space<vmem>> -> memref<64xi32, #tpu.memory_space<vmem>>
          %dma_wait3A_133 = arith.constant 0 : i32
          %dma_wait3A_134 = arith.constant 0 : i32
          %dma_wait3A_135 = tpu.memref_slice %arg13[%dma_wait3A_133, %dma_wait3A_134] : memref<10240x128xf32, #tpu.memory_space<vmem_shared>> -> memref<10240x128xf32, #tpu.memory_space<vmem_shared>>
          tpu.wait_indirect_dma semaphore(%run_scoped3A_123 : memref<!tpu.dma_semaphore, #tpu.memory_space<semaphore_mem>>) src(%arg12 : memref<64x128xf32, #tpu.memory_space<vmem>>) dst(%dma_wait3A_135 : memref<10240x128xf32, #tpu.memory_space<vmem_shared>>)
          tpu.yield
        }) : () -> ()
        %add3A_115 = arith.constant 2 : i32
        %add3A_116 = arith.addi %add3A_108, %add3A_115 : i32
        %dma_start3A_117 = arith.constant 0 : i32
        %dma_start3A_118 = tpu.memref_slice %arg9[%add3A_116, %dma_start3A_117] : memref<118x64xi32, #tpu.memory_space<vmem>> -> memref<1x64xi32, #tpu.memory_space<vmem>>
        %dma_start3A_119 = tpu.memref_squeeze %dma_start3A_118 : memref<1x64xi32, #tpu.memory_space<vmem>> -> memref<64xi32, #tpu.memory_space<vmem>>
        %dma_start3A_120 = arith.constant 0 : i32
        %dma_start3A_121 = arith.constant 0 : i32
        %dma_start3A_122 = tpu.memref_slice %arg2[%dma_start3A_120, %dma_start3A_121] : memref<10240x128xf32, #tpu.memory_space<hbm>> -> memref<10240x128xf32, #tpu.memory_space<hbm>>
        tpu.enqueue_indirect_dma source(%dma_start3A_122 : memref<10240x128xf32, #tpu.memory_space<hbm>>) target(%arg12 : memref<64x128xf32, #tpu.memory_space<vmem>>) offsets(%dma_start3A_119 : memref<64xi32, #tpu.memory_space<vmem>>) semaphore(%arg15 : memref<!tpu.dma_semaphore, #tpu.memory_space<semaphore_mem>>)
      }
      %scan3A_36 = arith.constant 20 : i32
      %dma_wait3A = arith.constant 40 : i32
      %dma_wait3A_37 = arith.constant 0 : i32
      %dma_wait3A_38 = tpu.memref_slice %arg9[%dma_wait3A, %dma_wait3A_37] : memref<118x64xi32, #tpu.memory_space<vmem>> -> memref<1x64xi32, #tpu.memory_space<vmem>>
      %dma_wait3A_39 = tpu.memref_squeeze %dma_wait3A_38 : memref<1x64xi32, #tpu.memory_space<vmem>> -> memref<64xi32, #tpu.memory_space<vmem>>
      %dma_wait3A_40 = arith.constant 0 : i32
      %dma_wait3A_41 = arith.constant 0 : i32
      %dma_wait3A_42 = tpu.memref_slice %arg2[%dma_wait3A_40, %dma_wait3A_41] : memref<10240x128xf32, #tpu.memory_space<hbm>> -> memref<10240x128xf32, #tpu.memory_space<hbm>>
      tpu.wait_indirect_dma semaphore(%arg14 : memref<!tpu.dma_semaphore, #tpu.memory_space<semaphore_mem>>) src(%dma_wait3A_42 : memref<10240x128xf32, #tpu.memory_space<hbm>>) dst(%arg11 : memref<64x128xf32, #tpu.memory_space<vmem>>)
      %run_scoped3A_43 = arith.constant 40 : i32
      "tpu.region"() ({
        %run_scoped3A_90 = tpu.sem_alloc : memref<!tpu.dma_semaphore, #tpu.memory_space<semaphore_mem>>
        %dma_start3A_91 = arith.constant 0 : i32
        %dma_start3A_92 = tpu.memref_slice %arg10[%run_scoped3A_43, %dma_start3A_91] : memref<118x64xi32, #tpu.memory_space<vmem>> -> memref<1x64xi32, #tpu.memory_space<vmem>>
        %dma_start3A_93 = tpu.memref_squeeze %dma_start3A_92 : memref<1x64xi32, #tpu.memory_space<vmem>> -> memref<64xi32, #tpu.memory_space<vmem>>
        %dma_start3A_94 = arith.constant 0 : i32
        %dma_start3A_95 = arith.constant 0 : i32
        %dma_start3A_96 = tpu.memref_slice %arg13[%dma_start3A_94, %dma_start3A_95] : memref<10240x128xf32, #tpu.memory_space<vmem_shared>> -> memref<10240x128xf32, #tpu.memory_space<vmem_shared>>
        tpu.enqueue_indirect_dma source(%arg11 : memref<64x128xf32, #tpu.memory_space<vmem>>) target(%dma_start3A_96 : memref<10240x128xf32, #tpu.memory_space<vmem_shared>>) offsets(%dma_start3A_93 : memref<64xi32, #tpu.memory_space<vmem>>) semaphore(%run_scoped3A_90 : memref<!tpu.dma_semaphore, #tpu.memory_space<semaphore_mem>>) {add = true}
        %dma_wait3A_97 = arith.constant 0 : i32
        %dma_wait3A_98 = tpu.memref_slice %arg10[%run_scoped3A_43, %dma_wait3A_97] : memref<118x64xi32, #tpu.memory_space<vmem>> -> memref<1x64xi32, #tpu.memory_space<vmem>>
        %dma_wait3A_99 = tpu.memref_squeeze %dma_wait3A_98 : memref<1x64xi32, #tpu.memory_space<vmem>> -> memref<64xi32, #tpu.memory_space<vmem>>
        %dma_wait3A_100 = arith.constant 0 : i32
        %dma_wait3A_101 = arith.constant 0 : i32
        %dma_wait3A_102 = tpu.memref_slice %arg13[%dma_wait3A_100, %dma_wait3A_101] : memref<10240x128xf32, #tpu.memory_space<vmem_shared>> -> memref<10240x128xf32, #tpu.memory_space<vmem_shared>>
        tpu.wait_indirect_dma semaphore(%run_scoped3A_90 : memref<!tpu.dma_semaphore, #tpu.memory_space<semaphore_mem>>) src(%arg11 : memref<64x128xf32, #tpu.memory_space<vmem>>) dst(%dma_wait3A_102 : memref<10240x128xf32, #tpu.memory_space<vmem_shared>>)
        tpu.yield
      }) : () -> ()
      %dma_wait3A_44 = arith.constant 41 : i32
      %dma_wait3A_45 = arith.constant 0 : i32
      %dma_wait3A_46 = tpu.memref_slice %arg9[%dma_wait3A_44, %dma_wait3A_45] : memref<118x64xi32, #tpu.memory_space<vmem>> -> memref<1x64xi32, #tpu.memory_space<vmem>>
      %dma_wait3A_47 = tpu.memref_squeeze %dma_wait3A_46 : memref<1x64xi32, #tpu.memory_space<vmem>> -> memref<64xi32, #tpu.memory_space<vmem>>
      %dma_wait3A_48 = arith.constant 0 : i32
      %dma_wait3A_49 = arith.constant 0 : i32
      %dma_wait3A_50 = tpu.memref_slice %arg2[%dma_wait3A_48, %dma_wait3A_49] : memref<10240x128xf32, #tpu.memory_space<hbm>> -> memref<10240x128xf32, #tpu.memory_space<hbm>>
      tpu.wait_indirect_dma semaphore(%arg15 : memref<!tpu.dma_semaphore, #tpu.memory_space<semaphore_mem>>) src(%dma_wait3A_50 : memref<10240x128xf32, #tpu.memory_space<hbm>>) dst(%arg12 : memref<64x128xf32, #tpu.memory_space<vmem>>)
      %run_scoped3A_51 = arith.constant 41 : i32
      "tpu.region"() ({
        %run_scoped3A_90 = tpu.sem_alloc : memref<!tpu.dma_semaphore, #tpu.memory_space<semaphore_mem>>
        %dma_start3A_91 = arith.constant 0 : i32
        %dma_start3A_92 = tpu.memref_slice %arg10[%run_scoped3A_51, %dma_start3A_91] : memref<118x64xi32, #tpu.memory_space<vmem>> -> memref<1x64xi32, #tpu.memory_space<vmem>>
        %dma_start3A_93 = tpu.memref_squeeze %dma_start3A_92 : memref<1x64xi32, #tpu.memory_space<vmem>> -> memref<64xi32, #tpu.memory_space<vmem>>
        %dma_start3A_94 = arith.constant 0 : i32
        %dma_start3A_95 = arith.constant 0 : i32
        %dma_start3A_96 = tpu.memref_slice %arg13[%dma_start3A_94, %dma_start3A_95] : memref<10240x128xf32, #tpu.memory_space<vmem_shared>> -> memref<10240x128xf32, #tpu.memory_space<vmem_shared>>
        tpu.enqueue_indirect_dma source(%arg12 : memref<64x128xf32, #tpu.memory_space<vmem>>) target(%dma_start3A_96 : memref<10240x128xf32, #tpu.memory_space<vmem_shared>>) offsets(%dma_start3A_93 : memref<64xi32, #tpu.memory_space<vmem>>) semaphore(%run_scoped3A_90 : memref<!tpu.dma_semaphore, #tpu.memory_space<semaphore_mem>>) {add = true}
        %dma_wait3A_97 = arith.constant 0 : i32
        %dma_wait3A_98 = tpu.memref_slice %arg10[%run_scoped3A_51, %dma_wait3A_97] : memref<118x64xi32, #tpu.memory_space<vmem>> -> memref<1x64xi32, #tpu.memory_space<vmem>>
        %dma_wait3A_99 = tpu.memref_squeeze %dma_wait3A_98 : memref<1x64xi32, #tpu.memory_space<vmem>> -> memref<64xi32, #tpu.memory_space<vmem>>
        %dma_wait3A_100 = arith.constant 0 : i32
        %dma_wait3A_101 = arith.constant 0 : i32
        %dma_wait3A_102 = tpu.memref_slice %arg13[%dma_wait3A_100, %dma_wait3A_101] : memref<10240x128xf32, #tpu.memory_space<vmem_shared>> -> memref<10240x128xf32, #tpu.memory_space<vmem_shared>>
        tpu.wait_indirect_dma semaphore(%run_scoped3A_90 : memref<!tpu.dma_semaphore, #tpu.memory_space<semaphore_mem>>) src(%arg12 : memref<64x128xf32, #tpu.memory_space<vmem>>) dst(%dma_wait3A_102 : memref<10240x128xf32, #tpu.memory_space<vmem_shared>>)
        tpu.yield
      }) : () -> ()
      %run_scoped3A_52 = arith.constant 1 : i32
      "tpu.region"() ({
        %run_scoped3A_90 = tpu.sem_alloc : memref<!tpu.dma_semaphore, #tpu.memory_space<semaphore_mem>>
        %dma_start3A_91 = arith.constant 0 : i32
        %dma_start3A_92 = arith.constant 0 : i32
        %dma_start3A_93 = tpu.memref_slice %arg9[%dma_start3A_91, %dma_start3A_92] : memref<118x64xi32, #tpu.memory_space<vmem>> -> memref<42x64xi32, #tpu.memory_space<vmem>>
        %dma_start3A_94 = arith.constant 0 : i32
        %dma_start3A_95 = arith.constant 0 : i32
        %dma_start3A_96 = tpu.memref_slice %arg5[%arg1, %run_scoped3A_52, %dma_start3A_94, %dma_start3A_95] : memref<16x2x42x64xi32, #tpu.memory_space<hbm>> -> memref<1x1x42x64xi32, #tpu.memory_space<hbm>>
        %dma_start3A_97 = tpu.memref_squeeze %dma_start3A_96 : memref<1x1x42x64xi32, #tpu.memory_space<hbm>> -> memref<42x64xi32, #tpu.memory_space<hbm>>
        %dma_start3A_98 = arith.constant 0 : i32
        %dma_start3A_99 = arith.constant 0 : i32
        %dma_start3A_100 = tpu.memref_slice %arg9[%dma_start3A_98, %dma_start3A_99] : memref<118x64xi32, #tpu.memory_space<vmem>> -> memref<42x64xi32, #tpu.memory_space<vmem>>
        %dma_start3A_101 = arith.constant 0 : i32
        %dma_start3A_102 = arith.constant 0 : i32
        %dma_start3A_103 = tpu.memref_slice %arg5[%arg1, %run_scoped3A_52, %dma_start3A_101, %dma_start3A_102] : memref<16x2x42x64xi32, #tpu.memory_space<hbm>> -> memref<1x1x42x64xi32, #tpu.memory_space<hbm>>
        %dma_start3A_104 = tpu.memref_squeeze %dma_start3A_103 : memref<1x1x42x64xi32, #tpu.memory_space<hbm>> -> memref<42x64xi32, #tpu.memory_space<hbm>>
        tpu.enqueue_dma source(%dma_start3A_104 : memref<42x64xi32, #tpu.memory_space<hbm>>) target(%dma_start3A_100 : memref<42x64xi32, #tpu.memory_space<vmem>>) target_semaphore(%run_scoped3A_90 : memref<!tpu.dma_semaphore, #tpu.memory_space<semaphore_mem>>)
        %dma_wait3A_105 = arith.constant 0 : i32
        %dma_wait3A_106 = arith.constant 0 : i32
        %dma_wait3A_107 = tpu.memref_slice %arg9[%dma_wait3A_105, %dma_wait3A_106] : memref<118x64xi32, #tpu.memory_space<vmem>> -> memref<42x64xi32, #tpu.memory_space<vmem>>
        %dma_wait3A_108 = arith.constant 0 : i32
        %dma_wait3A_109 = arith.constant 0 : i32
        %dma_wait3A_110 = tpu.memref_slice %arg5[%arg1, %run_scoped3A_52, %dma_wait3A_108, %dma_wait3A_109] : memref<16x2x42x64xi32, #tpu.memory_space<hbm>> -> memref<1x1x42x64xi32, #tpu.memory_space<hbm>>
        %dma_wait3A_111 = tpu.memref_squeeze %dma_wait3A_110 : memref<1x1x42x64xi32, #tpu.memory_space<hbm>> -> memref<42x64xi32, #tpu.memory_space<hbm>>
        %dma_wait3A_112 = arith.constant 0 : i32
        %dma_wait3A_113 = arith.constant 0 : i32
        %dma_wait3A_114 = tpu.memref_slice %arg9[%dma_wait3A_112, %dma_wait3A_113] : memref<118x64xi32, #tpu.memory_space<vmem>> -> memref<42x64xi32, #tpu.memory_space<vmem>>
        %dma_wait3A_115 = arith.constant 0 : i32
        %dma_wait3A_116 = arith.constant 0 : i32
        %dma_wait3A_117 = tpu.memref_slice %arg5[%arg1, %run_scoped3A_52, %dma_wait3A_115, %dma_wait3A_116] : memref<16x2x42x64xi32, #tpu.memory_space<hbm>> -> memref<1x1x42x64xi32, #tpu.memory_space<hbm>>
        %dma_wait3A_118 = tpu.memref_squeeze %dma_wait3A_117 : memref<1x1x42x64xi32, #tpu.memory_space<hbm>> -> memref<42x64xi32, #tpu.memory_space<hbm>>
        tpu.wait_dma2 semaphore(%run_scoped3A_90 : memref<!tpu.dma_semaphore, #tpu.memory_space<semaphore_mem>>) src(%dma_wait3A_118 : memref<42x64xi32, #tpu.memory_space<hbm>>) dst(%dma_wait3A_114 : memref<42x64xi32, #tpu.memory_space<vmem>>)
        tpu.yield
      }) : () -> ()
      %run_scoped3A_53 = arith.constant 1 : i32
      "tpu.region"() ({
        %run_scoped3A_90 = tpu.sem_alloc : memref<!tpu.dma_semaphore, #tpu.memory_space<semaphore_mem>>
        %dma_start3A_91 = arith.constant 0 : i32
        %dma_start3A_92 = arith.constant 0 : i32
        %dma_start3A_93 = tpu.memref_slice %arg10[%dma_start3A_91, %dma_start3A_92] : memref<118x64xi32, #tpu.memory_space<vmem>> -> memref<42x64xi32, #tpu.memory_space<vmem>>
        %dma_start3A_94 = arith.constant 0 : i32
        %dma_start3A_95 = arith.constant 0 : i32
        %dma_start3A_96 = tpu.memref_slice %arg6[%arg1, %run_scoped3A_53, %dma_start3A_94, %dma_start3A_95] : memref<16x2x42x64xi32, #tpu.memory_space<hbm>> -> memref<1x1x42x64xi32, #tpu.memory_space<hbm>>
        %dma_start3A_97 = tpu.memref_squeeze %dma_start3A_96 : memref<1x1x42x64xi32, #tpu.memory_space<hbm>> -> memref<42x64xi32, #tpu.memory_space<hbm>>
        %dma_start3A_98 = arith.constant 0 : i32
        %dma_start3A_99 = arith.constant 0 : i32
        %dma_start3A_100 = tpu.memref_slice %arg10[%dma_start3A_98, %dma_start3A_99] : memref<118x64xi32, #tpu.memory_space<vmem>> -> memref<42x64xi32, #tpu.memory_space<vmem>>
        %dma_start3A_101 = arith.constant 0 : i32
        %dma_start3A_102 = arith.constant 0 : i32
        %dma_start3A_103 = tpu.memref_slice %arg6[%arg1, %run_scoped3A_53, %dma_start3A_101, %dma_start3A_102] : memref<16x2x42x64xi32, #tpu.memory_space<hbm>> -> memref<1x1x42x64xi32, #tpu.memory_space<hbm>>
        %dma_start3A_104 = tpu.memref_squeeze %dma_start3A_103 : memref<1x1x42x64xi32, #tpu.memory_space<hbm>> -> memref<42x64xi32, #tpu.memory_space<hbm>>
        tpu.enqueue_dma source(%dma_start3A_104 : memref<42x64xi32, #tpu.memory_space<hbm>>) target(%dma_start3A_100 : memref<42x64xi32, #tpu.memory_space<vmem>>) target_semaphore(%run_scoped3A_90 : memref<!tpu.dma_semaphore, #tpu.memory_space<semaphore_mem>>)
        %dma_wait3A_105 = arith.constant 0 : i32
        %dma_wait3A_106 = arith.constant 0 : i32
        %dma_wait3A_107 = tpu.memref_slice %arg10[%dma_wait3A_105, %dma_wait3A_106] : memref<118x64xi32, #tpu.memory_space<vmem>> -> memref<42x64xi32, #tpu.memory_space<vmem>>
        %dma_wait3A_108 = arith.constant 0 : i32
        %dma_wait3A_109 = arith.constant 0 : i32
        %dma_wait3A_110 = tpu.memref_slice %arg6[%arg1, %run_scoped3A_53, %dma_wait3A_108, %dma_wait3A_109] : memref<16x2x42x64xi32, #tpu.memory_space<hbm>> -> memref<1x1x42x64xi32, #tpu.memory_space<hbm>>
        %dma_wait3A_111 = tpu.memref_squeeze %dma_wait3A_110 : memref<1x1x42x64xi32, #tpu.memory_space<hbm>> -> memref<42x64xi32, #tpu.memory_space<hbm>>
        %dma_wait3A_112 = arith.constant 0 : i32
        %dma_wait3A_113 = arith.constant 0 : i32
        %dma_wait3A_114 = tpu.memref_slice %arg10[%dma_wait3A_112, %dma_wait3A_113] : memref<118x64xi32, #tpu.memory_space<vmem>> -> memref<42x64xi32, #tpu.memory_space<vmem>>
        %dma_wait3A_115 = arith.constant 0 : i32
        %dma_wait3A_116 = arith.constant 0 : i32
        %dma_wait3A_117 = tpu.memref_slice %arg6[%arg1, %run_scoped3A_53, %dma_wait3A_115, %dma_wait3A_116] : memref<16x2x42x64xi32, #tpu.memory_space<hbm>> -> memref<1x1x42x64xi32, #tpu.memory_space<hbm>>
        %dma_wait3A_118 = tpu.memref_squeeze %dma_wait3A_117 : memref<1x1x42x64xi32, #tpu.memory_space<hbm>> -> memref<42x64xi32, #tpu.memory_space<hbm>>
        tpu.wait_dma2 semaphore(%run_scoped3A_90 : memref<!tpu.dma_semaphore, #tpu.memory_space<semaphore_mem>>) src(%dma_wait3A_118 : memref<42x64xi32, #tpu.memory_space<hbm>>) dst(%dma_wait3A_114 : memref<42x64xi32, #tpu.memory_space<vmem>>)
        tpu.yield
      }) : () -> ()
      %dma_start3A_54 = arith.constant 0 : i32
      %dma_start3A_55 = arith.constant 0 : i32
      %dma_start3A_56 = tpu.memref_slice %arg9[%dma_start3A_54, %dma_start3A_55] : memref<118x64xi32, #tpu.memory_space<vmem>> -> memref<1x64xi32, #tpu.memory_space<vmem>>
      %dma_start3A_57 = tpu.memref_squeeze %dma_start3A_56 : memref<1x64xi32, #tpu.memory_space<vmem>> -> memref<64xi32, #tpu.memory_space<vmem>>
      %dma_start3A_58 = arith.constant 0 : i32
      %dma_start3A_59 = arith.constant 0 : i32
      %dma_start3A_60 = tpu.memref_slice %arg2[%dma_start3A_58, %dma_start3A_59] : memref<10240x128xf32, #tpu.memory_space<hbm>> -> memref<10240x128xf32, #tpu.memory_space<hbm>>
      tpu.enqueue_indirect_dma source(%dma_start3A_60 : memref<10240x128xf32, #tpu.memory_space<hbm>>) target(%arg11 : memref<64x128xf32, #tpu.memory_space<vmem>>) offsets(%dma_start3A_57 : memref<64xi32, #tpu.memory_space<vmem>>) semaphore(%arg14 : memref<!tpu.dma_semaphore, #tpu.memory_space<semaphore_mem>>)
      %dma_start3A_61 = arith.constant 1 : i32
      %dma_start3A_62 = arith.constant 0 : i32
      %dma_start3A_63 = tpu.memref_slice %arg9[%dma_start3A_61, %dma_start3A_62] : memref<118x64xi32, #tpu.memory_space<vmem>> -> memref<1x64xi32, #tpu.memory_space<vmem>>
      %dma_start3A_64 = tpu.memref_squeeze %dma_start3A_63 : memref<1x64xi32, #tpu.memory_space<vmem>> -> memref<64xi32, #tpu.memory_space<vmem>>
      %dma_start3A_65 = arith.constant 0 : i32
      %dma_start3A_66 = arith.constant 0 : i32
      %dma_start3A_67 = tpu.memref_slice %arg2[%dma_start3A_65, %dma_start3A_66] : memref<10240x128xf32, #tpu.memory_space<hbm>> -> memref<10240x128xf32, #tpu.memory_space<hbm>>
      tpu.enqueue_indirect_dma source(%dma_start3A_67 : memref<10240x128xf32, #tpu.memory_space<hbm>>) target(%arg12 : memref<64x128xf32, #tpu.memory_space<vmem>>) offsets(%dma_start3A_64 : memref<64xi32, #tpu.memory_space<vmem>>) semaphore(%arg15 : memref<!tpu.dma_semaphore, #tpu.memory_space<semaphore_mem>>)
      %scan3A_68 = arith.constant 0 : i32
      %scan3A_69 = arith.constant 0 : i32
      %scan3A_70 = arith.constant 20 : i32
      %scan3A_71 = arith.addi %scan3A_69, %scan3A_70 : i32
      %scan3A_72 = arith.constant 1 : i32
      scf.for %scan3A_90 = %scan3A_69 to %scan3A_71 step %scan3A_72  : i32 {
        %mul3A = arith.constant 2 : i32
        %mul3A_91 = arith.muli %scan3A_90, %mul3A : i32
        %add3A = arith.constant 0 : i32
        %add3A_92 = arith.addi %mul3A_91, %add3A : i32
        %dma_wait3A_93 = arith.constant 0 : i32
        %dma_wait3A_94 = tpu.memref_slice %arg9[%add3A_92, %dma_wait3A_93] : memref<118x64xi32, #tpu.memory_space<vmem>> -> memref<1x64xi32, #tpu.memory_space<vmem>>
        %dma_wait3A_95 = tpu.memref_squeeze %dma_wait3A_94 : memref<1x64xi32, #tpu.memory_space<vmem>> -> memref<64xi32, #tpu.memory_space<vmem>>
        %dma_wait3A_96 = arith.constant 0 : i32
        %dma_wait3A_97 = arith.constant 0 : i32
        %dma_wait3A_98 = tpu.memref_slice %arg2[%dma_wait3A_96, %dma_wait3A_97] : memref<10240x128xf32, #tpu.memory_space<hbm>> -> memref<10240x128xf32, #tpu.memory_space<hbm>>
        tpu.wait_indirect_dma semaphore(%arg14 : memref<!tpu.dma_semaphore, #tpu.memory_space<semaphore_mem>>) src(%dma_wait3A_98 : memref<10240x128xf32, #tpu.memory_space<hbm>>) dst(%arg11 : memref<64x128xf32, #tpu.memory_space<vmem>>)
        "tpu.region"() ({
          %run_scoped3A_123 = tpu.sem_alloc : memref<!tpu.dma_semaphore, #tpu.memory_space<semaphore_mem>>
          %dma_start3A_124 = arith.constant 0 : i32
          %dma_start3A_125 = tpu.memref_slice %arg10[%add3A_92, %dma_start3A_124] : memref<118x64xi32, #tpu.memory_space<vmem>> -> memref<1x64xi32, #tpu.memory_space<vmem>>
          %dma_start3A_126 = tpu.memref_squeeze %dma_start3A_125 : memref<1x64xi32, #tpu.memory_space<vmem>> -> memref<64xi32, #tpu.memory_space<vmem>>
          %dma_start3A_127 = arith.constant 0 : i32
          %dma_start3A_128 = arith.constant 0 : i32
          %dma_start3A_129 = tpu.memref_slice %arg13[%dma_start3A_127, %dma_start3A_128] : memref<10240x128xf32, #tpu.memory_space<vmem_shared>> -> memref<10240x128xf32, #tpu.memory_space<vmem_shared>>
          tpu.enqueue_indirect_dma source(%arg11 : memref<64x128xf32, #tpu.memory_space<vmem>>) target(%dma_start3A_129 : memref<10240x128xf32, #tpu.memory_space<vmem_shared>>) offsets(%dma_start3A_126 : memref<64xi32, #tpu.memory_space<vmem>>) semaphore(%run_scoped3A_123 : memref<!tpu.dma_semaphore, #tpu.memory_space<semaphore_mem>>) {add = true}
          %dma_wait3A_130 = arith.constant 0 : i32
          %dma_wait3A_131 = tpu.memref_slice %arg10[%add3A_92, %dma_wait3A_130] : memref<118x64xi32, #tpu.memory_space<vmem>> -> memref<1x64xi32, #tpu.memory_space<vmem>>
          %dma_wait3A_132 = tpu.memref_squeeze %dma_wait3A_131 : memref<1x64xi32, #tpu.memory_space<vmem>> -> memref<64xi32, #tpu.memory_space<vmem>>
          %dma_wait3A_133 = arith.constant 0 : i32
          %dma_wait3A_134 = arith.constant 0 : i32
          %dma_wait3A_135 = tpu.memref_slice %arg13[%dma_wait3A_133, %dma_wait3A_134] : memref<10240x128xf32, #tpu.memory_space<vmem_shared>> -> memref<10240x128xf32, #tpu.memory_space<vmem_shared>>
          tpu.wait_indirect_dma semaphore(%run_scoped3A_123 : memref<!tpu.dma_semaphore, #tpu.memory_space<semaphore_mem>>) src(%arg11 : memref<64x128xf32, #tpu.memory_space<vmem>>) dst(%dma_wait3A_135 : memref<10240x128xf32, #tpu.memory_space<vmem_shared>>)
          tpu.yield
        }) : () -> ()
        %add3A_99 = arith.constant 2 : i32
        %add3A_100 = arith.addi %add3A_92, %add3A_99 : i32
        %dma_start3A_101 = arith.constant 0 : i32
        %dma_start3A_102 = tpu.memref_slice %arg9[%add3A_100, %dma_start3A_101] : memref<118x64xi32, #tpu.memory_space<vmem>> -> memref<1x64xi32, #tpu.memory_space<vmem>>
        %dma_start3A_103 = tpu.memref_squeeze %dma_start3A_102 : memref<1x64xi32, #tpu.memory_space<vmem>> -> memref<64xi32, #tpu.memory_space<vmem>>
        %dma_start3A_104 = arith.constant 0 : i32
        %dma_start3A_105 = arith.constant 0 : i32
        %dma_start3A_106 = tpu.memref_slice %arg2[%dma_start3A_104, %dma_start3A_105] : memref<10240x128xf32, #tpu.memory_space<hbm>> -> memref<10240x128xf32, #tpu.memory_space<hbm>>
        tpu.enqueue_indirect_dma source(%dma_start3A_106 : memref<10240x128xf32, #tpu.memory_space<hbm>>) target(%arg11 : memref<64x128xf32, #tpu.memory_space<vmem>>) offsets(%dma_start3A_103 : memref<64xi32, #tpu.memory_space<vmem>>) semaphore(%arg14 : memref<!tpu.dma_semaphore, #tpu.memory_space<semaphore_mem>>)
        %add3A_107 = arith.constant 1 : i32
        %add3A_108 = arith.addi %mul3A_91, %add3A_107 : i32
        %dma_wait3A_109 = arith.constant 0 : i32
        %dma_wait3A_110 = tpu.memref_slice %arg9[%add3A_108, %dma_wait3A_109] : memref<118x64xi32, #tpu.memory_space<vmem>> -> memref<1x64xi32, #tpu.memory_space<vmem>>
        %dma_wait3A_111 = tpu.memref_squeeze %dma_wait3A_110 : memref<1x64xi32, #tpu.memory_space<vmem>> -> memref<64xi32, #tpu.memory_space<vmem>>
        %dma_wait3A_112 = arith.constant 0 : i32
        %dma_wait3A_113 = arith.constant 0 : i32
        %dma_wait3A_114 = tpu.memref_slice %arg2[%dma_wait3A_112, %dma_wait3A_113] : memref<10240x128xf32, #tpu.memory_space<hbm>> -> memref<10240x128xf32, #tpu.memory_space<hbm>>
        tpu.wait_indirect_dma semaphore(%arg15 : memref<!tpu.dma_semaphore, #tpu.memory_space<semaphore_mem>>) src(%dma_wait3A_114 : memref<10240x128xf32, #tpu.memory_space<hbm>>) dst(%arg12 : memref<64x128xf32, #tpu.memory_space<vmem>>)
        "tpu.region"() ({
          %run_scoped3A_123 = tpu.sem_alloc : memref<!tpu.dma_semaphore, #tpu.memory_space<semaphore_mem>>
          %dma_start3A_124 = arith.constant 0 : i32
          %dma_start3A_125 = tpu.memref_slice %arg10[%add3A_108, %dma_start3A_124] : memref<118x64xi32, #tpu.memory_space<vmem>> -> memref<1x64xi32, #tpu.memory_space<vmem>>
          %dma_start3A_126 = tpu.memref_squeeze %dma_start3A_125 : memref<1x64xi32, #tpu.memory_space<vmem>> -> memref<64xi32, #tpu.memory_space<vmem>>
          %dma_start3A_127 = arith.constant 0 : i32
          %dma_start3A_128 = arith.constant 0 : i32
          %dma_start3A_129 = tpu.memref_slice %arg13[%dma_start3A_127, %dma_start3A_128] : memref<10240x128xf32, #tpu.memory_space<vmem_shared>> -> memref<10240x128xf32, #tpu.memory_space<vmem_shared>>
          tpu.enqueue_indirect_dma source(%arg12 : memref<64x128xf32, #tpu.memory_space<vmem>>) target(%dma_start3A_129 : memref<10240x128xf32, #tpu.memory_space<vmem_shared>>) offsets(%dma_start3A_126 : memref<64xi32, #tpu.memory_space<vmem>>) semaphore(%run_scoped3A_123 : memref<!tpu.dma_semaphore, #tpu.memory_space<semaphore_mem>>) {add = true}
          %dma_wait3A_130 = arith.constant 0 : i32
          %dma_wait3A_131 = tpu.memref_slice %arg10[%add3A_108, %dma_wait3A_130] : memref<118x64xi32, #tpu.memory_space<vmem>> -> memref<1x64xi32, #tpu.memory_space<vmem>>
          %dma_wait3A_132 = tpu.memref_squeeze %dma_wait3A_131 : memref<1x64xi32, #tpu.memory_space<vmem>> -> memref<64xi32, #tpu.memory_space<vmem>>
          %dma_wait3A_133 = arith.constant 0 : i32
          %dma_wait3A_134 = arith.constant 0 : i32
          %dma_wait3A_135 = tpu.memref_slice %arg13[%dma_wait3A_133, %dma_wait3A_134] : memref<10240x128xf32, #tpu.memory_space<vmem_shared>> -> memref<10240x128xf32, #tpu.memory_space<vmem_shared>>
          tpu.wait_indirect_dma semaphore(%run_scoped3A_123 : memref<!tpu.dma_semaphore, #tpu.memory_space<semaphore_mem>>) src(%arg12 : memref<64x128xf32, #tpu.memory_space<vmem>>) dst(%dma_wait3A_135 : memref<10240x128xf32, #tpu.memory_space<vmem_shared>>)
          tpu.yield
        }) : () -> ()
        %add3A_115 = arith.constant 2 : i32
        %add3A_116 = arith.addi %add3A_108, %add3A_115 : i32
        %dma_start3A_117 = arith.constant 0 : i32
        %dma_start3A_118 = tpu.memref_slice %arg9[%add3A_116, %dma_start3A_117] : memref<118x64xi32, #tpu.memory_space<vmem>> -> memref<1x64xi32, #tpu.memory_space<vmem>>
        %dma_start3A_119 = tpu.memref_squeeze %dma_start3A_118 : memref<1x64xi32, #tpu.memory_space<vmem>> -> memref<64xi32, #tpu.memory_space<vmem>>
        %dma_start3A_120 = arith.constant 0 : i32
        %dma_start3A_121 = arith.constant 0 : i32
        %dma_start3A_122 = tpu.memref_slice %arg2[%dma_start3A_120, %dma_start3A_121] : memref<10240x128xf32, #tpu.memory_space<hbm>> -> memref<10240x128xf32, #tpu.memory_space<hbm>>
        tpu.enqueue_indirect_dma source(%dma_start3A_122 : memref<10240x128xf32, #tpu.memory_space<hbm>>) target(%arg12 : memref<64x128xf32, #tpu.memory_space<vmem>>) offsets(%dma_start3A_119 : memref<64xi32, #tpu.memory_space<vmem>>) semaphore(%arg15 : memref<!tpu.dma_semaphore, #tpu.memory_space<semaphore_mem>>)
      }
      %scan3A_73 = arith.constant 20 : i32
      %dma_wait3A_74 = arith.constant 40 : i32
      %dma_wait3A_75 = arith.constant 0 : i32
      %dma_wait3A_76 = tpu.memref_slice %arg9[%dma_wait3A_74, %dma_wait3A_75] : memref<118x64xi32, #tpu.memory_space<vmem>> -> memref<1x64xi32, #tpu.memory_space<vmem>>
      %dma_wait3A_77 = tpu.memref_squeeze %dma_wait3A_76 : memref<1x64xi32, #tpu.memory_space<vmem>> -> memref<64xi32, #tpu.memory_space<vmem>>
      %dma_wait3A_78 = arith.constant 0 : i32
      %dma_wait3A_79 = arith.constant 0 : i32
      %dma_wait3A_80 = tpu.memref_slice %arg2[%dma_wait3A_78, %dma_wait3A_79] : memref<10240x128xf32, #tpu.memory_space<hbm>> -> memref<10240x128xf32, #tpu.memory_space<hbm>>
      tpu.wait_indirect_dma semaphore(%arg14 : memref<!tpu.dma_semaphore, #tpu.memory_space<semaphore_mem>>) src(%dma_wait3A_80 : memref<10240x128xf32, #tpu.memory_space<hbm>>) dst(%arg11 : memref<64x128xf32, #tpu.memory_space<vmem>>)
      %run_scoped3A_81 = arith.constant 40 : i32
      "tpu.region"() ({
        %run_scoped3A_90 = tpu.sem_alloc : memref<!tpu.dma_semaphore, #tpu.memory_space<semaphore_mem>>
        %dma_start3A_91 = arith.constant 0 : i32
        %dma_start3A_92 = tpu.memref_slice %arg10[%run_scoped3A_81, %dma_start3A_91] : memref<118x64xi32, #tpu.memory_space<vmem>> -> memref<1x64xi32, #tpu.memory_space<vmem>>
        %dma_start3A_93 = tpu.memref_squeeze %dma_start3A_92 : memref<1x64xi32, #tpu.memory_space<vmem>> -> memref<64xi32, #tpu.memory_space<vmem>>
        %dma_start3A_94 = arith.constant 0 : i32
        %dma_start3A_95 = arith.constant 0 : i32
        %dma_start3A_96 = tpu.memref_slice %arg13[%dma_start3A_94, %dma_start3A_95] : memref<10240x128xf32, #tpu.memory_space<vmem_shared>> -> memref<10240x128xf32, #tpu.memory_space<vmem_shared>>
        tpu.enqueue_indirect_dma source(%arg11 : memref<64x128xf32, #tpu.memory_space<vmem>>) target(%dma_start3A_96 : memref<10240x128xf32, #tpu.memory_space<vmem_shared>>) offsets(%dma_start3A_93 : memref<64xi32, #tpu.memory_space<vmem>>) semaphore(%run_scoped3A_90 : memref<!tpu.dma_semaphore, #tpu.memory_space<semaphore_mem>>) {add = true}
        %dma_wait3A_97 = arith.constant 0 : i32
        %dma_wait3A_98 = tpu.memref_slice %arg10[%run_scoped3A_81, %dma_wait3A_97] : memref<118x64xi32, #tpu.memory_space<vmem>> -> memref<1x64xi32, #tpu.memory_space<vmem>>
        %dma_wait3A_99 = tpu.memref_squeeze %dma_wait3A_98 : memref<1x64xi32, #tpu.memory_space<vmem>> -> memref<64xi32, #tpu.memory_space<vmem>>
        %dma_wait3A_100 = arith.constant 0 : i32
        %dma_wait3A_101 = arith.constant 0 : i32
        %dma_wait3A_102 = tpu.memref_slice %arg13[%dma_wait3A_100, %dma_wait3A_101] : memref<10240x128xf32, #tpu.memory_space<vmem_shared>> -> memref<10240x128xf32, #tpu.memory_space<vmem_shared>>
        tpu.wait_indirect_dma semaphore(%run_scoped3A_90 : memref<!tpu.dma_semaphore, #tpu.memory_space<semaphore_mem>>) src(%arg11 : memref<64x128xf32, #tpu.memory_space<vmem>>) dst(%dma_wait3A_102 : memref<10240x128xf32, #tpu.memory_space<vmem_shared>>)
        tpu.yield
      }) : () -> ()
      %dma_wait3A_82 = arith.constant 41 : i32
      %dma_wait3A_83 = arith.constant 0 : i32
      %dma_wait3A_84 = tpu.memref_slice %arg9[%dma_wait3A_82, %dma_wait3A_83] : memref<118x64xi32, #tpu.memory_space<vmem>> -> memref<1x64xi32, #tpu.memory_space<vmem>>
      %dma_wait3A_85 = tpu.memref_squeeze %dma_wait3A_84 : memref<1x64xi32, #tpu.memory_space<vmem>> -> memref<64xi32, #tpu.memory_space<vmem>>
      %dma_wait3A_86 = arith.constant 0 : i32
      %dma_wait3A_87 = arith.constant 0 : i32
      %dma_wait3A_88 = tpu.memref_slice %arg2[%dma_wait3A_86, %dma_wait3A_87] : memref<10240x128xf32, #tpu.memory_space<hbm>> -> memref<10240x128xf32, #tpu.memory_space<hbm>>
      tpu.wait_indirect_dma semaphore(%arg15 : memref<!tpu.dma_semaphore, #tpu.memory_space<semaphore_mem>>) src(%dma_wait3A_88 : memref<10240x128xf32, #tpu.memory_space<hbm>>) dst(%arg12 : memref<64x128xf32, #tpu.memory_space<vmem>>)
      %run_scoped3A_89 = arith.constant 41 : i32
      "tpu.region"() ({
        %run_scoped3A_90 = tpu.sem_alloc : memref<!tpu.dma_semaphore, #tpu.memory_space<semaphore_mem>>
        %dma_start3A_91 = arith.constant 0 : i32
        %dma_start3A_92 = tpu.memref_slice %arg10[%run_scoped3A_89, %dma_start3A_91] : memref<118x64xi32, #tpu.memory_space<vmem>> -> memref<1x64xi32, #tpu.memory_space<vmem>>
        %dma_start3A_93 = tpu.memref_squeeze %dma_start3A_92 : memref<1x64xi32, #tpu.memory_space<vmem>> -> memref<64xi32, #tpu.memory_space<vmem>>
        %dma_start3A_94 = arith.constant 0 : i32
        %dma_start3A_95 = arith.constant 0 : i32
        %dma_start3A_96 = tpu.memref_slice %arg13[%dma_start3A_94, %dma_start3A_95] : memref<10240x128xf32, #tpu.memory_space<vmem_shared>> -> memref<10240x128xf32, #tpu.memory_space<vmem_shared>>
        tpu.enqueue_indirect_dma source(%arg12 : memref<64x128xf32, #tpu.memory_space<vmem>>) target(%dma_start3A_96 : memref<10240x128xf32, #tpu.memory_space<vmem_shared>>) offsets(%dma_start3A_93 : memref<64xi32, #tpu.memory_space<vmem>>) semaphore(%run_scoped3A_90 : memref<!tpu.dma_semaphore, #tpu.memory_space<semaphore_mem>>) {add = true}
        %dma_wait3A_97 = arith.constant 0 : i32
        %dma_wait3A_98 = tpu.memref_slice %arg10[%run_scoped3A_89, %dma_wait3A_97] : memref<118x64xi32, #tpu.memory_space<vmem>> -> memref<1x64xi32, #tpu.memory_space<vmem>>
        %dma_wait3A_99 = tpu.memref_squeeze %dma_wait3A_98 : memref<1x64xi32, #tpu.memory_space<vmem>> -> memref<64xi32, #tpu.memory_space<vmem>>
        %dma_wait3A_100 = arith.constant 0 : i32
        %dma_wait3A_101 = arith.constant 0 : i32
        %dma_wait3A_102 = tpu.memref_slice %arg13[%dma_wait3A_100, %dma_wait3A_101] : memref<10240x128xf32, #tpu.memory_space<vmem_shared>> -> memref<10240x128xf32, #tpu.memory_space<vmem_shared>>
        tpu.wait_indirect_dma semaphore(%run_scoped3A_90 : memref<!tpu.dma_semaphore, #tpu.memory_space<semaphore_mem>>) src(%arg12 : memref<64x128xf32, #tpu.memory_space<vmem>>) dst(%dma_wait3A_102 : memref<10240x128xf32, #tpu.memory_space<vmem_shared>>)
        tpu.yield
      }) : () -> ()
    } else {
    }
    %barrier3A_12 = arith.constant 0 : index
    tpu.barrier barrier_id(%barrier3A_12)
    %eq3A_13 = arith.constant 0 : i32
    %eq3A_14 = arith.cmpi eq, %arg1, %eq3A_13 : i32
    %convert_element_type3A_15 = arith.extui %eq3A_14 : i1 to i32
    %cond3A_16 = arith.constant 0 : i32
    %cond3A_17 = arith.cmpi ne, %convert_element_type3A_15, %cond3A_16 : i32
    scf.if %cond3A_17 {
      "tpu.region"() ({
        %run_scoped3A = tpu.sem_alloc : memref<!tpu.dma_semaphore, #tpu.memory_space<semaphore_mem>>
        %dma_start3A = arith.constant 0 : i32
        %dma_start3A_18 = arith.constant 0 : i32
        %dma_start3A_19 = tpu.memref_slice %arg8[%arg0, %dma_start3A, %dma_start3A_18] : memref<2x10240x128xf32, #tpu.memory_space<hbm>> -> memref<1x10240x128xf32, #tpu.memory_space<hbm>>
        %dma_start3A_20 = tpu.memref_squeeze %dma_start3A_19 : memref<1x10240x128xf32, #tpu.memory_space<hbm>> -> memref<10240x128xf32, #tpu.memory_space<hbm>>
        tpu.enqueue_dma source(%arg13 : memref<10240x128xf32, #tpu.memory_space<vmem_shared>>) target(%dma_start3A_20 : memref<10240x128xf32, #tpu.memory_space<hbm>>) target_semaphore(%run_scoped3A : memref<!tpu.dma_semaphore, #tpu.memory_space<semaphore_mem>>)
        %dma_wait3A = arith.constant 0 : i32
        %dma_wait3A_21 = arith.constant 0 : i32
        %dma_wait3A_22 = tpu.memref_slice %arg8[%arg0, %dma_wait3A, %dma_wait3A_21] : memref<2x10240x128xf32, #tpu.memory_space<hbm>> -> memref<1x10240x128xf32, #tpu.memory_space<hbm>>
        %dma_wait3A_23 = tpu.memref_squeeze %dma_wait3A_22 : memref<1x10240x128xf32, #tpu.memory_space<hbm>> -> memref<10240x128xf32, #tpu.memory_space<hbm>>
        tpu.wait_dma2 semaphore(%run_scoped3A : memref<!tpu.dma_semaphore, #tpu.memory_space<semaphore_mem>>) src(%arg13 : memref<10240x128xf32, #tpu.memory_space<vmem_shared>>) dst(%dma_wait3A_23 : memref<10240x128xf32, #tpu.memory_space<hbm>>)
        tpu.yield
      }) : () -> ()
    } else {
    }
    return
  }
}

#map = affine_map<(d0, d1) -> (0, 0, 0, 0)>
#map1 = affine_map<(d0, d1) -> (0, 0)>
#map2 = affine_map<(d0, d1) -> (0, 0, 0)>
module attributes {stable_mosaic.version = 14 : i64} {
  func.func @body(%arg0: i32, %arg1: i32, %arg2: memref<32x2x80x64xi32, #tpu.memory_space<hbm>>, %arg3: memref<10240x128xf32, #tpu.memory_space<hbm>>, %arg4: memref<2x10240x128xf32, #tpu.memory_space<hbm>>, %arg5: memref<80x64xi32, #tpu.memory_space<vmem>>, %arg6: memref<64x128xf32, #tpu.memory_space<vmem>>, %arg7: memref<10240x128xf32, #tpu.memory_space<vmem_shared>>) attributes {dimension_semantics = [#tpu.dimension_semantics<core_parallel>, #tpu.dimension_semantics<subcore_parallel>], iteration_bounds = array<i64: 2, 16>, scalar_prefetch = 0 : i64, scratch_operands = 3 : i64, tpu.core_type = #tpu.core_type<sc_vector_subcore>, window_params = [{transform_indices = #map}, {transform_indices = #map1}, {transform_indices = #map2}]} {
    %mul3A = arith.constant 2 : i32
    %mul3A_0 = arith.muli %arg1, %mul3A : i32
    %add3A = arith.addi %mul3A_0, %arg0 : i32
    %eq3A = arith.constant 0 : i32
    %eq3A_1 = arith.cmpi eq, %arg1, %eq3A : i32
    %convert_element_type3A = arith.extui %eq3A_1 : i1 to i32
    %cond3A = arith.constant 0 : i32
    %cond3A_2 = arith.cmpi ne, %convert_element_type3A, %cond3A : i32
    scf.if %cond3A_2 {
      "tpu.region"() ({
        %run_scoped3A_28 = tpu.sem_alloc : memref<!tpu.dma_semaphore, #tpu.memory_space<semaphore_mem>>
        tpu.enqueue_dma source(%arg3 : memref<10240x128xf32, #tpu.memory_space<hbm>>) target(%arg7 : memref<10240x128xf32, #tpu.memory_space<vmem_shared>>) target_semaphore(%run_scoped3A_28 : memref<!tpu.dma_semaphore, #tpu.memory_space<semaphore_mem>>)
        tpu.wait_dma2 semaphore(%run_scoped3A_28 : memref<!tpu.dma_semaphore, #tpu.memory_space<semaphore_mem>>) src(%arg3 : memref<10240x128xf32, #tpu.memory_space<hbm>>) dst(%arg7 : memref<10240x128xf32, #tpu.memory_space<vmem_shared>>)
        tpu.yield
      }) : () -> ()
    } else {
    }
    %broadcast_in_dim3A = arith.constant 1.000000e+00 : f32
    %broadcast_in_dim3A_3 = vector.broadcast %broadcast_in_dim3A : f32 to vector<16xf32>
    %scan3A = arith.constant 0 : i32
    %scan3A_4 = arith.constant 0 : i32
    %scan3A_5 = arith.constant 64 : i32
    %scan3A_6 = arith.addi %scan3A_4, %scan3A_5 : i32
    %scan3A_7 = arith.constant 1 : i32
    scf.for %scan3A_28 = %scan3A_4 to %scan3A_6 step %scan3A_7  : i32 {
      %swap3A = arith.index_cast %scan3A_28 : i32 to index
      %swap3A_29 = arith.constant 0 : index
      %swap3A_30 = tpu.vector_load %arg6[%swap3A, %swap3A_29] {strides = array<i32>} : memref<64x128xf32, #tpu.memory_space<vmem>>, vector<1x16xf32>,
      %swap3A_31 = vector.shape_cast %swap3A_30 : vector<1x16xf32> to vector<16xf32>
      %swap3A_32 = vector.shape_cast %broadcast_in_dim3A_3 : vector<16xf32> to vector<1x16xf32>
      tpu.vector_store %arg6[%swap3A, %swap3A_29], %swap3A_32 {strides = array<i32>} : memref<64x128xf32, #tpu.memory_space<vmem>>, vector<1x16xf32>,
      %swap3A_33 = arith.index_cast %scan3A_28 : i32 to index
      %swap3A_34 = arith.constant 16 : index
      %swap3A_35 = tpu.vector_load %arg6[%swap3A_33, %swap3A_34] {strides = array<i32>} : memref<64x128xf32, #tpu.memory_space<vmem>>, vector<1x16xf32>,
      %swap3A_36 = vector.shape_cast %swap3A_35 : vector<1x16xf32> to vector<16xf32>
      %swap3A_37 = vector.shape_cast %broadcast_in_dim3A_3 : vector<16xf32> to vector<1x16xf32>
      tpu.vector_store %arg6[%swap3A_33, %swap3A_34], %swap3A_37 {strides = array<i32>} : memref<64x128xf32, #tpu.memory_space<vmem>>, vector<1x16xf32>,
      %swap3A_38 = arith.index_cast %scan3A_28 : i32 to index
      %swap3A_39 = arith.constant 32 : index
      %swap3A_40 = tpu.vector_load %arg6[%swap3A_38, %swap3A_39] {strides = array<i32>} : memref<64x128xf32, #tpu.memory_space<vmem>>, vector<1x16xf32>,
      %swap3A_41 = vector.shape_cast %swap3A_40 : vector<1x16xf32> to vector<16xf32>
      %swap3A_42 = vector.shape_cast %broadcast_in_dim3A_3 : vector<16xf32> to vector<1x16xf32>
      tpu.vector_store %arg6[%swap3A_38, %swap3A_39], %swap3A_42 {strides = array<i32>} : memref<64x128xf32, #tpu.memory_space<vmem>>, vector<1x16xf32>,
      %swap3A_43 = arith.index_cast %scan3A_28 : i32 to index
      %swap3A_44 = arith.constant 48 : index
      %swap3A_45 = tpu.vector_load %arg6[%swap3A_43, %swap3A_44] {strides = array<i32>} : memref<64x128xf32, #tpu.memory_space<vmem>>, vector<1x16xf32>,
      %swap3A_46 = vector.shape_cast %swap3A_45 : vector<1x16xf32> to vector<16xf32>
      %swap3A_47 = vector.shape_cast %broadcast_in_dim3A_3 : vector<16xf32> to vector<1x16xf32>
      tpu.vector_store %arg6[%swap3A_43, %swap3A_44], %swap3A_47 {strides = array<i32>} : memref<64x128xf32, #tpu.memory_space<vmem>>, vector<1x16xf32>,
      %swap3A_48 = arith.index_cast %scan3A_28 : i32 to index
      %swap3A_49 = arith.constant 64 : index
      %swap3A_50 = tpu.vector_load %arg6[%swap3A_48, %swap3A_49] {strides = array<i32>} : memref<64x128xf32, #tpu.memory_space<vmem>>, vector<1x16xf32>,
      %swap3A_51 = vector.shape_cast %swap3A_50 : vector<1x16xf32> to vector<16xf32>
      %swap3A_52 = vector.shape_cast %broadcast_in_dim3A_3 : vector<16xf32> to vector<1x16xf32>
      tpu.vector_store %arg6[%swap3A_48, %swap3A_49], %swap3A_52 {strides = array<i32>} : memref<64x128xf32, #tpu.memory_space<vmem>>, vector<1x16xf32>,
      %swap3A_53 = arith.index_cast %scan3A_28 : i32 to index
      %swap3A_54 = arith.constant 80 : index
      %swap3A_55 = tpu.vector_load %arg6[%swap3A_53, %swap3A_54] {strides = array<i32>} : memref<64x128xf32, #tpu.memory_space<vmem>>, vector<1x16xf32>,
      %swap3A_56 = vector.shape_cast %swap3A_55 : vector<1x16xf32> to vector<16xf32>
      %swap3A_57 = vector.shape_cast %broadcast_in_dim3A_3 : vector<16xf32> to vector<1x16xf32>
      tpu.vector_store %arg6[%swap3A_53, %swap3A_54], %swap3A_57 {strides = array<i32>} : memref<64x128xf32, #tpu.memory_space<vmem>>, vector<1x16xf32>,
      %swap3A_58 = arith.index_cast %scan3A_28 : i32 to index
      %swap3A_59 = arith.constant 96 : index
      %swap3A_60 = tpu.vector_load %arg6[%swap3A_58, %swap3A_59] {strides = array<i32>} : memref<64x128xf32, #tpu.memory_space<vmem>>, vector<1x16xf32>,
      %swap3A_61 = vector.shape_cast %swap3A_60 : vector<1x16xf32> to vector<16xf32>
      %swap3A_62 = vector.shape_cast %broadcast_in_dim3A_3 : vector<16xf32> to vector<1x16xf32>
      tpu.vector_store %arg6[%swap3A_58, %swap3A_59], %swap3A_62 {strides = array<i32>} : memref<64x128xf32, #tpu.memory_space<vmem>>, vector<1x16xf32>,
      %swap3A_63 = arith.index_cast %scan3A_28 : i32 to index
      %swap3A_64 = arith.constant 112 : index
      %swap3A_65 = tpu.vector_load %arg6[%swap3A_63, %swap3A_64] {strides = array<i32>} : memref<64x128xf32, #tpu.memory_space<vmem>>, vector<1x16xf32>,
      %swap3A_66 = vector.shape_cast %swap3A_65 : vector<1x16xf32> to vector<16xf32>
      %swap3A_67 = vector.shape_cast %broadcast_in_dim3A_3 : vector<16xf32> to vector<1x16xf32>
      tpu.vector_store %arg6[%swap3A_63, %swap3A_64], %swap3A_67 {strides = array<i32>} : memref<64x128xf32, #tpu.memory_space<vmem>>, vector<1x16xf32>,
    }
    %scan3A_8 = arith.constant 64 : i32
    %barrier3A = arith.constant 0 : index
    tpu.barrier barrier_id(%barrier3A)
    %run_scoped3A = arith.constant 0 : i32
    "tpu.region"() ({
      %run_scoped3A_28 = tpu.sem_alloc : memref<!tpu.dma_semaphore, #tpu.memory_space<semaphore_mem>>
      %dma_start3A = arith.constant 0 : i32
      %dma_start3A_29 = arith.constant 0 : i32
      %dma_start3A_30 = tpu.memref_slice %arg2[%add3A, %run_scoped3A, %dma_start3A, %dma_start3A_29] : memref<32x2x80x64xi32, #tpu.memory_space<hbm>> -> memref<1x1x80x64xi32, #tpu.memory_space<hbm>>
      %dma_start3A_31 = tpu.memref_squeeze %dma_start3A_30 : memref<1x1x80x64xi32, #tpu.memory_space<hbm>> -> memref<80x64xi32, #tpu.memory_space<hbm>>
      %dma_start3A_32 = arith.constant 0 : i32
      %dma_start3A_33 = arith.constant 0 : i32
      %dma_start3A_34 = tpu.memref_slice %arg2[%add3A, %run_scoped3A, %dma_start3A_32, %dma_start3A_33] : memref<32x2x80x64xi32, #tpu.memory_space<hbm>> -> memref<1x1x80x64xi32, #tpu.memory_space<hbm>>
      %dma_start3A_35 = tpu.memref_squeeze %dma_start3A_34 : memref<1x1x80x64xi32, #tpu.memory_space<hbm>> -> memref<80x64xi32, #tpu.memory_space<hbm>>
      tpu.enqueue_dma source(%dma_start3A_35 : memref<80x64xi32, #tpu.memory_space<hbm>>) target(%arg5 : memref<80x64xi32, #tpu.memory_space<vmem>>) target_semaphore(%run_scoped3A_28 : memref<!tpu.dma_semaphore, #tpu.memory_space<semaphore_mem>>)
      %dma_wait3A = arith.constant 0 : i32
      %dma_wait3A_36 = arith.constant 0 : i32
      %dma_wait3A_37 = tpu.memref_slice %arg2[%add3A, %run_scoped3A, %dma_wait3A, %dma_wait3A_36] : memref<32x2x80x64xi32, #tpu.memory_space<hbm>> -> memref<1x1x80x64xi32, #tpu.memory_space<hbm>>
      %dma_wait3A_38 = tpu.memref_squeeze %dma_wait3A_37 : memref<1x1x80x64xi32, #tpu.memory_space<hbm>> -> memref<80x64xi32, #tpu.memory_space<hbm>>
      %dma_wait3A_39 = arith.constant 0 : i32
      %dma_wait3A_40 = arith.constant 0 : i32
      %dma_wait3A_41 = tpu.memref_slice %arg2[%add3A, %run_scoped3A, %dma_wait3A_39, %dma_wait3A_40] : memref<32x2x80x64xi32, #tpu.memory_space<hbm>> -> memref<1x1x80x64xi32, #tpu.memory_space<hbm>>
      %dma_wait3A_42 = tpu.memref_squeeze %dma_wait3A_41 : memref<1x1x80x64xi32, #tpu.memory_space<hbm>> -> memref<80x64xi32, #tpu.memory_space<hbm>>
      tpu.wait_dma2 semaphore(%run_scoped3A_28 : memref<!tpu.dma_semaphore, #tpu.memory_space<semaphore_mem>>) src(%dma_wait3A_42 : memref<80x64xi32, #tpu.memory_space<hbm>>) dst(%arg5 : memref<80x64xi32, #tpu.memory_space<vmem>>)
      tpu.yield
    }) : () -> ()
    %scan3A_9 = arith.constant 0 : i32
    %scan3A_10 = arith.constant 0 : i32
    %scan3A_11 = arith.constant 80 : i32
    %scan3A_12 = arith.addi %scan3A_10, %scan3A_11 : i32
    %scan3A_13 = arith.constant 1 : i32
    scf.for %scan3A_28 = %scan3A_10 to %scan3A_12 step %scan3A_13  : i32 {
      "tpu.region"() ({
        %run_scoped3A_29 = tpu.sem_alloc : memref<!tpu.dma_semaphore, #tpu.memory_space<semaphore_mem>>
        %dma_start3A = arith.constant 0 : i32
        %dma_start3A_30 = tpu.memref_slice %arg5[%scan3A_28, %dma_start3A] : memref<80x64xi32, #tpu.memory_space<vmem>> -> memref<1x64xi32, #tpu.memory_space<vmem>>
        %dma_start3A_31 = tpu.memref_squeeze %dma_start3A_30 : memref<1x64xi32, #tpu.memory_space<vmem>> -> memref<64xi32, #tpu.memory_space<vmem>>
        %dma_start3A_32 = arith.constant 0 : i32
        %dma_start3A_33 = arith.constant 0 : i32
        %dma_start3A_34 = tpu.memref_slice %arg7[%dma_start3A_32, %dma_start3A_33] : memref<10240x128xf32, #tpu.memory_space<vmem_shared>> -> memref<10240x128xf32, #tpu.memory_space<vmem_shared>>
        tpu.enqueue_indirect_dma source(%arg6 : memref<64x128xf32, #tpu.memory_space<vmem>>) target(%dma_start3A_34 : memref<10240x128xf32, #tpu.memory_space<vmem_shared>>) offsets(%dma_start3A_31 : memref<64xi32, #tpu.memory_space<vmem>>) semaphore(%run_scoped3A_29 : memref<!tpu.dma_semaphore, #tpu.memory_space<semaphore_mem>>) {add = true}
        %dma_wait3A = arith.constant 0 : i32
        %dma_wait3A_35 = tpu.memref_slice %arg5[%scan3A_28, %dma_wait3A] : memref<80x64xi32, #tpu.memory_space<vmem>> -> memref<1x64xi32, #tpu.memory_space<vmem>>
        %dma_wait3A_36 = tpu.memref_squeeze %dma_wait3A_35 : memref<1x64xi32, #tpu.memory_space<vmem>> -> memref<64xi32, #tpu.memory_space<vmem>>
        %dma_wait3A_37 = arith.constant 0 : i32
        %dma_wait3A_38 = arith.constant 0 : i32
        %dma_wait3A_39 = tpu.memref_slice %arg7[%dma_wait3A_37, %dma_wait3A_38] : memref<10240x128xf32, #tpu.memory_space<vmem_shared>> -> memref<10240x128xf32, #tpu.memory_space<vmem_shared>>
        tpu.wait_indirect_dma semaphore(%run_scoped3A_29 : memref<!tpu.dma_semaphore, #tpu.memory_space<semaphore_mem>>) src(%arg6 : memref<64x128xf32, #tpu.memory_space<vmem>>) dst(%dma_wait3A_39 : memref<10240x128xf32, #tpu.memory_space<vmem_shared>>)
        tpu.yield
      }) : () -> ()
    }
    %scan3A_14 = arith.constant 80 : i32
    %run_scoped3A_15 = arith.constant 1 : i32
    "tpu.region"() ({
      %run_scoped3A_28 = tpu.sem_alloc : memref<!tpu.dma_semaphore, #tpu.memory_space<semaphore_mem>>
      %dma_start3A = arith.constant 0 : i32
      %dma_start3A_29 = arith.constant 0 : i32
      %dma_start3A_30 = tpu.memref_slice %arg2[%add3A, %run_scoped3A_15, %dma_start3A, %dma_start3A_29] : memref<32x2x80x64xi32, #tpu.memory_space<hbm>> -> memref<1x1x80x64xi32, #tpu.memory_space<hbm>>
      %dma_start3A_31 = tpu.memref_squeeze %dma_start3A_30 : memref<1x1x80x64xi32, #tpu.memory_space<hbm>> -> memref<80x64xi32, #tpu.memory_space<hbm>>
      %dma_start3A_32 = arith.constant 0 : i32
      %dma_start3A_33 = arith.constant 0 : i32
      %dma_start3A_34 = tpu.memref_slice %arg2[%add3A, %run_scoped3A_15, %dma_start3A_32, %dma_start3A_33] : memref<32x2x80x64xi32, #tpu.memory_space<hbm>> -> memref<1x1x80x64xi32, #tpu.memory_space<hbm>>
      %dma_start3A_35 = tpu.memref_squeeze %dma_start3A_34 : memref<1x1x80x64xi32, #tpu.memory_space<hbm>> -> memref<80x64xi32, #tpu.memory_space<hbm>>
      tpu.enqueue_dma source(%dma_start3A_35 : memref<80x64xi32, #tpu.memory_space<hbm>>) target(%arg5 : memref<80x64xi32, #tpu.memory_space<vmem>>) target_semaphore(%run_scoped3A_28 : memref<!tpu.dma_semaphore, #tpu.memory_space<semaphore_mem>>)
      %dma_wait3A = arith.constant 0 : i32
      %dma_wait3A_36 = arith.constant 0 : i32
      %dma_wait3A_37 = tpu.memref_slice %arg2[%add3A, %run_scoped3A_15, %dma_wait3A, %dma_wait3A_36] : memref<32x2x80x64xi32, #tpu.memory_space<hbm>> -> memref<1x1x80x64xi32, #tpu.memory_space<hbm>>
      %dma_wait3A_38 = tpu.memref_squeeze %dma_wait3A_37 : memref<1x1x80x64xi32, #tpu.memory_space<hbm>> -> memref<80x64xi32, #tpu.memory_space<hbm>>
      %dma_wait3A_39 = arith.constant 0 : i32
      %dma_wait3A_40 = arith.constant 0 : i32
      %dma_wait3A_41 = tpu.memref_slice %arg2[%add3A, %run_scoped3A_15, %dma_wait3A_39, %dma_wait3A_40] : memref<32x2x80x64xi32, #tpu.memory_space<hbm>> -> memref<1x1x80x64xi32, #tpu.memory_space<hbm>>
      %dma_wait3A_42 = tpu.memref_squeeze %dma_wait3A_41 : memref<1x1x80x64xi32, #tpu.memory_space<hbm>> -> memref<80x64xi32, #tpu.memory_space<hbm>>
      tpu.wait_dma2 semaphore(%run_scoped3A_28 : memref<!tpu.dma_semaphore, #tpu.memory_space<semaphore_mem>>) src(%dma_wait3A_42 : memref<80x64xi32, #tpu.memory_space<hbm>>) dst(%arg5 : memref<80x64xi32, #tpu.memory_space<vmem>>)
      tpu.yield
    }) : () -> ()
    %scan3A_16 = arith.constant 0 : i32
    %scan3A_17 = arith.constant 0 : i32
    %scan3A_18 = arith.constant 80 : i32
    %scan3A_19 = arith.addi %scan3A_17, %scan3A_18 : i32
    %scan3A_20 = arith.constant 1 : i32
    scf.for %scan3A_28 = %scan3A_17 to %scan3A_19 step %scan3A_20  : i32 {
      "tpu.region"() ({
        %run_scoped3A_29 = tpu.sem_alloc : memref<!tpu.dma_semaphore, #tpu.memory_space<semaphore_mem>>
        %dma_start3A = arith.constant 0 : i32
        %dma_start3A_30 = tpu.memref_slice %arg5[%scan3A_28, %dma_start3A] : memref<80x64xi32, #tpu.memory_space<vmem>> -> memref<1x64xi32, #tpu.memory_space<vmem>>
        %dma_start3A_31 = tpu.memref_squeeze %dma_start3A_30 : memref<1x64xi32, #tpu.memory_space<vmem>> -> memref<64xi32, #tpu.memory_space<vmem>>
        %dma_start3A_32 = arith.constant 0 : i32
        %dma_start3A_33 = arith.constant 0 : i32
        %dma_start3A_34 = tpu.memref_slice %arg7[%dma_start3A_32, %dma_start3A_33] : memref<10240x128xf32, #tpu.memory_space<vmem_shared>> -> memref<10240x128xf32, #tpu.memory_space<vmem_shared>>
        tpu.enqueue_indirect_dma source(%arg6 : memref<64x128xf32, #tpu.memory_space<vmem>>) target(%dma_start3A_34 : memref<10240x128xf32, #tpu.memory_space<vmem_shared>>) offsets(%dma_start3A_31 : memref<64xi32, #tpu.memory_space<vmem>>) semaphore(%run_scoped3A_29 : memref<!tpu.dma_semaphore, #tpu.memory_space<semaphore_mem>>) {add = true}
        %dma_wait3A = arith.constant 0 : i32
        %dma_wait3A_35 = tpu.memref_slice %arg5[%scan3A_28, %dma_wait3A] : memref<80x64xi32, #tpu.memory_space<vmem>> -> memref<1x64xi32, #tpu.memory_space<vmem>>
        %dma_wait3A_36 = tpu.memref_squeeze %dma_wait3A_35 : memref<1x64xi32, #tpu.memory_space<vmem>> -> memref<64xi32, #tpu.memory_space<vmem>>
        %dma_wait3A_37 = arith.constant 0 : i32
        %dma_wait3A_38 = arith.constant 0 : i32
        %dma_wait3A_39 = tpu.memref_slice %arg7[%dma_wait3A_37, %dma_wait3A_38] : memref<10240x128xf32, #tpu.memory_space<vmem_shared>> -> memref<10240x128xf32, #tpu.memory_space<vmem_shared>>
        tpu.wait_indirect_dma semaphore(%run_scoped3A_29 : memref<!tpu.dma_semaphore, #tpu.memory_space<semaphore_mem>>) src(%arg6 : memref<64x128xf32, #tpu.memory_space<vmem>>) dst(%dma_wait3A_39 : memref<10240x128xf32, #tpu.memory_space<vmem_shared>>)
        tpu.yield
      }) : () -> ()
    }
    %scan3A_21 = arith.constant 80 : i32
    %barrier3A_22 = arith.constant 0 : index
    tpu.barrier barrier_id(%barrier3A_22)
    %eq3A_23 = arith.constant 0 : i32
    %eq3A_24 = arith.cmpi eq, %arg1, %eq3A_23 : i32
    %convert_element_type3A_25 = arith.extui %eq3A_24 : i1 to i32
    %cond3A_26 = arith.constant 0 : i32
    %cond3A_27 = arith.cmpi ne, %convert_element_type3A_25, %cond3A_26 : i32
    scf.if %cond3A_27 {
      "tpu.region"() ({
        %run_scoped3A_28 = tpu.sem_alloc : memref<!tpu.dma_semaphore, #tpu.memory_space<semaphore_mem>>
        %dma_start3A = arith.constant 0 : i32
        %dma_start3A_29 = arith.constant 0 : i32
        %dma_start3A_30 = tpu.memref_slice %arg4[%arg0, %dma_start3A, %dma_start3A_29] : memref<2x10240x128xf32, #tpu.memory_space<hbm>> -> memref<1x10240x128xf32, #tpu.memory_space<hbm>>
        %dma_start3A_31 = tpu.memref_squeeze %dma_start3A_30 : memref<1x10240x128xf32, #tpu.memory_space<hbm>> -> memref<10240x128xf32, #tpu.memory_space<hbm>>
        tpu.enqueue_dma source(%arg7 : memref<10240x128xf32, #tpu.memory_space<vmem_shared>>) target(%dma_start3A_31 : memref<10240x128xf32, #tpu.memory_space<hbm>>) target_semaphore(%run_scoped3A_28 : memref<!tpu.dma_semaphore, #tpu.memory_space<semaphore_mem>>)
        %dma_wait3A = arith.constant 0 : i32
        %dma_wait3A_32 = arith.constant 0 : i32
        %dma_wait3A_33 = tpu.memref_slice %arg4[%arg0, %dma_wait3A, %dma_wait3A_32] : memref<2x10240x128xf32, #tpu.memory_space<hbm>> -> memref<1x10240x128xf32, #tpu.memory_space<hbm>>
        %dma_wait3A_34 = tpu.memref_squeeze %dma_wait3A_33 : memref<1x10240x128xf32, #tpu.memory_space<hbm>> -> memref<10240x128xf32, #tpu.memory_space<hbm>>
        tpu.wait_dma2 semaphore(%run_scoped3A_28 : memref<!tpu.dma_semaphore, #tpu.memory_space<semaphore_mem>>) src(%arg7 : memref<10240x128xf32, #tpu.memory_space<vmem_shared>>) dst(%dma_wait3A_34 : memref<10240x128xf32, #tpu.memory_space<hbm>>)
        tpu.yield
      }) : () -> ()
    } else {
    }
    return
  }
}

#map = affine_map<(d0, d1) -> (0, 0)>
#map1 = affine_map<(d0, d1) -> (0, 0, 0, 0)>
#map2 = affine_map<(d0, d1) -> (0, 0, 0)>
module attributes {stable_mosaic.version = 14 : i64} {
  func.func @body(%arg0: i32, %arg1: i32, %arg2: memref<10240x128xf32, #tpu.memory_space<hbm>>, %arg3: memref<16x2x118x64xi32, #tpu.memory_space<hbm>>, %arg4: memref<16x2x118x64xi32, #tpu.memory_space<hbm>>, %arg5: memref<16x2x42x64xi32, #tpu.memory_space<hbm>>, %arg6: memref<16x2x42x64xi32, #tpu.memory_space<hbm>>, %arg7: memref<10240x128xf32, #tpu.memory_space<hbm>>, %arg8: memref<2x10240x128xf32, #tpu.memory_space<hbm>>, %arg9: memref<118x64xi32, #tpu.memory_space<vmem>>, %arg10: memref<118x64xi32, #tpu.memory_space<vmem>>, %arg11: memref<64x128xf32, #tpu.memory_space<vmem>>, %arg12: memref<64x128xf32, #tpu.memory_space<vmem>>, %arg13: memref<10240x128xf32, #tpu.memory_space<vmem_shared>>, %arg14: memref<!tpu.dma_semaphore, #tpu.memory_space<semaphore_mem>>, %arg15: memref<!tpu.dma_semaphore, #tpu.memory_space<semaphore_mem>>) attributes {dimension_semantics = [#tpu.dimension_semantics<core_parallel>, #tpu.dimension_semantics<subcore_parallel>], iteration_bounds = array<i64: 2, 16>, scalar_prefetch = 0 : i64, scratch_operands = 7 : i64, tpu.core_type = #tpu.core_type<sc_vector_subcore>, window_params = [{transform_indices = #map}, {transform_indices = #map1}, {transform_indices = #map1}, {transform_indices = #map1}, {transform_indices = #map1}, {transform_indices = #map}, {transform_indices = #map2}]} {
    %eq3A = arith.constant 0 : i32
    %eq3A_0 = arith.cmpi eq, %arg1, %eq3A : i32
    %convert_element_type3A = arith.extui %eq3A_0 : i1 to i32
    %cond3A = arith.constant 0 : i32
    %cond3A_1 = arith.cmpi ne, %convert_element_type3A, %cond3A : i32
    scf.if %cond3A_1 {
      "tpu.region"() ({
        %run_scoped3A = tpu.sem_alloc : memref<!tpu.dma_semaphore, #tpu.memory_space<semaphore_mem>>
        tpu.enqueue_dma source(%arg7 : memref<10240x128xf32, #tpu.memory_space<hbm>>) target(%arg13 : memref<10240x128xf32, #tpu.memory_space<vmem_shared>>) target_semaphore(%run_scoped3A : memref<!tpu.dma_semaphore, #tpu.memory_space<semaphore_mem>>)
        tpu.wait_dma2 semaphore(%run_scoped3A : memref<!tpu.dma_semaphore, #tpu.memory_space<semaphore_mem>>) src(%arg7 : memref<10240x128xf32, #tpu.memory_space<hbm>>) dst(%arg13 : memref<10240x128xf32, #tpu.memory_space<vmem_shared>>)
        tpu.yield
      }) : () -> ()
    } else {
    }
    %barrier3A = arith.constant 0 : index
    tpu.barrier barrier_id(%barrier3A)
    %eq3A_2 = arith.constant 0 : i32
    %eq3A_3 = arith.cmpi eq, %arg0, %eq3A_2 : i32
    %convert_element_type3A_4 = arith.extui %eq3A_3 : i1 to i32
    %cond3A_5 = arith.constant 0 : i32
    %cond3A_6 = arith.cmpi ne, %convert_element_type3A_4, %cond3A_5 : i32
    scf.if %cond3A_6 {
      %run_scoped3A = arith.constant 0 : i32
      "tpu.region"() ({
        %run_scoped3A_90 = tpu.sem_alloc : memref<!tpu.dma_semaphore, #tpu.memory_space<semaphore_mem>>
        %dma_start3A_91 = arith.constant 0 : i32
        %dma_start3A_92 = arith.constant 0 : i32
        %dma_start3A_93 = tpu.memref_slice %arg9[%dma_start3A_91, %dma_start3A_92] : memref<118x64xi32, #tpu.memory_space<vmem>> -> memref<118x64xi32, #tpu.memory_space<vmem>>
        %dma_start3A_94 = arith.constant 0 : i32
        %dma_start3A_95 = arith.constant 0 : i32
        %dma_start3A_96 = tpu.memref_slice %arg3[%arg1, %run_scoped3A, %dma_start3A_94, %dma_start3A_95] : memref<16x2x118x64xi32, #tpu.memory_space<hbm>> -> memref<1x1x118x64xi32, #tpu.memory_space<hbm>>
        %dma_start3A_97 = tpu.memref_squeeze %dma_start3A_96 : memref<1x1x118x64xi32, #tpu.memory_space<hbm>> -> memref<118x64xi32, #tpu.memory_space<hbm>>
        %dma_start3A_98 = arith.constant 0 : i32
        %dma_start3A_99 = arith.constant 0 : i32
        %dma_start3A_100 = tpu.memref_slice %arg9[%dma_start3A_98, %dma_start3A_99] : memref<118x64xi32, #tpu.memory_space<vmem>> -> memref<118x64xi32, #tpu.memory_space<vmem>>
        %dma_start3A_101 = arith.constant 0 : i32
        %dma_start3A_102 = arith.constant 0 : i32
        %dma_start3A_103 = tpu.memref_slice %arg3[%arg1, %run_scoped3A, %dma_start3A_101, %dma_start3A_102] : memref<16x2x118x64xi32, #tpu.memory_space<hbm>> -> memref<1x1x118x64xi32, #tpu.memory_space<hbm>>
        %dma_start3A_104 = tpu.memref_squeeze %dma_start3A_103 : memref<1x1x118x64xi32, #tpu.memory_space<hbm>> -> memref<118x64xi32, #tpu.memory_space<hbm>>
        tpu.enqueue_dma source(%dma_start3A_104 : memref<118x64xi32, #tpu.memory_space<hbm>>) target(%dma_start3A_100 : memref<118x64xi32, #tpu.memory_space<vmem>>) target_semaphore(%run_scoped3A_90 : memref<!tpu.dma_semaphore, #tpu.memory_space<semaphore_mem>>)
        %dma_wait3A_105 = arith.constant 0 : i32
        %dma_wait3A_106 = arith.constant 0 : i32
        %dma_wait3A_107 = tpu.memref_slice %arg9[%dma_wait3A_105, %dma_wait3A_106] : memref<118x64xi32, #tpu.memory_space<vmem>> -> memref<118x64xi32, #tpu.memory_space<vmem>>
        %dma_wait3A_108 = arith.constant 0 : i32
        %dma_wait3A_109 = arith.constant 0 : i32
        %dma_wait3A_110 = tpu.memref_slice %arg3[%arg1, %run_scoped3A, %dma_wait3A_108, %dma_wait3A_109] : memref<16x2x118x64xi32, #tpu.memory_space<hbm>> -> memref<1x1x118x64xi32, #tpu.memory_space<hbm>>
        %dma_wait3A_111 = tpu.memref_squeeze %dma_wait3A_110 : memref<1x1x118x64xi32, #tpu.memory_space<hbm>> -> memref<118x64xi32, #tpu.memory_space<hbm>>
        %dma_wait3A_112 = arith.constant 0 : i32
        %dma_wait3A_113 = arith.constant 0 : i32
        %dma_wait3A_114 = tpu.memref_slice %arg9[%dma_wait3A_112, %dma_wait3A_113] : memref<118x64xi32, #tpu.memory_space<vmem>> -> memref<118x64xi32, #tpu.memory_space<vmem>>
        %dma_wait3A_115 = arith.constant 0 : i32
        %dma_wait3A_116 = arith.constant 0 : i32
        %dma_wait3A_117 = tpu.memref_slice %arg3[%arg1, %run_scoped3A, %dma_wait3A_115, %dma_wait3A_116] : memref<16x2x118x64xi32, #tpu.memory_space<hbm>> -> memref<1x1x118x64xi32, #tpu.memory_space<hbm>>
        %dma_wait3A_118 = tpu.memref_squeeze %dma_wait3A_117 : memref<1x1x118x64xi32, #tpu.memory_space<hbm>> -> memref<118x64xi32, #tpu.memory_space<hbm>>
        tpu.wait_dma2 semaphore(%run_scoped3A_90 : memref<!tpu.dma_semaphore, #tpu.memory_space<semaphore_mem>>) src(%dma_wait3A_118 : memref<118x64xi32, #tpu.memory_space<hbm>>) dst(%dma_wait3A_114 : memref<118x64xi32, #tpu.memory_space<vmem>>)
        tpu.yield
      }) : () -> ()
      %run_scoped3A_18 = arith.constant 0 : i32
      "tpu.region"() ({
        %run_scoped3A_90 = tpu.sem_alloc : memref<!tpu.dma_semaphore, #tpu.memory_space<semaphore_mem>>
        %dma_start3A_91 = arith.constant 0 : i32
        %dma_start3A_92 = arith.constant 0 : i32
        %dma_start3A_93 = tpu.memref_slice %arg10[%dma_start3A_91, %dma_start3A_92] : memref<118x64xi32, #tpu.memory_space<vmem>> -> memref<118x64xi32, #tpu.memory_space<vmem>>
        %dma_start3A_94 = arith.constant 0 : i32
        %dma_start3A_95 = arith.constant 0 : i32
        %dma_start3A_96 = tpu.memref_slice %arg4[%arg1, %run_scoped3A_18, %dma_start3A_94, %dma_start3A_95] : memref<16x2x118x64xi32, #tpu.memory_space<hbm>> -> memref<1x1x118x64xi32, #tpu.memory_space<hbm>>
        %dma_start3A_97 = tpu.memref_squeeze %dma_start3A_96 : memref<1x1x118x64xi32, #tpu.memory_space<hbm>> -> memref<118x64xi32, #tpu.memory_space<hbm>>
        %dma_start3A_98 = arith.constant 0 : i32
        %dma_start3A_99 = arith.constant 0 : i32
        %dma_start3A_100 = tpu.memref_slice %arg10[%dma_start3A_98, %dma_start3A_99] : memref<118x64xi32, #tpu.memory_space<vmem>> -> memref<118x64xi32, #tpu.memory_space<vmem>>
        %dma_start3A_101 = arith.constant 0 : i32
        %dma_start3A_102 = arith.constant 0 : i32
        %dma_start3A_103 = tpu.memref_slice %arg4[%arg1, %run_scoped3A_18, %dma_start3A_101, %dma_start3A_102] : memref<16x2x118x64xi32, #tpu.memory_space<hbm>> -> memref<1x1x118x64xi32, #tpu.memory_space<hbm>>
        %dma_start3A_104 = tpu.memref_squeeze %dma_start3A_103 : memref<1x1x118x64xi32, #tpu.memory_space<hbm>> -> memref<118x64xi32, #tpu.memory_space<hbm>>
        tpu.enqueue_dma source(%dma_start3A_104 : memref<118x64xi32, #tpu.memory_space<hbm>>) target(%dma_start3A_100 : memref<118x64xi32, #tpu.memory_space<vmem>>) target_semaphore(%run_scoped3A_90 : memref<!tpu.dma_semaphore, #tpu.memory_space<semaphore_mem>>)
        %dma_wait3A_105 = arith.constant 0 : i32
        %dma_wait3A_106 = arith.constant 0 : i32
        %dma_wait3A_107 = tpu.memref_slice %arg10[%dma_wait3A_105, %dma_wait3A_106] : memref<118x64xi32, #tpu.memory_space<vmem>> -> memref<118x64xi32, #tpu.memory_space<vmem>>
        %dma_wait3A_108 = arith.constant 0 : i32
        %dma_wait3A_109 = arith.constant 0 : i32
        %dma_wait3A_110 = tpu.memref_slice %arg4[%arg1, %run_scoped3A_18, %dma_wait3A_108, %dma_wait3A_109] : memref<16x2x118x64xi32, #tpu.memory_space<hbm>> -> memref<1x1x118x64xi32, #tpu.memory_space<hbm>>
        %dma_wait3A_111 = tpu.memref_squeeze %dma_wait3A_110 : memref<1x1x118x64xi32, #tpu.memory_space<hbm>> -> memref<118x64xi32, #tpu.memory_space<hbm>>
        %dma_wait3A_112 = arith.constant 0 : i32
        %dma_wait3A_113 = arith.constant 0 : i32
        %dma_wait3A_114 = tpu.memref_slice %arg10[%dma_wait3A_112, %dma_wait3A_113] : memref<118x64xi32, #tpu.memory_space<vmem>> -> memref<118x64xi32, #tpu.memory_space<vmem>>
        %dma_wait3A_115 = arith.constant 0 : i32
        %dma_wait3A_116 = arith.constant 0 : i32
        %dma_wait3A_117 = tpu.memref_slice %arg4[%arg1, %run_scoped3A_18, %dma_wait3A_115, %dma_wait3A_116] : memref<16x2x118x64xi32, #tpu.memory_space<hbm>> -> memref<1x1x118x64xi32, #tpu.memory_space<hbm>>
        %dma_wait3A_118 = tpu.memref_squeeze %dma_wait3A_117 : memref<1x1x118x64xi32, #tpu.memory_space<hbm>> -> memref<118x64xi32, #tpu.memory_space<hbm>>
        tpu.wait_dma2 semaphore(%run_scoped3A_90 : memref<!tpu.dma_semaphore, #tpu.memory_space<semaphore_mem>>) src(%dma_wait3A_118 : memref<118x64xi32, #tpu.memory_space<hbm>>) dst(%dma_wait3A_114 : memref<118x64xi32, #tpu.memory_space<vmem>>)
        tpu.yield
      }) : () -> ()
      %dma_start3A = arith.constant 0 : i32
      %dma_start3A_19 = arith.constant 0 : i32
      %dma_start3A_20 = tpu.memref_slice %arg9[%dma_start3A, %dma_start3A_19] : memref<118x64xi32, #tpu.memory_space<vmem>> -> memref<1x64xi32, #tpu.memory_space<vmem>>
      %dma_start3A_21 = tpu.memref_squeeze %dma_start3A_20 : memref<1x64xi32, #tpu.memory_space<vmem>> -> memref<64xi32, #tpu.memory_space<vmem>>
      %dma_start3A_22 = arith.constant 0 : i32
      %dma_start3A_23 = arith.constant 0 : i32
      %dma_start3A_24 = tpu.memref_slice %arg2[%dma_start3A_22, %dma_start3A_23] : memref<10240x128xf32, #tpu.memory_space<hbm>> -> memref<10240x128xf32, #tpu.memory_space<hbm>>
      tpu.enqueue_indirect_dma source(%dma_start3A_24 : memref<10240x128xf32, #tpu.memory_space<hbm>>) target(%arg11 : memref<64x128xf32, #tpu.memory_space<vmem>>) offsets(%dma_start3A_21 : memref<64xi32, #tpu.memory_space<vmem>>) semaphore(%arg14 : memref<!tpu.dma_semaphore, #tpu.memory_space<semaphore_mem>>)
      %dma_start3A_25 = arith.constant 1 : i32
      %dma_start3A_26 = arith.constant 0 : i32
      %dma_start3A_27 = tpu.memref_slice %arg9[%dma_start3A_25, %dma_start3A_26] : memref<118x64xi32, #tpu.memory_space<vmem>> -> memref<1x64xi32, #tpu.memory_space<vmem>>
      %dma_start3A_28 = tpu.memref_squeeze %dma_start3A_27 : memref<1x64xi32, #tpu.memory_space<vmem>> -> memref<64xi32, #tpu.memory_space<vmem>>
      %dma_start3A_29 = arith.constant 0 : i32
      %dma_start3A_30 = arith.constant 0 : i32
      %dma_start3A_31 = tpu.memref_slice %arg2[%dma_start3A_29, %dma_start3A_30] : memref<10240x128xf32, #tpu.memory_space<hbm>> -> memref<10240x128xf32, #tpu.memory_space<hbm>>
      tpu.enqueue_indirect_dma source(%dma_start3A_31 : memref<10240x128xf32, #tpu.memory_space<hbm>>) target(%arg12 : memref<64x128xf32, #tpu.memory_space<vmem>>) offsets(%dma_start3A_28 : memref<64xi32, #tpu.memory_space<vmem>>) semaphore(%arg15 : memref<!tpu.dma_semaphore, #tpu.memory_space<semaphore_mem>>)
      %scan3A = arith.constant 0 : i32
      %scan3A_32 = arith.constant 0 : i32
      %scan3A_33 = arith.constant 58 : i32
      %scan3A_34 = arith.addi %scan3A_32, %scan3A_33 : i32
      %scan3A_35 = arith.constant 1 : i32
      scf.for %scan3A_90 = %scan3A_32 to %scan3A_34 step %scan3A_35  : i32 {
        %mul3A = arith.constant 2 : i32
        %mul3A_91 = arith.muli %scan3A_90, %mul3A : i32
        %add3A = arith.constant 0 : i32
        %add3A_92 = arith.addi %mul3A_91, %add3A : i32
        %dma_wait3A_93 = arith.constant 0 : i32
        %dma_wait3A_94 = tpu.memref_slice %arg9[%add3A_92, %dma_wait3A_93] : memref<118x64xi32, #tpu.memory_space<vmem>> -> memref<1x64xi32, #tpu.memory_space<vmem>>
        %dma_wait3A_95 = tpu.memref_squeeze %dma_wait3A_94 : memref<1x64xi32, #tpu.memory_space<vmem>> -> memref<64xi32, #tpu.memory_space<vmem>>
        %dma_wait3A_96 = arith.constant 0 : i32
        %dma_wait3A_97 = arith.constant 0 : i32
        %dma_wait3A_98 = tpu.memref_slice %arg2[%dma_wait3A_96, %dma_wait3A_97] : memref<10240x128xf32, #tpu.memory_space<hbm>> -> memref<10240x128xf32, #tpu.memory_space<hbm>>
        tpu.wait_indirect_dma semaphore(%arg14 : memref<!tpu.dma_semaphore, #tpu.memory_space<semaphore_mem>>) src(%dma_wait3A_98 : memref<10240x128xf32, #tpu.memory_space<hbm>>) dst(%arg11 : memref<64x128xf32, #tpu.memory_space<vmem>>)
        "tpu.region"() ({
          %run_scoped3A_123 = tpu.sem_alloc : memref<!tpu.dma_semaphore, #tpu.memory_space<semaphore_mem>>
          %dma_start3A_124 = arith.constant 0 : i32
          %dma_start3A_125 = tpu.memref_slice %arg10[%add3A_92, %dma_start3A_124] : memref<118x64xi32, #tpu.memory_space<vmem>> -> memref<1x64xi32, #tpu.memory_space<vmem>>
          %dma_start3A_126 = tpu.memref_squeeze %dma_start3A_125 : memref<1x64xi32, #tpu.memory_space<vmem>> -> memref<64xi32, #tpu.memory_space<vmem>>
          %dma_start3A_127 = arith.constant 0 : i32
          %dma_start3A_128 = arith.constant 0 : i32
          %dma_start3A_129 = tpu.memref_slice %arg13[%dma_start3A_127, %dma_start3A_128] : memref<10240x128xf32, #tpu.memory_space<vmem_shared>> -> memref<10240x128xf32, #tpu.memory_space<vmem_shared>>
          tpu.enqueue_indirect_dma source(%arg11 : memref<64x128xf32, #tpu.memory_space<vmem>>) target(%dma_start3A_129 : memref<10240x128xf32, #tpu.memory_space<vmem_shared>>) offsets(%dma_start3A_126 : memref<64xi32, #tpu.memory_space<vmem>>) semaphore(%run_scoped3A_123 : memref<!tpu.dma_semaphore, #tpu.memory_space<semaphore_mem>>) {add = true}
          %dma_wait3A_130 = arith.constant 0 : i32
          %dma_wait3A_131 = tpu.memref_slice %arg10[%add3A_92, %dma_wait3A_130] : memref<118x64xi32, #tpu.memory_space<vmem>> -> memref<1x64xi32, #tpu.memory_space<vmem>>
          %dma_wait3A_132 = tpu.memref_squeeze %dma_wait3A_131 : memref<1x64xi32, #tpu.memory_space<vmem>> -> memref<64xi32, #tpu.memory_space<vmem>>
          %dma_wait3A_133 = arith.constant 0 : i32
          %dma_wait3A_134 = arith.constant 0 : i32
          %dma_wait3A_135 = tpu.memref_slice %arg13[%dma_wait3A_133, %dma_wait3A_134] : memref<10240x128xf32, #tpu.memory_space<vmem_shared>> -> memref<10240x128xf32, #tpu.memory_space<vmem_shared>>
          tpu.wait_indirect_dma semaphore(%run_scoped3A_123 : memref<!tpu.dma_semaphore, #tpu.memory_space<semaphore_mem>>) src(%arg11 : memref<64x128xf32, #tpu.memory_space<vmem>>) dst(%dma_wait3A_135 : memref<10240x128xf32, #tpu.memory_space<vmem_shared>>)
          tpu.yield
        }) : () -> ()
        %add3A_99 = arith.constant 2 : i32
        %add3A_100 = arith.addi %add3A_92, %add3A_99 : i32
        %dma_start3A_101 = arith.constant 0 : i32
        %dma_start3A_102 = tpu.memref_slice %arg9[%add3A_100, %dma_start3A_101] : memref<118x64xi32, #tpu.memory_space<vmem>> -> memref<1x64xi32, #tpu.memory_space<vmem>>
        %dma_start3A_103 = tpu.memref_squeeze %dma_start3A_102 : memref<1x64xi32, #tpu.memory_space<vmem>> -> memref<64xi32, #tpu.memory_space<vmem>>
        %dma_start3A_104 = arith.constant 0 : i32
        %dma_start3A_105 = arith.constant 0 : i32
        %dma_start3A_106 = tpu.memref_slice %arg2[%dma_start3A_104, %dma_start3A_105] : memref<10240x128xf32, #tpu.memory_space<hbm>> -> memref<10240x128xf32, #tpu.memory_space<hbm>>
        tpu.enqueue_indirect_dma source(%dma_start3A_106 : memref<10240x128xf32, #tpu.memory_space<hbm>>) target(%arg11 : memref<64x128xf32, #tpu.memory_space<vmem>>) offsets(%dma_start3A_103 : memref<64xi32, #tpu.memory_space<vmem>>) semaphore(%arg14 : memref<!tpu.dma_semaphore, #tpu.memory_space<semaphore_mem>>)
        %add3A_107 = arith.constant 1 : i32
        %add3A_108 = arith.addi %mul3A_91, %add3A_107 : i32
        %dma_wait3A_109 = arith.constant 0 : i32
        %dma_wait3A_110 = tpu.memref_slice %arg9[%add3A_108, %dma_wait3A_109] : memref<118x64xi32, #tpu.memory_space<vmem>> -> memref<1x64xi32, #tpu.memory_space<vmem>>
        %dma_wait3A_111 = tpu.memref_squeeze %dma_wait3A_110 : memref<1x64xi32, #tpu.memory_space<vmem>> -> memref<64xi32, #tpu.memory_space<vmem>>
        %dma_wait3A_112 = arith.constant 0 : i32
        %dma_wait3A_113 = arith.constant 0 : i32
        %dma_wait3A_114 = tpu.memref_slice %arg2[%dma_wait3A_112, %dma_wait3A_113] : memref<10240x128xf32, #tpu.memory_space<hbm>> -> memref<10240x128xf32, #tpu.memory_space<hbm>>
        tpu.wait_indirect_dma semaphore(%arg15 : memref<!tpu.dma_semaphore, #tpu.memory_space<semaphore_mem>>) src(%dma_wait3A_114 : memref<10240x128xf32, #tpu.memory_space<hbm>>) dst(%arg12 : memref<64x128xf32, #tpu.memory_space<vmem>>)
        "tpu.region"() ({
          %run_scoped3A_123 = tpu.sem_alloc : memref<!tpu.dma_semaphore, #tpu.memory_space<semaphore_mem>>
          %dma_start3A_124 = arith.constant 0 : i32
          %dma_start3A_125 = tpu.memref_slice %arg10[%add3A_108, %dma_start3A_124] : memref<118x64xi32, #tpu.memory_space<vmem>> -> memref<1x64xi32, #tpu.memory_space<vmem>>
          %dma_start3A_126 = tpu.memref_squeeze %dma_start3A_125 : memref<1x64xi32, #tpu.memory_space<vmem>> -> memref<64xi32, #tpu.memory_space<vmem>>
          %dma_start3A_127 = arith.constant 0 : i32
          %dma_start3A_128 = arith.constant 0 : i32
          %dma_start3A_129 = tpu.memref_slice %arg13[%dma_start3A_127, %dma_start3A_128] : memref<10240x128xf32, #tpu.memory_space<vmem_shared>> -> memref<10240x128xf32, #tpu.memory_space<vmem_shared>>
          tpu.enqueue_indirect_dma source(%arg12 : memref<64x128xf32, #tpu.memory_space<vmem>>) target(%dma_start3A_129 : memref<10240x128xf32, #tpu.memory_space<vmem_shared>>) offsets(%dma_start3A_126 : memref<64xi32, #tpu.memory_space<vmem>>) semaphore(%run_scoped3A_123 : memref<!tpu.dma_semaphore, #tpu.memory_space<semaphore_mem>>) {add = true}
          %dma_wait3A_130 = arith.constant 0 : i32
          %dma_wait3A_131 = tpu.memref_slice %arg10[%add3A_108, %dma_wait3A_130] : memref<118x64xi32, #tpu.memory_space<vmem>> -> memref<1x64xi32, #tpu.memory_space<vmem>>
          %dma_wait3A_132 = tpu.memref_squeeze %dma_wait3A_131 : memref<1x64xi32, #tpu.memory_space<vmem>> -> memref<64xi32, #tpu.memory_space<vmem>>
          %dma_wait3A_133 = arith.constant 0 : i32
          %dma_wait3A_134 = arith.constant 0 : i32
          %dma_wait3A_135 = tpu.memref_slice %arg13[%dma_wait3A_133, %dma_wait3A_134] : memref<10240x128xf32, #tpu.memory_space<vmem_shared>> -> memref<10240x128xf32, #tpu.memory_space<vmem_shared>>
          tpu.wait_indirect_dma semaphore(%run_scoped3A_123 : memref<!tpu.dma_semaphore, #tpu.memory_space<semaphore_mem>>) src(%arg12 : memref<64x128xf32, #tpu.memory_space<vmem>>) dst(%dma_wait3A_135 : memref<10240x128xf32, #tpu.memory_space<vmem_shared>>)
          tpu.yield
        }) : () -> ()
        %add3A_115 = arith.constant 2 : i32
        %add3A_116 = arith.addi %add3A_108, %add3A_115 : i32
        %dma_start3A_117 = arith.constant 0 : i32
        %dma_start3A_118 = tpu.memref_slice %arg9[%add3A_116, %dma_start3A_117] : memref<118x64xi32, #tpu.memory_space<vmem>> -> memref<1x64xi32, #tpu.memory_space<vmem>>
        %dma_start3A_119 = tpu.memref_squeeze %dma_start3A_118 : memref<1x64xi32, #tpu.memory_space<vmem>> -> memref<64xi32, #tpu.memory_space<vmem>>
        %dma_start3A_120 = arith.constant 0 : i32
        %dma_start3A_121 = arith.constant 0 : i32
        %dma_start3A_122 = tpu.memref_slice %arg2[%dma_start3A_120, %dma_start3A_121] : memref<10240x128xf32, #tpu.memory_space<hbm>> -> memref<10240x128xf32, #tpu.memory_space<hbm>>
        tpu.enqueue_indirect_dma source(%dma_start3A_122 : memref<10240x128xf32, #tpu.memory_space<hbm>>) target(%arg12 : memref<64x128xf32, #tpu.memory_space<vmem>>) offsets(%dma_start3A_119 : memref<64xi32, #tpu.memory_space<vmem>>) semaphore(%arg15 : memref<!tpu.dma_semaphore, #tpu.memory_space<semaphore_mem>>)
      }
      %scan3A_36 = arith.constant 58 : i32
      %dma_wait3A = arith.constant 116 : i32
      %dma_wait3A_37 = arith.constant 0 : i32
      %dma_wait3A_38 = tpu.memref_slice %arg9[%dma_wait3A, %dma_wait3A_37] : memref<118x64xi32, #tpu.memory_space<vmem>> -> memref<1x64xi32, #tpu.memory_space<vmem>>
      %dma_wait3A_39 = tpu.memref_squeeze %dma_wait3A_38 : memref<1x64xi32, #tpu.memory_space<vmem>> -> memref<64xi32, #tpu.memory_space<vmem>>
      %dma_wait3A_40 = arith.constant 0 : i32
      %dma_wait3A_41 = arith.constant 0 : i32
      %dma_wait3A_42 = tpu.memref_slice %arg2[%dma_wait3A_40, %dma_wait3A_41] : memref<10240x128xf32, #tpu.memory_space<hbm>> -> memref<10240x128xf32, #tpu.memory_space<hbm>>
      tpu.wait_indirect_dma semaphore(%arg14 : memref<!tpu.dma_semaphore, #tpu.memory_space<semaphore_mem>>) src(%dma_wait3A_42 : memref<10240x128xf32, #tpu.memory_space<hbm>>) dst(%arg11 : memref<64x128xf32, #tpu.memory_space<vmem>>)
      %run_scoped3A_43 = arith.constant 116 : i32
      "tpu.region"() ({
        %run_scoped3A_90 = tpu.sem_alloc : memref<!tpu.dma_semaphore, #tpu.memory_space<semaphore_mem>>
        %dma_start3A_91 = arith.constant 0 : i32
        %dma_start3A_92 = tpu.memref_slice %arg10[%run_scoped3A_43, %dma_start3A_91] : memref<118x64xi32, #tpu.memory_space<vmem>> -> memref<1x64xi32, #tpu.memory_space<vmem>>
        %dma_start3A_93 = tpu.memref_squeeze %dma_start3A_92 : memref<1x64xi32, #tpu.memory_space<vmem>> -> memref<64xi32, #tpu.memory_space<vmem>>
        %dma_start3A_94 = arith.constant 0 : i32
        %dma_start3A_95 = arith.constant 0 : i32
        %dma_start3A_96 = tpu.memref_slice %arg13[%dma_start3A_94, %dma_start3A_95] : memref<10240x128xf32, #tpu.memory_space<vmem_shared>> -> memref<10240x128xf32, #tpu.memory_space<vmem_shared>>
        tpu.enqueue_indirect_dma source(%arg11 : memref<64x128xf32, #tpu.memory_space<vmem>>) target(%dma_start3A_96 : memref<10240x128xf32, #tpu.memory_space<vmem_shared>>) offsets(%dma_start3A_93 : memref<64xi32, #tpu.memory_space<vmem>>) semaphore(%run_scoped3A_90 : memref<!tpu.dma_semaphore, #tpu.memory_space<semaphore_mem>>) {add = true}
        %dma_wait3A_97 = arith.constant 0 : i32
        %dma_wait3A_98 = tpu.memref_slice %arg10[%run_scoped3A_43, %dma_wait3A_97] : memref<118x64xi32, #tpu.memory_space<vmem>> -> memref<1x64xi32, #tpu.memory_space<vmem>>
        %dma_wait3A_99 = tpu.memref_squeeze %dma_wait3A_98 : memref<1x64xi32, #tpu.memory_space<vmem>> -> memref<64xi32, #tpu.memory_space<vmem>>
        %dma_wait3A_100 = arith.constant 0 : i32
        %dma_wait3A_101 = arith.constant 0 : i32
        %dma_wait3A_102 = tpu.memref_slice %arg13[%dma_wait3A_100, %dma_wait3A_101] : memref<10240x128xf32, #tpu.memory_space<vmem_shared>> -> memref<10240x128xf32, #tpu.memory_space<vmem_shared>>
        tpu.wait_indirect_dma semaphore(%run_scoped3A_90 : memref<!tpu.dma_semaphore, #tpu.memory_space<semaphore_mem>>) src(%arg11 : memref<64x128xf32, #tpu.memory_space<vmem>>) dst(%dma_wait3A_102 : memref<10240x128xf32, #tpu.memory_space<vmem_shared>>)
        tpu.yield
      }) : () -> ()
      %dma_wait3A_44 = arith.constant 117 : i32
      %dma_wait3A_45 = arith.constant 0 : i32
      %dma_wait3A_46 = tpu.memref_slice %arg9[%dma_wait3A_44, %dma_wait3A_45] : memref<118x64xi32, #tpu.memory_space<vmem>> -> memref<1x64xi32, #tpu.memory_space<vmem>>
      %dma_wait3A_47 = tpu.memref_squeeze %dma_wait3A_46 : memref<1x64xi32, #tpu.memory_space<vmem>> -> memref<64xi32, #tpu.memory_space<vmem>>
      %dma_wait3A_48 = arith.constant 0 : i32
      %dma_wait3A_49 = arith.constant 0 : i32
      %dma_wait3A_50 = tpu.memref_slice %arg2[%dma_wait3A_48, %dma_wait3A_49] : memref<10240x128xf32, #tpu.memory_space<hbm>> -> memref<10240x128xf32, #tpu.memory_space<hbm>>
      tpu.wait_indirect_dma semaphore(%arg15 : memref<!tpu.dma_semaphore, #tpu.memory_space<semaphore_mem>>) src(%dma_wait3A_50 : memref<10240x128xf32, #tpu.memory_space<hbm>>) dst(%arg12 : memref<64x128xf32, #tpu.memory_space<vmem>>)
      %run_scoped3A_51 = arith.constant 117 : i32
      "tpu.region"() ({
        %run_scoped3A_90 = tpu.sem_alloc : memref<!tpu.dma_semaphore, #tpu.memory_space<semaphore_mem>>
        %dma_start3A_91 = arith.constant 0 : i32
        %dma_start3A_92 = tpu.memref_slice %arg10[%run_scoped3A_51, %dma_start3A_91] : memref<118x64xi32, #tpu.memory_space<vmem>> -> memref<1x64xi32, #tpu.memory_space<vmem>>
        %dma_start3A_93 = tpu.memref_squeeze %dma_start3A_92 : memref<1x64xi32, #tpu.memory_space<vmem>> -> memref<64xi32, #tpu.memory_space<vmem>>
        %dma_start3A_94 = arith.constant 0 : i32
        %dma_start3A_95 = arith.constant 0 : i32
        %dma_start3A_96 = tpu.memref_slice %arg13[%dma_start3A_94, %dma_start3A_95] : memref<10240x128xf32, #tpu.memory_space<vmem_shared>> -> memref<10240x128xf32, #tpu.memory_space<vmem_shared>>
        tpu.enqueue_indirect_dma source(%arg12 : memref<64x128xf32, #tpu.memory_space<vmem>>) target(%dma_start3A_96 : memref<10240x128xf32, #tpu.memory_space<vmem_shared>>) offsets(%dma_start3A_93 : memref<64xi32, #tpu.memory_space<vmem>>) semaphore(%run_scoped3A_90 : memref<!tpu.dma_semaphore, #tpu.memory_space<semaphore_mem>>) {add = true}
        %dma_wait3A_97 = arith.constant 0 : i32
        %dma_wait3A_98 = tpu.memref_slice %arg10[%run_scoped3A_51, %dma_wait3A_97] : memref<118x64xi32, #tpu.memory_space<vmem>> -> memref<1x64xi32, #tpu.memory_space<vmem>>
        %dma_wait3A_99 = tpu.memref_squeeze %dma_wait3A_98 : memref<1x64xi32, #tpu.memory_space<vmem>> -> memref<64xi32, #tpu.memory_space<vmem>>
        %dma_wait3A_100 = arith.constant 0 : i32
        %dma_wait3A_101 = arith.constant 0 : i32
        %dma_wait3A_102 = tpu.memref_slice %arg13[%dma_wait3A_100, %dma_wait3A_101] : memref<10240x128xf32, #tpu.memory_space<vmem_shared>> -> memref<10240x128xf32, #tpu.memory_space<vmem_shared>>
        tpu.wait_indirect_dma semaphore(%run_scoped3A_90 : memref<!tpu.dma_semaphore, #tpu.memory_space<semaphore_mem>>) src(%arg12 : memref<64x128xf32, #tpu.memory_space<vmem>>) dst(%dma_wait3A_102 : memref<10240x128xf32, #tpu.memory_space<vmem_shared>>)
        tpu.yield
      }) : () -> ()
      %run_scoped3A_52 = arith.constant 1 : i32
      "tpu.region"() ({
        %run_scoped3A_90 = tpu.sem_alloc : memref<!tpu.dma_semaphore, #tpu.memory_space<semaphore_mem>>
        %dma_start3A_91 = arith.constant 0 : i32
        %dma_start3A_92 = arith.constant 0 : i32
        %dma_start3A_93 = tpu.memref_slice %arg9[%dma_start3A_91, %dma_start3A_92] : memref<118x64xi32, #tpu.memory_space<vmem>> -> memref<118x64xi32, #tpu.memory_space<vmem>>
        %dma_start3A_94 = arith.constant 0 : i32
        %dma_start3A_95 = arith.constant 0 : i32
        %dma_start3A_96 = tpu.memref_slice %arg3[%arg1, %run_scoped3A_52, %dma_start3A_94, %dma_start3A_95] : memref<16x2x118x64xi32, #tpu.memory_space<hbm>> -> memref<1x1x118x64xi32, #tpu.memory_space<hbm>>
        %dma_start3A_97 = tpu.memref_squeeze %dma_start3A_96 : memref<1x1x118x64xi32, #tpu.memory_space<hbm>> -> memref<118x64xi32, #tpu.memory_space<hbm>>
        %dma_start3A_98 = arith.constant 0 : i32
        %dma_start3A_99 = arith.constant 0 : i32
        %dma_start3A_100 = tpu.memref_slice %arg9[%dma_start3A_98, %dma_start3A_99] : memref<118x64xi32, #tpu.memory_space<vmem>> -> memref<118x64xi32, #tpu.memory_space<vmem>>
        %dma_start3A_101 = arith.constant 0 : i32
        %dma_start3A_102 = arith.constant 0 : i32
        %dma_start3A_103 = tpu.memref_slice %arg3[%arg1, %run_scoped3A_52, %dma_start3A_101, %dma_start3A_102] : memref<16x2x118x64xi32, #tpu.memory_space<hbm>> -> memref<1x1x118x64xi32, #tpu.memory_space<hbm>>
        %dma_start3A_104 = tpu.memref_squeeze %dma_start3A_103 : memref<1x1x118x64xi32, #tpu.memory_space<hbm>> -> memref<118x64xi32, #tpu.memory_space<hbm>>
        tpu.enqueue_dma source(%dma_start3A_104 : memref<118x64xi32, #tpu.memory_space<hbm>>) target(%dma_start3A_100 : memref<118x64xi32, #tpu.memory_space<vmem>>) target_semaphore(%run_scoped3A_90 : memref<!tpu.dma_semaphore, #tpu.memory_space<semaphore_mem>>)
        %dma_wait3A_105 = arith.constant 0 : i32
        %dma_wait3A_106 = arith.constant 0 : i32
        %dma_wait3A_107 = tpu.memref_slice %arg9[%dma_wait3A_105, %dma_wait3A_106] : memref<118x64xi32, #tpu.memory_space<vmem>> -> memref<118x64xi32, #tpu.memory_space<vmem>>
        %dma_wait3A_108 = arith.constant 0 : i32
        %dma_wait3A_109 = arith.constant 0 : i32
        %dma_wait3A_110 = tpu.memref_slice %arg3[%arg1, %run_scoped3A_52, %dma_wait3A_108, %dma_wait3A_109] : memref<16x2x118x64xi32, #tpu.memory_space<hbm>> -> memref<1x1x118x64xi32, #tpu.memory_space<hbm>>
        %dma_wait3A_111 = tpu.memref_squeeze %dma_wait3A_110 : memref<1x1x118x64xi32, #tpu.memory_space<hbm>> -> memref<118x64xi32, #tpu.memory_space<hbm>>
        %dma_wait3A_112 = arith.constant 0 : i32
        %dma_wait3A_113 = arith.constant 0 : i32
        %dma_wait3A_114 = tpu.memref_slice %arg9[%dma_wait3A_112, %dma_wait3A_113] : memref<118x64xi32, #tpu.memory_space<vmem>> -> memref<118x64xi32, #tpu.memory_space<vmem>>
        %dma_wait3A_115 = arith.constant 0 : i32
        %dma_wait3A_116 = arith.constant 0 : i32
        %dma_wait3A_117 = tpu.memref_slice %arg3[%arg1, %run_scoped3A_52, %dma_wait3A_115, %dma_wait3A_116] : memref<16x2x118x64xi32, #tpu.memory_space<hbm>> -> memref<1x1x118x64xi32, #tpu.memory_space<hbm>>
        %dma_wait3A_118 = tpu.memref_squeeze %dma_wait3A_117 : memref<1x1x118x64xi32, #tpu.memory_space<hbm>> -> memref<118x64xi32, #tpu.memory_space<hbm>>
        tpu.wait_dma2 semaphore(%run_scoped3A_90 : memref<!tpu.dma_semaphore, #tpu.memory_space<semaphore_mem>>) src(%dma_wait3A_118 : memref<118x64xi32, #tpu.memory_space<hbm>>) dst(%dma_wait3A_114 : memref<118x64xi32, #tpu.memory_space<vmem>>)
        tpu.yield
      }) : () -> ()
      %run_scoped3A_53 = arith.constant 1 : i32
      "tpu.region"() ({
        %run_scoped3A_90 = tpu.sem_alloc : memref<!tpu.dma_semaphore, #tpu.memory_space<semaphore_mem>>
        %dma_start3A_91 = arith.constant 0 : i32
        %dma_start3A_92 = arith.constant 0 : i32
        %dma_start3A_93 = tpu.memref_slice %arg10[%dma_start3A_91, %dma_start3A_92] : memref<118x64xi32, #tpu.memory_space<vmem>> -> memref<118x64xi32, #tpu.memory_space<vmem>>
        %dma_start3A_94 = arith.constant 0 : i32
        %dma_start3A_95 = arith.constant 0 : i32
        %dma_start3A_96 = tpu.memref_slice %arg4[%arg1, %run_scoped3A_53, %dma_start3A_94, %dma_start3A_95] : memref<16x2x118x64xi32, #tpu.memory_space<hbm>> -> memref<1x1x118x64xi32, #tpu.memory_space<hbm>>
        %dma_start3A_97 = tpu.memref_squeeze %dma_start3A_96 : memref<1x1x118x64xi32, #tpu.memory_space<hbm>> -> memref<118x64xi32, #tpu.memory_space<hbm>>
        %dma_start3A_98 = arith.constant 0 : i32
        %dma_start3A_99 = arith.constant 0 : i32
        %dma_start3A_100 = tpu.memref_slice %arg10[%dma_start3A_98, %dma_start3A_99] : memref<118x64xi32, #tpu.memory_space<vmem>> -> memref<118x64xi32, #tpu.memory_space<vmem>>
        %dma_start3A_101 = arith.constant 0 : i32
        %dma_start3A_102 = arith.constant 0 : i32
        %dma_start3A_103 = tpu.memref_slice %arg4[%arg1, %run_scoped3A_53, %dma_start3A_101, %dma_start3A_102] : memref<16x2x118x64xi32, #tpu.memory_space<hbm>> -> memref<1x1x118x64xi32, #tpu.memory_space<hbm>>
        %dma_start3A_104 = tpu.memref_squeeze %dma_start3A_103 : memref<1x1x118x64xi32, #tpu.memory_space<hbm>> -> memref<118x64xi32, #tpu.memory_space<hbm>>
        tpu.enqueue_dma source(%dma_start3A_104 : memref<118x64xi32, #tpu.memory_space<hbm>>) target(%dma_start3A_100 : memref<118x64xi32, #tpu.memory_space<vmem>>) target_semaphore(%run_scoped3A_90 : memref<!tpu.dma_semaphore, #tpu.memory_space<semaphore_mem>>)
        %dma_wait3A_105 = arith.constant 0 : i32
        %dma_wait3A_106 = arith.constant 0 : i32
        %dma_wait3A_107 = tpu.memref_slice %arg10[%dma_wait3A_105, %dma_wait3A_106] : memref<118x64xi32, #tpu.memory_space<vmem>> -> memref<118x64xi32, #tpu.memory_space<vmem>>
        %dma_wait3A_108 = arith.constant 0 : i32
        %dma_wait3A_109 = arith.constant 0 : i32
        %dma_wait3A_110 = tpu.memref_slice %arg4[%arg1, %run_scoped3A_53, %dma_wait3A_108, %dma_wait3A_109] : memref<16x2x118x64xi32, #tpu.memory_space<hbm>> -> memref<1x1x118x64xi32, #tpu.memory_space<hbm>>
        %dma_wait3A_111 = tpu.memref_squeeze %dma_wait3A_110 : memref<1x1x118x64xi32, #tpu.memory_space<hbm>> -> memref<118x64xi32, #tpu.memory_space<hbm>>
        %dma_wait3A_112 = arith.constant 0 : i32
        %dma_wait3A_113 = arith.constant 0 : i32
        %dma_wait3A_114 = tpu.memref_slice %arg10[%dma_wait3A_112, %dma_wait3A_113] : memref<118x64xi32, #tpu.memory_space<vmem>> -> memref<118x64xi32, #tpu.memory_space<vmem>>
        %dma_wait3A_115 = arith.constant 0 : i32
        %dma_wait3A_116 = arith.constant 0 : i32
        %dma_wait3A_117 = tpu.memref_slice %arg4[%arg1, %run_scoped3A_53, %dma_wait3A_115, %dma_wait3A_116] : memref<16x2x118x64xi32, #tpu.memory_space<hbm>> -> memref<1x1x118x64xi32, #tpu.memory_space<hbm>>
        %dma_wait3A_118 = tpu.memref_squeeze %dma_wait3A_117 : memref<1x1x118x64xi32, #tpu.memory_space<hbm>> -> memref<118x64xi32, #tpu.memory_space<hbm>>
        tpu.wait_dma2 semaphore(%run_scoped3A_90 : memref<!tpu.dma_semaphore, #tpu.memory_space<semaphore_mem>>) src(%dma_wait3A_118 : memref<118x64xi32, #tpu.memory_space<hbm>>) dst(%dma_wait3A_114 : memref<118x64xi32, #tpu.memory_space<vmem>>)
        tpu.yield
      }) : () -> ()
      %dma_start3A_54 = arith.constant 0 : i32
      %dma_start3A_55 = arith.constant 0 : i32
      %dma_start3A_56 = tpu.memref_slice %arg9[%dma_start3A_54, %dma_start3A_55] : memref<118x64xi32, #tpu.memory_space<vmem>> -> memref<1x64xi32, #tpu.memory_space<vmem>>
      %dma_start3A_57 = tpu.memref_squeeze %dma_start3A_56 : memref<1x64xi32, #tpu.memory_space<vmem>> -> memref<64xi32, #tpu.memory_space<vmem>>
      %dma_start3A_58 = arith.constant 0 : i32
      %dma_start3A_59 = arith.constant 0 : i32
      %dma_start3A_60 = tpu.memref_slice %arg2[%dma_start3A_58, %dma_start3A_59] : memref<10240x128xf32, #tpu.memory_space<hbm>> -> memref<10240x128xf32, #tpu.memory_space<hbm>>
      tpu.enqueue_indirect_dma source(%dma_start3A_60 : memref<10240x128xf32, #tpu.memory_space<hbm>>) target(%arg11 : memref<64x128xf32, #tpu.memory_space<vmem>>) offsets(%dma_start3A_57 : memref<64xi32, #tpu.memory_space<vmem>>) semaphore(%arg14 : memref<!tpu.dma_semaphore, #tpu.memory_space<semaphore_mem>>)
      %dma_start3A_61 = arith.constant 1 : i32
      %dma_start3A_62 = arith.constant 0 : i32
      %dma_start3A_63 = tpu.memref_slice %arg9[%dma_start3A_61, %dma_start3A_62] : memref<118x64xi32, #tpu.memory_space<vmem>> -> memref<1x64xi32, #tpu.memory_space<vmem>>
      %dma_start3A_64 = tpu.memref_squeeze %dma_start3A_63 : memref<1x64xi32, #tpu.memory_space<vmem>> -> memref<64xi32, #tpu.memory_space<vmem>>
      %dma_start3A_65 = arith.constant 0 : i32
      %dma_start3A_66 = arith.constant 0 : i32
      %dma_start3A_67 = tpu.memref_slice %arg2[%dma_start3A_65, %dma_start3A_66] : memref<10240x128xf32, #tpu.memory_space<hbm>> -> memref<10240x128xf32, #tpu.memory_space<hbm>>
      tpu.enqueue_indirect_dma source(%dma_start3A_67 : memref<10240x128xf32, #tpu.memory_space<hbm>>) target(%arg12 : memref<64x128xf32, #tpu.memory_space<vmem>>) offsets(%dma_start3A_64 : memref<64xi32, #tpu.memory_space<vmem>>) semaphore(%arg15 : memref<!tpu.dma_semaphore, #tpu.memory_space<semaphore_mem>>)
      %scan3A_68 = arith.constant 0 : i32
      %scan3A_69 = arith.constant 0 : i32
      %scan3A_70 = arith.constant 58 : i32
      %scan3A_71 = arith.addi %scan3A_69, %scan3A_70 : i32
      %scan3A_72 = arith.constant 1 : i32
      scf.for %scan3A_90 = %scan3A_69 to %scan3A_71 step %scan3A_72  : i32 {
        %mul3A = arith.constant 2 : i32
        %mul3A_91 = arith.muli %scan3A_90, %mul3A : i32
        %add3A = arith.constant 0 : i32
        %add3A_92 = arith.addi %mul3A_91, %add3A : i32
        %dma_wait3A_93 = arith.constant 0 : i32
        %dma_wait3A_94 = tpu.memref_slice %arg9[%add3A_92, %dma_wait3A_93] : memref<118x64xi32, #tpu.memory_space<vmem>> -> memref<1x64xi32, #tpu.memory_space<vmem>>
        %dma_wait3A_95 = tpu.memref_squeeze %dma_wait3A_94 : memref<1x64xi32, #tpu.memory_space<vmem>> -> memref<64xi32, #tpu.memory_space<vmem>>
        %dma_wait3A_96 = arith.constant 0 : i32
        %dma_wait3A_97 = arith.constant 0 : i32
        %dma_wait3A_98 = tpu.memref_slice %arg2[%dma_wait3A_96, %dma_wait3A_97] : memref<10240x128xf32, #tpu.memory_space<hbm>> -> memref<10240x128xf32, #tpu.memory_space<hbm>>
        tpu.wait_indirect_dma semaphore(%arg14 : memref<!tpu.dma_semaphore, #tpu.memory_space<semaphore_mem>>) src(%dma_wait3A_98 : memref<10240x128xf32, #tpu.memory_space<hbm>>) dst(%arg11 : memref<64x128xf32, #tpu.memory_space<vmem>>)
        "tpu.region"() ({
          %run_scoped3A_123 = tpu.sem_alloc : memref<!tpu.dma_semaphore, #tpu.memory_space<semaphore_mem>>
          %dma_start3A_124 = arith.constant 0 : i32
          %dma_start3A_125 = tpu.memref_slice %arg10[%add3A_92, %dma_start3A_124] : memref<118x64xi32, #tpu.memory_space<vmem>> -> memref<1x64xi32, #tpu.memory_space<vmem>>
          %dma_start3A_126 = tpu.memref_squeeze %dma_start3A_125 : memref<1x64xi32, #tpu.memory_space<vmem>> -> memref<64xi32, #tpu.memory_space<vmem>>
          %dma_start3A_127 = arith.constant 0 : i32
          %dma_start3A_128 = arith.constant 0 : i32
          %dma_start3A_129 = tpu.memref_slice %arg13[%dma_start3A_127, %dma_start3A_128] : memref<10240x128xf32, #tpu.memory_space<vmem_shared>> -> memref<10240x128xf32, #tpu.memory_space<vmem_shared>>
          tpu.enqueue_indirect_dma source(%arg11 : memref<64x128xf32, #tpu.memory_space<vmem>>) target(%dma_start3A_129 : memref<10240x128xf32, #tpu.memory_space<vmem_shared>>) offsets(%dma_start3A_126 : memref<64xi32, #tpu.memory_space<vmem>>) semaphore(%run_scoped3A_123 : memref<!tpu.dma_semaphore, #tpu.memory_space<semaphore_mem>>) {add = true}
          %dma_wait3A_130 = arith.constant 0 : i32
          %dma_wait3A_131 = tpu.memref_slice %arg10[%add3A_92, %dma_wait3A_130] : memref<118x64xi32, #tpu.memory_space<vmem>> -> memref<1x64xi32, #tpu.memory_space<vmem>>
          %dma_wait3A_132 = tpu.memref_squeeze %dma_wait3A_131 : memref<1x64xi32, #tpu.memory_space<vmem>> -> memref<64xi32, #tpu.memory_space<vmem>>
          %dma_wait3A_133 = arith.constant 0 : i32
          %dma_wait3A_134 = arith.constant 0 : i32
          %dma_wait3A_135 = tpu.memref_slice %arg13[%dma_wait3A_133, %dma_wait3A_134] : memref<10240x128xf32, #tpu.memory_space<vmem_shared>> -> memref<10240x128xf32, #tpu.memory_space<vmem_shared>>
          tpu.wait_indirect_dma semaphore(%run_scoped3A_123 : memref<!tpu.dma_semaphore, #tpu.memory_space<semaphore_mem>>) src(%arg11 : memref<64x128xf32, #tpu.memory_space<vmem>>) dst(%dma_wait3A_135 : memref<10240x128xf32, #tpu.memory_space<vmem_shared>>)
          tpu.yield
        }) : () -> ()
        %add3A_99 = arith.constant 2 : i32
        %add3A_100 = arith.addi %add3A_92, %add3A_99 : i32
        %dma_start3A_101 = arith.constant 0 : i32
        %dma_start3A_102 = tpu.memref_slice %arg9[%add3A_100, %dma_start3A_101] : memref<118x64xi32, #tpu.memory_space<vmem>> -> memref<1x64xi32, #tpu.memory_space<vmem>>
        %dma_start3A_103 = tpu.memref_squeeze %dma_start3A_102 : memref<1x64xi32, #tpu.memory_space<vmem>> -> memref<64xi32, #tpu.memory_space<vmem>>
        %dma_start3A_104 = arith.constant 0 : i32
        %dma_start3A_105 = arith.constant 0 : i32
        %dma_start3A_106 = tpu.memref_slice %arg2[%dma_start3A_104, %dma_start3A_105] : memref<10240x128xf32, #tpu.memory_space<hbm>> -> memref<10240x128xf32, #tpu.memory_space<hbm>>
        tpu.enqueue_indirect_dma source(%dma_start3A_106 : memref<10240x128xf32, #tpu.memory_space<hbm>>) target(%arg11 : memref<64x128xf32, #tpu.memory_space<vmem>>) offsets(%dma_start3A_103 : memref<64xi32, #tpu.memory_space<vmem>>) semaphore(%arg14 : memref<!tpu.dma_semaphore, #tpu.memory_space<semaphore_mem>>)
        %add3A_107 = arith.constant 1 : i32
        %add3A_108 = arith.addi %mul3A_91, %add3A_107 : i32
        %dma_wait3A_109 = arith.constant 0 : i32
        %dma_wait3A_110 = tpu.memref_slice %arg9[%add3A_108, %dma_wait3A_109] : memref<118x64xi32, #tpu.memory_space<vmem>> -> memref<1x64xi32, #tpu.memory_space<vmem>>
        %dma_wait3A_111 = tpu.memref_squeeze %dma_wait3A_110 : memref<1x64xi32, #tpu.memory_space<vmem>> -> memref<64xi32, #tpu.memory_space<vmem>>
        %dma_wait3A_112 = arith.constant 0 : i32
        %dma_wait3A_113 = arith.constant 0 : i32
        %dma_wait3A_114 = tpu.memref_slice %arg2[%dma_wait3A_112, %dma_wait3A_113] : memref<10240x128xf32, #tpu.memory_space<hbm>> -> memref<10240x128xf32, #tpu.memory_space<hbm>>
        tpu.wait_indirect_dma semaphore(%arg15 : memref<!tpu.dma_semaphore, #tpu.memory_space<semaphore_mem>>) src(%dma_wait3A_114 : memref<10240x128xf32, #tpu.memory_space<hbm>>) dst(%arg12 : memref<64x128xf32, #tpu.memory_space<vmem>>)
        "tpu.region"() ({
          %run_scoped3A_123 = tpu.sem_alloc : memref<!tpu.dma_semaphore, #tpu.memory_space<semaphore_mem>>
          %dma_start3A_124 = arith.constant 0 : i32
          %dma_start3A_125 = tpu.memref_slice %arg10[%add3A_108, %dma_start3A_124] : memref<118x64xi32, #tpu.memory_space<vmem>> -> memref<1x64xi32, #tpu.memory_space<vmem>>
          %dma_start3A_126 = tpu.memref_squeeze %dma_start3A_125 : memref<1x64xi32, #tpu.memory_space<vmem>> -> memref<64xi32, #tpu.memory_space<vmem>>
          %dma_start3A_127 = arith.constant 0 : i32
          %dma_start3A_128 = arith.constant 0 : i32
          %dma_start3A_129 = tpu.memref_slice %arg13[%dma_start3A_127, %dma_start3A_128] : memref<10240x128xf32, #tpu.memory_space<vmem_shared>> -> memref<10240x128xf32, #tpu.memory_space<vmem_shared>>
          tpu.enqueue_indirect_dma source(%arg12 : memref<64x128xf32, #tpu.memory_space<vmem>>) target(%dma_start3A_129 : memref<10240x128xf32, #tpu.memory_space<vmem_shared>>) offsets(%dma_start3A_126 : memref<64xi32, #tpu.memory_space<vmem>>) semaphore(%run_scoped3A_123 : memref<!tpu.dma_semaphore, #tpu.memory_space<semaphore_mem>>) {add = true}
          %dma_wait3A_130 = arith.constant 0 : i32
          %dma_wait3A_131 = tpu.memref_slice %arg10[%add3A_108, %dma_wait3A_130] : memref<118x64xi32, #tpu.memory_space<vmem>> -> memref<1x64xi32, #tpu.memory_space<vmem>>
          %dma_wait3A_132 = tpu.memref_squeeze %dma_wait3A_131 : memref<1x64xi32, #tpu.memory_space<vmem>> -> memref<64xi32, #tpu.memory_space<vmem>>
          %dma_wait3A_133 = arith.constant 0 : i32
          %dma_wait3A_134 = arith.constant 0 : i32
          %dma_wait3A_135 = tpu.memref_slice %arg13[%dma_wait3A_133, %dma_wait3A_134] : memref<10240x128xf32, #tpu.memory_space<vmem_shared>> -> memref<10240x128xf32, #tpu.memory_space<vmem_shared>>
          tpu.wait_indirect_dma semaphore(%run_scoped3A_123 : memref<!tpu.dma_semaphore, #tpu.memory_space<semaphore_mem>>) src(%arg12 : memref<64x128xf32, #tpu.memory_space<vmem>>) dst(%dma_wait3A_135 : memref<10240x128xf32, #tpu.memory_space<vmem_shared>>)
          tpu.yield
        }) : () -> ()
        %add3A_115 = arith.constant 2 : i32
        %add3A_116 = arith.addi %add3A_108, %add3A_115 : i32
        %dma_start3A_117 = arith.constant 0 : i32
        %dma_start3A_118 = tpu.memref_slice %arg9[%add3A_116, %dma_start3A_117] : memref<118x64xi32, #tpu.memory_space<vmem>> -> memref<1x64xi32, #tpu.memory_space<vmem>>
        %dma_start3A_119 = tpu.memref_squeeze %dma_start3A_118 : memref<1x64xi32, #tpu.memory_space<vmem>> -> memref<64xi32, #tpu.memory_space<vmem>>
        %dma_start3A_120 = arith.constant 0 : i32
        %dma_start3A_121 = arith.constant 0 : i32
        %dma_start3A_122 = tpu.memref_slice %arg2[%dma_start3A_120, %dma_start3A_121] : memref<10240x128xf32, #tpu.memory_space<hbm>> -> memref<10240x128xf32, #tpu.memory_space<hbm>>
        tpu.enqueue_indirect_dma source(%dma_start3A_122 : memref<10240x128xf32, #tpu.memory_space<hbm>>) target(%arg12 : memref<64x128xf32, #tpu.memory_space<vmem>>) offsets(%dma_start3A_119 : memref<64xi32, #tpu.memory_space<vmem>>) semaphore(%arg15 : memref<!tpu.dma_semaphore, #tpu.memory_space<semaphore_mem>>)
      }
      %scan3A_73 = arith.constant 58 : i32
      %dma_wait3A_74 = arith.constant 116 : i32
      %dma_wait3A_75 = arith.constant 0 : i32
      %dma_wait3A_76 = tpu.memref_slice %arg9[%dma_wait3A_74, %dma_wait3A_75] : memref<118x64xi32, #tpu.memory_space<vmem>> -> memref<1x64xi32, #tpu.memory_space<vmem>>
      %dma_wait3A_77 = tpu.memref_squeeze %dma_wait3A_76 : memref<1x64xi32, #tpu.memory_space<vmem>> -> memref<64xi32, #tpu.memory_space<vmem>>
      %dma_wait3A_78 = arith.constant 0 : i32
      %dma_wait3A_79 = arith.constant 0 : i32
      %dma_wait3A_80 = tpu.memref_slice %arg2[%dma_wait3A_78, %dma_wait3A_79] : memref<10240x128xf32, #tpu.memory_space<hbm>> -> memref<10240x128xf32, #tpu.memory_space<hbm>>
      tpu.wait_indirect_dma semaphore(%arg14 : memref<!tpu.dma_semaphore, #tpu.memory_space<semaphore_mem>>) src(%dma_wait3A_80 : memref<10240x128xf32, #tpu.memory_space<hbm>>) dst(%arg11 : memref<64x128xf32, #tpu.memory_space<vmem>>)
      %run_scoped3A_81 = arith.constant 116 : i32
      "tpu.region"() ({
        %run_scoped3A_90 = tpu.sem_alloc : memref<!tpu.dma_semaphore, #tpu.memory_space<semaphore_mem>>
        %dma_start3A_91 = arith.constant 0 : i32
        %dma_start3A_92 = tpu.memref_slice %arg10[%run_scoped3A_81, %dma_start3A_91] : memref<118x64xi32, #tpu.memory_space<vmem>> -> memref<1x64xi32, #tpu.memory_space<vmem>>
        %dma_start3A_93 = tpu.memref_squeeze %dma_start3A_92 : memref<1x64xi32, #tpu.memory_space<vmem>> -> memref<64xi32, #tpu.memory_space<vmem>>
        %dma_start3A_94 = arith.constant 0 : i32
        %dma_start3A_95 = arith.constant 0 : i32
        %dma_start3A_96 = tpu.memref_slice %arg13[%dma_start3A_94, %dma_start3A_95] : memref<10240x128xf32, #tpu.memory_space<vmem_shared>> -> memref<10240x128xf32, #tpu.memory_space<vmem_shared>>
        tpu.enqueue_indirect_dma source(%arg11 : memref<64x128xf32, #tpu.memory_space<vmem>>) target(%dma_start3A_96 : memref<10240x128xf32, #tpu.memory_space<vmem_shared>>) offsets(%dma_start3A_93 : memref<64xi32, #tpu.memory_space<vmem>>) semaphore(%run_scoped3A_90 : memref<!tpu.dma_semaphore, #tpu.memory_space<semaphore_mem>>) {add = true}
        %dma_wait3A_97 = arith.constant 0 : i32
        %dma_wait3A_98 = tpu.memref_slice %arg10[%run_scoped3A_81, %dma_wait3A_97] : memref<118x64xi32, #tpu.memory_space<vmem>> -> memref<1x64xi32, #tpu.memory_space<vmem>>
        %dma_wait3A_99 = tpu.memref_squeeze %dma_wait3A_98 : memref<1x64xi32, #tpu.memory_space<vmem>> -> memref<64xi32, #tpu.memory_space<vmem>>
        %dma_wait3A_100 = arith.constant 0 : i32
        %dma_wait3A_101 = arith.constant 0 : i32
        %dma_wait3A_102 = tpu.memref_slice %arg13[%dma_wait3A_100, %dma_wait3A_101] : memref<10240x128xf32, #tpu.memory_space<vmem_shared>> -> memref<10240x128xf32, #tpu.memory_space<vmem_shared>>
        tpu.wait_indirect_dma semaphore(%run_scoped3A_90 : memref<!tpu.dma_semaphore, #tpu.memory_space<semaphore_mem>>) src(%arg11 : memref<64x128xf32, #tpu.memory_space<vmem>>) dst(%dma_wait3A_102 : memref<10240x128xf32, #tpu.memory_space<vmem_shared>>)
        tpu.yield
      }) : () -> ()
      %dma_wait3A_82 = arith.constant 117 : i32
      %dma_wait3A_83 = arith.constant 0 : i32
      %dma_wait3A_84 = tpu.memref_slice %arg9[%dma_wait3A_82, %dma_wait3A_83] : memref<118x64xi32, #tpu.memory_space<vmem>> -> memref<1x64xi32, #tpu.memory_space<vmem>>
      %dma_wait3A_85 = tpu.memref_squeeze %dma_wait3A_84 : memref<1x64xi32, #tpu.memory_space<vmem>> -> memref<64xi32, #tpu.memory_space<vmem>>
      %dma_wait3A_86 = arith.constant 0 : i32
      %dma_wait3A_87 = arith.constant 0 : i32
      %dma_wait3A_88 = tpu.memref_slice %arg2[%dma_wait3A_86, %dma_wait3A_87] : memref<10240x128xf32, #tpu.memory_space<hbm>> -> memref<10240x128xf32, #tpu.memory_space<hbm>>
      tpu.wait_indirect_dma semaphore(%arg15 : memref<!tpu.dma_semaphore, #tpu.memory_space<semaphore_mem>>) src(%dma_wait3A_88 : memref<10240x128xf32, #tpu.memory_space<hbm>>) dst(%arg12 : memref<64x128xf32, #tpu.memory_space<vmem>>)
      %run_scoped3A_89 = arith.constant 117 : i32
      "tpu.region"() ({
        %run_scoped3A_90 = tpu.sem_alloc : memref<!tpu.dma_semaphore, #tpu.memory_space<semaphore_mem>>
        %dma_start3A_91 = arith.constant 0 : i32
        %dma_start3A_92 = tpu.memref_slice %arg10[%run_scoped3A_89, %dma_start3A_91] : memref<118x64xi32, #tpu.memory_space<vmem>> -> memref<1x64xi32, #tpu.memory_space<vmem>>
        %dma_start3A_93 = tpu.memref_squeeze %dma_start3A_92 : memref<1x64xi32, #tpu.memory_space<vmem>> -> memref<64xi32, #tpu.memory_space<vmem>>
        %dma_start3A_94 = arith.constant 0 : i32
        %dma_start3A_95 = arith.constant 0 : i32
        %dma_start3A_96 = tpu.memref_slice %arg13[%dma_start3A_94, %dma_start3A_95] : memref<10240x128xf32, #tpu.memory_space<vmem_shared>> -> memref<10240x128xf32, #tpu.memory_space<vmem_shared>>
        tpu.enqueue_indirect_dma source(%arg12 : memref<64x128xf32, #tpu.memory_space<vmem>>) target(%dma_start3A_96 : memref<10240x128xf32, #tpu.memory_space<vmem_shared>>) offsets(%dma_start3A_93 : memref<64xi32, #tpu.memory_space<vmem>>) semaphore(%run_scoped3A_90 : memref<!tpu.dma_semaphore, #tpu.memory_space<semaphore_mem>>) {add = true}
        %dma_wait3A_97 = arith.constant 0 : i32
        %dma_wait3A_98 = tpu.memref_slice %arg10[%run_scoped3A_89, %dma_wait3A_97] : memref<118x64xi32, #tpu.memory_space<vmem>> -> memref<1x64xi32, #tpu.memory_space<vmem>>
        %dma_wait3A_99 = tpu.memref_squeeze %dma_wait3A_98 : memref<1x64xi32, #tpu.memory_space<vmem>> -> memref<64xi32, #tpu.memory_space<vmem>>
        %dma_wait3A_100 = arith.constant 0 : i32
        %dma_wait3A_101 = arith.constant 0 : i32
        %dma_wait3A_102 = tpu.memref_slice %arg13[%dma_wait3A_100, %dma_wait3A_101] : memref<10240x128xf32, #tpu.memory_space<vmem_shared>> -> memref<10240x128xf32, #tpu.memory_space<vmem_shared>>
        tpu.wait_indirect_dma semaphore(%run_scoped3A_90 : memref<!tpu.dma_semaphore, #tpu.memory_space<semaphore_mem>>) src(%arg12 : memref<64x128xf32, #tpu.memory_space<vmem>>) dst(%dma_wait3A_102 : memref<10240x128xf32, #tpu.memory_space<vmem_shared>>)
        tpu.yield
      }) : () -> ()
    } else {
    }
    %eq3A_7 = arith.constant 1 : i32
    %eq3A_8 = arith.cmpi eq, %arg0, %eq3A_7 : i32
    %convert_element_type3A_9 = arith.extui %eq3A_8 : i1 to i32
    %cond3A_10 = arith.constant 0 : i32
    %cond3A_11 = arith.cmpi ne, %convert_element_type3A_9, %cond3A_10 : i32
    scf.if %cond3A_11 {
      %run_scoped3A = arith.constant 0 : i32
      "tpu.region"() ({
        %run_scoped3A_90 = tpu.sem_alloc : memref<!tpu.dma_semaphore, #tpu.memory_space<semaphore_mem>>
        %dma_start3A_91 = arith.constant 0 : i32
        %dma_start3A_92 = arith.constant 0 : i32
        %dma_start3A_93 = tpu.memref_slice %arg9[%dma_start3A_91, %dma_start3A_92] : memref<118x64xi32, #tpu.memory_space<vmem>> -> memref<42x64xi32, #tpu.memory_space<vmem>>
        %dma_start3A_94 = arith.constant 0 : i32
        %dma_start3A_95 = arith.constant 0 : i32
        %dma_start3A_96 = tpu.memref_slice %arg5[%arg1, %run_scoped3A, %dma_start3A_94, %dma_start3A_95] : memref<16x2x42x64xi32, #tpu.memory_space<hbm>> -> memref<1x1x42x64xi32, #tpu.memory_space<hbm>>
        %dma_start3A_97 = tpu.memref_squeeze %dma_start3A_96 : memref<1x1x42x64xi32, #tpu.memory_space<hbm>> -> memref<42x64xi32, #tpu.memory_space<hbm>>
        %dma_start3A_98 = arith.constant 0 : i32
        %dma_start3A_99 = arith.constant 0 : i32
        %dma_start3A_100 = tpu.memref_slice %arg9[%dma_start3A_98, %dma_start3A_99] : memref<118x64xi32, #tpu.memory_space<vmem>> -> memref<42x64xi32, #tpu.memory_space<vmem>>
        %dma_start3A_101 = arith.constant 0 : i32
        %dma_start3A_102 = arith.constant 0 : i32
        %dma_start3A_103 = tpu.memref_slice %arg5[%arg1, %run_scoped3A, %dma_start3A_101, %dma_start3A_102] : memref<16x2x42x64xi32, #tpu.memory_space<hbm>> -> memref<1x1x42x64xi32, #tpu.memory_space<hbm>>
        %dma_start3A_104 = tpu.memref_squeeze %dma_start3A_103 : memref<1x1x42x64xi32, #tpu.memory_space<hbm>> -> memref<42x64xi32, #tpu.memory_space<hbm>>
        tpu.enqueue_dma source(%dma_start3A_104 : memref<42x64xi32, #tpu.memory_space<hbm>>) target(%dma_start3A_100 : memref<42x64xi32, #tpu.memory_space<vmem>>) target_semaphore(%run_scoped3A_90 : memref<!tpu.dma_semaphore, #tpu.memory_space<semaphore_mem>>)
        %dma_wait3A_105 = arith.constant 0 : i32
        %dma_wait3A_106 = arith.constant 0 : i32
        %dma_wait3A_107 = tpu.memref_slice %arg9[%dma_wait3A_105, %dma_wait3A_106] : memref<118x64xi32, #tpu.memory_space<vmem>> -> memref<42x64xi32, #tpu.memory_space<vmem>>
        %dma_wait3A_108 = arith.constant 0 : i32
        %dma_wait3A_109 = arith.constant 0 : i32
        %dma_wait3A_110 = tpu.memref_slice %arg5[%arg1, %run_scoped3A, %dma_wait3A_108, %dma_wait3A_109] : memref<16x2x42x64xi32, #tpu.memory_space<hbm>> -> memref<1x1x42x64xi32, #tpu.memory_space<hbm>>
        %dma_wait3A_111 = tpu.memref_squeeze %dma_wait3A_110 : memref<1x1x42x64xi32, #tpu.memory_space<hbm>> -> memref<42x64xi32, #tpu.memory_space<hbm>>
        %dma_wait3A_112 = arith.constant 0 : i32
        %dma_wait3A_113 = arith.constant 0 : i32
        %dma_wait3A_114 = tpu.memref_slice %arg9[%dma_wait3A_112, %dma_wait3A_113] : memref<118x64xi32, #tpu.memory_space<vmem>> -> memref<42x64xi32, #tpu.memory_space<vmem>>
        %dma_wait3A_115 = arith.constant 0 : i32
        %dma_wait3A_116 = arith.constant 0 : i32
        %dma_wait3A_117 = tpu.memref_slice %arg5[%arg1, %run_scoped3A, %dma_wait3A_115, %dma_wait3A_116] : memref<16x2x42x64xi32, #tpu.memory_space<hbm>> -> memref<1x1x42x64xi32, #tpu.memory_space<hbm>>
        %dma_wait3A_118 = tpu.memref_squeeze %dma_wait3A_117 : memref<1x1x42x64xi32, #tpu.memory_space<hbm>> -> memref<42x64xi32, #tpu.memory_space<hbm>>
        tpu.wait_dma2 semaphore(%run_scoped3A_90 : memref<!tpu.dma_semaphore, #tpu.memory_space<semaphore_mem>>) src(%dma_wait3A_118 : memref<42x64xi32, #tpu.memory_space<hbm>>) dst(%dma_wait3A_114 : memref<42x64xi32, #tpu.memory_space<vmem>>)
        tpu.yield
      }) : () -> ()
      %run_scoped3A_18 = arith.constant 0 : i32
      "tpu.region"() ({
        %run_scoped3A_90 = tpu.sem_alloc : memref<!tpu.dma_semaphore, #tpu.memory_space<semaphore_mem>>
        %dma_start3A_91 = arith.constant 0 : i32
        %dma_start3A_92 = arith.constant 0 : i32
        %dma_start3A_93 = tpu.memref_slice %arg10[%dma_start3A_91, %dma_start3A_92] : memref<118x64xi32, #tpu.memory_space<vmem>> -> memref<42x64xi32, #tpu.memory_space<vmem>>
        %dma_start3A_94 = arith.constant 0 : i32
        %dma_start3A_95 = arith.constant 0 : i32
        %dma_start3A_96 = tpu.memref_slice %arg6[%arg1, %run_scoped3A_18, %dma_start3A_94, %dma_start3A_95] : memref<16x2x42x64xi32, #tpu.memory_space<hbm>> -> memref<1x1x42x64xi32, #tpu.memory_space<hbm>>
        %dma_start3A_97 = tpu.memref_squeeze %dma_start3A_96 : memref<1x1x42x64xi32, #tpu.memory_space<hbm>> -> memref<42x64xi32, #tpu.memory_space<hbm>>
        %dma_start3A_98 = arith.constant 0 : i32
        %dma_start3A_99 = arith.constant 0 : i32
        %dma_start3A_100 = tpu.memref_slice %arg10[%dma_start3A_98, %dma_start3A_99] : memref<118x64xi32, #tpu.memory_space<vmem>> -> memref<42x64xi32, #tpu.memory_space<vmem>>
        %dma_start3A_101 = arith.constant 0 : i32
        %dma_start3A_102 = arith.constant 0 : i32
        %dma_start3A_103 = tpu.memref_slice %arg6[%arg1, %run_scoped3A_18, %dma_start3A_101, %dma_start3A_102] : memref<16x2x42x64xi32, #tpu.memory_space<hbm>> -> memref<1x1x42x64xi32, #tpu.memory_space<hbm>>
        %dma_start3A_104 = tpu.memref_squeeze %dma_start3A_103 : memref<1x1x42x64xi32, #tpu.memory_space<hbm>> -> memref<42x64xi32, #tpu.memory_space<hbm>>
        tpu.enqueue_dma source(%dma_start3A_104 : memref<42x64xi32, #tpu.memory_space<hbm>>) target(%dma_start3A_100 : memref<42x64xi32, #tpu.memory_space<vmem>>) target_semaphore(%run_scoped3A_90 : memref<!tpu.dma_semaphore, #tpu.memory_space<semaphore_mem>>)
        %dma_wait3A_105 = arith.constant 0 : i32
        %dma_wait3A_106 = arith.constant 0 : i32
        %dma_wait3A_107 = tpu.memref_slice %arg10[%dma_wait3A_105, %dma_wait3A_106] : memref<118x64xi32, #tpu.memory_space<vmem>> -> memref<42x64xi32, #tpu.memory_space<vmem>>
        %dma_wait3A_108 = arith.constant 0 : i32
        %dma_wait3A_109 = arith.constant 0 : i32
        %dma_wait3A_110 = tpu.memref_slice %arg6[%arg1, %run_scoped3A_18, %dma_wait3A_108, %dma_wait3A_109] : memref<16x2x42x64xi32, #tpu.memory_space<hbm>> -> memref<1x1x42x64xi32, #tpu.memory_space<hbm>>
        %dma_wait3A_111 = tpu.memref_squeeze %dma_wait3A_110 : memref<1x1x42x64xi32, #tpu.memory_space<hbm>> -> memref<42x64xi32, #tpu.memory_space<hbm>>
        %dma_wait3A_112 = arith.constant 0 : i32
        %dma_wait3A_113 = arith.constant 0 : i32
        %dma_wait3A_114 = tpu.memref_slice %arg10[%dma_wait3A_112, %dma_wait3A_113] : memref<118x64xi32, #tpu.memory_space<vmem>> -> memref<42x64xi32, #tpu.memory_space<vmem>>
        %dma_wait3A_115 = arith.constant 0 : i32
        %dma_wait3A_116 = arith.constant 0 : i32
        %dma_wait3A_117 = tpu.memref_slice %arg6[%arg1, %run_scoped3A_18, %dma_wait3A_115, %dma_wait3A_116] : memref<16x2x42x64xi32, #tpu.memory_space<hbm>> -> memref<1x1x42x64xi32, #tpu.memory_space<hbm>>
        %dma_wait3A_118 = tpu.memref_squeeze %dma_wait3A_117 : memref<1x1x42x64xi32, #tpu.memory_space<hbm>> -> memref<42x64xi32, #tpu.memory_space<hbm>>
        tpu.wait_dma2 semaphore(%run_scoped3A_90 : memref<!tpu.dma_semaphore, #tpu.memory_space<semaphore_mem>>) src(%dma_wait3A_118 : memref<42x64xi32, #tpu.memory_space<hbm>>) dst(%dma_wait3A_114 : memref<42x64xi32, #tpu.memory_space<vmem>>)
        tpu.yield
      }) : () -> ()
      %dma_start3A = arith.constant 0 : i32
      %dma_start3A_19 = arith.constant 0 : i32
      %dma_start3A_20 = tpu.memref_slice %arg9[%dma_start3A, %dma_start3A_19] : memref<118x64xi32, #tpu.memory_space<vmem>> -> memref<1x64xi32, #tpu.memory_space<vmem>>
      %dma_start3A_21 = tpu.memref_squeeze %dma_start3A_20 : memref<1x64xi32, #tpu.memory_space<vmem>> -> memref<64xi32, #tpu.memory_space<vmem>>
      %dma_start3A_22 = arith.constant 0 : i32
      %dma_start3A_23 = arith.constant 0 : i32
      %dma_start3A_24 = tpu.memref_slice %arg2[%dma_start3A_22, %dma_start3A_23] : memref<10240x128xf32, #tpu.memory_space<hbm>> -> memref<10240x128xf32, #tpu.memory_space<hbm>>
      tpu.enqueue_indirect_dma source(%dma_start3A_24 : memref<10240x128xf32, #tpu.memory_space<hbm>>) target(%arg11 : memref<64x128xf32, #tpu.memory_space<vmem>>) offsets(%dma_start3A_21 : memref<64xi32, #tpu.memory_space<vmem>>) semaphore(%arg14 : memref<!tpu.dma_semaphore, #tpu.memory_space<semaphore_mem>>)
      %dma_start3A_25 = arith.constant 1 : i32
      %dma_start3A_26 = arith.constant 0 : i32
      %dma_start3A_27 = tpu.memref_slice %arg9[%dma_start3A_25, %dma_start3A_26] : memref<118x64xi32, #tpu.memory_space<vmem>> -> memref<1x64xi32, #tpu.memory_space<vmem>>
      %dma_start3A_28 = tpu.memref_squeeze %dma_start3A_27 : memref<1x64xi32, #tpu.memory_space<vmem>> -> memref<64xi32, #tpu.memory_space<vmem>>
      %dma_start3A_29 = arith.constant 0 : i32
      %dma_start3A_30 = arith.constant 0 : i32
      %dma_start3A_31 = tpu.memref_slice %arg2[%dma_start3A_29, %dma_start3A_30] : memref<10240x128xf32, #tpu.memory_space<hbm>> -> memref<10240x128xf32, #tpu.memory_space<hbm>>
      tpu.enqueue_indirect_dma source(%dma_start3A_31 : memref<10240x128xf32, #tpu.memory_space<hbm>>) target(%arg12 : memref<64x128xf32, #tpu.memory_space<vmem>>) offsets(%dma_start3A_28 : memref<64xi32, #tpu.memory_space<vmem>>) semaphore(%arg15 : memref<!tpu.dma_semaphore, #tpu.memory_space<semaphore_mem>>)
      %scan3A = arith.constant 0 : i32
      %scan3A_32 = arith.constant 0 : i32
      %scan3A_33 = arith.constant 20 : i32
      %scan3A_34 = arith.addi %scan3A_32, %scan3A_33 : i32
      %scan3A_35 = arith.constant 1 : i32
      scf.for %scan3A_90 = %scan3A_32 to %scan3A_34 step %scan3A_35  : i32 {
        %mul3A = arith.constant 2 : i32
        %mul3A_91 = arith.muli %scan3A_90, %mul3A : i32
        %add3A = arith.constant 0 : i32
        %add3A_92 = arith.addi %mul3A_91, %add3A : i32
        %dma_wait3A_93 = arith.constant 0 : i32
        %dma_wait3A_94 = tpu.memref_slice %arg9[%add3A_92, %dma_wait3A_93] : memref<118x64xi32, #tpu.memory_space<vmem>> -> memref<1x64xi32, #tpu.memory_space<vmem>>
        %dma_wait3A_95 = tpu.memref_squeeze %dma_wait3A_94 : memref<1x64xi32, #tpu.memory_space<vmem>> -> memref<64xi32, #tpu.memory_space<vmem>>
        %dma_wait3A_96 = arith.constant 0 : i32
        %dma_wait3A_97 = arith.constant 0 : i32
        %dma_wait3A_98 = tpu.memref_slice %arg2[%dma_wait3A_96, %dma_wait3A_97] : memref<10240x128xf32, #tpu.memory_space<hbm>> -> memref<10240x128xf32, #tpu.memory_space<hbm>>
        tpu.wait_indirect_dma semaphore(%arg14 : memref<!tpu.dma_semaphore, #tpu.memory_space<semaphore_mem>>) src(%dma_wait3A_98 : memref<10240x128xf32, #tpu.memory_space<hbm>>) dst(%arg11 : memref<64x128xf32, #tpu.memory_space<vmem>>)
        "tpu.region"() ({
          %run_scoped3A_123 = tpu.sem_alloc : memref<!tpu.dma_semaphore, #tpu.memory_space<semaphore_mem>>
          %dma_start3A_124 = arith.constant 0 : i32
          %dma_start3A_125 = tpu.memref_slice %arg10[%add3A_92, %dma_start3A_124] : memref<118x64xi32, #tpu.memory_space<vmem>> -> memref<1x64xi32, #tpu.memory_space<vmem>>
          %dma_start3A_126 = tpu.memref_squeeze %dma_start3A_125 : memref<1x64xi32, #tpu.memory_space<vmem>> -> memref<64xi32, #tpu.memory_space<vmem>>
          %dma_start3A_127 = arith.constant 0 : i32
          %dma_start3A_128 = arith.constant 0 : i32
          %dma_start3A_129 = tpu.memref_slice %arg13[%dma_start3A_127, %dma_start3A_128] : memref<10240x128xf32, #tpu.memory_space<vmem_shared>> -> memref<10240x128xf32, #tpu.memory_space<vmem_shared>>
          tpu.enqueue_indirect_dma source(%arg11 : memref<64x128xf32, #tpu.memory_space<vmem>>) target(%dma_start3A_129 : memref<10240x128xf32, #tpu.memory_space<vmem_shared>>) offsets(%dma_start3A_126 : memref<64xi32, #tpu.memory_space<vmem>>) semaphore(%run_scoped3A_123 : memref<!tpu.dma_semaphore, #tpu.memory_space<semaphore_mem>>) {add = true}
          %dma_wait3A_130 = arith.constant 0 : i32
          %dma_wait3A_131 = tpu.memref_slice %arg10[%add3A_92, %dma_wait3A_130] : memref<118x64xi32, #tpu.memory_space<vmem>> -> memref<1x64xi32, #tpu.memory_space<vmem>>
          %dma_wait3A_132 = tpu.memref_squeeze %dma_wait3A_131 : memref<1x64xi32, #tpu.memory_space<vmem>> -> memref<64xi32, #tpu.memory_space<vmem>>
          %dma_wait3A_133 = arith.constant 0 : i32
          %dma_wait3A_134 = arith.constant 0 : i32
          %dma_wait3A_135 = tpu.memref_slice %arg13[%dma_wait3A_133, %dma_wait3A_134] : memref<10240x128xf32, #tpu.memory_space<vmem_shared>> -> memref<10240x128xf32, #tpu.memory_space<vmem_shared>>
          tpu.wait_indirect_dma semaphore(%run_scoped3A_123 : memref<!tpu.dma_semaphore, #tpu.memory_space<semaphore_mem>>) src(%arg11 : memref<64x128xf32, #tpu.memory_space<vmem>>) dst(%dma_wait3A_135 : memref<10240x128xf32, #tpu.memory_space<vmem_shared>>)
          tpu.yield
        }) : () -> ()
        %add3A_99 = arith.constant 2 : i32
        %add3A_100 = arith.addi %add3A_92, %add3A_99 : i32
        %dma_start3A_101 = arith.constant 0 : i32
        %dma_start3A_102 = tpu.memref_slice %arg9[%add3A_100, %dma_start3A_101] : memref<118x64xi32, #tpu.memory_space<vmem>> -> memref<1x64xi32, #tpu.memory_space<vmem>>
        %dma_start3A_103 = tpu.memref_squeeze %dma_start3A_102 : memref<1x64xi32, #tpu.memory_space<vmem>> -> memref<64xi32, #tpu.memory_space<vmem>>
        %dma_start3A_104 = arith.constant 0 : i32
        %dma_start3A_105 = arith.constant 0 : i32
        %dma_start3A_106 = tpu.memref_slice %arg2[%dma_start3A_104, %dma_start3A_105] : memref<10240x128xf32, #tpu.memory_space<hbm>> -> memref<10240x128xf32, #tpu.memory_space<hbm>>
        tpu.enqueue_indirect_dma source(%dma_start3A_106 : memref<10240x128xf32, #tpu.memory_space<hbm>>) target(%arg11 : memref<64x128xf32, #tpu.memory_space<vmem>>) offsets(%dma_start3A_103 : memref<64xi32, #tpu.memory_space<vmem>>) semaphore(%arg14 : memref<!tpu.dma_semaphore, #tpu.memory_space<semaphore_mem>>)
        %add3A_107 = arith.constant 1 : i32
        %add3A_108 = arith.addi %mul3A_91, %add3A_107 : i32
        %dma_wait3A_109 = arith.constant 0 : i32
        %dma_wait3A_110 = tpu.memref_slice %arg9[%add3A_108, %dma_wait3A_109] : memref<118x64xi32, #tpu.memory_space<vmem>> -> memref<1x64xi32, #tpu.memory_space<vmem>>
        %dma_wait3A_111 = tpu.memref_squeeze %dma_wait3A_110 : memref<1x64xi32, #tpu.memory_space<vmem>> -> memref<64xi32, #tpu.memory_space<vmem>>
        %dma_wait3A_112 = arith.constant 0 : i32
        %dma_wait3A_113 = arith.constant 0 : i32
        %dma_wait3A_114 = tpu.memref_slice %arg2[%dma_wait3A_112, %dma_wait3A_113] : memref<10240x128xf32, #tpu.memory_space<hbm>> -> memref<10240x128xf32, #tpu.memory_space<hbm>>
        tpu.wait_indirect_dma semaphore(%arg15 : memref<!tpu.dma_semaphore, #tpu.memory_space<semaphore_mem>>) src(%dma_wait3A_114 : memref<10240x128xf32, #tpu.memory_space<hbm>>) dst(%arg12 : memref<64x128xf32, #tpu.memory_space<vmem>>)
        "tpu.region"() ({
          %run_scoped3A_123 = tpu.sem_alloc : memref<!tpu.dma_semaphore, #tpu.memory_space<semaphore_mem>>
          %dma_start3A_124 = arith.constant 0 : i32
          %dma_start3A_125 = tpu.memref_slice %arg10[%add3A_108, %dma_start3A_124] : memref<118x64xi32, #tpu.memory_space<vmem>> -> memref<1x64xi32, #tpu.memory_space<vmem>>
          %dma_start3A_126 = tpu.memref_squeeze %dma_start3A_125 : memref<1x64xi32, #tpu.memory_space<vmem>> -> memref<64xi32, #tpu.memory_space<vmem>>
          %dma_start3A_127 = arith.constant 0 : i32
          %dma_start3A_128 = arith.constant 0 : i32
          %dma_start3A_129 = tpu.memref_slice %arg13[%dma_start3A_127, %dma_start3A_128] : memref<10240x128xf32, #tpu.memory_space<vmem_shared>> -> memref<10240x128xf32, #tpu.memory_space<vmem_shared>>
          tpu.enqueue_indirect_dma source(%arg12 : memref<64x128xf32, #tpu.memory_space<vmem>>) target(%dma_start3A_129 : memref<10240x128xf32, #tpu.memory_space<vmem_shared>>) offsets(%dma_start3A_126 : memref<64xi32, #tpu.memory_space<vmem>>) semaphore(%run_scoped3A_123 : memref<!tpu.dma_semaphore, #tpu.memory_space<semaphore_mem>>) {add = true}
          %dma_wait3A_130 = arith.constant 0 : i32
          %dma_wait3A_131 = tpu.memref_slice %arg10[%add3A_108, %dma_wait3A_130] : memref<118x64xi32, #tpu.memory_space<vmem>> -> memref<1x64xi32, #tpu.memory_space<vmem>>
          %dma_wait3A_132 = tpu.memref_squeeze %dma_wait3A_131 : memref<1x64xi32, #tpu.memory_space<vmem>> -> memref<64xi32, #tpu.memory_space<vmem>>
          %dma_wait3A_133 = arith.constant 0 : i32
          %dma_wait3A_134 = arith.constant 0 : i32
          %dma_wait3A_135 = tpu.memref_slice %arg13[%dma_wait3A_133, %dma_wait3A_134] : memref<10240x128xf32, #tpu.memory_space<vmem_shared>> -> memref<10240x128xf32, #tpu.memory_space<vmem_shared>>
          tpu.wait_indirect_dma semaphore(%run_scoped3A_123 : memref<!tpu.dma_semaphore, #tpu.memory_space<semaphore_mem>>) src(%arg12 : memref<64x128xf32, #tpu.memory_space<vmem>>) dst(%dma_wait3A_135 : memref<10240x128xf32, #tpu.memory_space<vmem_shared>>)
          tpu.yield
        }) : () -> ()
        %add3A_115 = arith.constant 2 : i32
        %add3A_116 = arith.addi %add3A_108, %add3A_115 : i32
        %dma_start3A_117 = arith.constant 0 : i32
        %dma_start3A_118 = tpu.memref_slice %arg9[%add3A_116, %dma_start3A_117] : memref<118x64xi32, #tpu.memory_space<vmem>> -> memref<1x64xi32, #tpu.memory_space<vmem>>
        %dma_start3A_119 = tpu.memref_squeeze %dma_start3A_118 : memref<1x64xi32, #tpu.memory_space<vmem>> -> memref<64xi32, #tpu.memory_space<vmem>>
        %dma_start3A_120 = arith.constant 0 : i32
        %dma_start3A_121 = arith.constant 0 : i32
        %dma_start3A_122 = tpu.memref_slice %arg2[%dma_start3A_120, %dma_start3A_121] : memref<10240x128xf32, #tpu.memory_space<hbm>> -> memref<10240x128xf32, #tpu.memory_space<hbm>>
        tpu.enqueue_indirect_dma source(%dma_start3A_122 : memref<10240x128xf32, #tpu.memory_space<hbm>>) target(%arg12 : memref<64x128xf32, #tpu.memory_space<vmem>>) offsets(%dma_start3A_119 : memref<64xi32, #tpu.memory_space<vmem>>) semaphore(%arg15 : memref<!tpu.dma_semaphore, #tpu.memory_space<semaphore_mem>>)
      }
      %scan3A_36 = arith.constant 20 : i32
      %dma_wait3A = arith.constant 40 : i32
      %dma_wait3A_37 = arith.constant 0 : i32
      %dma_wait3A_38 = tpu.memref_slice %arg9[%dma_wait3A, %dma_wait3A_37] : memref<118x64xi32, #tpu.memory_space<vmem>> -> memref<1x64xi32, #tpu.memory_space<vmem>>
      %dma_wait3A_39 = tpu.memref_squeeze %dma_wait3A_38 : memref<1x64xi32, #tpu.memory_space<vmem>> -> memref<64xi32, #tpu.memory_space<vmem>>
      %dma_wait3A_40 = arith.constant 0 : i32
      %dma_wait3A_41 = arith.constant 0 : i32
      %dma_wait3A_42 = tpu.memref_slice %arg2[%dma_wait3A_40, %dma_wait3A_41] : memref<10240x128xf32, #tpu.memory_space<hbm>> -> memref<10240x128xf32, #tpu.memory_space<hbm>>
      tpu.wait_indirect_dma semaphore(%arg14 : memref<!tpu.dma_semaphore, #tpu.memory_space<semaphore_mem>>) src(%dma_wait3A_42 : memref<10240x128xf32, #tpu.memory_space<hbm>>) dst(%arg11 : memref<64x128xf32, #tpu.memory_space<vmem>>)
      %run_scoped3A_43 = arith.constant 40 : i32
      "tpu.region"() ({
        %run_scoped3A_90 = tpu.sem_alloc : memref<!tpu.dma_semaphore, #tpu.memory_space<semaphore_mem>>
        %dma_start3A_91 = arith.constant 0 : i32
        %dma_start3A_92 = tpu.memref_slice %arg10[%run_scoped3A_43, %dma_start3A_91] : memref<118x64xi32, #tpu.memory_space<vmem>> -> memref<1x64xi32, #tpu.memory_space<vmem>>
        %dma_start3A_93 = tpu.memref_squeeze %dma_start3A_92 : memref<1x64xi32, #tpu.memory_space<vmem>> -> memref<64xi32, #tpu.memory_space<vmem>>
        %dma_start3A_94 = arith.constant 0 : i32
        %dma_start3A_95 = arith.constant 0 : i32
        %dma_start3A_96 = tpu.memref_slice %arg13[%dma_start3A_94, %dma_start3A_95] : memref<10240x128xf32, #tpu.memory_space<vmem_shared>> -> memref<10240x128xf32, #tpu.memory_space<vmem_shared>>
        tpu.enqueue_indirect_dma source(%arg11 : memref<64x128xf32, #tpu.memory_space<vmem>>) target(%dma_start3A_96 : memref<10240x128xf32, #tpu.memory_space<vmem_shared>>) offsets(%dma_start3A_93 : memref<64xi32, #tpu.memory_space<vmem>>) semaphore(%run_scoped3A_90 : memref<!tpu.dma_semaphore, #tpu.memory_space<semaphore_mem>>) {add = true}
        %dma_wait3A_97 = arith.constant 0 : i32
        %dma_wait3A_98 = tpu.memref_slice %arg10[%run_scoped3A_43, %dma_wait3A_97] : memref<118x64xi32, #tpu.memory_space<vmem>> -> memref<1x64xi32, #tpu.memory_space<vmem>>
        %dma_wait3A_99 = tpu.memref_squeeze %dma_wait3A_98 : memref<1x64xi32, #tpu.memory_space<vmem>> -> memref<64xi32, #tpu.memory_space<vmem>>
        %dma_wait3A_100 = arith.constant 0 : i32
        %dma_wait3A_101 = arith.constant 0 : i32
        %dma_wait3A_102 = tpu.memref_slice %arg13[%dma_wait3A_100, %dma_wait3A_101] : memref<10240x128xf32, #tpu.memory_space<vmem_shared>> -> memref<10240x128xf32, #tpu.memory_space<vmem_shared>>
        tpu.wait_indirect_dma semaphore(%run_scoped3A_90 : memref<!tpu.dma_semaphore, #tpu.memory_space<semaphore_mem>>) src(%arg11 : memref<64x128xf32, #tpu.memory_space<vmem>>) dst(%dma_wait3A_102 : memref<10240x128xf32, #tpu.memory_space<vmem_shared>>)
        tpu.yield
      }) : () -> ()
      %dma_wait3A_44 = arith.constant 41 : i32
      %dma_wait3A_45 = arith.constant 0 : i32
      %dma_wait3A_46 = tpu.memref_slice %arg9[%dma_wait3A_44, %dma_wait3A_45] : memref<118x64xi32, #tpu.memory_space<vmem>> -> memref<1x64xi32, #tpu.memory_space<vmem>>
      %dma_wait3A_47 = tpu.memref_squeeze %dma_wait3A_46 : memref<1x64xi32, #tpu.memory_space<vmem>> -> memref<64xi32, #tpu.memory_space<vmem>>
      %dma_wait3A_48 = arith.constant 0 : i32
      %dma_wait3A_49 = arith.constant 0 : i32
      %dma_wait3A_50 = tpu.memref_slice %arg2[%dma_wait3A_48, %dma_wait3A_49] : memref<10240x128xf32, #tpu.memory_space<hbm>> -> memref<10240x128xf32, #tpu.memory_space<hbm>>
      tpu.wait_indirect_dma semaphore(%arg15 : memref<!tpu.dma_semaphore, #tpu.memory_space<semaphore_mem>>) src(%dma_wait3A_50 : memref<10240x128xf32, #tpu.memory_space<hbm>>) dst(%arg12 : memref<64x128xf32, #tpu.memory_space<vmem>>)
      %run_scoped3A_51 = arith.constant 41 : i32
      "tpu.region"() ({
        %run_scoped3A_90 = tpu.sem_alloc : memref<!tpu.dma_semaphore, #tpu.memory_space<semaphore_mem>>
        %dma_start3A_91 = arith.constant 0 : i32
        %dma_start3A_92 = tpu.memref_slice %arg10[%run_scoped3A_51, %dma_start3A_91] : memref<118x64xi32, #tpu.memory_space<vmem>> -> memref<1x64xi32, #tpu.memory_space<vmem>>
        %dma_start3A_93 = tpu.memref_squeeze %dma_start3A_92 : memref<1x64xi32, #tpu.memory_space<vmem>> -> memref<64xi32, #tpu.memory_space<vmem>>
        %dma_start3A_94 = arith.constant 0 : i32
        %dma_start3A_95 = arith.constant 0 : i32
        %dma_start3A_96 = tpu.memref_slice %arg13[%dma_start3A_94, %dma_start3A_95] : memref<10240x128xf32, #tpu.memory_space<vmem_shared>> -> memref<10240x128xf32, #tpu.memory_space<vmem_shared>>
        tpu.enqueue_indirect_dma source(%arg12 : memref<64x128xf32, #tpu.memory_space<vmem>>) target(%dma_start3A_96 : memref<10240x128xf32, #tpu.memory_space<vmem_shared>>) offsets(%dma_start3A_93 : memref<64xi32, #tpu.memory_space<vmem>>) semaphore(%run_scoped3A_90 : memref<!tpu.dma_semaphore, #tpu.memory_space<semaphore_mem>>) {add = true}
        %dma_wait3A_97 = arith.constant 0 : i32
        %dma_wait3A_98 = tpu.memref_slice %arg10[%run_scoped3A_51, %dma_wait3A_97] : memref<118x64xi32, #tpu.memory_space<vmem>> -> memref<1x64xi32, #tpu.memory_space<vmem>>
        %dma_wait3A_99 = tpu.memref_squeeze %dma_wait3A_98 : memref<1x64xi32, #tpu.memory_space<vmem>> -> memref<64xi32, #tpu.memory_space<vmem>>
        %dma_wait3A_100 = arith.constant 0 : i32
        %dma_wait3A_101 = arith.constant 0 : i32
        %dma_wait3A_102 = tpu.memref_slice %arg13[%dma_wait3A_100, %dma_wait3A_101] : memref<10240x128xf32, #tpu.memory_space<vmem_shared>> -> memref<10240x128xf32, #tpu.memory_space<vmem_shared>>
        tpu.wait_indirect_dma semaphore(%run_scoped3A_90 : memref<!tpu.dma_semaphore, #tpu.memory_space<semaphore_mem>>) src(%arg12 : memref<64x128xf32, #tpu.memory_space<vmem>>) dst(%dma_wait3A_102 : memref<10240x128xf32, #tpu.memory_space<vmem_shared>>)
        tpu.yield
      }) : () -> ()
      %run_scoped3A_52 = arith.constant 1 : i32
      "tpu.region"() ({
        %run_scoped3A_90 = tpu.sem_alloc : memref<!tpu.dma_semaphore, #tpu.memory_space<semaphore_mem>>
        %dma_start3A_91 = arith.constant 0 : i32
        %dma_start3A_92 = arith.constant 0 : i32
        %dma_start3A_93 = tpu.memref_slice %arg9[%dma_start3A_91, %dma_start3A_92] : memref<118x64xi32, #tpu.memory_space<vmem>> -> memref<42x64xi32, #tpu.memory_space<vmem>>
        %dma_start3A_94 = arith.constant 0 : i32
        %dma_start3A_95 = arith.constant 0 : i32
        %dma_start3A_96 = tpu.memref_slice %arg5[%arg1, %run_scoped3A_52, %dma_start3A_94, %dma_start3A_95] : memref<16x2x42x64xi32, #tpu.memory_space<hbm>> -> memref<1x1x42x64xi32, #tpu.memory_space<hbm>>
        %dma_start3A_97 = tpu.memref_squeeze %dma_start3A_96 : memref<1x1x42x64xi32, #tpu.memory_space<hbm>> -> memref<42x64xi32, #tpu.memory_space<hbm>>
        %dma_start3A_98 = arith.constant 0 : i32
        %dma_start3A_99 = arith.constant 0 : i32
        %dma_start3A_100 = tpu.memref_slice %arg9[%dma_start3A_98, %dma_start3A_99] : memref<118x64xi32, #tpu.memory_space<vmem>> -> memref<42x64xi32, #tpu.memory_space<vmem>>
        %dma_start3A_101 = arith.constant 0 : i32
        %dma_start3A_102 = arith.constant 0 : i32
        %dma_start3A_103 = tpu.memref_slice %arg5[%arg1, %run_scoped3A_52, %dma_start3A_101, %dma_start3A_102] : memref<16x2x42x64xi32, #tpu.memory_space<hbm>> -> memref<1x1x42x64xi32, #tpu.memory_space<hbm>>
        %dma_start3A_104 = tpu.memref_squeeze %dma_start3A_103 : memref<1x1x42x64xi32, #tpu.memory_space<hbm>> -> memref<42x64xi32, #tpu.memory_space<hbm>>
        tpu.enqueue_dma source(%dma_start3A_104 : memref<42x64xi32, #tpu.memory_space<hbm>>) target(%dma_start3A_100 : memref<42x64xi32, #tpu.memory_space<vmem>>) target_semaphore(%run_scoped3A_90 : memref<!tpu.dma_semaphore, #tpu.memory_space<semaphore_mem>>)
        %dma_wait3A_105 = arith.constant 0 : i32
        %dma_wait3A_106 = arith.constant 0 : i32
        %dma_wait3A_107 = tpu.memref_slice %arg9[%dma_wait3A_105, %dma_wait3A_106] : memref<118x64xi32, #tpu.memory_space<vmem>> -> memref<42x64xi32, #tpu.memory_space<vmem>>
        %dma_wait3A_108 = arith.constant 0 : i32
        %dma_wait3A_109 = arith.constant 0 : i32
        %dma_wait3A_110 = tpu.memref_slice %arg5[%arg1, %run_scoped3A_52, %dma_wait3A_108, %dma_wait3A_109] : memref<16x2x42x64xi32, #tpu.memory_space<hbm>> -> memref<1x1x42x64xi32, #tpu.memory_space<hbm>>
        %dma_wait3A_111 = tpu.memref_squeeze %dma_wait3A_110 : memref<1x1x42x64xi32, #tpu.memory_space<hbm>> -> memref<42x64xi32, #tpu.memory_space<hbm>>
        %dma_wait3A_112 = arith.constant 0 : i32
        %dma_wait3A_113 = arith.constant 0 : i32
        %dma_wait3A_114 = tpu.memref_slice %arg9[%dma_wait3A_112, %dma_wait3A_113] : memref<118x64xi32, #tpu.memory_space<vmem>> -> memref<42x64xi32, #tpu.memory_space<vmem>>
        %dma_wait3A_115 = arith.constant 0 : i32
        %dma_wait3A_116 = arith.constant 0 : i32
        %dma_wait3A_117 = tpu.memref_slice %arg5[%arg1, %run_scoped3A_52, %dma_wait3A_115, %dma_wait3A_116] : memref<16x2x42x64xi32, #tpu.memory_space<hbm>> -> memref<1x1x42x64xi32, #tpu.memory_space<hbm>>
        %dma_wait3A_118 = tpu.memref_squeeze %dma_wait3A_117 : memref<1x1x42x64xi32, #tpu.memory_space<hbm>> -> memref<42x64xi32, #tpu.memory_space<hbm>>
        tpu.wait_dma2 semaphore(%run_scoped3A_90 : memref<!tpu.dma_semaphore, #tpu.memory_space<semaphore_mem>>) src(%dma_wait3A_118 : memref<42x64xi32, #tpu.memory_space<hbm>>) dst(%dma_wait3A_114 : memref<42x64xi32, #tpu.memory_space<vmem>>)
        tpu.yield
      }) : () -> ()
      %run_scoped3A_53 = arith.constant 1 : i32
      "tpu.region"() ({
        %run_scoped3A_90 = tpu.sem_alloc : memref<!tpu.dma_semaphore, #tpu.memory_space<semaphore_mem>>
        %dma_start3A_91 = arith.constant 0 : i32
        %dma_start3A_92 = arith.constant 0 : i32
        %dma_start3A_93 = tpu.memref_slice %arg10[%dma_start3A_91, %dma_start3A_92] : memref<118x64xi32, #tpu.memory_space<vmem>> -> memref<42x64xi32, #tpu.memory_space<vmem>>
        %dma_start3A_94 = arith.constant 0 : i32
        %dma_start3A_95 = arith.constant 0 : i32
        %dma_start3A_96 = tpu.memref_slice %arg6[%arg1, %run_scoped3A_53, %dma_start3A_94, %dma_start3A_95] : memref<16x2x42x64xi32, #tpu.memory_space<hbm>> -> memref<1x1x42x64xi32, #tpu.memory_space<hbm>>
        %dma_start3A_97 = tpu.memref_squeeze %dma_start3A_96 : memref<1x1x42x64xi32, #tpu.memory_space<hbm>> -> memref<42x64xi32, #tpu.memory_space<hbm>>
        %dma_start3A_98 = arith.constant 0 : i32
        %dma_start3A_99 = arith.constant 0 : i32
        %dma_start3A_100 = tpu.memref_slice %arg10[%dma_start3A_98, %dma_start3A_99] : memref<118x64xi32, #tpu.memory_space<vmem>> -> memref<42x64xi32, #tpu.memory_space<vmem>>
        %dma_start3A_101 = arith.constant 0 : i32
        %dma_start3A_102 = arith.constant 0 : i32
        %dma_start3A_103 = tpu.memref_slice %arg6[%arg1, %run_scoped3A_53, %dma_start3A_101, %dma_start3A_102] : memref<16x2x42x64xi32, #tpu.memory_space<hbm>> -> memref<1x1x42x64xi32, #tpu.memory_space<hbm>>
        %dma_start3A_104 = tpu.memref_squeeze %dma_start3A_103 : memref<1x1x42x64xi32, #tpu.memory_space<hbm>> -> memref<42x64xi32, #tpu.memory_space<hbm>>
        tpu.enqueue_dma source(%dma_start3A_104 : memref<42x64xi32, #tpu.memory_space<hbm>>) target(%dma_start3A_100 : memref<42x64xi32, #tpu.memory_space<vmem>>) target_semaphore(%run_scoped3A_90 : memref<!tpu.dma_semaphore, #tpu.memory_space<semaphore_mem>>)
        %dma_wait3A_105 = arith.constant 0 : i32
        %dma_wait3A_106 = arith.constant 0 : i32
        %dma_wait3A_107 = tpu.memref_slice %arg10[%dma_wait3A_105, %dma_wait3A_106] : memref<118x64xi32, #tpu.memory_space<vmem>> -> memref<42x64xi32, #tpu.memory_space<vmem>>
        %dma_wait3A_108 = arith.constant 0 : i32
        %dma_wait3A_109 = arith.constant 0 : i32
        %dma_wait3A_110 = tpu.memref_slice %arg6[%arg1, %run_scoped3A_53, %dma_wait3A_108, %dma_wait3A_109] : memref<16x2x42x64xi32, #tpu.memory_space<hbm>> -> memref<1x1x42x64xi32, #tpu.memory_space<hbm>>
        %dma_wait3A_111 = tpu.memref_squeeze %dma_wait3A_110 : memref<1x1x42x64xi32, #tpu.memory_space<hbm>> -> memref<42x64xi32, #tpu.memory_space<hbm>>
        %dma_wait3A_112 = arith.constant 0 : i32
        %dma_wait3A_113 = arith.constant 0 : i32
        %dma_wait3A_114 = tpu.memref_slice %arg10[%dma_wait3A_112, %dma_wait3A_113] : memref<118x64xi32, #tpu.memory_space<vmem>> -> memref<42x64xi32, #tpu.memory_space<vmem>>
        %dma_wait3A_115 = arith.constant 0 : i32
        %dma_wait3A_116 = arith.constant 0 : i32
        %dma_wait3A_117 = tpu.memref_slice %arg6[%arg1, %run_scoped3A_53, %dma_wait3A_115, %dma_wait3A_116] : memref<16x2x42x64xi32, #tpu.memory_space<hbm>> -> memref<1x1x42x64xi32, #tpu.memory_space<hbm>>
        %dma_wait3A_118 = tpu.memref_squeeze %dma_wait3A_117 : memref<1x1x42x64xi32, #tpu.memory_space<hbm>> -> memref<42x64xi32, #tpu.memory_space<hbm>>
        tpu.wait_dma2 semaphore(%run_scoped3A_90 : memref<!tpu.dma_semaphore, #tpu.memory_space<semaphore_mem>>) src(%dma_wait3A_118 : memref<42x64xi32, #tpu.memory_space<hbm>>) dst(%dma_wait3A_114 : memref<42x64xi32, #tpu.memory_space<vmem>>)
        tpu.yield
      }) : () -> ()
      %dma_start3A_54 = arith.constant 0 : i32
      %dma_start3A_55 = arith.constant 0 : i32
      %dma_start3A_56 = tpu.memref_slice %arg9[%dma_start3A_54, %dma_start3A_55] : memref<118x64xi32, #tpu.memory_space<vmem>> -> memref<1x64xi32, #tpu.memory_space<vmem>>
      %dma_start3A_57 = tpu.memref_squeeze %dma_start3A_56 : memref<1x64xi32, #tpu.memory_space<vmem>> -> memref<64xi32, #tpu.memory_space<vmem>>
      %dma_start3A_58 = arith.constant 0 : i32
      %dma_start3A_59 = arith.constant 0 : i32
      %dma_start3A_60 = tpu.memref_slice %arg2[%dma_start3A_58, %dma_start3A_59] : memref<10240x128xf32, #tpu.memory_space<hbm>> -> memref<10240x128xf32, #tpu.memory_space<hbm>>
      tpu.enqueue_indirect_dma source(%dma_start3A_60 : memref<10240x128xf32, #tpu.memory_space<hbm>>) target(%arg11 : memref<64x128xf32, #tpu.memory_space<vmem>>) offsets(%dma_start3A_57 : memref<64xi32, #tpu.memory_space<vmem>>) semaphore(%arg14 : memref<!tpu.dma_semaphore, #tpu.memory_space<semaphore_mem>>)
      %dma_start3A_61 = arith.constant 1 : i32
      %dma_start3A_62 = arith.constant 0 : i32
      %dma_start3A_63 = tpu.memref_slice %arg9[%dma_start3A_61, %dma_start3A_62] : memref<118x64xi32, #tpu.memory_space<vmem>> -> memref<1x64xi32, #tpu.memory_space<vmem>>
      %dma_start3A_64 = tpu.memref_squeeze %dma_start3A_63 : memref<1x64xi32, #tpu.memory_space<vmem>> -> memref<64xi32, #tpu.memory_space<vmem>>
      %dma_start3A_65 = arith.constant 0 : i32
      %dma_start3A_66 = arith.constant 0 : i32
      %dma_start3A_67 = tpu.memref_slice %arg2[%dma_start3A_65, %dma_start3A_66] : memref<10240x128xf32, #tpu.memory_space<hbm>> -> memref<10240x128xf32, #tpu.memory_space<hbm>>
      tpu.enqueue_indirect_dma source(%dma_start3A_67 : memref<10240x128xf32, #tpu.memory_space<hbm>>) target(%arg12 : memref<64x128xf32, #tpu.memory_space<vmem>>) offsets(%dma_start3A_64 : memref<64xi32, #tpu.memory_space<vmem>>) semaphore(%arg15 : memref<!tpu.dma_semaphore, #tpu.memory_space<semaphore_mem>>)
      %scan3A_68 = arith.constant 0 : i32
      %scan3A_69 = arith.constant 0 : i32
      %scan3A_70 = arith.constant 20 : i32
      %scan3A_71 = arith.addi %scan3A_69, %scan3A_70 : i32
      %scan3A_72 = arith.constant 1 : i32
      scf.for %scan3A_90 = %scan3A_69 to %scan3A_71 step %scan3A_72  : i32 {
        %mul3A = arith.constant 2 : i32
        %mul3A_91 = arith.muli %scan3A_90, %mul3A : i32
        %add3A = arith.constant 0 : i32
        %add3A_92 = arith.addi %mul3A_91, %add3A : i32
        %dma_wait3A_93 = arith.constant 0 : i32
        %dma_wait3A_94 = tpu.memref_slice %arg9[%add3A_92, %dma_wait3A_93] : memref<118x64xi32, #tpu.memory_space<vmem>> -> memref<1x64xi32, #tpu.memory_space<vmem>>
        %dma_wait3A_95 = tpu.memref_squeeze %dma_wait3A_94 : memref<1x64xi32, #tpu.memory_space<vmem>> -> memref<64xi32, #tpu.memory_space<vmem>>
        %dma_wait3A_96 = arith.constant 0 : i32
        %dma_wait3A_97 = arith.constant 0 : i32
        %dma_wait3A_98 = tpu.memref_slice %arg2[%dma_wait3A_96, %dma_wait3A_97] : memref<10240x128xf32, #tpu.memory_space<hbm>> -> memref<10240x128xf32, #tpu.memory_space<hbm>>
        tpu.wait_indirect_dma semaphore(%arg14 : memref<!tpu.dma_semaphore, #tpu.memory_space<semaphore_mem>>) src(%dma_wait3A_98 : memref<10240x128xf32, #tpu.memory_space<hbm>>) dst(%arg11 : memref<64x128xf32, #tpu.memory_space<vmem>>)
        "tpu.region"() ({
          %run_scoped3A_123 = tpu.sem_alloc : memref<!tpu.dma_semaphore, #tpu.memory_space<semaphore_mem>>
          %dma_start3A_124 = arith.constant 0 : i32
          %dma_start3A_125 = tpu.memref_slice %arg10[%add3A_92, %dma_start3A_124] : memref<118x64xi32, #tpu.memory_space<vmem>> -> memref<1x64xi32, #tpu.memory_space<vmem>>
          %dma_start3A_126 = tpu.memref_squeeze %dma_start3A_125 : memref<1x64xi32, #tpu.memory_space<vmem>> -> memref<64xi32, #tpu.memory_space<vmem>>
          %dma_start3A_127 = arith.constant 0 : i32
          %dma_start3A_128 = arith.constant 0 : i32
          %dma_start3A_129 = tpu.memref_slice %arg13[%dma_start3A_127, %dma_start3A_128] : memref<10240x128xf32, #tpu.memory_space<vmem_shared>> -> memref<10240x128xf32, #tpu.memory_space<vmem_shared>>
          tpu.enqueue_indirect_dma source(%arg11 : memref<64x128xf32, #tpu.memory_space<vmem>>) target(%dma_start3A_129 : memref<10240x128xf32, #tpu.memory_space<vmem_shared>>) offsets(%dma_start3A_126 : memref<64xi32, #tpu.memory_space<vmem>>) semaphore(%run_scoped3A_123 : memref<!tpu.dma_semaphore, #tpu.memory_space<semaphore_mem>>) {add = true}
          %dma_wait3A_130 = arith.constant 0 : i32
          %dma_wait3A_131 = tpu.memref_slice %arg10[%add3A_92, %dma_wait3A_130] : memref<118x64xi32, #tpu.memory_space<vmem>> -> memref<1x64xi32, #tpu.memory_space<vmem>>
          %dma_wait3A_132 = tpu.memref_squeeze %dma_wait3A_131 : memref<1x64xi32, #tpu.memory_space<vmem>> -> memref<64xi32, #tpu.memory_space<vmem>>
          %dma_wait3A_133 = arith.constant 0 : i32
          %dma_wait3A_134 = arith.constant 0 : i32
          %dma_wait3A_135 = tpu.memref_slice %arg13[%dma_wait3A_133, %dma_wait3A_134] : memref<10240x128xf32, #tpu.memory_space<vmem_shared>> -> memref<10240x128xf32, #tpu.memory_space<vmem_shared>>
          tpu.wait_indirect_dma semaphore(%run_scoped3A_123 : memref<!tpu.dma_semaphore, #tpu.memory_space<semaphore_mem>>) src(%arg11 : memref<64x128xf32, #tpu.memory_space<vmem>>) dst(%dma_wait3A_135 : memref<10240x128xf32, #tpu.memory_space<vmem_shared>>)
          tpu.yield
        }) : () -> ()
        %add3A_99 = arith.constant 2 : i32
        %add3A_100 = arith.addi %add3A_92, %add3A_99 : i32
        %dma_start3A_101 = arith.constant 0 : i32
        %dma_start3A_102 = tpu.memref_slice %arg9[%add3A_100, %dma_start3A_101] : memref<118x64xi32, #tpu.memory_space<vmem>> -> memref<1x64xi32, #tpu.memory_space<vmem>>
        %dma_start3A_103 = tpu.memref_squeeze %dma_start3A_102 : memref<1x64xi32, #tpu.memory_space<vmem>> -> memref<64xi32, #tpu.memory_space<vmem>>
        %dma_start3A_104 = arith.constant 0 : i32
        %dma_start3A_105 = arith.constant 0 : i32
        %dma_start3A_106 = tpu.memref_slice %arg2[%dma_start3A_104, %dma_start3A_105] : memref<10240x128xf32, #tpu.memory_space<hbm>> -> memref<10240x128xf32, #tpu.memory_space<hbm>>
        tpu.enqueue_indirect_dma source(%dma_start3A_106 : memref<10240x128xf32, #tpu.memory_space<hbm>>) target(%arg11 : memref<64x128xf32, #tpu.memory_space<vmem>>) offsets(%dma_start3A_103 : memref<64xi32, #tpu.memory_space<vmem>>) semaphore(%arg14 : memref<!tpu.dma_semaphore, #tpu.memory_space<semaphore_mem>>)
        %add3A_107 = arith.constant 1 : i32
        %add3A_108 = arith.addi %mul3A_91, %add3A_107 : i32
        %dma_wait3A_109 = arith.constant 0 : i32
        %dma_wait3A_110 = tpu.memref_slice %arg9[%add3A_108, %dma_wait3A_109] : memref<118x64xi32, #tpu.memory_space<vmem>> -> memref<1x64xi32, #tpu.memory_space<vmem>>
        %dma_wait3A_111 = tpu.memref_squeeze %dma_wait3A_110 : memref<1x64xi32, #tpu.memory_space<vmem>> -> memref<64xi32, #tpu.memory_space<vmem>>
        %dma_wait3A_112 = arith.constant 0 : i32
        %dma_wait3A_113 = arith.constant 0 : i32
        %dma_wait3A_114 = tpu.memref_slice %arg2[%dma_wait3A_112, %dma_wait3A_113] : memref<10240x128xf32, #tpu.memory_space<hbm>> -> memref<10240x128xf32, #tpu.memory_space<hbm>>
        tpu.wait_indirect_dma semaphore(%arg15 : memref<!tpu.dma_semaphore, #tpu.memory_space<semaphore_mem>>) src(%dma_wait3A_114 : memref<10240x128xf32, #tpu.memory_space<hbm>>) dst(%arg12 : memref<64x128xf32, #tpu.memory_space<vmem>>)
        "tpu.region"() ({
          %run_scoped3A_123 = tpu.sem_alloc : memref<!tpu.dma_semaphore, #tpu.memory_space<semaphore_mem>>
          %dma_start3A_124 = arith.constant 0 : i32
          %dma_start3A_125 = tpu.memref_slice %arg10[%add3A_108, %dma_start3A_124] : memref<118x64xi32, #tpu.memory_space<vmem>> -> memref<1x64xi32, #tpu.memory_space<vmem>>
          %dma_start3A_126 = tpu.memref_squeeze %dma_start3A_125 : memref<1x64xi32, #tpu.memory_space<vmem>> -> memref<64xi32, #tpu.memory_space<vmem>>
          %dma_start3A_127 = arith.constant 0 : i32
          %dma_start3A_128 = arith.constant 0 : i32
          %dma_start3A_129 = tpu.memref_slice %arg13[%dma_start3A_127, %dma_start3A_128] : memref<10240x128xf32, #tpu.memory_space<vmem_shared>> -> memref<10240x128xf32, #tpu.memory_space<vmem_shared>>
          tpu.enqueue_indirect_dma source(%arg12 : memref<64x128xf32, #tpu.memory_space<vmem>>) target(%dma_start3A_129 : memref<10240x128xf32, #tpu.memory_space<vmem_shared>>) offsets(%dma_start3A_126 : memref<64xi32, #tpu.memory_space<vmem>>) semaphore(%run_scoped3A_123 : memref<!tpu.dma_semaphore, #tpu.memory_space<semaphore_mem>>) {add = true}
          %dma_wait3A_130 = arith.constant 0 : i32
          %dma_wait3A_131 = tpu.memref_slice %arg10[%add3A_108, %dma_wait3A_130] : memref<118x64xi32, #tpu.memory_space<vmem>> -> memref<1x64xi32, #tpu.memory_space<vmem>>
          %dma_wait3A_132 = tpu.memref_squeeze %dma_wait3A_131 : memref<1x64xi32, #tpu.memory_space<vmem>> -> memref<64xi32, #tpu.memory_space<vmem>>
          %dma_wait3A_133 = arith.constant 0 : i32
          %dma_wait3A_134 = arith.constant 0 : i32
          %dma_wait3A_135 = tpu.memref_slice %arg13[%dma_wait3A_133, %dma_wait3A_134] : memref<10240x128xf32, #tpu.memory_space<vmem_shared>> -> memref<10240x128xf32, #tpu.memory_space<vmem_shared>>
          tpu.wait_indirect_dma semaphore(%run_scoped3A_123 : memref<!tpu.dma_semaphore, #tpu.memory_space<semaphore_mem>>) src(%arg12 : memref<64x128xf32, #tpu.memory_space<vmem>>) dst(%dma_wait3A_135 : memref<10240x128xf32, #tpu.memory_space<vmem_shared>>)
          tpu.yield
        }) : () -> ()
        %add3A_115 = arith.constant 2 : i32
        %add3A_116 = arith.addi %add3A_108, %add3A_115 : i32
        %dma_start3A_117 = arith.constant 0 : i32
        %dma_start3A_118 = tpu.memref_slice %arg9[%add3A_116, %dma_start3A_117] : memref<118x64xi32, #tpu.memory_space<vmem>> -> memref<1x64xi32, #tpu.memory_space<vmem>>
        %dma_start3A_119 = tpu.memref_squeeze %dma_start3A_118 : memref<1x64xi32, #tpu.memory_space<vmem>> -> memref<64xi32, #tpu.memory_space<vmem>>
        %dma_start3A_120 = arith.constant 0 : i32
        %dma_start3A_121 = arith.constant 0 : i32
        %dma_start3A_122 = tpu.memref_slice %arg2[%dma_start3A_120, %dma_start3A_121] : memref<10240x128xf32, #tpu.memory_space<hbm>> -> memref<10240x128xf32, #tpu.memory_space<hbm>>
        tpu.enqueue_indirect_dma source(%dma_start3A_122 : memref<10240x128xf32, #tpu.memory_space<hbm>>) target(%arg12 : memref<64x128xf32, #tpu.memory_space<vmem>>) offsets(%dma_start3A_119 : memref<64xi32, #tpu.memory_space<vmem>>) semaphore(%arg15 : memref<!tpu.dma_semaphore, #tpu.memory_space<semaphore_mem>>)
      }
      %scan3A_73 = arith.constant 20 : i32
      %dma_wait3A_74 = arith.constant 40 : i32
      %dma_wait3A_75 = arith.constant 0 : i32
      %dma_wait3A_76 = tpu.memref_slice %arg9[%dma_wait3A_74, %dma_wait3A_75] : memref<118x64xi32, #tpu.memory_space<vmem>> -> memref<1x64xi32, #tpu.memory_space<vmem>>
      %dma_wait3A_77 = tpu.memref_squeeze %dma_wait3A_76 : memref<1x64xi32, #tpu.memory_space<vmem>> -> memref<64xi32, #tpu.memory_space<vmem>>
      %dma_wait3A_78 = arith.constant 0 : i32
      %dma_wait3A_79 = arith.constant 0 : i32
      %dma_wait3A_80 = tpu.memref_slice %arg2[%dma_wait3A_78, %dma_wait3A_79] : memref<10240x128xf32, #tpu.memory_space<hbm>> -> memref<10240x128xf32, #tpu.memory_space<hbm>>
      tpu.wait_indirect_dma semaphore(%arg14 : memref<!tpu.dma_semaphore, #tpu.memory_space<semaphore_mem>>) src(%dma_wait3A_80 : memref<10240x128xf32, #tpu.memory_space<hbm>>) dst(%arg11 : memref<64x128xf32, #tpu.memory_space<vmem>>)
      %run_scoped3A_81 = arith.constant 40 : i32
      "tpu.region"() ({
        %run_scoped3A_90 = tpu.sem_alloc : memref<!tpu.dma_semaphore, #tpu.memory_space<semaphore_mem>>
        %dma_start3A_91 = arith.constant 0 : i32
        %dma_start3A_92 = tpu.memref_slice %arg10[%run_scoped3A_81, %dma_start3A_91] : memref<118x64xi32, #tpu.memory_space<vmem>> -> memref<1x64xi32, #tpu.memory_space<vmem>>
        %dma_start3A_93 = tpu.memref_squeeze %dma_start3A_92 : memref<1x64xi32, #tpu.memory_space<vmem>> -> memref<64xi32, #tpu.memory_space<vmem>>
        %dma_start3A_94 = arith.constant 0 : i32
        %dma_start3A_95 = arith.constant 0 : i32
        %dma_start3A_96 = tpu.memref_slice %arg13[%dma_start3A_94, %dma_start3A_95] : memref<10240x128xf32, #tpu.memory_space<vmem_shared>> -> memref<10240x128xf32, #tpu.memory_space<vmem_shared>>
        tpu.enqueue_indirect_dma source(%arg11 : memref<64x128xf32, #tpu.memory_space<vmem>>) target(%dma_start3A_96 : memref<10240x128xf32, #tpu.memory_space<vmem_shared>>) offsets(%dma_start3A_93 : memref<64xi32, #tpu.memory_space<vmem>>) semaphore(%run_scoped3A_90 : memref<!tpu.dma_semaphore, #tpu.memory_space<semaphore_mem>>) {add = true}
        %dma_wait3A_97 = arith.constant 0 : i32
        %dma_wait3A_98 = tpu.memref_slice %arg10[%run_scoped3A_81, %dma_wait3A_97] : memref<118x64xi32, #tpu.memory_space<vmem>> -> memref<1x64xi32, #tpu.memory_space<vmem>>
        %dma_wait3A_99 = tpu.memref_squeeze %dma_wait3A_98 : memref<1x64xi32, #tpu.memory_space<vmem>> -> memref<64xi32, #tpu.memory_space<vmem>>
        %dma_wait3A_100 = arith.constant 0 : i32
        %dma_wait3A_101 = arith.constant 0 : i32
        %dma_wait3A_102 = tpu.memref_slice %arg13[%dma_wait3A_100, %dma_wait3A_101] : memref<10240x128xf32, #tpu.memory_space<vmem_shared>> -> memref<10240x128xf32, #tpu.memory_space<vmem_shared>>
        tpu.wait_indirect_dma semaphore(%run_scoped3A_90 : memref<!tpu.dma_semaphore, #tpu.memory_space<semaphore_mem>>) src(%arg11 : memref<64x128xf32, #tpu.memory_space<vmem>>) dst(%dma_wait3A_102 : memref<10240x128xf32, #tpu.memory_space<vmem_shared>>)
        tpu.yield
      }) : () -> ()
      %dma_wait3A_82 = arith.constant 41 : i32
      %dma_wait3A_83 = arith.constant 0 : i32
      %dma_wait3A_84 = tpu.memref_slice %arg9[%dma_wait3A_82, %dma_wait3A_83] : memref<118x64xi32, #tpu.memory_space<vmem>> -> memref<1x64xi32, #tpu.memory_space<vmem>>
      %dma_wait3A_85 = tpu.memref_squeeze %dma_wait3A_84 : memref<1x64xi32, #tpu.memory_space<vmem>> -> memref<64xi32, #tpu.memory_space<vmem>>
      %dma_wait3A_86 = arith.constant 0 : i32
      %dma_wait3A_87 = arith.constant 0 : i32
      %dma_wait3A_88 = tpu.memref_slice %arg2[%dma_wait3A_86, %dma_wait3A_87] : memref<10240x128xf32, #tpu.memory_space<hbm>> -> memref<10240x128xf32, #tpu.memory_space<hbm>>
      tpu.wait_indirect_dma semaphore(%arg15 : memref<!tpu.dma_semaphore, #tpu.memory_space<semaphore_mem>>) src(%dma_wait3A_88 : memref<10240x128xf32, #tpu.memory_space<hbm>>) dst(%arg12 : memref<64x128xf32, #tpu.memory_space<vmem>>)
      %run_scoped3A_89 = arith.constant 41 : i32
      "tpu.region"() ({
        %run_scoped3A_90 = tpu.sem_alloc : memref<!tpu.dma_semaphore, #tpu.memory_space<semaphore_mem>>
        %dma_start3A_91 = arith.constant 0 : i32
        %dma_start3A_92 = tpu.memref_slice %arg10[%run_scoped3A_89, %dma_start3A_91] : memref<118x64xi32, #tpu.memory_space<vmem>> -> memref<1x64xi32, #tpu.memory_space<vmem>>
        %dma_start3A_93 = tpu.memref_squeeze %dma_start3A_92 : memref<1x64xi32, #tpu.memory_space<vmem>> -> memref<64xi32, #tpu.memory_space<vmem>>
        %dma_start3A_94 = arith.constant 0 : i32
        %dma_start3A_95 = arith.constant 0 : i32
        %dma_start3A_96 = tpu.memref_slice %arg13[%dma_start3A_94, %dma_start3A_95] : memref<10240x128xf32, #tpu.memory_space<vmem_shared>> -> memref<10240x128xf32, #tpu.memory_space<vmem_shared>>
        tpu.enqueue_indirect_dma source(%arg12 : memref<64x128xf32, #tpu.memory_space<vmem>>) target(%dma_start3A_96 : memref<10240x128xf32, #tpu.memory_space<vmem_shared>>) offsets(%dma_start3A_93 : memref<64xi32, #tpu.memory_space<vmem>>) semaphore(%run_scoped3A_90 : memref<!tpu.dma_semaphore, #tpu.memory_space<semaphore_mem>>) {add = true}
        %dma_wait3A_97 = arith.constant 0 : i32
        %dma_wait3A_98 = tpu.memref_slice %arg10[%run_scoped3A_89, %dma_wait3A_97] : memref<118x64xi32, #tpu.memory_space<vmem>> -> memref<1x64xi32, #tpu.memory_space<vmem>>
        %dma_wait3A_99 = tpu.memref_squeeze %dma_wait3A_98 : memref<1x64xi32, #tpu.memory_space<vmem>> -> memref<64xi32, #tpu.memory_space<vmem>>
        %dma_wait3A_100 = arith.constant 0 : i32
        %dma_wait3A_101 = arith.constant 0 : i32
        %dma_wait3A_102 = tpu.memref_slice %arg13[%dma_wait3A_100, %dma_wait3A_101] : memref<10240x128xf32, #tpu.memory_space<vmem_shared>> -> memref<10240x128xf32, #tpu.memory_space<vmem_shared>>
        tpu.wait_indirect_dma semaphore(%run_scoped3A_90 : memref<!tpu.dma_semaphore, #tpu.memory_space<semaphore_mem>>) src(%arg12 : memref<64x128xf32, #tpu.memory_space<vmem>>) dst(%dma_wait3A_102 : memref<10240x128xf32, #tpu.memory_space<vmem_shared>>)
        tpu.yield
      }) : () -> ()
    } else {
    }
    %barrier3A_12 = arith.constant 0 : index
    tpu.barrier barrier_id(%barrier3A_12)
    %eq3A_13 = arith.constant 0 : i32
    %eq3A_14 = arith.cmpi eq, %arg1, %eq3A_13 : i32
    %convert_element_type3A_15 = arith.extui %eq3A_14 : i1 to i32
    %cond3A_16 = arith.constant 0 : i32
    %cond3A_17 = arith.cmpi ne, %convert_element_type3A_15, %cond3A_16 : i32
    scf.if %cond3A_17 {
      "tpu.region"() ({
        %run_scoped3A = tpu.sem_alloc : memref<!tpu.dma_semaphore, #tpu.memory_space<semaphore_mem>>
        %dma_start3A = arith.constant 0 : i32
        %dma_start3A_18 = arith.constant 0 : i32
        %dma_start3A_19 = tpu.memref_slice %arg8[%arg0, %dma_start3A, %dma_start3A_18] : memref<2x10240x128xf32, #tpu.memory_space<hbm>> -> memref<1x10240x128xf32, #tpu.memory_space<hbm>>
        %dma_start3A_20 = tpu.memref_squeeze %dma_start3A_19 : memref<1x10240x128xf32, #tpu.memory_space<hbm>> -> memref<10240x128xf32, #tpu.memory_space<hbm>>
        tpu.enqueue_dma source(%arg13 : memref<10240x128xf32, #tpu.memory_space<vmem_shared>>) target(%dma_start3A_20 : memref<10240x128xf32, #tpu.memory_space<hbm>>) target_semaphore(%run_scoped3A : memref<!tpu.dma_semaphore, #tpu.memory_space<semaphore_mem>>)
        %dma_wait3A = arith.constant 0 : i32
        %dma_wait3A_21 = arith.constant 0 : i32
        %dma_wait3A_22 = tpu.memref_slice %arg8[%arg0, %dma_wait3A, %dma_wait3A_21] : memref<2x10240x128xf32, #tpu.memory_space<hbm>> -> memref<1x10240x128xf32, #tpu.memory_space<hbm>>
        %dma_wait3A_23 = tpu.memref_squeeze %dma_wait3A_22 : memref<1x10240x128xf32, #tpu.memory_space<hbm>> -> memref<10240x128xf32, #tpu.memory_space<hbm>>
        tpu.wait_dma2 semaphore(%run_scoped3A : memref<!tpu.dma_semaphore, #tpu.memory_space<semaphore_mem>>) src(%arg13 : memref<10240x128xf32, #tpu.memory_space<vmem_shared>>) dst(%dma_wait3A_23 : memref<10240x128xf32, #tpu.memory_space<hbm>>)
        tpu.yield
      }) : () -> ()
    } else {
    }
    return
  }
}

module attributes {stable_mosaic.version = 14 : i64} {
  func.func @body(%arg0: memref<4000x32xf32, #tpu.memory_space<vmem>>, %arg1: memref<6000x16xf32, #tpu.memory_space<vmem>>, %arg2: memref<6000x24xf32, #tpu.memory_space<vmem>>, %arg3: memref<10000x128xf32, #tpu.memory_space<vmem>>, %arg4: memref<128x32xf32, #tpu.memory_space<vmem>>, %arg5: memref<1x128xf32, #tpu.memory_space<vmem>>, %arg6: memref<128x16xf32, #tpu.memory_space<vmem>>, %arg7: memref<1x128xf32, #tpu.memory_space<vmem>>, %arg8: memref<128x24xf32, #tpu.memory_space<vmem>>, %arg9: memref<1x128xf32, #tpu.memory_space<vmem>>, %arg10: memref<10000x128xf32, #tpu.memory_space<vmem>>) attributes {dimension_semantics = [], scalar_prefetch = 0 : i64, scratch_operands = 0 : i64, tpu.core_type = #tpu.core_type<tc>} {
    %get3A = arith.constant 0 : index
    %get3A_0 = arith.constant 0 : index
    %get3A_1 = vector.load %arg0[%get3A, %get3A_0] : memref<4000x32xf32, #tpu.memory_space<vmem>>, vector<4000x32xf32>
    %get3A_2 = arith.constant 0 : index
    %get3A_3 = arith.constant 0 : index
    %get3A_4 = vector.load %arg4[%get3A_2, %get3A_3] : memref<128x32xf32, #tpu.memory_space<vmem>>, vector<128x32xf32>
    %dot_general3A = arith.constant dense<0.000000e+00> : vector<4000x128xf32>
    %dot_general3A_5 = tpu.matmul %get3A_1, %get3A_4, %dot_general3A {dimension_numbers = #tpu.dot_dimension_numbers<[1], [1], [0], [0], [0, 0, 1, 0], [], []>, precision = #tpu.contract_precision<fp32>, transpose_lhs_hint = false} : vector<4000x32xf32>, vector<128x32xf32>, vector<4000x128xf32> -> vector<4000x128xf32>
    %get3A_6 = arith.constant 0 : index
    %get3A_7 = arith.constant 0 : index
    %get3A_8 = vector.load %arg5[%get3A_6, %get3A_7] : memref<1x128xf32, #tpu.memory_space<vmem>>, vector<1x128xf32>
    %add3A = vector.broadcast %get3A_8 : vector<1x128xf32> to vector<4000x128xf32>
    %add3A_9 = arith.addf %dot_general3A_5, %add3A : vector<4000x128xf32>
    %get3A_10 = arith.constant 0 : index
    %get3A_11 = arith.constant 0 : index
    %get3A_12 = vector.load %arg1[%get3A_10, %get3A_11] : memref<6000x16xf32, #tpu.memory_space<vmem>>, vector<6000x16xf32>
    %get3A_13 = arith.constant 0 : index
    %get3A_14 = arith.constant 0 : index
    %get3A_15 = vector.load %arg6[%get3A_13, %get3A_14] : memref<128x16xf32, #tpu.memory_space<vmem>>, vector<128x16xf32>
    %dot_general3A_16 = arith.constant dense<0.000000e+00> : vector<6000x128xf32>
    %dot_general3A_17 = tpu.matmul %get3A_12, %get3A_15, %dot_general3A_16 {dimension_numbers = #tpu.dot_dimension_numbers<[1], [1], [0], [0], [0, 0, 1, 0], [], []>, precision = #tpu.contract_precision<fp32>, transpose_lhs_hint = false} : vector<6000x16xf32>, vector<128x16xf32>, vector<6000x128xf32> -> vector<6000x128xf32>
    %get3A_18 = arith.constant 0 : index
    %get3A_19 = arith.constant 0 : index
    %get3A_20 = vector.load %arg7[%get3A_18, %get3A_19] : memref<1x128xf32, #tpu.memory_space<vmem>>, vector<1x128xf32>
    %add3A_21 = vector.broadcast %get3A_20 : vector<1x128xf32> to vector<6000x128xf32>
    %add3A_22 = arith.addf %dot_general3A_17, %add3A_21 : vector<6000x128xf32>
    %get3A_23 = arith.constant 0 : index
    %get3A_24 = arith.constant 0 : index
    %get3A_25 = vector.load %arg2[%get3A_23, %get3A_24] : memref<6000x24xf32, #tpu.memory_space<vmem>>, vector<6000x24xf32>
    %get3A_26 = arith.constant 0 : index
    %get3A_27 = arith.constant 0 : index
    %get3A_28 = vector.load %arg8[%get3A_26, %get3A_27] : memref<128x24xf32, #tpu.memory_space<vmem>>, vector<128x24xf32>
    %dot_general3A_29 = arith.constant dense<0.000000e+00> : vector<6000x128xf32>
    %dot_general3A_30 = tpu.matmul %get3A_25, %get3A_28, %dot_general3A_29 {dimension_numbers = #tpu.dot_dimension_numbers<[1], [1], [0], [0], [0, 0, 1, 0], [], []>, precision = #tpu.contract_precision<fp32>, transpose_lhs_hint = false} : vector<6000x24xf32>, vector<128x24xf32>, vector<6000x128xf32> -> vector<6000x128xf32>
    %add3A_31 = arith.addf %add3A_22, %dot_general3A_30 : vector<6000x128xf32>
    %get3A_32 = arith.constant 0 : index
    %get3A_33 = arith.constant 0 : index
    %get3A_34 = vector.load %arg9[%get3A_32, %get3A_33] : memref<1x128xf32, #tpu.memory_space<vmem>>, vector<1x128xf32>
    %add3A_35 = vector.broadcast %get3A_34 : vector<1x128xf32> to vector<6000x128xf32>
    %add3A_36 = arith.addf %add3A_31, %add3A_35 : vector<6000x128xf32>
    %get3A_37 = arith.constant 0 : index
    %get3A_38 = arith.constant 0 : index
    %get3A_39 = vector.load %arg3[%get3A_37, %get3A_38] : memref<10000x128xf32, #tpu.memory_space<vmem>>, vector<4000x128xf32>
    %add3A_40 = arith.addf %get3A_39, %add3A_9 : vector<4000x128xf32>
    %swap3A = arith.constant 0 : index
    %swap3A_41 = arith.constant 0 : index
    %swap3A_42 = vector.load %arg10[%swap3A, %swap3A_41] : memref<10000x128xf32, #tpu.memory_space<vmem>>, vector<4000x128xf32>
    tpu.vector_store %arg10[%swap3A, %swap3A_41], %add3A_40 {strides = array<i32>} : memref<10000x128xf32, #tpu.memory_space<vmem>>, vector<4000x128xf32>,
    %get3A_43 = arith.constant 4000 : index
    %get3A_44 = arith.constant 0 : index
    %get3A_45 = vector.load %arg3[%get3A_43, %get3A_44] : memref<10000x128xf32, #tpu.memory_space<vmem>>, vector<6000x128xf32>
    %add3A_46 = arith.addf %get3A_45, %add3A_36 : vector<6000x128xf32>
    %swap3A_47 = arith.constant 4000 : index
    %swap3A_48 = arith.constant 0 : index
    %swap3A_49 = vector.load %arg10[%swap3A_47, %swap3A_48] : memref<10000x128xf32, #tpu.memory_space<vmem>>, vector<6000x128xf32>
    tpu.vector_store %arg10[%swap3A_47, %swap3A_48], %add3A_46 {strides = array<i32>} : memref<10000x128xf32, #tpu.memory_space<vmem>>, vector<6000x128xf32>,
    return
  }
}

module attributes {stable_mosaic.version = 14 : i64} {
  func.func @body(%arg0: memref<2x10240x128xf32, #tpu.memory_space<vmem>>, %arg1: memref<10240x128xf32, #tpu.memory_space<vmem>>, %arg2: memref<10240x128xf32, #tpu.memory_space<vmem>>, %arg3: memref<10240x128xf32, #tpu.memory_space<vmem>>) attributes {dimension_semantics = [], scalar_prefetch = 0 : i64, scratch_operands = 0 : i64, tpu.core_type = #tpu.core_type<tc>} {
    %get3A = arith.constant 0 : index
    %get3A_0 = arith.constant 0 : index
    %get3A_1 = arith.constant 0 : index
    %get3A_2 = vector.load %arg0[%get3A, %get3A_0, %get3A_1] : memref<2x10240x128xf32, #tpu.memory_space<vmem>>, vector<1x10240x1xf32>
    %get3A_3 = vector.shape_cast %get3A_2 : vector<1x10240x1xf32> to vector<10240x1xf32>
    %get3A_4 = arith.constant 1 : index
    %get3A_5 = arith.constant 0 : index
    %get3A_6 = arith.constant 0 : index
    %get3A_7 = vector.load %arg0[%get3A_4, %get3A_5, %get3A_6] : memref<2x10240x128xf32, #tpu.memory_space<vmem>>, vector<1x10240x1xf32>
    %get3A_8 = vector.shape_cast %get3A_7 : vector<1x10240x1xf32> to vector<10240x1xf32>
    %add3A = arith.addf %get3A_3, %get3A_8 : vector<10240x1xf32>
    %gt3A = arith.constant 0.000000e+00 : f32
    %gt3A_9 = vector.broadcast %gt3A : f32 to vector<10240x1xf32>
    %gt3A_10 = arith.cmpf ogt, %add3A, %gt3A_9 : vector<10240x1xf32>
    %rsqrt3A = math.rsqrt %add3A : vector<10240x1xf32>
    %jit3A = arith.constant 0.000000e+00 : f32
    %broadcast_in_dim3A = vector.broadcast %jit3A : f32 to vector<10240x1xf32>
    %select_n3A = arith.select %gt3A_10, %rsqrt3A, %broadcast_in_dim3A : vector<10240x1xi1>, vector<10240x1xf32>
    %broadcast_in_dim3A_11 = vector.shape_cast %select_n3A : vector<10240x1xf32> to vector<10240x1xf32>
    %broadcast_in_dim3A_12 = vector.broadcast %broadcast_in_dim3A_11 : vector<10240x1xf32> to vector<10240x128xf32>
    %swap3A = arith.constant 0 : index
    %swap3A_13 = arith.constant 0 : index
    %swap3A_14 = vector.load %arg2[%swap3A, %swap3A_13] : memref<10240x128xf32, #tpu.memory_space<vmem>>, vector<10240x128xf32>
    tpu.vector_store %arg2[%swap3A, %swap3A_13], %broadcast_in_dim3A_12 {strides = array<i32>} : memref<10240x128xf32, #tpu.memory_space<vmem>>, vector<10240x128xf32>,
    %get3A_15 = arith.constant 0 : index
    %get3A_16 = arith.constant 0 : index
    %get3A_17 = vector.load %arg1[%get3A_15, %get3A_16] : memref<10240x128xf32, #tpu.memory_space<vmem>>, vector<10240x128xf32>
    %mul3A = arith.mulf %get3A_17, %broadcast_in_dim3A_12 : vector<10240x128xf32>
    %swap3A_18 = arith.constant 0 : index
    %swap3A_19 = arith.constant 0 : index
    %swap3A_20 = vector.load %arg3[%swap3A_18, %swap3A_19] : memref<10240x128xf32, #tpu.memory_space<vmem>>, vector<10240x128xf32>
    tpu.vector_store %arg3[%swap3A_18, %swap3A_19], %mul3A {strides = array<i32>} : memref<10240x128xf32, #tpu.memory_space<vmem>>, vector<10240x128xf32>,
    return
  }
}

module attributes {stable_mosaic.version = 14 : i64} {
  func.func @body(%arg0: memref<2x10240x128xf32, #tpu.memory_space<vmem>>, %arg1: memref<10240x128xf32, #tpu.memory_space<vmem>>, %arg2: memref<10240x128xf32, #tpu.memory_space<vmem>>, %arg3: memref<10240x128xf32, #tpu.memory_space<vmem>>, %arg4: memref<10240x128xf32, #tpu.memory_space<vmem>>) attributes {dimension_semantics = [], scalar_prefetch = 0 : i64, scratch_operands = 0 : i64, tpu.core_type = #tpu.core_type<tc>} {
    %get3A = arith.constant 0 : index
    %get3A_0 = arith.constant 0 : index
    %get3A_1 = arith.constant 0 : index
    %get3A_2 = vector.load %arg0[%get3A, %get3A_0, %get3A_1] : memref<2x10240x128xf32, #tpu.memory_space<vmem>>, vector<1x10240x128xf32>
    %get3A_3 = vector.shape_cast %get3A_2 : vector<1x10240x128xf32> to vector<10240x128xf32>
    %get3A_4 = arith.constant 1 : index
    %get3A_5 = arith.constant 0 : index
    %get3A_6 = arith.constant 0 : index
    %get3A_7 = vector.load %arg0[%get3A_4, %get3A_5, %get3A_6] : memref<2x10240x128xf32, #tpu.memory_space<vmem>>, vector<1x10240x128xf32>
    %get3A_8 = vector.shape_cast %get3A_7 : vector<1x10240x128xf32> to vector<10240x128xf32>
    %add3A = arith.addf %get3A_3, %get3A_8 : vector<10240x128xf32>
    %get3A_9 = arith.constant 0 : index
    %get3A_10 = arith.constant 0 : index
    %get3A_11 = vector.load %arg1[%get3A_9, %get3A_10] : memref<10240x128xf32, #tpu.memory_space<vmem>>, vector<10240x128xf32>
    %mul3A = arith.mulf %add3A, %get3A_11 : vector<10240x128xf32>
    %get3A_12 = arith.constant 0 : index
    %get3A_13 = arith.constant 0 : index
    %get3A_14 = vector.load %arg2[%get3A_12, %get3A_13] : memref<10240x128xf32, #tpu.memory_space<vmem>>, vector<10240x128xf32>
    %add3A_15 = arith.addf %get3A_14, %mul3A : vector<10240x128xf32>
    %get3A_16 = arith.constant 0 : index
    %get3A_17 = arith.constant 0 : index
    %get3A_18 = vector.load %arg1[%get3A_16, %get3A_17] : memref<10240x128xf32, #tpu.memory_space<vmem>>, vector<10240x128xf32>
    %mul3A_19 = arith.mulf %mul3A, %get3A_18 : vector<10240x128xf32>
    %swap3A = arith.constant 0 : index
    %swap3A_20 = arith.constant 0 : index
    %swap3A_21 = vector.load %arg3[%swap3A, %swap3A_20] : memref<10240x128xf32, #tpu.memory_space<vmem>>, vector<10240x128xf32>
    tpu.vector_store %arg3[%swap3A, %swap3A_20], %mul3A_19 {strides = array<i32>} : memref<10240x128xf32, #tpu.memory_space<vmem>>, vector<10240x128xf32>,
    %swap3A_22 = arith.constant 0 : index
    %swap3A_23 = arith.constant 0 : index
    %swap3A_24 = vector.load %arg4[%swap3A_22, %swap3A_23] : memref<10240x128xf32, #tpu.memory_space<vmem>>, vector<10240x128xf32>
    tpu.vector_store %arg4[%swap3A_22, %swap3A_23], %add3A_15 {strides = array<i32>} : memref<10240x128xf32, #tpu.memory_space<vmem>>, vector<10240x128xf32>,
    return
  }
}

module attributes {stable_mosaic.version = 14 : i64} {
  func.func @body(%arg0: memref<2x10240x128xf32, #tpu.memory_space<vmem>>, %arg1: memref<10240x128xf32, #tpu.memory_space<vmem>>, %arg2: memref<10240x128xf32, #tpu.memory_space<vmem>>, %arg3: memref<10000x128xf32, #tpu.memory_space<vmem>>) attributes {dimension_semantics = [], scalar_prefetch = 0 : i64, scratch_operands = 0 : i64, tpu.core_type = #tpu.core_type<tc>} {
    %get3A = arith.constant 0 : index
    %get3A_0 = arith.constant 0 : index
    %get3A_1 = arith.constant 0 : index
    %get3A_2 = vector.load %arg0[%get3A, %get3A_0, %get3A_1] : memref<2x10240x128xf32, #tpu.memory_space<vmem>>, vector<1x10240x128xf32>
    %get3A_3 = vector.shape_cast %get3A_2 : vector<1x10240x128xf32> to vector<10240x128xf32>
    %get3A_4 = arith.constant 1 : index
    %get3A_5 = arith.constant 0 : index
    %get3A_6 = arith.constant 0 : index
    %get3A_7 = vector.load %arg0[%get3A_4, %get3A_5, %get3A_6] : memref<2x10240x128xf32, #tpu.memory_space<vmem>>, vector<1x10240x128xf32>
    %get3A_8 = vector.shape_cast %get3A_7 : vector<1x10240x128xf32> to vector<10240x128xf32>
    %add3A = arith.addf %get3A_3, %get3A_8 : vector<10240x128xf32>
    %get3A_9 = arith.constant 0 : index
    %get3A_10 = arith.constant 0 : index
    %get3A_11 = vector.load %arg1[%get3A_9, %get3A_10] : memref<10240x128xf32, #tpu.memory_space<vmem>>, vector<10240x128xf32>
    %mul3A = arith.mulf %add3A, %get3A_11 : vector<10240x128xf32>
    %get3A_12 = arith.constant 0 : index
    %get3A_13 = arith.constant 0 : index
    %get3A_14 = vector.load %arg2[%get3A_12, %get3A_13] : memref<10240x128xf32, #tpu.memory_space<vmem>>, vector<10240x128xf32>
    %add3A_15 = arith.addf %get3A_14, %mul3A : vector<10240x128xf32>
    %slice3A = vector.extract_strided_slice %add3A_15 {offsets = [0, 0], sizes = [10000, 128], strides = [1, 1]} : vector<10240x128xf32> to vector<10000x128xf32>
    %mul3A_16 = arith.constant 2.500000e-01 : f32
    %mul3A_17 = vector.broadcast %mul3A_16 : f32 to vector<10000x128xf32>
    %mul3A_18 = arith.mulf %slice3A, %mul3A_17 : vector<10000x128xf32>
    %swap3A = arith.constant 0 : index
    %swap3A_19 = arith.constant 0 : index
    %swap3A_20 = vector.load %arg3[%swap3A, %swap3A_19] : memref<10000x128xf32, #tpu.memory_space<vmem>>, vector<10000x128xf32>
    tpu.vector_store %arg3[%swap3A, %swap3A_19], %mul3A_18 {strides = array<i32>} : memref<10000x128xf32, #tpu.memory_space<vmem>>, vector<10000x128xf32>,
    return
  }
}

</mosaic_0001>

<sc_bundles>
// kernel: kernel.11.cloned.1.call-start
scs
__scs_entry_jumppad:
0x0: {  	(pc) =	sbr.rel $0x88, $3  }
0x1: {  	(tag) =	ssettag $0x0;
	lr =	simm.s32 $0x1  }
0x2: {  	[smem:$0x3F96] =	sst lr;
	_ =	strace $0xD0000000  }
0x3: {  	_ = 	snop  }
0x4: {  	_ = 	snop  }
0x5: {  	_ = 	snop  }
0x6: {  	_ = 	snop  }
0x7: {  	_ = 	snop  }
__scs_overlays_trampoline_lowered:
0x8: {  	[smem:$0x3FA5] =	sst s0  }
0x9: {  	[smem:$0x3FA6] =	sst s1  }
0xa: {  	[smem:$0x3FA7] =	sst s2  }
0xb: {  	[smem:$0x3FA8] =	sst s3  }
0xc: {  	[smem:$0x3FA9] =	sst s4  }
0xd: {  	[smem:$0x3FAA] =	sst s5  }
0xe: {  	[smem:$0x3FAB] =	sst s6  }
0xf: {  	[smem:$0x3FAC] =	sst s7  }
0x10: {  	[smem:$0x3FAD] =	sst s8  }
0x11: {  	[smem:$0x3FAE] =	sst s9;
	s0 =	simm.s32 @!p0 $0x0  }
0x12: {  	s1 =	sld [smem:$0x3F94];
	s0 =	simm.s32 @p0 $0x1  }
0x13: {  	[smem:$0x3FAF] =	sst s0;
	s0 =	simm.s32 @!p1 $0x0  }
0x14: {  	s2 =	sld [smem:$0x3F93];
	s0 =	simm.s32 @p1 $0x1  }
0x15: {  	[smem:$0x3FB0] =	sst s0;
	s0 =	simm.s32 @!p2 $0x0  }
0x16: {  	s3 =	sld [smem:$0x3FDB];
	s0 =	simm.s32 @p2 $0x1  }
0x17: {  	s4 =	simm.s32 $0x1BF5;
	[smem:$0x3FB2] =	sst s0  }
0x18: {  	s0 =	sld [smem:$0x3F95];
	_ =	swait.ge [sflag:s4], $0x0  }
0x19: {  	s7 =	sld [smem:$0x3F96]  }
0x1a: {  	s8 =	sadd.s32 $0xFFFFE003, lr  }
0x1b: {  	s9 =	sadd.s32 $0xFFFFFEF7, lr;
	s5 =	simm.s32 $0xFFFFFFFF;
	p2 =	slt.u32 s8, $0xFFFFF086  }
0x1c: {  	p1 =	slt.u32 s9, $0xF7A;
	s5 =	simm.s32 @!p2 $0x0  }
0x1d: {  	s5 =	simm.s32 @p1 $0x1;
	p0 =	seq.s32 s7, s2  }
0x1e: {  	s7 =	smul.u32 @!p0 $0xF7A, s2;
	p2 =	seq.s32 @!p0 s5, $0x0  }
0x1f: {  	s9 =	smul.u32 $0xF7A, s1;
	s8 =	simm.s32 @!p0 $0x1BF5;
	p2 =	por !p2, p0  }
0x20: {  	[sflag:s8] =	ssyncset.s32 @!p0 $0xFFFFF086;
	s6 =	sadd.s32 @!p0 s3, s7;
	s7 =	simm.s32 @!p0 $0x108  }
0x21: {  	s3 =	sadd.s32 s3, s9;
	s6 =	sadd.s32 @!p0 $0x88, s6;
	s7 =	simm.s32 @p2 $0x1082  }
0x22: {  	[simem:s7], [sflag:s8] =	dma.local @!p0 [hbm:s6], $0xF7A  }
0x23: {  	s9 =	sor.u32 $0xD0000000, s2;
	s6 =	simm.s32 $0x108;
	_ =	swait.ge @!p0 [sflag:s8], $0x0  }
0x24: {  	s3 =	sadd.s32 $0x88, s3;
	s6 =	simm.s32 @!p1 $0x1082;
	[sflag:s4] =	ssyncset.s32 $0xFFFFF086  }
0x25: {  	[simem:s6], [sflag:s4] =	dma.local [hbm:s3], $0xF7A  }
0x26: {  	[smem:$0x3F96] =	sst s1;
	(tag) =	ssettag s2;
	_ =	strace s9  }
0x27: {  	s1 =	sld [smem:$0x3FA6]  }
0x28: {  	s2 =	sld [smem:$0x3FA7]  }
0x29: {  	s4 =	sld [smem:$0x3FA9]  }
0x2a: {  	p0 =	seq.s32 s5, $0x0;
	s5 =	sld [smem:$0x3FAA]  }
0x2b: {  	s6 =	sld [smem:$0x3FAB]  }
0x2c: {  	s7 =	sld [smem:$0x3FAC]  }
0x2d: {  	s3 =	simm.s32 $0x108;
	s8 =	sld [smem:$0x3FAD]  }
0x2e: {  	s3 =	simm.s32 @!p0 $0x1082;
	s9 =	sld [smem:$0x3FAE]  }
0x2f: {  	lr =	sadd.s32 s0, s3;
	s0 =	sld [smem:$0x3FA5]  }
0x30: {  	s3 =	sld [smem:$0x3FA8]  }
0x31: {  	[smem:$0x3FB1] =	sst s10  }
0x32: {  	s10 =	sld [smem:$0x3FAF];
	_ =	sdelay $0x3  }
0x33: {  	p0 =	seq.s32 s10, $0x1;
	s10 =	sld [smem:$0x3FB1];
	_ =	sdelay $0x3  }
0x34: {  	[smem:$0x3FB1] =	sst s10  }
0x35: {  	s10 =	sld [smem:$0x3FB0];
	_ =	sdelay $0x3  }
0x36: {  	p1 =	seq.s32 s10, $0x1;
	s10 =	sld [smem:$0x3FB1];
	_ =	sdelay $0x3  }
0x37: {  	[smem:$0x3FB1] =	sst s10  }
0x38: {  	s10 =	sld [smem:$0x3FB2]  }
0x39: {  	_ = 	snop;
	(pc) =	sbr.ind lr, $3  }
0x3a: {  	_ = 	snop  }
0x3b: {  	_ = 	snop  }
0x3c: {  	p2 =	seq.s32 s10, $0x1;
	s10 =	sld [smem:$0x3FB1]  }
0x3d: {  	_ =	shalt  }
0x3e: {  	_ =	shalt  }
0x3f: {  	_ =	shalt  }
0x40: {  	_ =	shalt  }
0x41: {  	_ =	shalt  }
0x42: {  	_ =	shalt  }
0x43: {  	_ =	shalt  }
0x44: {  	_ =	shalt  }
0x45: {  	_ =	shalt  }
0x46: {  	_ =	shalt  }
0x47: {  	_ =	shalt  }
0x48: {  	_ =	shalt  }
0x49: {  	_ =	shalt  }
0x4a: {  	_ =	shalt  }
0x4b: {  	_ =	shalt  }
0x4c: {  	_ =	shalt  }
0x4d: {  	_ =	shalt  }
0x4e: {  	_ =	shalt  }
0x4f: {  	_ =	shalt  }
0x50: {  	_ =	shalt  }
0x51: {  	_ =	shalt  }
0x52: {  	_ =	shalt  }
0x53: {  	_ =	shalt  }
0x54: {  	_ =	shalt  }
0x55: {  	_ =	shalt  }
0x56: {  	_ =	shalt  }
0x57: {  	_ =	shalt  }
0x58: {  	_ =	shalt  }
0x59: {  	_ =	shalt  }
0x5a: {  	_ =	shalt  }
0x5b: {  	_ =	shalt  }
0x5c: {  	_ =	shalt  }
0x5d: {  	_ =	shalt  }
0x5e: {  	_ =	shalt  }
0x5f: {  	_ =	shalt  }
0x60: {  	_ =	shalt  }
0x61: {  	_ =	shalt  }
0x62: {  	_ =	shalt  }
0x63: {  	_ =	shalt  }
0x64: {  	_ =	shalt  }
0x65: {  	_ =	shalt  }
0x66: {  	_ =	shalt  }
0x67: {  	_ =	shalt  }
0x68: {  	_ =	shalt  }
0x69: {  	_ =	shalt  }
0x6a: {  	_ =	shalt  }
0x6b: {  	_ =	shalt  }
0x6c: {  	_ =	shalt  }
0x6d: {  	_ =	shalt  }
0x6e: {  	_ =	shalt  }
0x6f: {  	_ =	shalt  }
0x70: {  	_ =	shalt  }
0x71: {  	_ =	shalt  }
0x72: {  	_ =	shalt  }
0x73: {  	_ =	shalt  }
0x74: {  	_ =	shalt  }
0x75: {  	_ =	shalt  }
0x76: {  	_ =	shalt  }
0x77: {  	_ =	shalt  }
0x78: {  	_ =	shalt  }
0x79: {  	_ =	shalt  }
0x7a: {  	_ =	shalt  }
0x7b: {  	_ =	shalt  }
0x7c: {  	_ =	shalt  }
0x7d: {  	_ =	shalt  }
0x7e: {  	_ =	shalt  }
0x7f: {  	_ =	shalt  }
0x80: {  	_ =	shalt  }
0x81: {  	_ =	shalt  }
0x82: {  	_ =	shalt  }
0x83: {  	_ =	shalt  }
0x84: {  	_ =	shalt  }
0x85: {  	_ =	shalt  }
0x86: {  	_ =	shalt  }
0x87: {  	_ =	shalt  }
.Lfunc_end0:
.L_simem_size_0:
called_computation_lowered:
.L_overlay_start_0:
0x88: {  	s2 =	sld [smem:$0x3FD9]  }
0x89: {  	s3 =	sld [smem:$0x3FFE];
	_ =	sdelay $0x1  }
0x8a: {  	s1 =	srdreg.scid  }
0x8b: {  	s0 =	sand.u32 $0x1, s1  }
0x8c: {  	s14 =	sshll.u32 s0, $0xA;
	s2 =	sadd.s32 s3, s2  }
0x8d: {  	s2 =	sadd.s32 s2, s14  }
0x8e: {  	[smem:$0x3FBD] =	sst s2  }
0x8f: {  	_ = 	snop  }
0x90: {  	s2 =	sld [smem:$0x3FD0];
	_ =	sdelay $0x2  }
0x91: {  	s15 =	simm.s32 $0xA;
	s4 =	simm.s32 $0x10  }
0x92: {  	[smem:s4], [sflag:s15] =	dma.local [hbm:s2], $0x1  }
0x93: {  	_ =	swait.eq [sflag:s15], $0x1  }
0x94: {  	[sflag:s15] =	ssyncset.done $0x0  }
0x95: {  	[sflag:s15] =	ssyncadd.s32 $0xFFFFFFFF  }
0x96: {  	s16 =	sld [smem:$0x11];
	(tm) =	ssettm $0x1  }
0x97: {  	s17 =	sld [smem:$0x3FFB];
	_ =	sdelay $0x3  }
0x98: {  	_ =	strace s17  }
0x99: {  	s3 =	sld [smem:$0x3FFC];
	_ =	sdelay $0x3  }
0x9a: {  	_ =	strace s3  }
0x9b: {  	s3 =	sld [smem:$0x3FFD];
	_ =	sdelay $0x3  }
0x9c: {  	_ =	strace s3  }
0x9d: {  	_ =	strace $0x8FFFFFFF  }
0x9e: {  	s18 =	sld [smem:$0x3FDB];
	_ =	sdelay $0x1  }
0x9f: {  	s19 =	simm.s32 $_scs_section_size  }
0xa0: {  	s5 =	simm.s32 $_size__tile_overlayer_lowered;
	s6 =	simm.s32 $_tile_overlayer_lowered  }
0xa1: {  	s22 =	simm.s32 $0x1BFF;
	s21 =	sshll.u32 s6, $0x1;
	s3 =	sadd.s32 s19, s18  }
0xa2: {  	s7 =	simm.s32 $0x0;
	s20 =	sshll.u32 s5, $0x1;
	s5 =	sadd.s32 s21, s3  }
0xa3: {  	[timem:s7], [sflag:s22] =	dma.local [hbm:s5], s20  }
0xa4: {  	_ =	swait.ge [sflag:s22], s20  }
0xa5: {  	s4 =	ssub.s32 $0x0, s20;
	[sflag:s22] =	ssyncset.done $0x0  }
0xa6: {  	[sflag:s22] =	ssyncadd.s32 s4;
	_ =	sdelay $0x1  }
0xa7: {  	s23 =	simm.s32 $0x1B8B  }
0xa8: {  	_ =	swait.ge [sflag:s23], $0x1  }
0xa9: {  	[sflag:s23] =	ssyncset.done $0x0  }
0xaa: {  	s25 =	simm.s32 $0x1B8E;
	s24 =	sld [smem:$0x3FFE];
	[sflag:s23] =	ssyncadd.s32 $0xFFFFFFFF  }
0xab: {  	s26 =	simm.s32 $execute0_lowered;
	[smem:$0x3FD2] =	sst s25  }
0xac: {  	s5 =	sshll.u32 s26, $0x1;
	_ =	strace $0x80000046;
	[dreg:$0x1] =	wrdreg $0xFFFFFFFF  }
0xad: {  	s28 =	simm.s32 $_size_execute0_lowered;
	s3 =	sadd.s32 s3, s5;
	[dreg:$0x0] =	wrdreg $0x0  }
0xae: {  	s5 =	sshll.u32 s28, $0x1;
	[dreg:$0x2] =	wrdreg s3  }
0xaf: {  	[dreg:$0x3] =	wrdreg s5  }
0xb0: {  	[dreg:$0x4] =	wrdreg $0xC0  }
0xb1: {  	_ =	task [dreg:s7], $0x5FFFF  }
0xb2: {  	[dreg:$0x1] =	wrdreg $0xFFFFFFFF  }
0xb3: {  	[dreg:$0x0] =	wrdreg $0x60  }
0xb4: {  	[dreg:$0x2] =	wrdreg s16  }
0xb5: {  	[dreg:$0x3] =	wrdreg s24  }
0xb6: {  	[dreg:$0x4] =	wrdreg $0x48000  }
0xb7: {  	[dreg:$0x5] =	wrdreg $0x9  }
0xb8: {  	_ =	task.clear_ibuf [dreg:s7], $0x6FFFF;
	_ =	strace $0x90000046  }
0xb9: {  	s29 =	simm.s32 $0x9;
	_ =	strace $0x80000048  }
0xba: {  	_ =	swait.ge [sflag:s29], $0x1  }
0xbb: {  	[sflag:s29] =	ssyncadd.s32 $0xFFFFFFFF  }
0xbc: {  	_ =	strace $0x90000048  }
0xbd: {  	_ =	sfence  }
0xbe: {  	s30 =	sld [smem:$0x0];
	_ =	sdelay $0x2  }
0xbf: {  	s31 =	sshll.u32 s1, $0xD;
	s1 =	sshrl.u32 s1, $0x2  }
0xc0: {  	s3 =	sand.u32 $0x4000, s31;
	s1 =	sadd.s32 s1, s30  }
0xc1: {  	s0 =	sor.u32 s3, s0;
	s1 =	sshll.u32 s1, $0x11  }
0xc2: {  	s0 =	sor.u32 s1, s0  }
0xc3: {  	s0 =	sadd.s32 $0x8F2B, s0  }
0xc4: {  	[sflag:s0] =	ssyncadd.remote.s32 $0x1  }
0xc5: {  	_ =	sfence.sel $0xFFFF  }
0xc6: {  	[dreg:$0x0] =	wrdreg $0xFFFFFFFF;
	(pc) =	sbr.abs _section_cstart, $3  }
0xc7: {  	[dreg:$0x1] =	wrdreg $0xFFFFFFFF  }
0xc8: {  	_ =	task.clear_ibuf [dreg:s7], $0x2FFFF;
	_ =	strace $0x9FFFFFFF  }
0xc9: {  	(tm) =	ssettm $0x7FFFFFFF  }
tec
execute0_lowered:
.L_overlay_start_1:
0x0: {  	(tag) =	ssettag $0x1  }
0x1: {  	s4 =	rddreg [dreg:$0x0]  }
0x2: {  	s5 =	rddreg [dreg:$0x1];
	s0 =	srdreg.scid  }
0x3: {  	s6 =	stileid.u32;
	s1 =	rddreg [dreg:$0x2]  }
0x4: {  	s2 =	simm.s32 $0x0;
	s10 =	simm.s32 $0x40;
	s11 =	simm.s32 $0x2800  }
0x5: {  	s7 =	sand.u32 $0x1, s0;
	s3 =	sshll.u32 s6, $0x1;
	s0 =	rddreg [dreg:$0x3]  }
0x6: {  	[smem:$0x7FF] =	sst s2;
	s3 =	sor.u32 s7, s3;
	s9 =	smul.u32 $0x28000, s7  }
0x7: {  	p0 =	sne.s32 s6, $0x0;
	s7 =	ssub.s32 $0x2, s7;
	s8 =	smul.u32 $0x5000, s3  }
0x8: {  	_ =	strace $0x80000047;
	s3 =	sadd.s32 $0x2A00, s5;
	s31 =	sshrl.u32 s7, $0x1  }
0x9: {  	s9 =	sadd.s32 s9, s5;
	s7 =	ssub.s32 s7, s31;
	s8 =	sshrl.u32 s8, $0x3  }
0xa: {  	s6 =	sadd.s32 $0x2AA00, s9;
	s7 =	smax.u32 s7, $0x1;
	s4 =	sadd.s32 s4, s8  }
0xb: {  	v0 =	vimm.f32 $1.000000000e+00;
	s9 =	simm.s32 $0x1;
	s8 =	sshrl.u32 @!p0 s1, $0x3;
	s5 =	sadd.s32 $0x500, s4  }
.LBB2_1:
0xc: {  	s12 =	simm.s32 @!p0 $0x1C01  }
0xd: {  	[spmem:s8], [sflag:s12] =	dma.local @!p0 [hbm:s3], $0x28000  }
0xe: {  	s12 =	simm.s32 @!p0 $0x1  }
0xf: {  	_ =	swait.ge @!p0 [sflag:s12], $0x28000  }
0x10: {  	[sflag:s12] =	ssyncset.done @!p0 $0x0  }
0x11: {  	s13 =	simm.s32 $0x200;
	[sflag:s12] =	ssyncadd.s32 @!p0 $0xFFFD8000;
	s12 =	simm.s32 $0x0  }
.LBB2_2:
0x12: {  	p1 =	sne.s32 s13, $0x7E00;
	[tilespmem:s12+$0x2870] =	vst v0  }
0x13: {  	[tilespmem:s12+$0x2800] =	vst v0  }
0x14: {  	[tilespmem:s12+$0x2810] =	vst v0  }
.Ltmp0:
0x15: {  	[tilespmem:s12+$0x2820] =	vst v0;
	(pc) =	sbr.rel @p1 .LBB2_2-.Ltmp0, $4  }
0x16: {  	[tilespmem:s12+$0x2830] =	vst v0  }
0x17: {  	[tilespmem:s12+$0x2840] =	vst v0  }
0x18: {  	[tilespmem:s12+$0x2850] =	vst v0  }
0x19: {  	[tilespmem:s12+$0x2860] =	vst v0;
	s12 =	sshra.s32 s13, $0x2;
	s13 =	sadd.s32 $0x200, s13  }
0x1a: {  	[tilespmem:s12+$0x2870] =	vst v0  }
0x1b: {  	[tilespmem:s12+$0x2800] =	vst v0  }
0x1c: {  	[tilespmem:s12+$0x2810] =	vst v0  }
0x1d: {  	[tilespmem:s12+$0x2820] =	vst v0  }
0x1e: {  	[tilespmem:s12+$0x2830] =	vst v0  }
0x1f: {  	[tilespmem:s12+$0x2840] =	vst v0  }
0x20: {  	[tilespmem:s12+$0x2850] =	vst v0  }
0x21: {  	[tilespmem:s12+$0x2860] =	vst v0  }
0x22: {  	s30 =	simm.s32 $0x0;
	[bflag:$0x0] =	sbarrier.arrive $0xFFFF  }
0x23: {  	[tilespmem:s30], [sflag:$0x1] =	stream.linear.gather [hbm4b:s4+s30], $0x2800, $0x38;
	[tilespmem:$0x18800] =	vst v63  }
0x24: {  	_ =	swait.ge [sflag:s9], $0x2800  }
0x25: {  	[sflag:s9] =	ssyncset.done $0x0  }
0x26: {  	s31 =	simm.s32 $0x0;
	[sflag:s9] =	ssyncadd.s32 $0xFFFFD800  }
0x27: {  	[spmem:s1] =	stream.indirect.scatter.add.f32 [tilespmem:s11], [sflag:$0x1], $0x80, s31, s10, $0xb8;
	[tilespmem:$0x18800] =	vst v63  }
0x28: {  	_ =	swait.ge [sflag:s9], $0x2000  }
0x29: {  	s12 =	simm.s32 $0x200;
	[sflag:s9] =	ssyncset.done $0x0  }
.LBB2_4:
0x2a: {  	s13 =	sshra.s32 s12, $0x2;
	[sflag:s9] =	ssyncadd.s32 $0xFFFFE000;
	p1 =	sne.s32 s12, $0x9E00  }
0x2b: {  	[spmem:s1] =	stream.indirect.scatter.add.f32 [tilespmem:s11], [sflag:$0x1], $0x80, s13, s10, $0xb8;
	[tilespmem:$0x18800] =	vst v63  }
.Ltmp1:
0x2c: {  	_ = 	snop;
	(pc) =	sbr.rel @p1 .LBB2_4-.Ltmp1, $4  }
0x2d: {  	_ = 	snop  }
0x2e: {  	s12 =	sadd.s32 $0x200, s12  }
0x2f: {  	_ =	swait.ge [sflag:s9], $0x2000  }
0x30: {  	[sflag:s9] =	ssyncset.done $0x0  }
0x31: {  	[sflag:s9] =	ssyncadd.s32 $0xFFFFE000;
	s12 =	simm.s32 $0x0  }
0x32: {  	[tilespmem:s12], [sflag:$0x1] =	stream.linear.gather [hbm4b:s5+s12], $0x2800, $0x38;
	[tilespmem:$0x18800] =	vst v63  }
0x33: {  	_ =	swait.ge [sflag:s9], $0x2800  }
0x34: {  	[sflag:s9] =	ssyncset.done $0x0  }
0x35: {  	s31 =	simm.s32 $0x0;
	[sflag:s9] =	ssyncadd.s32 $0xFFFFD800  }
0x36: {  	[spmem:s1] =	stream.indirect.scatter.add.f32 [tilespmem:s11], [sflag:$0x1], $0x80, s31, s10, $0xb8;
	[tilespmem:$0x18800] =	vst v63  }
0x37: {  	_ =	swait.ge [sflag:s9], $0x2000  }
0x38: {  	s12 =	simm.s32 $0x200;
	[sflag:s9] =	ssyncset.done $0x0  }
.LBB2_6:
0x39: {  	s13 =	sshra.s32 s12, $0x2;
	[sflag:s9] =	ssyncadd.s32 $0xFFFFE000;
	p1 =	sne.s32 s12, $0x9E00  }
0x3a: {  	[spmem:s1] =	stream.indirect.scatter.add.f32 [tilespmem:s11], [sflag:$0x1], $0x80, s13, s10, $0xb8;
	[tilespmem:$0x18800] =	vst v63  }
.Ltmp2:
0x3b: {  	_ = 	snop;
	(pc) =	sbr.rel @p1 .LBB2_6-.Ltmp2, $4  }
0x3c: {  	_ = 	snop  }
0x3d: {  	s12 =	sadd.s32 $0x200, s12  }
0x3e: {  	_ =	swait.ge [sflag:s9], $0x2000  }
0x3f: {  	[sflag:s9] =	ssyncset.done $0x0  }
0x40: {  	[sflag:s9] =	ssyncadd.s32 $0xFFFFE000;
	s2 =	sadd.s32 $0x1, s2  }
0x41: {  	s12 =	simm.s32 @!p0 $0x1C01;
	[bflag:$0x0] =	sbarrier.arrive $0xFFFF;
	p1 =	sne.s32 s2, s7  }
0x42: {  	[hbm:s6], [sflag:s12] =	dma.local @!p0 [spmem:s8], $0x28000  }
.Ltmp3:
0x43: {  	_ = 	snop;
	(pc) =	sbr.rel @p1 .LBB2_1-.Ltmp3, $4  }
0x44: {  	s12 =	simm.s32 @!p0 $0x1  }
0x45: {  	_ =	swait.ge @!p0 [sflag:s12], $0x28000  }
0x46: {  	[sflag:s12] =	ssyncset.done @!p0 $0x0  }
0x47: {  	[sflag:s12] =	ssyncadd.s32 @!p0 $0xFFFD8000  }
0x48: {  	_ =	sfence.sel $0x180000  }
0x49: {  	[bflag:$0x0] =	sbarrier.arrive $0xFFFF  }
0x4a: {  	_ =	strace $0x90000047  }
0x4b: {  	s0 =	sadd.s32 @!p0 $0x100000, s0;
	[bflag:$0x2] =	sbarrier.arrive $0xFFFF  }
0x4c: {  	[sflag:s0] =	ssyncadd.tile.s32 @!p0 $0x1;
	_ =	shalt  }
.Lfunc_end2:
_tile_overlayer_lowered:
.L_overlay_start_2:
0x4d: {  	(tag) =	ssettag $0x2  }
0x4e: {  	s0 =	rddreg [dreg:$0x0];
	s2 =	stileid.u32  }
0x4f: {  	s1 =	rddreg [dreg:$0x1];
	p0 =	sne.s32 s2, $0x0  }
0x50: {  	s3 =	rddreg [dreg:$0x2];
	[bflag:$0x3] =	sbarrier.arrive $0xFFFF;
	s2 =	simm.s32 @!p0 $0x1C01  }
0x51: {  	[timem:s3], [sflag:s2] =	dma.local @!p0 [hbm:s0], s1  }
0x52: {  	s0 =	simm.s32 @!p0 $0x1  }
0x53: {  	_ =	swait.ge @!p0 [sflag:s0], s1  }
0x54: {  	s1 =	ssub.s32 @!p0 $0x0, s1;
	[sflag:s0] =	ssyncset.done @!p0 $0x0  }
0x55: {  	[sflag:s0] =	ssyncadd.s32 @!p0 s1  }
0x56: {  	[bflag:$0x3] =	sbarrier.arrive $0xFFFF  }
0x57: {  	_ =	shalt  }

// kernel: kernel.14.cloned.1.call-start
scs
__scs_entry_jumppad:
0x0: {  	(pc) =	sbr.rel $0x88, $3  }
0x1: {  	(tag) =	ssettag $0x0;
	lr =	simm.s32 $0x1  }
0x2: {  	[smem:$0x3F96] =	sst lr;
	_ =	strace $0xD0000000  }
0x3: {  	_ = 	snop  }
0x4: {  	_ = 	snop  }
0x5: {  	_ = 	snop  }
0x6: {  	_ = 	snop  }
0x7: {  	_ = 	snop  }
__scs_overlays_trampoline_lowered:
0x8: {  	[smem:$0x3FA5] =	sst s0  }
0x9: {  	[smem:$0x3FA6] =	sst s1  }
0xa: {  	[smem:$0x3FA7] =	sst s2  }
0xb: {  	[smem:$0x3FA8] =	sst s3  }
0xc: {  	[smem:$0x3FA9] =	sst s4  }
0xd: {  	[smem:$0x3FAA] =	sst s5  }
0xe: {  	[smem:$0x3FAB] =	sst s6  }
0xf: {  	[smem:$0x3FAC] =	sst s7  }
0x10: {  	[smem:$0x3FAD] =	sst s8  }
0x11: {  	[smem:$0x3FAE] =	sst s9;
	s0 =	simm.s32 @!p0 $0x0  }
0x12: {  	s1 =	sld [smem:$0x3F94];
	s0 =	simm.s32 @p0 $0x1  }
0x13: {  	[smem:$0x3FAF] =	sst s0;
	s0 =	simm.s32 @!p1 $0x0  }
0x14: {  	s2 =	sld [smem:$0x3F93];
	s0 =	simm.s32 @p1 $0x1  }
0x15: {  	[smem:$0x3FB0] =	sst s0;
	s0 =	simm.s32 @!p2 $0x0  }
0x16: {  	s3 =	sld [smem:$0x3FDB];
	s0 =	simm.s32 @p2 $0x1  }
0x17: {  	s4 =	simm.s32 $0x1BF5;
	[smem:$0x3FB2] =	sst s0  }
0x18: {  	s0 =	sld [smem:$0x3F95];
	_ =	swait.ge [sflag:s4], $0x0  }
0x19: {  	s7 =	sld [smem:$0x3F96]  }
0x1a: {  	s8 =	sadd.s32 $0xFFFFE003, lr  }
0x1b: {  	s9 =	sadd.s32 $0xFFFFFEF7, lr;
	s5 =	simm.s32 $0xFFFFFFFF;
	p2 =	slt.u32 s8, $0xFFFFF086  }
0x1c: {  	p1 =	slt.u32 s9, $0xF7A;
	s5 =	simm.s32 @!p2 $0x0  }
0x1d: {  	s5 =	simm.s32 @p1 $0x1;
	p0 =	seq.s32 s7, s2  }
0x1e: {  	s7 =	smul.u32 @!p0 $0xF7A, s2;
	p2 =	seq.s32 @!p0 s5, $0x0  }
0x1f: {  	s9 =	smul.u32 $0xF7A, s1;
	s8 =	simm.s32 @!p0 $0x1BF5;
	p2 =	por !p2, p0  }
0x20: {  	[sflag:s8] =	ssyncset.s32 @!p0 $0xFFFFF086;
	s6 =	sadd.s32 @!p0 s3, s7;
	s7 =	simm.s32 @!p0 $0x108  }
0x21: {  	s3 =	sadd.s32 s3, s9;
	s6 =	sadd.s32 @!p0 $0x88, s6;
	s7 =	simm.s32 @p2 $0x1082  }
0x22: {  	[simem:s7], [sflag:s8] =	dma.local @!p0 [hbm:s6], $0xF7A  }
0x23: {  	s9 =	sor.u32 $0xD0000000, s2;
	s6 =	simm.s32 $0x108;
	_ =	swait.ge @!p0 [sflag:s8], $0x0  }
0x24: {  	s3 =	sadd.s32 $0x88, s3;
	s6 =	simm.s32 @!p1 $0x1082;
	[sflag:s4] =	ssyncset.s32 $0xFFFFF086  }
0x25: {  	[simem:s6], [sflag:s4] =	dma.local [hbm:s3], $0xF7A  }
0x26: {  	[smem:$0x3F96] =	sst s1;
	(tag) =	ssettag s2;
	_ =	strace s9  }
0x27: {  	s1 =	sld [smem:$0x3FA6]  }
0x28: {  	s2 =	sld [smem:$0x3FA7]  }
0x29: {  	s4 =	sld [smem:$0x3FA9]  }
0x2a: {  	p0 =	seq.s32 s5, $0x0;
	s5 =	sld [smem:$0x3FAA]  }
0x2b: {  	s6 =	sld [smem:$0x3FAB]  }
0x2c: {  	s7 =	sld [smem:$0x3FAC]  }
0x2d: {  	s3 =	simm.s32 $0x108;
	s8 =	sld [smem:$0x3FAD]  }
0x2e: {  	s3 =	simm.s32 @!p0 $0x1082;
	s9 =	sld [smem:$0x3FAE]  }
0x2f: {  	lr =	sadd.s32 s0, s3;
	s0 =	sld [smem:$0x3FA5]  }
0x30: {  	s3 =	sld [smem:$0x3FA8]  }
0x31: {  	[smem:$0x3FB1] =	sst s10  }
0x32: {  	s10 =	sld [smem:$0x3FAF];
	_ =	sdelay $0x3  }
0x33: {  	p0 =	seq.s32 s10, $0x1;
	s10 =	sld [smem:$0x3FB1];
	_ =	sdelay $0x3  }
0x34: {  	[smem:$0x3FB1] =	sst s10  }
0x35: {  	s10 =	sld [smem:$0x3FB0];
	_ =	sdelay $0x3  }
0x36: {  	p1 =	seq.s32 s10, $0x1;
	s10 =	sld [smem:$0x3FB1];
	_ =	sdelay $0x3  }
0x37: {  	[smem:$0x3FB1] =	sst s10  }
0x38: {  	s10 =	sld [smem:$0x3FB2]  }
0x39: {  	_ = 	snop;
	(pc) =	sbr.ind lr, $3  }
0x3a: {  	_ = 	snop  }
0x3b: {  	_ = 	snop  }
0x3c: {  	p2 =	seq.s32 s10, $0x1;
	s10 =	sld [smem:$0x3FB1]  }
0x3d: {  	_ =	shalt  }
0x3e: {  	_ =	shalt  }
0x3f: {  	_ =	shalt  }
0x40: {  	_ =	shalt  }
0x41: {  	_ =	shalt  }
0x42: {  	_ =	shalt  }
0x43: {  	_ =	shalt  }
0x44: {  	_ =	shalt  }
0x45: {  	_ =	shalt  }
0x46: {  	_ =	shalt  }
0x47: {  	_ =	shalt  }
0x48: {  	_ =	shalt  }
0x49: {  	_ =	shalt  }
0x4a: {  	_ =	shalt  }
0x4b: {  	_ =	shalt  }
0x4c: {  	_ =	shalt  }
0x4d: {  	_ =	shalt  }
0x4e: {  	_ =	shalt  }
0x4f: {  	_ =	shalt  }
0x50: {  	_ =	shalt  }
0x51: {  	_ =	shalt  }
0x52: {  	_ =	shalt  }
0x53: {  	_ =	shalt  }
0x54: {  	_ =	shalt  }
0x55: {  	_ =	shalt  }
0x56: {  	_ =	shalt  }
0x57: {  	_ =	shalt  }
0x58: {  	_ =	shalt  }
0x59: {  	_ =	shalt  }
0x5a: {  	_ =	shalt  }
0x5b: {  	_ =	shalt  }
0x5c: {  	_ =	shalt  }
0x5d: {  	_ =	shalt  }
0x5e: {  	_ =	shalt  }
0x5f: {  	_ =	shalt  }
0x60: {  	_ =	shalt  }
0x61: {  	_ =	shalt  }
0x62: {  	_ =	shalt  }
0x63: {  	_ =	shalt  }
0x64: {  	_ =	shalt  }
0x65: {  	_ =	shalt  }
0x66: {  	_ =	shalt  }
0x67: {  	_ =	shalt  }
0x68: {  	_ =	shalt  }
0x69: {  	_ =	shalt  }
0x6a: {  	_ =	shalt  }
0x6b: {  	_ =	shalt  }
0x6c: {  	_ =	shalt  }
0x6d: {  	_ =	shalt  }
0x6e: {  	_ =	shalt  }
0x6f: {  	_ =	shalt  }
0x70: {  	_ =	shalt  }
0x71: {  	_ =	shalt  }
0x72: {  	_ =	shalt  }
0x73: {  	_ =	shalt  }
0x74: {  	_ =	shalt  }
0x75: {  	_ =	shalt  }
0x76: {  	_ =	shalt  }
0x77: {  	_ =	shalt  }
0x78: {  	_ =	shalt  }
0x79: {  	_ =	shalt  }
0x7a: {  	_ =	shalt  }
0x7b: {  	_ =	shalt  }
0x7c: {  	_ =	shalt  }
0x7d: {  	_ =	shalt  }
0x7e: {  	_ =	shalt  }
0x7f: {  	_ =	shalt  }
0x80: {  	_ =	shalt  }
0x81: {  	_ =	shalt  }
0x82: {  	_ =	shalt  }
0x83: {  	_ =	shalt  }
0x84: {  	_ =	shalt  }
0x85: {  	_ =	shalt  }
0x86: {  	_ =	shalt  }
0x87: {  	_ =	shalt  }
.Lfunc_end0:
.L_simem_size_0:
called_computation.1_lowered:
.L_overlay_start_0:
0x88: {  	s2 =	sld [smem:$0x3FD9]  }
0x89: {  	s3 =	sld [smem:$0x3FFE];
	_ =	sdelay $0x1  }
0x8a: {  	s1 =	srdreg.scid  }
0x8b: {  	s0 =	sand.u32 $0x1, s1  }
0x8c: {  	s16 =	sshll.u32 s0, $0xA;
	s2 =	sadd.s32 s3, s2  }
0x8d: {  	s2 =	sadd.s32 s2, s16  }
0x8e: {  	[smem:$0x3FBD] =	sst s2  }
0x8f: {  	_ = 	snop  }
0x90: {  	(tm) =	ssettm $0x1  }
0x91: {  	s17 =	sld [smem:$0x3FFB];
	_ =	sdelay $0x3  }
0x92: {  	_ =	strace s17  }
0x93: {  	s2 =	sld [smem:$0x3FFC];
	_ =	sdelay $0x3  }
0x94: {  	_ =	strace s2  }
0x95: {  	s2 =	sld [smem:$0x3FFD];
	_ =	sdelay $0x3  }
0x96: {  	_ =	strace s2  }
0x97: {  	_ =	strace $0x8FFFFFFF  }
0x98: {  	s18 =	sld [smem:$0x3FDB];
	_ =	sdelay $0x1  }
0x99: {  	s19 =	simm.s32 $_scs_section_size  }
0x9a: {  	s4 =	simm.s32 $_size__tile_overlayer_lowered;
	s5 =	simm.s32 $_tile_overlayer_lowered  }
0x9b: {  	s22 =	simm.s32 $0x1BFF;
	s21 =	sshll.u32 s5, $0x1;
	s2 =	sadd.s32 s19, s18  }
0x9c: {  	s6 =	simm.s32 $0x0;
	s20 =	sshll.u32 s4, $0x1;
	s4 =	sadd.s32 s21, s2  }
0x9d: {  	[timem:s6], [sflag:s22] =	dma.local [hbm:s4], s20  }
0x9e: {  	_ =	swait.ge [sflag:s22], s20  }
0x9f: {  	s3 =	ssub.s32 $0x0, s20;
	[sflag:s22] =	ssyncset.done $0x0  }
0xa0: {  	[sflag:s22] =	ssyncadd.s32 s3;
	_ =	sdelay $0x1  }
0xa1: {  	s23 =	simm.s32 $0x1B8B  }
0xa2: {  	_ =	swait.ge [sflag:s23], $0x1  }
0xa3: {  	[sflag:s23] =	ssyncset.done $0x0  }
0xa4: {  	s25 =	simm.s32 $0x1B8E;
	s24 =	sld [smem:$0x3FFE];
	[sflag:s23] =	ssyncadd.s32 $0xFFFFFFFF  }
0xa5: {  	s26 =	simm.s32 $execute0_lowered;
	[smem:$0x3FD2] =	sst s25  }
0xa6: {  	s4 =	sshll.u32 s26, $0x1;
	_ =	strace $0x80000049;
	[dreg:$0x1] =	wrdreg $0xFFFFFFFF  }
0xa7: {  	s28 =	simm.s32 $_size_execute0_lowered;
	s2 =	sadd.s32 s2, s4;
	[dreg:$0x0] =	wrdreg $0x0  }
0xa8: {  	s4 =	sshll.u32 s28, $0x1;
	[dreg:$0x2] =	wrdreg s2  }
0xa9: {  	[dreg:$0x3] =	wrdreg s4  }
0xaa: {  	[dreg:$0x4] =	wrdreg $0xC0  }
0xab: {  	_ =	task [dreg:s6], $0x5FFFF  }
0xac: {  	[dreg:$0x1] =	wrdreg $0xFFFFFFFF  }
0xad: {  	[dreg:$0x0] =	wrdreg $0x60  }
0xae: {  	[dreg:$0x2] =	wrdreg s24  }
0xaf: {  	[dreg:$0x3] =	wrdreg $0xB8000  }
0xb0: {  	[dreg:$0x4] =	wrdreg $0x9  }
0xb1: {  	_ =	task.clear_ibuf [dreg:s6], $0x5FFFF;
	_ =	strace $0x90000049  }
0xb2: {  	s29 =	simm.s32 $0x9;
	_ =	strace $0x8000004B  }
0xb3: {  	_ =	swait.ge [sflag:s29], $0x1  }
0xb4: {  	[sflag:s29] =	ssyncadd.s32 $0xFFFFFFFF  }
0xb5: {  	_ =	strace $0x9000004B  }
0xb6: {  	_ =	sfence  }
0xb7: {  	s30 =	sld [smem:$0x0];
	_ =	sdelay $0x2  }
0xb8: {  	s31 =	sshll.u32 s1, $0xD;
	s1 =	sshrl.u32 s1, $0x2  }
0xb9: {  	s3 =	sand.u32 $0x4000, s31;
	s1 =	sadd.s32 s1, s30  }
0xba: {  	s0 =	sor.u32 s3, s0;
	s1 =	sshll.u32 s1, $0x11  }
0xbb: {  	s0 =	sor.u32 s1, s0  }
0xbc: {  	s0 =	sadd.s32 $0x8F2B, s0  }
0xbd: {  	[sflag:s0] =	ssyncadd.remote.s32 $0x1  }
0xbe: {  	_ =	sfence.sel $0xFFFF  }
0xbf: {  	[dreg:$0x0] =	wrdreg $0xFFFFFFFF;
	(pc) =	sbr.abs _section_cstart, $3  }
0xc0: {  	[dreg:$0x1] =	wrdreg $0xFFFFFFFF  }
0xc1: {  	_ =	task.clear_ibuf [dreg:s6], $0x2FFFF;
	_ =	strace $0x9FFFFFFF  }
0xc2: {  	(tm) =	ssettm $0x7FFFFFFF  }
0xc3: {  	_ =	shalt  }
tec
execute0_lowered:
.L_overlay_start_1:
0x0: {  	(tag) =	ssettag $0x1  }
0x1: {  	s5 =	rddreg [dreg:$0x0]  }
0x2: {  	s1 =	rddreg [dreg:$0x1]  }
0x3: {  	s0 =	rddreg [dreg:$0x2];
	s2 =	simm.s32 $0x0  }
0x4: {  	s4 =	srdreg.scid;
	s13 =	stileid.u32;
	s17 =	simm.s32 $0x3C00  }
0x5: {  	s18 =	simm.s32 $0x40;
	s19 =	simm.s32 $0x7800;
	s20 =	simm.s32 $0x80  }
0x6: {  	s21 =	simm.s32 $0x9800;
	s22 =	simm.s32 $0x1;
	s23 =	simm.s32 $0x2  }
0x7: {  	s24 =	simm.s32 $0x5000;
	s25 =	simm.s32 $0x5080;
	s26 =	simm.s32 $0x7600  }
0x8: {  	s28 =	simm.s32 $0x7680;
	[smem:$0x7FF] =	sst s2;
	s3 =	sadd.s32 $0x2AA00, s5  }
0x9: {  	s7 =	sadd.s32 $0x89A00, s5;
	s8 =	sadd.s32 $0x7AA00, s5;
	s11 =	sadd.s32 $0x98A00, s5  }
0xa: {  	s6 =	sand.u32 $0x1, s4;
	s12 =	sadd.s32 $0x9EA00, s5;
	s15 =	smul.u32 $0x7800, s13  }
0xb: {  	s4 =	sadd.s32 $0x2A00, s5;
	s30 =	smul.u32 $0x3000, s13;
	p1 =	sne.s32 s13, $0x0  }
0xc: {  	_ =	strace $0x8000004A;
	s9 =	smul.u32 $0x28000, s6;
	s10 =	ssub.s32 $0x2, s6  }
0xd: {  	p0 =	seq.s32 s6, $0x1;
	s14 =	sshrl.u32 s10, $0x1;
	s29 =	sshrl.u32 s15, $0x3  }
0xe: {  	s31 =	sshrl.u32 s30, $0x3;
	s16 =	sadd.s32 s9, s5;
	s14 =	ssub.s32 s10, s14  }
.Ltmp0:
0xf: {  	s5 =	sadd.s32 s7, s29;
	s6 =	sadd.s32 s8, s29;
	(pc) =	sbr.rel .LBB2_1-.Ltmp0, $4  }
0x10: {  	s9 =	sadd.s32 $0x780, s29;
	s10 =	sadd.s32 s12, s31;
	s15 =	sadd.s32 $0x300, s31  }
0x11: {  	s7 =	sadd.s32 s7, s9;
	s8 =	sadd.s32 s8, s9;
	s9 =	sadd.s32 s11, s31  }
0x12: {  	s11 =	sadd.s32 s11, s15;
	s12 =	sadd.s32 s12, s15;
	s13 =	sadd.s32 $0xA4A00, s16  }
0x13: {  	s14 =	smax.u32 s14, $0x1;
	s15 =	sshrl.u32 @!p1 s1, $0x3;
	s16 =	simm.s32 $0x3  }
.LBB2_6:
0x14: {  	[tilespmem:s21], [sflag:$0x2] =	stream.indirect.gather [hbm4b:s3+s18], $0x80, s30, s18, $0xb8;
	[tilespmem:$0x1F800] =	vst v63  }
0x15: {  	s29 =	simm.s32 $0x7680;
	s30 =	simm.s32 $0x7600  }
.LBB2_12:
0x16: {  	_ =	swait.ge [sflag:s22], $0x2000  }
0x17: {  	[sflag:s22] =	ssyncset.done $0x0  }
0x18: {  	[sflag:s22] =	ssyncadd.s32 $0xFFFFE000  }
0x19: {  	[spmem:s1] =	stream.indirect.scatter.add.f32 [tilespmem:s19], [sflag:$0x3], $0x80, s30, s18, $0xb8;
	[tilespmem:$0x1F800] =	vst v63  }
0x1a: {  	_ =	swait.ge [sflag:s16], $0x2000  }
0x1b: {  	[sflag:s16] =	ssyncset.done $0x0  }
0x1c: {  	[sflag:s16] =	ssyncadd.s32 $0xFFFFE000  }
0x1d: {  	_ =	swait.ge [sflag:s23], $0x2000  }
0x1e: {  	[sflag:s23] =	ssyncset.done $0x0  }
0x1f: {  	[sflag:s23] =	ssyncadd.s32 $0xFFFFE000  }
0x20: {  	[spmem:s1] =	stream.indirect.scatter.add.f32 [tilespmem:s21], [sflag:$0x3], $0x80, s29, s18, $0xb8;
	[tilespmem:$0x1F800] =	vst v63  }
0x21: {  	_ =	swait.ge [sflag:s16], $0x2000  }
0x22: {  	[sflag:s16] =	ssyncset.done $0x0  }
0x23: {  	s2 =	sadd.s32 $0x1, s2;
	[sflag:s16] =	ssyncadd.s32 $0xFFFFE000  }
0x24: {  	p2 =	sne.s32 s2, s14;
	s29 =	simm.s32 @!p1 $0x1C03;
	[bflag:$0x0] =	sbarrier.arrive $0xFFFF  }
0x25: {  	[hbm:s13], [sflag:s29] =	dma.local @!p1 [spmem:s15], $0x28000  }
.Ltmp1:
0x26: {  	_ = 	snop;
	(pc) =	sbr.rel @!p2 .LBB2_13-.Ltmp1, $4  }
0x27: {  	s29 =	simm.s32 @!p1 $0x3  }
0x28: {  	_ =	swait.ge @!p1 [sflag:s29], $0x28000  }
0x29: {  	[sflag:s29] =	ssyncset.done @!p1 $0x0  }
0x2a: {  	[sflag:s29] =	ssyncadd.s32 @!p1 $0xFFFD8000  }
.LBB2_1:
0x2b: {  	s29 =	simm.s32 @!p1 $0x1C03  }
0x2c: {  	[spmem:s15], [sflag:s29] =	dma.local @!p1 [hbm:s4], $0x28000  }
0x2d: {  	s29 =	simm.s32 @!p1 $0x3  }
.Ltmp2:
0x2e: {  	_ =	swait.ge @!p1 [sflag:s29], $0x28000;
	(pc) =	sbr.rel @!p0 .LBB2_2-.Ltmp2, $4  }
0x2f: {  	[sflag:s29] =	ssyncset.done @!p1 $0x0  }
0x30: {  	[sflag:s29] =	ssyncadd.s32 @!p1 $0xFFFD8000  }
0x31: {  	[bflag:$0x0] =	sbarrier.arrive $0xFFFF  }
0x32: {  	s29 =	simm.s32 $0x0  }
0x33: {  	[tilespmem:s29], [sflag:$0x3] =	stream.linear.gather [hbm4b:s9+s29], $0x1500, $0x38;
	[tilespmem:$0x1F800] =	vst v63  }
0x34: {  	_ =	swait.ge [sflag:s16], $0x1500  }
0x35: {  	[sflag:s16] =	ssyncset.done $0x0  }
0x36: {  	[sflag:s16] =	ssyncadd.s32 $0xFFFFEB00  }
0x37: {  	[tilespmem:s17], [sflag:$0x3] =	stream.linear.gather [hbm4b:s10+s29], $0x1500, $0x38;
	[tilespmem:$0x1F800] =	vst v63  }
0x38: {  	_ =	swait.ge [sflag:s16], $0x1500  }
0x39: {  	[sflag:s16] =	ssyncset.done $0x0  }
0x3a: {  	[sflag:s16] =	ssyncadd.s32 $0xFFFFEB00  }
0x3b: {  	[tilespmem:s19], [sflag:$0x1] =	stream.indirect.gather [hbm4b:s3+s18], $0x80, s29, s18, $0xb8;
	[tilespmem:$0x1F800] =	vst v63  }
0x3c: {  	_ = 	snop  }
0x3d: {  	[tilespmem:s21], [sflag:$0x2] =	stream.indirect.gather [hbm4b:s3+s18], $0x80, s20, s18, $0xb8;
	[tilespmem:$0x1F800] =	vst v63  }
0x3e: {  	_ =	swait.ge [sflag:s22], $0x2000  }
0x3f: {  	[sflag:s22] =	ssyncset.done $0x0  }
0x40: {  	s29 =	simm.s32 $0x3C00;
	[sflag:s22] =	ssyncadd.s32 $0xFFFFE000  }
0x41: {  	[spmem:s1] =	stream.indirect.scatter.add.f32 [tilespmem:s19], [sflag:$0x3], $0x80, s29, s18, $0xb8;
	[tilespmem:$0x1F800] =	vst v63  }
0x42: {  	_ =	swait.ge [sflag:s16], $0x2000  }
0x43: {  	[sflag:s16] =	ssyncset.done $0x0  }
0x44: {  	s29 =	simm.s32 $0x100;
	[sflag:s16] =	ssyncadd.s32 $0xFFFFE000  }
0x45: {  	[tilespmem:s19], [sflag:$0x1] =	stream.indirect.gather [hbm4b:s3+s18], $0x80, s29, s18, $0xb8;
	[tilespmem:$0x1F800] =	vst v63  }
0x46: {  	_ =	swait.ge [sflag:s23], $0x2000  }
0x47: {  	[sflag:s23] =	ssyncset.done $0x0  }
0x48: {  	s29 =	simm.s32 $0x3C80;
	[sflag:s23] =	ssyncadd.s32 $0xFFFFE000  }
0x49: {  	[spmem:s1] =	stream.indirect.scatter.add.f32 [tilespmem:s21], [sflag:$0x3], $0x80, s29, s18, $0xb8;
	[tilespmem:$0x1F800] =	vst v63  }
0x4a: {  	_ =	swait.ge [sflag:s16], $0x2000  }
0x4b: {  	[sflag:s16] =	ssyncset.done $0x0  }
0x4c: {  	s30 =	simm.s32 $0x180;
	s29 =	simm.s32 $0x400;
	[sflag:s16] =	ssyncadd.s32 $0xFFFFE000  }
.LBB2_8:
0x4d: {  	[tilespmem:s21], [sflag:$0x2] =	stream.indirect.gather [hbm4b:s3+s18], $0x80, s30, s18, $0xb8;
	[tilespmem:$0x1F800] =	vst v63  }
0x4e: {  	s30 =	smov.u32 s29  }
0x4f: {  	p2 =	sne.s32 s29, $0x4C00;
	s29 =	sadd.s32 $0x400, s29;
	_ =	swait.ge [sflag:s22], $0x2000  }
0x50: {  	s30 =	sshra.s32 s30, $0x2;
	[sflag:s22] =	ssyncset.done $0x0  }
0x51: {  	s31 =	sadd.s32 $0x3C00, s30;
	[sflag:s22] =	ssyncadd.s32 $0xFFFFE000  }
0x52: {  	[spmem:s1] =	stream.indirect.scatter.add.f32 [tilespmem:s19], [sflag:$0x3], $0x80, s31, s18, $0xb8;
	[tilespmem:$0x1F800] =	vst v63  }
0x53: {  	_ =	swait.ge [sflag:s16], $0x2000  }
0x54: {  	[sflag:s16] =	ssyncset.done $0x0  }
0x55: {  	s31 =	sadd.s32 $0x100, s30;
	[sflag:s16] =	ssyncadd.s32 $0xFFFFE000  }
0x56: {  	[tilespmem:s19], [sflag:$0x1] =	stream.indirect.gather [hbm4b:s3+s18], $0x80, s31, s18, $0xb8;
	[tilespmem:$0x1F800] =	vst v63  }
0x57: {  	_ =	swait.ge [sflag:s23], $0x2000  }
0x58: {  	[sflag:s23] =	ssyncset.done $0x0  }
.Ltmp3:
0x59: {  	s31 =	sadd.s32 $0x3C80, s30;
	[sflag:s23] =	ssyncadd.s32 $0xFFFFE000;
	(pc) =	sbr.rel @p2 .LBB2_8-.Ltmp3, $4  }
0x5a: {  	[spmem:s1] =	stream.indirect.scatter.add.f32 [tilespmem:s21], [sflag:$0x3], $0x80, s31, s18, $0xb8;
	[tilespmem:$0x1F800] =	vst v63  }
0x5b: {  	_ =	swait.ge [sflag:s16], $0x2000  }
0x5c: {  	[sflag:s16] =	ssyncset.done $0x0  }
0x5d: {  	s30 =	sadd.s32 $0x180, s30;
	[sflag:s16] =	ssyncadd.s32 $0xFFFFE000  }
0x5e: {  	[tilespmem:s21], [sflag:$0x2] =	stream.indirect.gather [hbm4b:s3+s18], $0x80, s30, s18, $0xb8;
	[tilespmem:$0x1F800] =	vst v63  }
0x5f: {  	_ =	swait.ge [sflag:s22], $0x2000  }
0x60: {  	[sflag:s22] =	ssyncset.done $0x0  }
0x61: {  	[sflag:s22] =	ssyncadd.s32 $0xFFFFE000  }
0x62: {  	[spmem:s1] =	stream.indirect.scatter.add.f32 [tilespmem:s19], [sflag:$0x3], $0x80, s24, s18, $0xb8;
	[tilespmem:$0x1F800] =	vst v63  }
0x63: {  	_ =	swait.ge [sflag:s16], $0x2000  }
0x64: {  	[sflag:s16] =	ssyncset.done $0x0  }
0x65: {  	[sflag:s16] =	ssyncadd.s32 $0xFFFFE000  }
0x66: {  	_ =	swait.ge [sflag:s23], $0x2000  }
0x67: {  	[sflag:s23] =	ssyncset.done $0x0  }
0x68: {  	[sflag:s23] =	ssyncadd.s32 $0xFFFFE000  }
0x69: {  	[spmem:s1] =	stream.indirect.scatter.add.f32 [tilespmem:s21], [sflag:$0x3], $0x80, s25, s18, $0xb8;
	[tilespmem:$0x1F800] =	vst v63  }
0x6a: {  	_ =	swait.ge [sflag:s16], $0x2000  }
0x6b: {  	[sflag:s16] =	ssyncset.done $0x0  }
0x6c: {  	s29 =	simm.s32 $0x0;
	[sflag:s16] =	ssyncadd.s32 $0xFFFFE000  }
0x6d: {  	[tilespmem:s29], [sflag:$0x3] =	stream.linear.gather [hbm4b:s11+s29], $0x1500, $0x38;
	[tilespmem:$0x1F800] =	vst v63  }
0x6e: {  	_ =	swait.ge [sflag:s16], $0x1500  }
0x6f: {  	[sflag:s16] =	ssyncset.done $0x0  }
0x70: {  	[sflag:s16] =	ssyncadd.s32 $0xFFFFEB00  }
0x71: {  	[tilespmem:s17], [sflag:$0x3] =	stream.linear.gather [hbm4b:s12+s29], $0x1500, $0x38;
	[tilespmem:$0x1F800] =	vst v63  }
0x72: {  	_ =	swait.ge [sflag:s16], $0x1500  }
0x73: {  	[sflag:s16] =	ssyncset.done $0x0  }
0x74: {  	[sflag:s16] =	ssyncadd.s32 $0xFFFFEB00  }
0x75: {  	[tilespmem:s19], [sflag:$0x1] =	stream.indirect.gather [hbm4b:s3+s18], $0x80, s29, s18, $0xb8;
	[tilespmem:$0x1F800] =	vst v63  }
0x76: {  	_ = 	snop  }
0x77: {  	[tilespmem:s21], [sflag:$0x2] =	stream.indirect.gather [hbm4b:s3+s18], $0x80, s20, s18, $0xb8;
	[tilespmem:$0x1F800] =	vst v63  }
0x78: {  	_ =	swait.ge [sflag:s22], $0x2000  }
0x79: {  	[sflag:s22] =	ssyncset.done $0x0  }
0x7a: {  	s29 =	simm.s32 $0x3C00;
	[sflag:s22] =	ssyncadd.s32 $0xFFFFE000  }
0x7b: {  	[spmem:s1] =	stream.indirect.scatter.add.f32 [tilespmem:s19], [sflag:$0x3], $0x80, s29, s18, $0xb8;
	[tilespmem:$0x1F800] =	vst v63  }
0x7c: {  	_ =	swait.ge [sflag:s16], $0x2000  }
0x7d: {  	[sflag:s16] =	ssyncset.done $0x0  }
0x7e: {  	s29 =	simm.s32 $0x100;
	[sflag:s16] =	ssyncadd.s32 $0xFFFFE000  }
0x7f: {  	[tilespmem:s19], [sflag:$0x1] =	stream.indirect.gather [hbm4b:s3+s18], $0x80, s29, s18, $0xb8;
	[tilespmem:$0x1F800] =	vst v63  }
0x80: {  	_ =	swait.ge [sflag:s23], $0x2000  }
0x81: {  	[sflag:s23] =	ssyncset.done $0x0  }
0x82: {  	s29 =	simm.s32 $0x3C80;
	[sflag:s23] =	ssyncadd.s32 $0xFFFFE000  }
0x83: {  	[spmem:s1] =	stream.indirect.scatter.add.f32 [tilespmem:s21], [sflag:$0x3], $0x80, s29, s18, $0xb8;
	[tilespmem:$0x1F800] =	vst v63  }
0x84: {  	_ =	swait.ge [sflag:s16], $0x2000  }
0x85: {  	[sflag:s16] =	ssyncset.done $0x0  }
0x86: {  	s30 =	simm.s32 $0x180;
	s29 =	simm.s32 $0x400;
	[sflag:s16] =	ssyncadd.s32 $0xFFFFE000  }
.LBB2_10:
0x87: {  	[tilespmem:s21], [sflag:$0x2] =	stream.indirect.gather [hbm4b:s3+s18], $0x80, s30, s18, $0xb8;
	[tilespmem:$0x1F800] =	vst v63  }
0x88: {  	s30 =	smov.u32 s29  }
0x89: {  	p2 =	sne.s32 s29, $0x4C00;
	s29 =	sadd.s32 $0x400, s29;
	_ =	swait.ge [sflag:s22], $0x2000  }
0x8a: {  	s30 =	sshra.s32 s30, $0x2;
	[sflag:s22] =	ssyncset.done $0x0  }
0x8b: {  	s31 =	sadd.s32 $0x3C00, s30;
	[sflag:s22] =	ssyncadd.s32 $0xFFFFE000  }
0x8c: {  	[spmem:s1] =	stream.indirect.scatter.add.f32 [tilespmem:s19], [sflag:$0x3], $0x80, s31, s18, $0xb8;
	[tilespmem:$0x1F800] =	vst v63  }
0x8d: {  	_ =	swait.ge [sflag:s16], $0x2000  }
0x8e: {  	[sflag:s16] =	ssyncset.done $0x0  }
0x8f: {  	s31 =	sadd.s32 $0x100, s30;
	[sflag:s16] =	ssyncadd.s32 $0xFFFFE000  }
0x90: {  	[tilespmem:s19], [sflag:$0x1] =	stream.indirect.gather [hbm4b:s3+s18], $0x80, s31, s18, $0xb8;
	[tilespmem:$0x1F800] =	vst v63  }
0x91: {  	_ =	swait.ge [sflag:s23], $0x2000  }
0x92: {  	[sflag:s23] =	ssyncset.done $0x0  }
.Ltmp4:
0x93: {  	s31 =	sadd.s32 $0x3C80, s30;
	[sflag:s23] =	ssyncadd.s32 $0xFFFFE000;
	(pc) =	sbr.rel @p2 .LBB2_10-.Ltmp4, $4  }
0x94: {  	[spmem:s1] =	stream.indirect.scatter.add.f32 [tilespmem:s21], [sflag:$0x3], $0x80, s31, s18, $0xb8;
	[tilespmem:$0x1F800] =	vst v63  }
0x95: {  	_ =	swait.ge [sflag:s16], $0x2000  }
0x96: {  	[sflag:s16] =	ssyncset.done $0x0  }
0x97: {  	s30 =	sadd.s32 $0x180, s30;
	[sflag:s16] =	ssyncadd.s32 $0xFFFFE000  }
.Ltmp5:
0x98: {  	(pc) =	sbr.rel .LBB2_12-.Ltmp5, $3  }
0x99: {  	_ =	sdelay $0x1  }
0x9a: {  	[tilespmem:s21], [sflag:$0x2] =	stream.indirect.gather [hbm4b:s3+s18], $0x80, s30, s18, $0xb8;
	[tilespmem:$0x1F800] =	vst v63  }
0x9b: {  	s29 =	simm.s32 $0x5080;
	s30 =	simm.s32 $0x5000  }
.LBB2_2:
0x9c: {  	[tilespmem:s29], [sflag:$0x3] =	stream.linear.gather [hbm4b:s5+s29], $0x3B00, $0x38;
	[tilespmem:$0x1F800] =	vst v63  }
0x9d: {  	_ =	swait.ge [sflag:s16], $0x3B00  }
0x9e: {  	[sflag:s16] =	ssyncset.done $0x0  }
0x9f: {  	[sflag:s16] =	ssyncadd.s32 $0xFFFFC500  }
0xa0: {  	[tilespmem:s17], [sflag:$0x3] =	stream.linear.gather [hbm4b:s6+s29], $0x3B00, $0x38;
	[tilespmem:$0x1F800] =	vst v63  }
0xa1: {  	_ =	swait.ge [sflag:s16], $0x3B00  }
0xa2: {  	[sflag:s16] =	ssyncset.done $0x0  }
0xa3: {  	[sflag:s16] =	ssyncadd.s32 $0xFFFFC500  }
0xa4: {  	[tilespmem:s19], [sflag:$0x1] =	stream.indirect.gather [hbm4b:s3+s18], $0x80, s29, s18, $0xb8;
	[tilespmem:$0x1F800] =	vst v63  }
0xa5: {  	_ = 	snop  }
0xa6: {  	[tilespmem:s21], [sflag:$0x2] =	stream.indirect.gather [hbm4b:s3+s18], $0x80, s20, s18, $0xb8;
	[tilespmem:$0x1F800] =	vst v63  }
0xa7: {  	_ =	swait.ge [sflag:s22], $0x2000  }
0xa8: {  	[sflag:s22] =	ssyncset.done $0x0  }
0xa9: {  	s29 =	simm.s32 $0x3C00;
	[sflag:s22] =	ssyncadd.s32 $0xFFFFE000  }
0xaa: {  	[spmem:s1] =	stream.indirect.scatter.add.f32 [tilespmem:s19], [sflag:$0x3], $0x80, s29, s18, $0xb8;
	[tilespmem:$0x1F800] =	vst v63  }
0xab: {  	_ =	swait.ge [sflag:s16], $0x2000  }
0xac: {  	[sflag:s16] =	ssyncset.done $0x0  }
0xad: {  	s29 =	simm.s32 $0x100;
	[sflag:s16] =	ssyncadd.s32 $0xFFFFE000  }
0xae: {  	[tilespmem:s19], [sflag:$0x1] =	stream.indirect.gather [hbm4b:s3+s18], $0x80, s29, s18, $0xb8;
	[tilespmem:$0x1F800] =	vst v63  }
0xaf: {  	_ =	swait.ge [sflag:s23], $0x2000  }
0xb0: {  	[sflag:s23] =	ssyncset.done $0x0  }
0xb1: {  	s29 =	simm.s32 $0x3C80;
	[sflag:s23] =	ssyncadd.s32 $0xFFFFE000  }
0xb2: {  	[spmem:s1] =	stream.indirect.scatter.add.f32 [tilespmem:s21], [sflag:$0x3], $0x80, s29, s18, $0xb8;
	[tilespmem:$0x1F800] =	vst v63  }
0xb3: {  	_ =	swait.ge [sflag:s16], $0x2000  }
0xb4: {  	[sflag:s16] =	ssyncset.done $0x0  }
0xb5: {  	s30 =	simm.s32 $0x180;
	s29 =	simm.s32 $0x400;
	[sflag:s16] =	ssyncadd.s32 $0xFFFFE000  }
.LBB2_3:
0xb6: {  	[tilespmem:s21], [sflag:$0x2] =	stream.indirect.gather [hbm4b:s3+s18], $0x80, s30, s18, $0xb8;
	[tilespmem:$0x1F800] =	vst v63  }
0xb7: {  	s30 =	smov.u32 s29  }
0xb8: {  	p2 =	sne.s32 s29, $0xE400;
	s29 =	sadd.s32 $0x400, s29;
	_ =	swait.ge [sflag:s22], $0x2000  }
0xb9: {  	s30 =	sshra.s32 s30, $0x2;
	[sflag:s22] =	ssyncset.done $0x0  }
0xba: {  	s31 =	sadd.s32 $0x3C00, s30;
	[sflag:s22] =	ssyncadd.s32 $0xFFFFE000  }
0xbb: {  	[spmem:s1] =	stream.indirect.scatter.add.f32 [tilespmem:s19], [sflag:$0x3], $0x80, s31, s18, $0xb8;
	[tilespmem:$0x1F800] =	vst v63  }
0xbc: {  	_ =	swait.ge [sflag:s16], $0x2000  }
0xbd: {  	[sflag:s16] =	ssyncset.done $0x0  }
0xbe: {  	s31 =	sadd.s32 $0x100, s30;
	[sflag:s16] =	ssyncadd.s32 $0xFFFFE000  }
0xbf: {  	[tilespmem:s19], [sflag:$0x1] =	stream.indirect.gather [hbm4b:s3+s18], $0x80, s31, s18, $0xb8;
	[tilespmem:$0x1F800] =	vst v63  }
0xc0: {  	_ =	swait.ge [sflag:s23], $0x2000  }
0xc1: {  	[sflag:s23] =	ssyncset.done $0x0  }
.Ltmp6:
0xc2: {  	s31 =	sadd.s32 $0x3C80, s30;
	[sflag:s23] =	ssyncadd.s32 $0xFFFFE000;
	(pc) =	sbr.rel @p2 .LBB2_3-.Ltmp6, $4  }
0xc3: {  	[spmem:s1] =	stream.indirect.scatter.add.f32 [tilespmem:s21], [sflag:$0x3], $0x80, s31, s18, $0xb8;
	[tilespmem:$0x1F800] =	vst v63  }
0xc4: {  	_ =	swait.ge [sflag:s16], $0x2000  }
0xc5: {  	[sflag:s16] =	ssyncset.done $0x0  }
0xc6: {  	s30 =	sadd.s32 $0x180, s30;
	[sflag:s16] =	ssyncadd.s32 $0xFFFFE000  }
0xc7: {  	[tilespmem:s21], [sflag:$0x2] =	stream.indirect.gather [hbm4b:s3+s18], $0x80, s30, s18, $0xb8;
	[tilespmem:$0x1F800] =	vst v63  }
0xc8: {  	_ =	swait.ge [sflag:s22], $0x2000  }
0xc9: {  	[sflag:s22] =	ssyncset.done $0x0  }
0xca: {  	[sflag:s22] =	ssyncadd.s32 $0xFFFFE000  }
0xcb: {  	[spmem:s1] =	stream.indirect.scatter.add.f32 [tilespmem:s19], [sflag:$0x3], $0x80, s26, s18, $0xb8;
	[tilespmem:$0x1F800] =	vst v63  }
0xcc: {  	_ =	swait.ge [sflag:s16], $0x2000  }
0xcd: {  	[sflag:s16] =	ssyncset.done $0x0  }
0xce: {  	[sflag:s16] =	ssyncadd.s32 $0xFFFFE000  }
0xcf: {  	_ =	swait.ge [sflag:s23], $0x2000  }
0xd0: {  	[sflag:s23] =	ssyncset.done $0x0  }
0xd1: {  	[sflag:s23] =	ssyncadd.s32 $0xFFFFE000  }
0xd2: {  	[spmem:s1] =	stream.indirect.scatter.add.f32 [tilespmem:s21], [sflag:$0x3], $0x80, s28, s18, $0xb8;
	[tilespmem:$0x1F800] =	vst v63  }
0xd3: {  	_ =	swait.ge [sflag:s16], $0x2000  }
0xd4: {  	[sflag:s16] =	ssyncset.done $0x0  }
0xd5: {  	s29 =	simm.s32 $0x0;
	[sflag:s16] =	ssyncadd.s32 $0xFFFFE000  }
0xd6: {  	[tilespmem:s29], [sflag:$0x3] =	stream.linear.gather [hbm4b:s7+s29], $0x3B00, $0x38;
	[tilespmem:$0x1F800] =	vst v63  }
0xd7: {  	_ =	swait.ge [sflag:s16], $0x3B00  }
0xd8: {  	[sflag:s16] =	ssyncset.done $0x0  }
0xd9: {  	[sflag:s16] =	ssyncadd.s32 $0xFFFFC500  }
0xda: {  	[tilespmem:s17], [sflag:$0x3] =	stream.linear.gather [hbm4b:s8+s29], $0x3B00, $0x38;
	[tilespmem:$0x1F800] =	vst v63  }
0xdb: {  	_ =	swait.ge [sflag:s16], $0x3B00  }
0xdc: {  	[sflag:s16] =	ssyncset.done $0x0  }
0xdd: {  	[sflag:s16] =	ssyncadd.s32 $0xFFFFC500  }
0xde: {  	[tilespmem:s19], [sflag:$0x1] =	stream.indirect.gather [hbm4b:s3+s18], $0x80, s29, s18, $0xb8;
	[tilespmem:$0x1F800] =	vst v63  }
0xdf: {  	_ = 	snop  }
0xe0: {  	[tilespmem:s21], [sflag:$0x2] =	stream.indirect.gather [hbm4b:s3+s18], $0x80, s20, s18, $0xb8;
	[tilespmem:$0x1F800] =	vst v63  }
0xe1: {  	_ =	swait.ge [sflag:s22], $0x2000  }
0xe2: {  	[sflag:s22] =	ssyncset.done $0x0  }
0xe3: {  	s29 =	simm.s32 $0x3C00;
	[sflag:s22] =	ssyncadd.s32 $0xFFFFE000  }
0xe4: {  	[spmem:s1] =	stream.indirect.scatter.add.f32 [tilespmem:s19], [sflag:$0x3], $0x80, s29, s18, $0xb8;
	[tilespmem:$0x1F800] =	vst v63  }
0xe5: {  	_ =	swait.ge [sflag:s16], $0x2000  }
0xe6: {  	[sflag:s16] =	ssyncset.done $0x0  }
0xe7: {  	s29 =	simm.s32 $0x100;
	[sflag:s16] =	ssyncadd.s32 $0xFFFFE000  }
0xe8: {  	[tilespmem:s19], [sflag:$0x1] =	stream.indirect.gather [hbm4b:s3+s18], $0x80, s29, s18, $0xb8;
	[tilespmem:$0x1F800] =	vst v63  }
0xe9: {  	_ =	swait.ge [sflag:s23], $0x2000  }
0xea: {  	p2 =	por $0x0, $0x0;
	[sflag:s23] =	ssyncset.done $0x0  }
.Ltmp7:
0xeb: {  	s29 =	simm.s32 $0x3C80;
	[sflag:s23] =	ssyncadd.s32 $0xFFFFE000;
	(pc) =	sbr.rel @p2 .LBB2_6-.Ltmp7, $4  }
0xec: {  	[spmem:s1] =	stream.indirect.scatter.add.f32 [tilespmem:s21], [sflag:$0x3], $0x80, s29, s18, $0xb8;
	[tilespmem:$0x1F800] =	vst v63  }
0xed: {  	_ =	swait.ge [sflag:s16], $0x2000  }
0xee: {  	[sflag:s16] =	ssyncset.done $0x0  }
0xef: {  	s30 =	simm.s32 $0x180;
	s29 =	simm.s32 $0x400;
	[sflag:s16] =	ssyncadd.s32 $0xFFFFE000  }
.LBB2_5:
0xf0: {  	[tilespmem:s21], [sflag:$0x2] =	stream.indirect.gather [hbm4b:s3+s18], $0x80, s30, s18, $0xb8;
	[tilespmem:$0x1F800] =	vst v63  }
0xf1: {  	s30 =	smov.u32 s29  }
0xf2: {  	p2 =	seq.s32 s29, $0xE400;
	s29 =	sadd.s32 $0x400, s29;
	_ =	swait.ge [sflag:s22], $0x2000  }
0xf3: {  	s30 =	sshra.s32 s30, $0x2;
	[sflag:s22] =	ssyncset.done $0x0  }
0xf4: {  	s31 =	sadd.s32 $0x3C00, s30;
	[sflag:s22] =	ssyncadd.s32 $0xFFFFE000  }
0xf5: {  	[spmem:s1] =	stream.indirect.scatter.add.f32 [tilespmem:s19], [sflag:$0x3], $0x80, s31, s18, $0xb8;
	[tilespmem:$0x1F800] =	vst v63  }
0xf6: {  	_ =	swait.ge [sflag:s16], $0x2000  }
0xf7: {  	[sflag:s16] =	ssyncset.done $0x0  }
0xf8: {  	s31 =	sadd.s32 $0x100, s30;
	[sflag:s16] =	ssyncadd.s32 $0xFFFFE000  }
0xf9: {  	[tilespmem:s19], [sflag:$0x1] =	stream.indirect.gather [hbm4b:s3+s18], $0x80, s31, s18, $0xb8;
	[tilespmem:$0x1F800] =	vst v63  }
0xfa: {  	_ =	swait.ge [sflag:s23], $0x2000  }
0xfb: {  	[sflag:s23] =	ssyncset.done $0x0  }
.Ltmp8:
0xfc: {  	s31 =	sadd.s32 $0x3C80, s30;
	[sflag:s23] =	ssyncadd.s32 $0xFFFFE000;
	(pc) =	sbr.rel @!p2 .LBB2_5-.Ltmp8, $4  }
0xfd: {  	[spmem:s1] =	stream.indirect.scatter.add.f32 [tilespmem:s21], [sflag:$0x3], $0x80, s31, s18, $0xb8;
	[tilespmem:$0x1F800] =	vst v63  }
0xfe: {  	_ =	swait.ge [sflag:s16], $0x2000  }
0xff: {  	[sflag:s16] =	ssyncset.done $0x0  }
0x100: {  	s30 =	sadd.s32 $0x180, s30;
	[sflag:s16] =	ssyncadd.s32 $0xFFFFE000  }
.Ltmp9:
0x101: {  	_ = 	snop;
	(pc) =	sbr.rel .LBB2_6-.Ltmp9, $1  }
0x102: {  	_ =	sdelay $0x3  }
.LBB2_13:
0x103: {  	_ =	sfence.sel $0x180000  }
0x104: {  	[bflag:$0x0] =	sbarrier.arrive $0xFFFF  }
0x105: {  	_ =	strace $0x9000004A  }
0x106: {  	s0 =	sadd.s32 @!p1 $0x100000, s0;
	[bflag:$0x2] =	sbarrier.arrive $0xFFFF  }
0x107: {  	[sflag:s0] =	ssyncadd.tile.s32 @!p1 $0x1;
	_ =	shalt  }
.Lfunc_end2:
_tile_overlayer_lowered:
.L_overlay_start_2:
0x108: {  	(tag) =	ssettag $0x2  }
0x109: {  	s0 =	rddreg [dreg:$0x0];
	s2 =	stileid.u32  }
0x10a: {  	s1 =	rddreg [dreg:$0x1];
	p0 =	sne.s32 s2, $0x0  }
0x10b: {  	s3 =	rddreg [dreg:$0x2];
	[bflag:$0x3] =	sbarrier.arrive $0xFFFF;
	s2 =	simm.s32 @!p0 $0x1C03  }
0x10c: {  	[timem:s3], [sflag:s2] =	dma.local @!p0 [hbm:s0], s1  }
0x10d: {  	s0 =	simm.s32 @!p0 $0x3  }
0x10e: {  	_ =	swait.ge @!p0 [sflag:s0], s1  }
0x10f: {  	s1 =	ssub.s32 @!p0 $0x0, s1;
	[sflag:s0] =	ssyncset.done @!p0 $0x0  }
0x110: {  	[sflag:s0] =	ssyncadd.s32 @!p0 s1  }
0x111: {  	[bflag:$0x3] =	sbarrier.arrive $0xFFFF  }
0x112: {  	_ =	shalt  }

// kernel: kernel.17.cloned.1.call-start
scs
__scs_entry_jumppad:
0x0: {  	(pc) =	sbr.rel $0x88, $3  }
0x1: {  	(tag) =	ssettag $0x0;
	lr =	simm.s32 $0x1  }
0x2: {  	[smem:$0x3F96] =	sst lr;
	_ =	strace $0xD0000000  }
0x3: {  	_ = 	snop  }
0x4: {  	_ = 	snop  }
0x5: {  	_ = 	snop  }
0x6: {  	_ = 	snop  }
0x7: {  	_ = 	snop  }
__scs_overlays_trampoline_lowered:
0x8: {  	[smem:$0x3FA5] =	sst s0  }
0x9: {  	[smem:$0x3FA6] =	sst s1  }
0xa: {  	[smem:$0x3FA7] =	sst s2  }
0xb: {  	[smem:$0x3FA8] =	sst s3  }
0xc: {  	[smem:$0x3FA9] =	sst s4  }
0xd: {  	[smem:$0x3FAA] =	sst s5  }
0xe: {  	[smem:$0x3FAB] =	sst s6  }
0xf: {  	[smem:$0x3FAC] =	sst s7  }
0x10: {  	[smem:$0x3FAD] =	sst s8  }
0x11: {  	[smem:$0x3FAE] =	sst s9;
	s0 =	simm.s32 @!p0 $0x0  }
0x12: {  	s1 =	sld [smem:$0x3F94];
	s0 =	simm.s32 @p0 $0x1  }
0x13: {  	[smem:$0x3FAF] =	sst s0;
	s0 =	simm.s32 @!p1 $0x0  }
0x14: {  	s2 =	sld [smem:$0x3F93];
	s0 =	simm.s32 @p1 $0x1  }
0x15: {  	[smem:$0x3FB0] =	sst s0;
	s0 =	simm.s32 @!p2 $0x0  }
0x16: {  	s3 =	sld [smem:$0x3FDB];
	s0 =	simm.s32 @p2 $0x1  }
0x17: {  	s4 =	simm.s32 $0x1BF5;
	[smem:$0x3FB2] =	sst s0  }
0x18: {  	s0 =	sld [smem:$0x3F95];
	_ =	swait.ge [sflag:s4], $0x0  }
0x19: {  	s7 =	sld [smem:$0x3F96]  }
0x1a: {  	s8 =	sadd.s32 $0xFFFFE003, lr  }
0x1b: {  	s9 =	sadd.s32 $0xFFFFFEF7, lr;
	s5 =	simm.s32 $0xFFFFFFFF;
	p2 =	slt.u32 s8, $0xFFFFF086  }
0x1c: {  	p1 =	slt.u32 s9, $0xF7A;
	s5 =	simm.s32 @!p2 $0x0  }
0x1d: {  	s5 =	simm.s32 @p1 $0x1;
	p0 =	seq.s32 s7, s2  }
0x1e: {  	s7 =	smul.u32 @!p0 $0xF7A, s2;
	p2 =	seq.s32 @!p0 s5, $0x0  }
0x1f: {  	s9 =	smul.u32 $0xF7A, s1;
	s8 =	simm.s32 @!p0 $0x1BF5;
	p2 =	por !p2, p0  }
0x20: {  	[sflag:s8] =	ssyncset.s32 @!p0 $0xFFFFF086;
	s6 =	sadd.s32 @!p0 s3, s7;
	s7 =	simm.s32 @!p0 $0x108  }
0x21: {  	s3 =	sadd.s32 s3, s9;
	s6 =	sadd.s32 @!p0 $0x88, s6;
	s7 =	simm.s32 @p2 $0x1082  }
0x22: {  	[simem:s7], [sflag:s8] =	dma.local @!p0 [hbm:s6], $0xF7A  }
0x23: {  	s9 =	sor.u32 $0xD0000000, s2;
	s6 =	simm.s32 $0x108;
	_ =	swait.ge @!p0 [sflag:s8], $0x0  }
0x24: {  	s3 =	sadd.s32 $0x88, s3;
	s6 =	simm.s32 @!p1 $0x1082;
	[sflag:s4] =	ssyncset.s32 $0xFFFFF086  }
0x25: {  	[simem:s6], [sflag:s4] =	dma.local [hbm:s3], $0xF7A  }
0x26: {  	[smem:$0x3F96] =	sst s1;
	(tag) =	ssettag s2;
	_ =	strace s9  }
0x27: {  	s1 =	sld [smem:$0x3FA6]  }
0x28: {  	s2 =	sld [smem:$0x3FA7]  }
0x29: {  	s4 =	sld [smem:$0x3FA9]  }
0x2a: {  	p0 =	seq.s32 s5, $0x0;
	s5 =	sld [smem:$0x3FAA]  }
0x2b: {  	s6 =	sld [smem:$0x3FAB]  }
0x2c: {  	s7 =	sld [smem:$0x3FAC]  }
0x2d: {  	s3 =	simm.s32 $0x108;
	s8 =	sld [smem:$0x3FAD]  }
0x2e: {  	s3 =	simm.s32 @!p0 $0x1082;
	s9 =	sld [smem:$0x3FAE]  }
0x2f: {  	lr =	sadd.s32 s0, s3;
	s0 =	sld [smem:$0x3FA5]  }
0x30: {  	s3 =	sld [smem:$0x3FA8]  }
0x31: {  	[smem:$0x3FB1] =	sst s10  }
0x32: {  	s10 =	sld [smem:$0x3FAF];
	_ =	sdelay $0x3  }
0x33: {  	p0 =	seq.s32 s10, $0x1;
	s10 =	sld [smem:$0x3FB1];
	_ =	sdelay $0x3  }
0x34: {  	[smem:$0x3FB1] =	sst s10  }
0x35: {  	s10 =	sld [smem:$0x3FB0];
	_ =	sdelay $0x3  }
0x36: {  	p1 =	seq.s32 s10, $0x1;
	s10 =	sld [smem:$0x3FB1];
	_ =	sdelay $0x3  }
0x37: {  	[smem:$0x3FB1] =	sst s10  }
0x38: {  	s10 =	sld [smem:$0x3FB2]  }
0x39: {  	_ = 	snop;
	(pc) =	sbr.ind lr, $3  }
0x3a: {  	_ = 	snop  }
0x3b: {  	_ = 	snop  }
0x3c: {  	p2 =	seq.s32 s10, $0x1;
	s10 =	sld [smem:$0x3FB1]  }
0x3d: {  	_ =	shalt  }
0x3e: {  	_ =	shalt  }
0x3f: {  	_ =	shalt  }
0x40: {  	_ =	shalt  }
0x41: {  	_ =	shalt  }
0x42: {  	_ =	shalt  }
0x43: {  	_ =	shalt  }
0x44: {  	_ =	shalt  }
0x45: {  	_ =	shalt  }
0x46: {  	_ =	shalt  }
0x47: {  	_ =	shalt  }
0x48: {  	_ =	shalt  }
0x49: {  	_ =	shalt  }
0x4a: {  	_ =	shalt  }
0x4b: {  	_ =	shalt  }
0x4c: {  	_ =	shalt  }
0x4d: {  	_ =	shalt  }
0x4e: {  	_ =	shalt  }
0x4f: {  	_ =	shalt  }
0x50: {  	_ =	shalt  }
0x51: {  	_ =	shalt  }
0x52: {  	_ =	shalt  }
0x53: {  	_ =	shalt  }
0x54: {  	_ =	shalt  }
0x55: {  	_ =	shalt  }
0x56: {  	_ =	shalt  }
0x57: {  	_ =	shalt  }
0x58: {  	_ =	shalt  }
0x59: {  	_ =	shalt  }
0x5a: {  	_ =	shalt  }
0x5b: {  	_ =	shalt  }
0x5c: {  	_ =	shalt  }
0x5d: {  	_ =	shalt  }
0x5e: {  	_ =	shalt  }
0x5f: {  	_ =	shalt  }
0x60: {  	_ =	shalt  }
0x61: {  	_ =	shalt  }
0x62: {  	_ =	shalt  }
0x63: {  	_ =	shalt  }
0x64: {  	_ =	shalt  }
0x65: {  	_ =	shalt  }
0x66: {  	_ =	shalt  }
0x67: {  	_ =	shalt  }
0x68: {  	_ =	shalt  }
0x69: {  	_ =	shalt  }
0x6a: {  	_ =	shalt  }
0x6b: {  	_ =	shalt  }
0x6c: {  	_ =	shalt  }
0x6d: {  	_ =	shalt  }
0x6e: {  	_ =	shalt  }
0x6f: {  	_ =	shalt  }
0x70: {  	_ =	shalt  }
0x71: {  	_ =	shalt  }
0x72: {  	_ =	shalt  }
0x73: {  	_ =	shalt  }
0x74: {  	_ =	shalt  }
0x75: {  	_ =	shalt  }
0x76: {  	_ =	shalt  }
0x77: {  	_ =	shalt  }
0x78: {  	_ =	shalt  }
0x79: {  	_ =	shalt  }
0x7a: {  	_ =	shalt  }
0x7b: {  	_ =	shalt  }
0x7c: {  	_ =	shalt  }
0x7d: {  	_ =	shalt  }
0x7e: {  	_ =	shalt  }
0x7f: {  	_ =	shalt  }
0x80: {  	_ =	shalt  }
0x81: {  	_ =	shalt  }
0x82: {  	_ =	shalt  }
0x83: {  	_ =	shalt  }
0x84: {  	_ =	shalt  }
0x85: {  	_ =	shalt  }
0x86: {  	_ =	shalt  }
0x87: {  	_ =	shalt  }
.Lfunc_end0:
.L_simem_size_0:
called_computation.2_lowered:
.L_overlay_start_0:
0x88: {  	s2 =	sld [smem:$0x3FD9]  }
0x89: {  	s3 =	sld [smem:$0x3FFE];
	_ =	sdelay $0x1  }
0x8a: {  	s1 =	srdreg.scid  }
0x8b: {  	s0 =	sand.u32 $0x1, s1  }
0x8c: {  	s16 =	sshll.u32 s0, $0xA;
	s2 =	sadd.s32 s3, s2  }
0x8d: {  	s2 =	sadd.s32 s2, s16  }
0x8e: {  	[smem:$0x3FBD] =	sst s2  }
0x8f: {  	_ = 	snop  }
0x90: {  	(tm) =	ssettm $0x1  }
0x91: {  	s17 =	sld [smem:$0x3FFB];
	_ =	sdelay $0x3  }
0x92: {  	_ =	strace s17  }
0x93: {  	s2 =	sld [smem:$0x3FFC];
	_ =	sdelay $0x3  }
0x94: {  	_ =	strace s2  }
0x95: {  	s2 =	sld [smem:$0x3FFD];
	_ =	sdelay $0x3  }
0x96: {  	_ =	strace s2  }
0x97: {  	_ =	strace $0x8FFFFFFF  }
0x98: {  	s18 =	sld [smem:$0x3FDB];
	_ =	sdelay $0x1  }
0x99: {  	s19 =	simm.s32 $_scs_section_size  }
0x9a: {  	s4 =	simm.s32 $_size__tile_overlayer_lowered;
	s5 =	simm.s32 $_tile_overlayer_lowered  }
0x9b: {  	s22 =	simm.s32 $0x1BFF;
	s21 =	sshll.u32 s5, $0x1;
	s2 =	sadd.s32 s19, s18  }
0x9c: {  	s6 =	simm.s32 $0x0;
	s20 =	sshll.u32 s4, $0x1;
	s4 =	sadd.s32 s21, s2  }
0x9d: {  	[timem:s6], [sflag:s22] =	dma.local [hbm:s4], s20  }
0x9e: {  	_ =	swait.ge [sflag:s22], s20  }
0x9f: {  	s3 =	ssub.s32 $0x0, s20;
	[sflag:s22] =	ssyncset.done $0x0  }
0xa0: {  	[sflag:s22] =	ssyncadd.s32 s3;
	_ =	sdelay $0x1  }
0xa1: {  	s23 =	simm.s32 $0x1B8B  }
0xa2: {  	_ =	swait.ge [sflag:s23], $0x1  }
0xa3: {  	[sflag:s23] =	ssyncset.done $0x0  }
0xa4: {  	s25 =	simm.s32 $0x1B8E;
	s24 =	sld [smem:$0x3FFE];
	[sflag:s23] =	ssyncadd.s32 $0xFFFFFFFF  }
0xa5: {  	s26 =	simm.s32 $execute0_lowered;
	[smem:$0x3FD2] =	sst s25  }
0xa6: {  	s4 =	sshll.u32 s26, $0x1;
	_ =	strace $0x8000004C;
	[dreg:$0x1] =	wrdreg $0xFFFFFFFF  }
0xa7: {  	s28 =	simm.s32 $_size_execute0_lowered;
	s2 =	sadd.s32 s2, s4;
	[dreg:$0x0] =	wrdreg $0x0  }
0xa8: {  	s4 =	sshll.u32 s28, $0x1;
	[dreg:$0x2] =	wrdreg s2  }
0xa9: {  	[dreg:$0x3] =	wrdreg s4  }
0xaa: {  	[dreg:$0x4] =	wrdreg $0xC0  }
0xab: {  	_ =	task [dreg:s6], $0x5FFFF  }
0xac: {  	[dreg:$0x1] =	wrdreg $0xFFFFFFFF  }
0xad: {  	[dreg:$0x0] =	wrdreg $0x60  }
0xae: {  	[dreg:$0x2] =	wrdreg s24  }
0xaf: {  	[dreg:$0x3] =	wrdreg $0xB8000  }
0xb0: {  	[dreg:$0x4] =	wrdreg $0x9  }
0xb1: {  	_ =	task.clear_ibuf [dreg:s6], $0x5FFFF;
	_ =	strace $0x9000004C  }
0xb2: {  	s29 =	simm.s32 $0x9;
	_ =	strace $0x8000004E  }
0xb3: {  	_ =	swait.ge [sflag:s29], $0x1  }
0xb4: {  	[sflag:s29] =	ssyncadd.s32 $0xFFFFFFFF  }
0xb5: {  	_ =	strace $0x9000004E  }
0xb6: {  	_ =	sfence  }
0xb7: {  	s30 =	sld [smem:$0x0];
	_ =	sdelay $0x2  }
0xb8: {  	s31 =	sshll.u32 s1, $0xD;
	s1 =	sshrl.u32 s1, $0x2  }
0xb9: {  	s3 =	sand.u32 $0x4000, s31;
	s1 =	sadd.s32 s1, s30  }
0xba: {  	s0 =	sor.u32 s3, s0;
	s1 =	sshll.u32 s1, $0x11  }
0xbb: {  	s0 =	sor.u32 s1, s0  }
0xbc: {  	s0 =	sadd.s32 $0x8F2B, s0  }
0xbd: {  	[sflag:s0] =	ssyncadd.remote.s32 $0x1  }
0xbe: {  	_ =	sfence.sel $0xFFFF  }
0xbf: {  	[dreg:$0x0] =	wrdreg $0xFFFFFFFF;
	(pc) =	sbr.abs _section_cstart, $3  }
0xc0: {  	[dreg:$0x1] =	wrdreg $0xFFFFFFFF  }
0xc1: {  	_ =	task.clear_ibuf [dreg:s6], $0x2FFFF;
	_ =	strace $0x9FFFFFFF  }
0xc2: {  	(tm) =	ssettm $0x7FFFFFFF  }
0xc3: {  	_ =	shalt  }
tec
execute0_lowered:
.L_overlay_start_1:
0x0: {  	(tag) =	ssettag $0x1  }
0x1: {  	s5 =	rddreg [dreg:$0x0]  }
0x2: {  	s1 =	rddreg [dreg:$0x1]  }
0x3: {  	s0 =	rddreg [dreg:$0x2];
	s2 =	simm.s32 $0x0  }
0x4: {  	s4 =	srdreg.scid;
	s13 =	stileid.u32;
	s17 =	simm.s32 $0x3C00  }
0x5: {  	s18 =	simm.s32 $0x40;
	s19 =	simm.s32 $0x7800;
	s20 =	simm.s32 $0x80  }
0x6: {  	s21 =	simm.s32 $0x9800;
	s22 =	simm.s32 $0x1;
	s23 =	simm.s32 $0x2  }
0x7: {  	s24 =	simm.s32 $0x5000;
	s25 =	simm.s32 $0x5080;
	s26 =	simm.s32 $0x7600  }
0x8: {  	s28 =	simm.s32 $0x7680;
	[smem:$0x7FF] =	sst s2;
	s3 =	sadd.s32 $0x2AA00, s5  }
0x9: {  	s7 =	sadd.s32 $0x89A00, s5;
	s8 =	sadd.s32 $0x7AA00, s5;
	s11 =	sadd.s32 $0x98A00, s5  }
0xa: {  	s6 =	sand.u32 $0x1, s4;
	s12 =	sadd.s32 $0x9EA00, s5;
	s15 =	smul.u32 $0x7800, s13  }
0xb: {  	s4 =	sadd.s32 $0x2A00, s5;
	s30 =	smul.u32 $0x3000, s13;
	p1 =	sne.s32 s13, $0x0  }
0xc: {  	_ =	strace $0x8000004D;
	s9 =	smul.u32 $0x28000, s6;
	s10 =	ssub.s32 $0x2, s6  }
0xd: {  	p0 =	seq.s32 s6, $0x1;
	s14 =	sshrl.u32 s10, $0x1;
	s29 =	sshrl.u32 s15, $0x3  }
0xe: {  	s31 =	sshrl.u32 s30, $0x3;
	s16 =	sadd.s32 s9, s5;
	s14 =	ssub.s32 s10, s14  }
.Ltmp0:
0xf: {  	s5 =	sadd.s32 s7, s29;
	s6 =	sadd.s32 s8, s29;
	(pc) =	sbr.rel .LBB2_1-.Ltmp0, $4  }
0x10: {  	s9 =	sadd.s32 $0x780, s29;
	s10 =	sadd.s32 s12, s31;
	s15 =	sadd.s32 $0x300, s31  }
0x11: {  	s7 =	sadd.s32 s7, s9;
	s8 =	sadd.s32 s8, s9;
	s9 =	sadd.s32 s11, s31  }
0x12: {  	s11 =	sadd.s32 s11, s15;
	s12 =	sadd.s32 s12, s15;
	s13 =	sadd.s32 $0xA4A00, s16  }
0x13: {  	s14 =	smax.u32 s14, $0x1;
	s15 =	sshrl.u32 @!p1 s1, $0x3;
	s16 =	simm.s32 $0x3  }
.LBB2_6:
0x14: {  	[tilespmem:s21], [sflag:$0x2] =	stream.indirect.gather [hbm4b:s3+s18], $0x80, s30, s18, $0xb8;
	[tilespmem:$0x1F800] =	vst v63  }
0x15: {  	s29 =	simm.s32 $0x7680;
	s30 =	simm.s32 $0x7600  }
.LBB2_12:
0x16: {  	_ =	swait.ge [sflag:s22], $0x2000  }
0x17: {  	[sflag:s22] =	ssyncset.done $0x0  }
0x18: {  	[sflag:s22] =	ssyncadd.s32 $0xFFFFE000  }
0x19: {  	[spmem:s1] =	stream.indirect.scatter.add.f32 [tilespmem:s19], [sflag:$0x3], $0x80, s30, s18, $0xb8;
	[tilespmem:$0x1F800] =	vst v63  }
0x1a: {  	_ =	swait.ge [sflag:s16], $0x2000  }
0x1b: {  	[sflag:s16] =	ssyncset.done $0x0  }
0x1c: {  	[sflag:s16] =	ssyncadd.s32 $0xFFFFE000  }
0x1d: {  	_ =	swait.ge [sflag:s23], $0x2000  }
0x1e: {  	[sflag:s23] =	ssyncset.done $0x0  }
0x1f: {  	[sflag:s23] =	ssyncadd.s32 $0xFFFFE000  }
0x20: {  	[spmem:s1] =	stream.indirect.scatter.add.f32 [tilespmem:s21], [sflag:$0x3], $0x80, s29, s18, $0xb8;
	[tilespmem:$0x1F800] =	vst v63  }
0x21: {  	_ =	swait.ge [sflag:s16], $0x2000  }
0x22: {  	[sflag:s16] =	ssyncset.done $0x0  }
0x23: {  	s2 =	sadd.s32 $0x1, s2;
	[sflag:s16] =	ssyncadd.s32 $0xFFFFE000  }
0x24: {  	p2 =	sne.s32 s2, s14;
	s29 =	simm.s32 @!p1 $0x1C03;
	[bflag:$0x0] =	sbarrier.arrive $0xFFFF  }
0x25: {  	[hbm:s13], [sflag:s29] =	dma.local @!p1 [spmem:s15], $0x28000  }
.Ltmp1:
0x26: {  	_ = 	snop;
	(pc) =	sbr.rel @!p2 .LBB2_13-.Ltmp1, $4  }
0x27: {  	s29 =	simm.s32 @!p1 $0x3  }
0x28: {  	_ =	swait.ge @!p1 [sflag:s29], $0x28000  }
0x29: {  	[sflag:s29] =	ssyncset.done @!p1 $0x0  }
0x2a: {  	[sflag:s29] =	ssyncadd.s32 @!p1 $0xFFFD8000  }
.LBB2_1:
0x2b: {  	s29 =	simm.s32 @!p1 $0x1C03  }
0x2c: {  	[spmem:s15], [sflag:s29] =	dma.local @!p1 [hbm:s4], $0x28000  }
0x2d: {  	s29 =	simm.s32 @!p1 $0x3  }
.Ltmp2:
0x2e: {  	_ =	swait.ge @!p1 [sflag:s29], $0x28000;
	(pc) =	sbr.rel @!p0 .LBB2_2-.Ltmp2, $4  }
0x2f: {  	[sflag:s29] =	ssyncset.done @!p1 $0x0  }
0x30: {  	[sflag:s29] =	ssyncadd.s32 @!p1 $0xFFFD8000  }
0x31: {  	[bflag:$0x0] =	sbarrier.arrive $0xFFFF  }
0x32: {  	s29 =	simm.s32 $0x0  }
0x33: {  	[tilespmem:s29], [sflag:$0x3] =	stream.linear.gather [hbm4b:s9+s29], $0x1500, $0x38;
	[tilespmem:$0x1F800] =	vst v63  }
0x34: {  	_ =	swait.ge [sflag:s16], $0x1500  }
0x35: {  	[sflag:s16] =	ssyncset.done $0x0  }
0x36: {  	[sflag:s16] =	ssyncadd.s32 $0xFFFFEB00  }
0x37: {  	[tilespmem:s17], [sflag:$0x3] =	stream.linear.gather [hbm4b:s10+s29], $0x1500, $0x38;
	[tilespmem:$0x1F800] =	vst v63  }
0x38: {  	_ =	swait.ge [sflag:s16], $0x1500  }
0x39: {  	[sflag:s16] =	ssyncset.done $0x0  }
0x3a: {  	[sflag:s16] =	ssyncadd.s32 $0xFFFFEB00  }
0x3b: {  	[tilespmem:s19], [sflag:$0x1] =	stream.indirect.gather [hbm4b:s3+s18], $0x80, s29, s18, $0xb8;
	[tilespmem:$0x1F800] =	vst v63  }
0x3c: {  	_ = 	snop  }
0x3d: {  	[tilespmem:s21], [sflag:$0x2] =	stream.indirect.gather [hbm4b:s3+s18], $0x80, s20, s18, $0xb8;
	[tilespmem:$0x1F800] =	vst v63  }
0x3e: {  	_ =	swait.ge [sflag:s22], $0x2000  }
0x3f: {  	[sflag:s22] =	ssyncset.done $0x0  }
0x40: {  	s29 =	simm.s32 $0x3C00;
	[sflag:s22] =	ssyncadd.s32 $0xFFFFE000  }
0x41: {  	[spmem:s1] =	stream.indirect.scatter.add.f32 [tilespmem:s19], [sflag:$0x3], $0x80, s29, s18, $0xb8;
	[tilespmem:$0x1F800] =	vst v63  }
0x42: {  	_ =	swait.ge [sflag:s16], $0x2000  }
0x43: {  	[sflag:s16] =	ssyncset.done $0x0  }
0x44: {  	s29 =	simm.s32 $0x100;
	[sflag:s16] =	ssyncadd.s32 $0xFFFFE000  }
0x45: {  	[tilespmem:s19], [sflag:$0x1] =	stream.indirect.gather [hbm4b:s3+s18], $0x80, s29, s18, $0xb8;
	[tilespmem:$0x1F800] =	vst v63  }
0x46: {  	_ =	swait.ge [sflag:s23], $0x2000  }
0x47: {  	[sflag:s23] =	ssyncset.done $0x0  }
0x48: {  	s29 =	simm.s32 $0x3C80;
	[sflag:s23] =	ssyncadd.s32 $0xFFFFE000  }
0x49: {  	[spmem:s1] =	stream.indirect.scatter.add.f32 [tilespmem:s21], [sflag:$0x3], $0x80, s29, s18, $0xb8;
	[tilespmem:$0x1F800] =	vst v63  }
0x4a: {  	_ =	swait.ge [sflag:s16], $0x2000  }
0x4b: {  	[sflag:s16] =	ssyncset.done $0x0  }
0x4c: {  	s30 =	simm.s32 $0x180;
	s29 =	simm.s32 $0x400;
	[sflag:s16] =	ssyncadd.s32 $0xFFFFE000  }
.LBB2_8:
0x4d: {  	[tilespmem:s21], [sflag:$0x2] =	stream.indirect.gather [hbm4b:s3+s18], $0x80, s30, s18, $0xb8;
	[tilespmem:$0x1F800] =	vst v63  }
0x4e: {  	s30 =	smov.u32 s29  }
0x4f: {  	p2 =	sne.s32 s29, $0x4C00;
	s29 =	sadd.s32 $0x400, s29;
	_ =	swait.ge [sflag:s22], $0x2000  }
0x50: {  	s30 =	sshra.s32 s30, $0x2;
	[sflag:s22] =	ssyncset.done $0x0  }
0x51: {  	s31 =	sadd.s32 $0x3C00, s30;
	[sflag:s22] =	ssyncadd.s32 $0xFFFFE000  }
0x52: {  	[spmem:s1] =	stream.indirect.scatter.add.f32 [tilespmem:s19], [sflag:$0x3], $0x80, s31, s18, $0xb8;
	[tilespmem:$0x1F800] =	vst v63  }
0x53: {  	_ =	swait.ge [sflag:s16], $0x2000  }
0x54: {  	[sflag:s16] =	ssyncset.done $0x0  }
0x55: {  	s31 =	sadd.s32 $0x100, s30;
	[sflag:s16] =	ssyncadd.s32 $0xFFFFE000  }
0x56: {  	[tilespmem:s19], [sflag:$0x1] =	stream.indirect.gather [hbm4b:s3+s18], $0x80, s31, s18, $0xb8;
	[tilespmem:$0x1F800] =	vst v63  }
0x57: {  	_ =	swait.ge [sflag:s23], $0x2000  }
0x58: {  	[sflag:s23] =	ssyncset.done $0x0  }
.Ltmp3:
0x59: {  	s31 =	sadd.s32 $0x3C80, s30;
	[sflag:s23] =	ssyncadd.s32 $0xFFFFE000;
	(pc) =	sbr.rel @p2 .LBB2_8-.Ltmp3, $4  }
0x5a: {  	[spmem:s1] =	stream.indirect.scatter.add.f32 [tilespmem:s21], [sflag:$0x3], $0x80, s31, s18, $0xb8;
	[tilespmem:$0x1F800] =	vst v63  }
0x5b: {  	_ =	swait.ge [sflag:s16], $0x2000  }
0x5c: {  	[sflag:s16] =	ssyncset.done $0x0  }
0x5d: {  	s30 =	sadd.s32 $0x180, s30;
	[sflag:s16] =	ssyncadd.s32 $0xFFFFE000  }
0x5e: {  	[tilespmem:s21], [sflag:$0x2] =	stream.indirect.gather [hbm4b:s3+s18], $0x80, s30, s18, $0xb8;
	[tilespmem:$0x1F800] =	vst v63  }
0x5f: {  	_ =	swait.ge [sflag:s22], $0x2000  }
0x60: {  	[sflag:s22] =	ssyncset.done $0x0  }
0x61: {  	[sflag:s22] =	ssyncadd.s32 $0xFFFFE000  }
0x62: {  	[spmem:s1] =	stream.indirect.scatter.add.f32 [tilespmem:s19], [sflag:$0x3], $0x80, s24, s18, $0xb8;
	[tilespmem:$0x1F800] =	vst v63  }
0x63: {  	_ =	swait.ge [sflag:s16], $0x2000  }
0x64: {  	[sflag:s16] =	ssyncset.done $0x0  }
0x65: {  	[sflag:s16] =	ssyncadd.s32 $0xFFFFE000  }
0x66: {  	_ =	swait.ge [sflag:s23], $0x2000  }
0x67: {  	[sflag:s23] =	ssyncset.done $0x0  }
0x68: {  	[sflag:s23] =	ssyncadd.s32 $0xFFFFE000  }
0x69: {  	[spmem:s1] =	stream.indirect.scatter.add.f32 [tilespmem:s21], [sflag:$0x3], $0x80, s25, s18, $0xb8;
	[tilespmem:$0x1F800] =	vst v63  }
0x6a: {  	_ =	swait.ge [sflag:s16], $0x2000  }
0x6b: {  	[sflag:s16] =	ssyncset.done $0x0  }
0x6c: {  	s29 =	simm.s32 $0x0;
	[sflag:s16] =	ssyncadd.s32 $0xFFFFE000  }
0x6d: {  	[tilespmem:s29], [sflag:$0x3] =	stream.linear.gather [hbm4b:s11+s29], $0x1500, $0x38;
	[tilespmem:$0x1F800] =	vst v63  }
0x6e: {  	_ =	swait.ge [sflag:s16], $0x1500  }
0x6f: {  	[sflag:s16] =	ssyncset.done $0x0  }
0x70: {  	[sflag:s16] =	ssyncadd.s32 $0xFFFFEB00  }
0x71: {  	[tilespmem:s17], [sflag:$0x3] =	stream.linear.gather [hbm4b:s12+s29], $0x1500, $0x38;
	[tilespmem:$0x1F800] =	vst v63  }
0x72: {  	_ =	swait.ge [sflag:s16], $0x1500  }
0x73: {  	[sflag:s16] =	ssyncset.done $0x0  }
0x74: {  	[sflag:s16] =	ssyncadd.s32 $0xFFFFEB00  }
0x75: {  	[tilespmem:s19], [sflag:$0x1] =	stream.indirect.gather [hbm4b:s3+s18], $0x80, s29, s18, $0xb8;
	[tilespmem:$0x1F800] =	vst v63  }
0x76: {  	_ = 	snop  }
0x77: {  	[tilespmem:s21], [sflag:$0x2] =	stream.indirect.gather [hbm4b:s3+s18], $0x80, s20, s18, $0xb8;
	[tilespmem:$0x1F800] =	vst v63  }
0x78: {  	_ =	swait.ge [sflag:s22], $0x2000  }
0x79: {  	[sflag:s22] =	ssyncset.done $0x0  }
0x7a: {  	s29 =	simm.s32 $0x3C00;
	[sflag:s22] =	ssyncadd.s32 $0xFFFFE000  }
0x7b: {  	[spmem:s1] =	stream.indirect.scatter.add.f32 [tilespmem:s19], [sflag:$0x3], $0x80, s29, s18, $0xb8;
	[tilespmem:$0x1F800] =	vst v63  }
0x7c: {  	_ =	swait.ge [sflag:s16], $0x2000  }
0x7d: {  	[sflag:s16] =	ssyncset.done $0x0  }
0x7e: {  	s29 =	simm.s32 $0x100;
	[sflag:s16] =	ssyncadd.s32 $0xFFFFE000  }
0x7f: {  	[tilespmem:s19], [sflag:$0x1] =	stream.indirect.gather [hbm4b:s3+s18], $0x80, s29, s18, $0xb8;
	[tilespmem:$0x1F800] =	vst v63  }
0x80: {  	_ =	swait.ge [sflag:s23], $0x2000  }
0x81: {  	[sflag:s23] =	ssyncset.done $0x0  }
0x82: {  	s29 =	simm.s32 $0x3C80;
	[sflag:s23] =	ssyncadd.s32 $0xFFFFE000  }
0x83: {  	[spmem:s1] =	stream.indirect.scatter.add.f32 [tilespmem:s21], [sflag:$0x3], $0x80, s29, s18, $0xb8;
	[tilespmem:$0x1F800] =	vst v63  }
0x84: {  	_ =	swait.ge [sflag:s16], $0x2000  }
0x85: {  	[sflag:s16] =	ssyncset.done $0x0  }
0x86: {  	s30 =	simm.s32 $0x180;
	s29 =	simm.s32 $0x400;
	[sflag:s16] =	ssyncadd.s32 $0xFFFFE000  }
.LBB2_10:
0x87: {  	[tilespmem:s21], [sflag:$0x2] =	stream.indirect.gather [hbm4b:s3+s18], $0x80, s30, s18, $0xb8;
	[tilespmem:$0x1F800] =	vst v63  }
0x88: {  	s30 =	smov.u32 s29  }
0x89: {  	p2 =	sne.s32 s29, $0x4C00;
	s29 =	sadd.s32 $0x400, s29;
	_ =	swait.ge [sflag:s22], $0x2000  }
0x8a: {  	s30 =	sshra.s32 s30, $0x2;
	[sflag:s22] =	ssyncset.done $0x0  }
0x8b: {  	s31 =	sadd.s32 $0x3C00, s30;
	[sflag:s22] =	ssyncadd.s32 $0xFFFFE000  }
0x8c: {  	[spmem:s1] =	stream.indirect.scatter.add.f32 [tilespmem:s19], [sflag:$0x3], $0x80, s31, s18, $0xb8;
	[tilespmem:$0x1F800] =	vst v63  }
0x8d: {  	_ =	swait.ge [sflag:s16], $0x2000  }
0x8e: {  	[sflag:s16] =	ssyncset.done $0x0  }
0x8f: {  	s31 =	sadd.s32 $0x100, s30;
	[sflag:s16] =	ssyncadd.s32 $0xFFFFE000  }
0x90: {  	[tilespmem:s19], [sflag:$0x1] =	stream.indirect.gather [hbm4b:s3+s18], $0x80, s31, s18, $0xb8;
	[tilespmem:$0x1F800] =	vst v63  }
0x91: {  	_ =	swait.ge [sflag:s23], $0x2000  }
0x92: {  	[sflag:s23] =	ssyncset.done $0x0  }
.Ltmp4:
0x93: {  	s31 =	sadd.s32 $0x3C80, s30;
	[sflag:s23] =	ssyncadd.s32 $0xFFFFE000;
	(pc) =	sbr.rel @p2 .LBB2_10-.Ltmp4, $4  }
0x94: {  	[spmem:s1] =	stream.indirect.scatter.add.f32 [tilespmem:s21], [sflag:$0x3], $0x80, s31, s18, $0xb8;
	[tilespmem:$0x1F800] =	vst v63  }
0x95: {  	_ =	swait.ge [sflag:s16], $0x2000  }
0x96: {  	[sflag:s16] =	ssyncset.done $0x0  }
0x97: {  	s30 =	sadd.s32 $0x180, s30;
	[sflag:s16] =	ssyncadd.s32 $0xFFFFE000  }
.Ltmp5:
0x98: {  	(pc) =	sbr.rel .LBB2_12-.Ltmp5, $3  }
0x99: {  	_ =	sdelay $0x1  }
0x9a: {  	[tilespmem:s21], [sflag:$0x2] =	stream.indirect.gather [hbm4b:s3+s18], $0x80, s30, s18, $0xb8;
	[tilespmem:$0x1F800] =	vst v63  }
0x9b: {  	s29 =	simm.s32 $0x5080;
	s30 =	simm.s32 $0x5000  }
.LBB2_2:
0x9c: {  	[tilespmem:s29], [sflag:$0x3] =	stream.linear.gather [hbm4b:s5+s29], $0x3B00, $0x38;
	[tilespmem:$0x1F800] =	vst v63  }
0x9d: {  	_ =	swait.ge [sflag:s16], $0x3B00  }
0x9e: {  	[sflag:s16] =	ssyncset.done $0x0  }
0x9f: {  	[sflag:s16] =	ssyncadd.s32 $0xFFFFC500  }
0xa0: {  	[tilespmem:s17], [sflag:$0x3] =	stream.linear.gather [hbm4b:s6+s29], $0x3B00, $0x38;
	[tilespmem:$0x1F800] =	vst v63  }
0xa1: {  	_ =	swait.ge [sflag:s16], $0x3B00  }
0xa2: {  	[sflag:s16] =	ssyncset.done $0x0  }
0xa3: {  	[sflag:s16] =	ssyncadd.s32 $0xFFFFC500  }
0xa4: {  	[tilespmem:s19], [sflag:$0x1] =	stream.indirect.gather [hbm4b:s3+s18], $0x80, s29, s18, $0xb8;
	[tilespmem:$0x1F800] =	vst v63  }
0xa5: {  	_ = 	snop  }
0xa6: {  	[tilespmem:s21], [sflag:$0x2] =	stream.indirect.gather [hbm4b:s3+s18], $0x80, s20, s18, $0xb8;
	[tilespmem:$0x1F800] =	vst v63  }
0xa7: {  	_ =	swait.ge [sflag:s22], $0x2000  }
0xa8: {  	[sflag:s22] =	ssyncset.done $0x0  }
0xa9: {  	s29 =	simm.s32 $0x3C00;
	[sflag:s22] =	ssyncadd.s32 $0xFFFFE000  }
0xaa: {  	[spmem:s1] =	stream.indirect.scatter.add.f32 [tilespmem:s19], [sflag:$0x3], $0x80, s29, s18, $0xb8;
	[tilespmem:$0x1F800] =	vst v63  }
0xab: {  	_ =	swait.ge [sflag:s16], $0x2000  }
0xac: {  	[sflag:s16] =	ssyncset.done $0x0  }
0xad: {  	s29 =	simm.s32 $0x100;
	[sflag:s16] =	ssyncadd.s32 $0xFFFFE000  }
0xae: {  	[tilespmem:s19], [sflag:$0x1] =	stream.indirect.gather [hbm4b:s3+s18], $0x80, s29, s18, $0xb8;
	[tilespmem:$0x1F800] =	vst v63  }
0xaf: {  	_ =	swait.ge [sflag:s23], $0x2000  }
0xb0: {  	[sflag:s23] =	ssyncset.done $0x0  }
0xb1: {  	s29 =	simm.s32 $0x3C80;
	[sflag:s23] =	ssyncadd.s32 $0xFFFFE000  }
0xb2: {  	[spmem:s1] =	stream.indirect.scatter.add.f32 [tilespmem:s21], [sflag:$0x3], $0x80, s29, s18, $0xb8;
	[tilespmem:$0x1F800] =	vst v63  }
0xb3: {  	_ =	swait.ge [sflag:s16], $0x2000  }
0xb4: {  	[sflag:s16] =	ssyncset.done $0x0  }
0xb5: {  	s30 =	simm.s32 $0x180;
	s29 =	simm.s32 $0x400;
	[sflag:s16] =	ssyncadd.s32 $0xFFFFE000  }
.LBB2_3:
0xb6: {  	[tilespmem:s21], [sflag:$0x2] =	stream.indirect.gather [hbm4b:s3+s18], $0x80, s30, s18, $0xb8;
	[tilespmem:$0x1F800] =	vst v63  }
0xb7: {  	s30 =	smov.u32 s29  }
0xb8: {  	p2 =	sne.s32 s29, $0xE400;
	s29 =	sadd.s32 $0x400, s29;
	_ =	swait.ge [sflag:s22], $0x2000  }
0xb9: {  	s30 =	sshra.s32 s30, $0x2;
	[sflag:s22] =	ssyncset.done $0x0  }
0xba: {  	s31 =	sadd.s32 $0x3C00, s30;
	[sflag:s22] =	ssyncadd.s32 $0xFFFFE000  }
0xbb: {  	[spmem:s1] =	stream.indirect.scatter.add.f32 [tilespmem:s19], [sflag:$0x3], $0x80, s31, s18, $0xb8;
	[tilespmem:$0x1F800] =	vst v63  }
0xbc: {  	_ =	swait.ge [sflag:s16], $0x2000  }
0xbd: {  	[sflag:s16] =	ssyncset.done $0x0  }
0xbe: {  	s31 =	sadd.s32 $0x100, s30;
	[sflag:s16] =	ssyncadd.s32 $0xFFFFE000  }
0xbf: {  	[tilespmem:s19], [sflag:$0x1] =	stream.indirect.gather [hbm4b:s3+s18], $0x80, s31, s18, $0xb8;
	[tilespmem:$0x1F800] =	vst v63  }
0xc0: {  	_ =	swait.ge [sflag:s23], $0x2000  }
0xc1: {  	[sflag:s23] =	ssyncset.done $0x0  }
.Ltmp6:
0xc2: {  	s31 =	sadd.s32 $0x3C80, s30;
	[sflag:s23] =	ssyncadd.s32 $0xFFFFE000;
	(pc) =	sbr.rel @p2 .LBB2_3-.Ltmp6, $4  }
0xc3: {  	[spmem:s1] =	stream.indirect.scatter.add.f32 [tilespmem:s21], [sflag:$0x3], $0x80, s31, s18, $0xb8;
	[tilespmem:$0x1F800] =	vst v63  }
0xc4: {  	_ =	swait.ge [sflag:s16], $0x2000  }
0xc5: {  	[sflag:s16] =	ssyncset.done $0x0  }
0xc6: {  	s30 =	sadd.s32 $0x180, s30;
	[sflag:s16] =	ssyncadd.s32 $0xFFFFE000  }
0xc7: {  	[tilespmem:s21], [sflag:$0x2] =	stream.indirect.gather [hbm4b:s3+s18], $0x80, s30, s18, $0xb8;
	[tilespmem:$0x1F800] =	vst v63  }
0xc8: {  	_ =	swait.ge [sflag:s22], $0x2000  }
0xc9: {  	[sflag:s22] =	ssyncset.done $0x0  }
0xca: {  	[sflag:s22] =	ssyncadd.s32 $0xFFFFE000  }
0xcb: {  	[spmem:s1] =	stream.indirect.scatter.add.f32 [tilespmem:s19], [sflag:$0x3], $0x80, s26, s18, $0xb8;
	[tilespmem:$0x1F800] =	vst v63  }
0xcc: {  	_ =	swait.ge [sflag:s16], $0x2000  }
0xcd: {  	[sflag:s16] =	ssyncset.done $0x0  }
0xce: {  	[sflag:s16] =	ssyncadd.s32 $0xFFFFE000  }
0xcf: {  	_ =	swait.ge [sflag:s23], $0x2000  }
0xd0: {  	[sflag:s23] =	ssyncset.done $0x0  }
0xd1: {  	[sflag:s23] =	ssyncadd.s32 $0xFFFFE000  }
0xd2: {  	[spmem:s1] =	stream.indirect.scatter.add.f32 [tilespmem:s21], [sflag:$0x3], $0x80, s28, s18, $0xb8;
	[tilespmem:$0x1F800] =	vst v63  }
0xd3: {  	_ =	swait.ge [sflag:s16], $0x2000  }
0xd4: {  	[sflag:s16] =	ssyncset.done $0x0  }
0xd5: {  	s29 =	simm.s32 $0x0;
	[sflag:s16] =	ssyncadd.s32 $0xFFFFE000  }
0xd6: {  	[tilespmem:s29], [sflag:$0x3] =	stream.linear.gather [hbm4b:s7+s29], $0x3B00, $0x38;
	[tilespmem:$0x1F800] =	vst v63  }
0xd7: {  	_ =	swait.ge [sflag:s16], $0x3B00  }
0xd8: {  	[sflag:s16] =	ssyncset.done $0x0  }
0xd9: {  	[sflag:s16] =	ssyncadd.s32 $0xFFFFC500  }
0xda: {  	[tilespmem:s17], [sflag:$0x3] =	stream.linear.gather [hbm4b:s8+s29], $0x3B00, $0x38;
	[tilespmem:$0x1F800] =	vst v63  }
0xdb: {  	_ =	swait.ge [sflag:s16], $0x3B00  }
0xdc: {  	[sflag:s16] =	ssyncset.done $0x0  }
0xdd: {  	[sflag:s16] =	ssyncadd.s32 $0xFFFFC500  }
0xde: {  	[tilespmem:s19], [sflag:$0x1] =	stream.indirect.gather [hbm4b:s3+s18], $0x80, s29, s18, $0xb8;
	[tilespmem:$0x1F800] =	vst v63  }
0xdf: {  	_ = 	snop  }
0xe0: {  	[tilespmem:s21], [sflag:$0x2] =	stream.indirect.gather [hbm4b:s3+s18], $0x80, s20, s18, $0xb8;
	[tilespmem:$0x1F800] =	vst v63  }
0xe1: {  	_ =	swait.ge [sflag:s22], $0x2000  }
0xe2: {  	[sflag:s22] =	ssyncset.done $0x0  }
0xe3: {  	s29 =	simm.s32 $0x3C00;
	[sflag:s22] =	ssyncadd.s32 $0xFFFFE000  }
0xe4: {  	[spmem:s1] =	stream.indirect.scatter.add.f32 [tilespmem:s19], [sflag:$0x3], $0x80, s29, s18, $0xb8;
	[tilespmem:$0x1F800] =	vst v63  }
0xe5: {  	_ =	swait.ge [sflag:s16], $0x2000  }
0xe6: {  	[sflag:s16] =	ssyncset.done $0x0  }
0xe7: {  	s29 =	simm.s32 $0x100;
	[sflag:s16] =	ssyncadd.s32 $0xFFFFE000  }
0xe8: {  	[tilespmem:s19], [sflag:$0x1] =	stream.indirect.gather [hbm4b:s3+s18], $0x80, s29, s18, $0xb8;
	[tilespmem:$0x1F800] =	vst v63  }
0xe9: {  	_ =	swait.ge [sflag:s23], $0x2000  }
0xea: {  	p2 =	por $0x0, $0x0;
	[sflag:s23] =	ssyncset.done $0x0  }
.Ltmp7:
0xeb: {  	s29 =	simm.s32 $0x3C80;
	[sflag:s23] =	ssyncadd.s32 $0xFFFFE000;
	(pc) =	sbr.rel @p2 .LBB2_6-.Ltmp7, $4  }
0xec: {  	[spmem:s1] =	stream.indirect.scatter.add.f32 [tilespmem:s21], [sflag:$0x3], $0x80, s29, s18, $0xb8;
	[tilespmem:$0x1F800] =	vst v63  }
0xed: {  	_ =	swait.ge [sflag:s16], $0x2000  }
0xee: {  	[sflag:s16] =	ssyncset.done $0x0  }
0xef: {  	s30 =	simm.s32 $0x180;
	s29 =	simm.s32 $0x400;
	[sflag:s16] =	ssyncadd.s32 $0xFFFFE000  }
.LBB2_5:
0xf0: {  	[tilespmem:s21], [sflag:$0x2] =	stream.indirect.gather [hbm4b:s3+s18], $0x80, s30, s18, $0xb8;
	[tilespmem:$0x1F800] =	vst v63  }
0xf1: {  	s30 =	smov.u32 s29  }
0xf2: {  	p2 =	seq.s32 s29, $0xE400;
	s29 =	sadd.s32 $0x400, s29;
	_ =	swait.ge [sflag:s22], $0x2000  }
0xf3: {  	s30 =	sshra.s32 s30, $0x2;
	[sflag:s22] =	ssyncset.done $0x0  }
0xf4: {  	s31 =	sadd.s32 $0x3C00, s30;
	[sflag:s22] =	ssyncadd.s32 $0xFFFFE000  }
0xf5: {  	[spmem:s1] =	stream.indirect.scatter.add.f32 [tilespmem:s19], [sflag:$0x3], $0x80, s31, s18, $0xb8;
	[tilespmem:$0x1F800] =	vst v63  }
0xf6: {  	_ =	swait.ge [sflag:s16], $0x2000  }
0xf7: {  	[sflag:s16] =	ssyncset.done $0x0  }
0xf8: {  	s31 =	sadd.s32 $0x100, s30;
	[sflag:s16] =	ssyncadd.s32 $0xFFFFE000  }
0xf9: {  	[tilespmem:s19], [sflag:$0x1] =	stream.indirect.gather [hbm4b:s3+s18], $0x80, s31, s18, $0xb8;
	[tilespmem:$0x1F800] =	vst v63  }
0xfa: {  	_ =	swait.ge [sflag:s23], $0x2000  }
0xfb: {  	[sflag:s23] =	ssyncset.done $0x0  }
.Ltmp8:
0xfc: {  	s31 =	sadd.s32 $0x3C80, s30;
	[sflag:s23] =	ssyncadd.s32 $0xFFFFE000;
	(pc) =	sbr.rel @!p2 .LBB2_5-.Ltmp8, $4  }
0xfd: {  	[spmem:s1] =	stream.indirect.scatter.add.f32 [tilespmem:s21], [sflag:$0x3], $0x80, s31, s18, $0xb8;
	[tilespmem:$0x1F800] =	vst v63  }
0xfe: {  	_ =	swait.ge [sflag:s16], $0x2000  }
0xff: {  	[sflag:s16] =	ssyncset.done $0x0  }
0x100: {  	s30 =	sadd.s32 $0x180, s30;
	[sflag:s16] =	ssyncadd.s32 $0xFFFFE000  }
.Ltmp9:
0x101: {  	_ = 	snop;
	(pc) =	sbr.rel .LBB2_6-.Ltmp9, $1  }
0x102: {  	_ =	sdelay $0x3  }
.LBB2_13:
0x103: {  	_ =	sfence.sel $0x180000  }
0x104: {  	[bflag:$0x0] =	sbarrier.arrive $0xFFFF  }
0x105: {  	_ =	strace $0x9000004D  }
0x106: {  	s0 =	sadd.s32 @!p1 $0x100000, s0;
	[bflag:$0x2] =	sbarrier.arrive $0xFFFF  }
0x107: {  	[sflag:s0] =	ssyncadd.tile.s32 @!p1 $0x1;
	_ =	shalt  }
.Lfunc_end2:
_tile_overlayer_lowered:
.L_overlay_start_2:
0x108: {  	(tag) =	ssettag $0x2  }
0x109: {  	s0 =	rddreg [dreg:$0x0];
	s2 =	stileid.u32  }
0x10a: {  	s1 =	rddreg [dreg:$0x1];
	p0 =	sne.s32 s2, $0x0  }
0x10b: {  	s3 =	rddreg [dreg:$0x2];
	[bflag:$0x3] =	sbarrier.arrive $0xFFFF;
	s2 =	simm.s32 @!p0 $0x1C03  }
0x10c: {  	[timem:s3], [sflag:s2] =	dma.local @!p0 [hbm:s0], s1  }
0x10d: {  	s0 =	simm.s32 @!p0 $0x3  }
0x10e: {  	_ =	swait.ge @!p0 [sflag:s0], s1  }
0x10f: {  	s1 =	ssub.s32 @!p0 $0x0, s1;
	[sflag:s0] =	ssyncset.done @!p0 $0x0  }
0x110: {  	[sflag:s0] =	ssyncadd.s32 @!p0 s1  }
0x111: {  	[bflag:$0x3] =	sbarrier.arrive $0xFFFF  }
0x112: {  	_ =	shalt  }

// kernel: kernel.20.cloned.1.call-start
scs
__scs_entry_jumppad:
0x0: {  	(pc) =	sbr.rel $0x88, $3  }
0x1: {  	(tag) =	ssettag $0x0;
	lr =	simm.s32 $0x1  }
0x2: {  	[smem:$0x3F96] =	sst lr;
	_ =	strace $0xD0000000  }
0x3: {  	_ = 	snop  }
0x4: {  	_ = 	snop  }
0x5: {  	_ = 	snop  }
0x6: {  	_ = 	snop  }
0x7: {  	_ = 	snop  }
__scs_overlays_trampoline_lowered:
0x8: {  	[smem:$0x3FA5] =	sst s0  }
0x9: {  	[smem:$0x3FA6] =	sst s1  }
0xa: {  	[smem:$0x3FA7] =	sst s2  }
0xb: {  	[smem:$0x3FA8] =	sst s3  }
0xc: {  	[smem:$0x3FA9] =	sst s4  }
0xd: {  	[smem:$0x3FAA] =	sst s5  }
0xe: {  	[smem:$0x3FAB] =	sst s6  }
0xf: {  	[smem:$0x3FAC] =	sst s7  }
0x10: {  	[smem:$0x3FAD] =	sst s8  }
0x11: {  	[smem:$0x3FAE] =	sst s9;
	s0 =	simm.s32 @!p0 $0x0  }
0x12: {  	s1 =	sld [smem:$0x3F94];
	s0 =	simm.s32 @p0 $0x1  }
0x13: {  	[smem:$0x3FAF] =	sst s0;
	s0 =	simm.s32 @!p1 $0x0  }
0x14: {  	s2 =	sld [smem:$0x3F93];
	s0 =	simm.s32 @p1 $0x1  }
0x15: {  	[smem:$0x3FB0] =	sst s0;
	s0 =	simm.s32 @!p2 $0x0  }
0x16: {  	s3 =	sld [smem:$0x3FDB];
	s0 =	simm.s32 @p2 $0x1  }
0x17: {  	s4 =	simm.s32 $0x1BF5;
	[smem:$0x3FB2] =	sst s0  }
0x18: {  	s0 =	sld [smem:$0x3F95];
	_ =	swait.ge [sflag:s4], $0x0  }
0x19: {  	s7 =	sld [smem:$0x3F96]  }
0x1a: {  	s8 =	sadd.s32 $0xFFFFE003, lr  }
0x1b: {  	s9 =	sadd.s32 $0xFFFFFEF7, lr;
	s5 =	simm.s32 $0xFFFFFFFF;
	p2 =	slt.u32 s8, $0xFFFFF086  }
0x1c: {  	p1 =	slt.u32 s9, $0xF7A;
	s5 =	simm.s32 @!p2 $0x0  }
0x1d: {  	s5 =	simm.s32 @p1 $0x1;
	p0 =	seq.s32 s7, s2  }
0x1e: {  	s7 =	smul.u32 @!p0 $0xF7A, s2;
	p2 =	seq.s32 @!p0 s5, $0x0  }
0x1f: {  	s9 =	smul.u32 $0xF7A, s1;
	s8 =	simm.s32 @!p0 $0x1BF5;
	p2 =	por !p2, p0  }
0x20: {  	[sflag:s8] =	ssyncset.s32 @!p0 $0xFFFFF086;
	s6 =	sadd.s32 @!p0 s3, s7;
	s7 =	simm.s32 @!p0 $0x108  }
0x21: {  	s3 =	sadd.s32 s3, s9;
	s6 =	sadd.s32 @!p0 $0x88, s6;
	s7 =	simm.s32 @p2 $0x1082  }
0x22: {  	[simem:s7], [sflag:s8] =	dma.local @!p0 [hbm:s6], $0xF7A  }
0x23: {  	s9 =	sor.u32 $0xD0000000, s2;
	s6 =	simm.s32 $0x108;
	_ =	swait.ge @!p0 [sflag:s8], $0x0  }
0x24: {  	s3 =	sadd.s32 $0x88, s3;
	s6 =	simm.s32 @!p1 $0x1082;
	[sflag:s4] =	ssyncset.s32 $0xFFFFF086  }
0x25: {  	[simem:s6], [sflag:s4] =	dma.local [hbm:s3], $0xF7A  }
0x26: {  	[smem:$0x3F96] =	sst s1;
	(tag) =	ssettag s2;
	_ =	strace s9  }
0x27: {  	s1 =	sld [smem:$0x3FA6]  }
0x28: {  	s2 =	sld [smem:$0x3FA7]  }
0x29: {  	s4 =	sld [smem:$0x3FA9]  }
0x2a: {  	p0 =	seq.s32 s5, $0x0;
	s5 =	sld [smem:$0x3FAA]  }
0x2b: {  	s6 =	sld [smem:$0x3FAB]  }
0x2c: {  	s7 =	sld [smem:$0x3FAC]  }
0x2d: {  	s3 =	simm.s32 $0x108;
	s8 =	sld [smem:$0x3FAD]  }
0x2e: {  	s3 =	simm.s32 @!p0 $0x1082;
	s9 =	sld [smem:$0x3FAE]  }
0x2f: {  	lr =	sadd.s32 s0, s3;
	s0 =	sld [smem:$0x3FA5]  }
0x30: {  	s3 =	sld [smem:$0x3FA8]  }
0x31: {  	[smem:$0x3FB1] =	sst s10  }
0x32: {  	s10 =	sld [smem:$0x3FAF];
	_ =	sdelay $0x3  }
0x33: {  	p0 =	seq.s32 s10, $0x1;
	s10 =	sld [smem:$0x3FB1];
	_ =	sdelay $0x3  }
0x34: {  	[smem:$0x3FB1] =	sst s10  }
0x35: {  	s10 =	sld [smem:$0x3FB0];
	_ =	sdelay $0x3  }
0x36: {  	p1 =	seq.s32 s10, $0x1;
	s10 =	sld [smem:$0x3FB1];
	_ =	sdelay $0x3  }
0x37: {  	[smem:$0x3FB1] =	sst s10  }
0x38: {  	s10 =	sld [smem:$0x3FB2]  }
0x39: {  	_ = 	snop;
	(pc) =	sbr.ind lr, $3  }
0x3a: {  	_ = 	snop  }
0x3b: {  	_ = 	snop  }
0x3c: {  	p2 =	seq.s32 s10, $0x1;
	s10 =	sld [smem:$0x3FB1]  }
0x3d: {  	_ =	shalt  }
0x3e: {  	_ =	shalt  }
0x3f: {  	_ =	shalt  }
0x40: {  	_ =	shalt  }
0x41: {  	_ =	shalt  }
0x42: {  	_ =	shalt  }
0x43: {  	_ =	shalt  }
0x44: {  	_ =	shalt  }
0x45: {  	_ =	shalt  }
0x46: {  	_ =	shalt  }
0x47: {  	_ =	shalt  }
0x48: {  	_ =	shalt  }
0x49: {  	_ =	shalt  }
0x4a: {  	_ =	shalt  }
0x4b: {  	_ =	shalt  }
0x4c: {  	_ =	shalt  }
0x4d: {  	_ =	shalt  }
0x4e: {  	_ =	shalt  }
0x4f: {  	_ =	shalt  }
0x50: {  	_ =	shalt  }
0x51: {  	_ =	shalt  }
0x52: {  	_ =	shalt  }
0x53: {  	_ =	shalt  }
0x54: {  	_ =	shalt  }
0x55: {  	_ =	shalt  }
0x56: {  	_ =	shalt  }
0x57: {  	_ =	shalt  }
0x58: {  	_ =	shalt  }
0x59: {  	_ =	shalt  }
0x5a: {  	_ =	shalt  }
0x5b: {  	_ =	shalt  }
0x5c: {  	_ =	shalt  }
0x5d: {  	_ =	shalt  }
0x5e: {  	_ =	shalt  }
0x5f: {  	_ =	shalt  }
0x60: {  	_ =	shalt  }
0x61: {  	_ =	shalt  }
0x62: {  	_ =	shalt  }
0x63: {  	_ =	shalt  }
0x64: {  	_ =	shalt  }
0x65: {  	_ =	shalt  }
0x66: {  	_ =	shalt  }
0x67: {  	_ =	shalt  }
0x68: {  	_ =	shalt  }
0x69: {  	_ =	shalt  }
0x6a: {  	_ =	shalt  }
0x6b: {  	_ =	shalt  }
0x6c: {  	_ =	shalt  }
0x6d: {  	_ =	shalt  }
0x6e: {  	_ =	shalt  }
0x6f: {  	_ =	shalt  }
0x70: {  	_ =	shalt  }
0x71: {  	_ =	shalt  }
0x72: {  	_ =	shalt  }
0x73: {  	_ =	shalt  }
0x74: {  	_ =	shalt  }
0x75: {  	_ =	shalt  }
0x76: {  	_ =	shalt  }
0x77: {  	_ =	shalt  }
0x78: {  	_ =	shalt  }
0x79: {  	_ =	shalt  }
0x7a: {  	_ =	shalt  }
0x7b: {  	_ =	shalt  }
0x7c: {  	_ =	shalt  }
0x7d: {  	_ =	shalt  }
0x7e: {  	_ =	shalt  }
0x7f: {  	_ =	shalt  }
0x80: {  	_ =	shalt  }
0x81: {  	_ =	shalt  }
0x82: {  	_ =	shalt  }
0x83: {  	_ =	shalt  }
0x84: {  	_ =	shalt  }
0x85: {  	_ =	shalt  }
0x86: {  	_ =	shalt  }
0x87: {  	_ =	shalt  }
.Lfunc_end0:
.L_simem_size_0:
called_computation.3_lowered:
.L_overlay_start_0:
0x88: {  	s2 =	sld [smem:$0x3FD9]  }
0x89: {  	s3 =	sld [smem:$0x3FFE];
	_ =	sdelay $0x1  }
0x8a: {  	s1 =	srdreg.scid  }
0x8b: {  	s0 =	sand.u32 $0x1, s1  }
0x8c: {  	s16 =	sshll.u32 s0, $0xA;
	s2 =	sadd.s32 s3, s2  }
0x8d: {  	s2 =	sadd.s32 s2, s16  }
0x8e: {  	[smem:$0x3FBD] =	sst s2  }
0x8f: {  	_ = 	snop  }
0x90: {  	(tm) =	ssettm $0x1  }
0x91: {  	s17 =	sld [smem:$0x3FFB];
	_ =	sdelay $0x3  }
0x92: {  	_ =	strace s17  }
0x93: {  	s2 =	sld [smem:$0x3FFC];
	_ =	sdelay $0x3  }
0x94: {  	_ =	strace s2  }
0x95: {  	s2 =	sld [smem:$0x3FFD];
	_ =	sdelay $0x3  }
0x96: {  	_ =	strace s2  }
0x97: {  	_ =	strace $0x8FFFFFFF  }
0x98: {  	s18 =	sld [smem:$0x3FDB];
	_ =	sdelay $0x1  }
0x99: {  	s19 =	simm.s32 $_scs_section_size  }
0x9a: {  	s4 =	simm.s32 $_size__tile_overlayer_lowered;
	s5 =	simm.s32 $_tile_overlayer_lowered  }
0x9b: {  	s22 =	simm.s32 $0x1BFF;
	s21 =	sshll.u32 s5, $0x1;
	s2 =	sadd.s32 s19, s18  }
0x9c: {  	s6 =	simm.s32 $0x0;
	s20 =	sshll.u32 s4, $0x1;
	s4 =	sadd.s32 s21, s2  }
0x9d: {  	[timem:s6], [sflag:s22] =	dma.local [hbm:s4], s20  }
0x9e: {  	_ =	swait.ge [sflag:s22], s20  }
0x9f: {  	s3 =	ssub.s32 $0x0, s20;
	[sflag:s22] =	ssyncset.done $0x0  }
0xa0: {  	[sflag:s22] =	ssyncadd.s32 s3;
	_ =	sdelay $0x1  }
0xa1: {  	s23 =	simm.s32 $0x1B8B  }
0xa2: {  	_ =	swait.ge [sflag:s23], $0x1  }
0xa3: {  	[sflag:s23] =	ssyncset.done $0x0  }
0xa4: {  	s25 =	simm.s32 $0x1B8E;
	s24 =	sld [smem:$0x3FFE];
	[sflag:s23] =	ssyncadd.s32 $0xFFFFFFFF  }
0xa5: {  	s26 =	simm.s32 $execute0_lowered;
	[smem:$0x3FD2] =	sst s25  }
0xa6: {  	s4 =	sshll.u32 s26, $0x1;
	_ =	strace $0x8000004F;
	[dreg:$0x1] =	wrdreg $0xFFFFFFFF  }
0xa7: {  	s28 =	simm.s32 $_size_execute0_lowered;
	s2 =	sadd.s32 s2, s4;
	[dreg:$0x0] =	wrdreg $0x0  }
0xa8: {  	s4 =	sshll.u32 s28, $0x1;
	[dreg:$0x2] =	wrdreg s2  }
0xa9: {  	[dreg:$0x3] =	wrdreg s4  }
0xaa: {  	[dreg:$0x4] =	wrdreg $0xC0  }
0xab: {  	_ =	task [dreg:s6], $0x5FFFF  }
0xac: {  	[dreg:$0x1] =	wrdreg $0xFFFFFFFF  }
0xad: {  	[dreg:$0x0] =	wrdreg $0x60  }
0xae: {  	[dreg:$0x2] =	wrdreg s24  }
0xaf: {  	[dreg:$0x3] =	wrdreg $0xB8000  }
0xb0: {  	[dreg:$0x4] =	wrdreg $0x9  }
0xb1: {  	_ =	task.clear_ibuf [dreg:s6], $0x5FFFF;
	_ =	strace $0x9000004F  }
0xb2: {  	s29 =	simm.s32 $0x9;
	_ =	strace $0x80000051  }
0xb3: {  	_ =	swait.ge [sflag:s29], $0x1  }
0xb4: {  	[sflag:s29] =	ssyncadd.s32 $0xFFFFFFFF  }
0xb5: {  	_ =	strace $0x90000051  }
0xb6: {  	_ =	sfence  }
0xb7: {  	s30 =	sld [smem:$0x0];
	_ =	sdelay $0x2  }
0xb8: {  	s31 =	sshll.u32 s1, $0xD;
	s1 =	sshrl.u32 s1, $0x2  }
0xb9: {  	s3 =	sand.u32 $0x4000, s31;
	s1 =	sadd.s32 s1, s30  }
0xba: {  	s0 =	sor.u32 s3, s0;
	s1 =	sshll.u32 s1, $0x11  }
0xbb: {  	s0 =	sor.u32 s1, s0  }
0xbc: {  	s0 =	sadd.s32 $0x8F2B, s0  }
0xbd: {  	[sflag:s0] =	ssyncadd.remote.s32 $0x1  }
0xbe: {  	_ =	sfence.sel $0xFFFF  }
0xbf: {  	[dreg:$0x0] =	wrdreg $0xFFFFFFFF;
	(pc) =	sbr.abs _section_cstart, $3  }
0xc0: {  	[dreg:$0x1] =	wrdreg $0xFFFFFFFF  }
0xc1: {  	_ =	task.clear_ibuf [dreg:s6], $0x2FFFF;
	_ =	strace $0x9FFFFFFF  }
0xc2: {  	(tm) =	ssettm $0x7FFFFFFF  }
0xc3: {  	_ =	shalt  }
tec
execute0_lowered:
.L_overlay_start_1:
0x0: {  	(tag) =	ssettag $0x1  }
0x1: {  	s5 =	rddreg [dreg:$0x0]  }
0x2: {  	s1 =	rddreg [dreg:$0x1]  }
0x3: {  	s0 =	rddreg [dreg:$0x2];
	s2 =	simm.s32 $0x0  }
0x4: {  	s4 =	srdreg.scid;
	s13 =	stileid.u32;
	s17 =	simm.s32 $0x3C00  }
0x5: {  	s18 =	simm.s32 $0x40;
	s19 =	simm.s32 $0x7800;
	s20 =	simm.s32 $0x80  }
0x6: {  	s21 =	simm.s32 $0x9800;
	s22 =	simm.s32 $0x1;
	s23 =	simm.s32 $0x2  }
0x7: {  	s24 =	simm.s32 $0x5000;
	s25 =	simm.s32 $0x5080;
	s26 =	simm.s32 $0x7600  }
0x8: {  	s28 =	simm.s32 $0x7680;
	[smem:$0x7FF] =	sst s2;
	s3 =	sadd.s32 $0x2AA00, s5  }
0x9: {  	s7 =	sadd.s32 $0x89A00, s5;
	s8 =	sadd.s32 $0x7AA00, s5;
	s11 =	sadd.s32 $0x98A00, s5  }
0xa: {  	s6 =	sand.u32 $0x1, s4;
	s12 =	sadd.s32 $0x9EA00, s5;
	s15 =	smul.u32 $0x7800, s13  }
0xb: {  	s4 =	sadd.s32 $0x2A00, s5;
	s30 =	smul.u32 $0x3000, s13;
	p1 =	sne.s32 s13, $0x0  }
0xc: {  	_ =	strace $0x80000050;
	s9 =	smul.u32 $0x28000, s6;
	s10 =	ssub.s32 $0x2, s6  }
0xd: {  	p0 =	seq.s32 s6, $0x1;
	s14 =	sshrl.u32 s10, $0x1;
	s29 =	sshrl.u32 s15, $0x3  }
0xe: {  	s31 =	sshrl.u32 s30, $0x3;
	s16 =	sadd.s32 s9, s5;
	s14 =	ssub.s32 s10, s14  }
.Ltmp0:
0xf: {  	s5 =	sadd.s32 s7, s29;
	s6 =	sadd.s32 s8, s29;
	(pc) =	sbr.rel .LBB2_1-.Ltmp0, $4  }
0x10: {  	s9 =	sadd.s32 $0x780, s29;
	s10 =	sadd.s32 s12, s31;
	s15 =	sadd.s32 $0x300, s31  }
0x11: {  	s7 =	sadd.s32 s7, s9;
	s8 =	sadd.s32 s8, s9;
	s9 =	sadd.s32 s11, s31  }
0x12: {  	s11 =	sadd.s32 s11, s15;
	s12 =	sadd.s32 s12, s15;
	s13 =	sadd.s32 $0xA4A00, s16  }
0x13: {  	s14 =	smax.u32 s14, $0x1;
	s15 =	sshrl.u32 @!p1 s1, $0x3;
	s16 =	simm.s32 $0x3  }
.LBB2_6:
0x14: {  	[tilespmem:s21], [sflag:$0x2] =	stream.indirect.gather [hbm4b:s3+s18], $0x80, s30, s18, $0xb8;
	[tilespmem:$0x1F800] =	vst v63  }
0x15: {  	s29 =	simm.s32 $0x7680;
	s30 =	simm.s32 $0x7600  }
.LBB2_12:
0x16: {  	_ =	swait.ge [sflag:s22], $0x2000  }
0x17: {  	[sflag:s22] =	ssyncset.done $0x0  }
0x18: {  	[sflag:s22] =	ssyncadd.s32 $0xFFFFE000  }
0x19: {  	[spmem:s1] =	stream.indirect.scatter.add.f32 [tilespmem:s19], [sflag:$0x3], $0x80, s30, s18, $0xb8;
	[tilespmem:$0x1F800] =	vst v63  }
0x1a: {  	_ =	swait.ge [sflag:s16], $0x2000  }
0x1b: {  	[sflag:s16] =	ssyncset.done $0x0  }
0x1c: {  	[sflag:s16] =	ssyncadd.s32 $0xFFFFE000  }
0x1d: {  	_ =	swait.ge [sflag:s23], $0x2000  }
0x1e: {  	[sflag:s23] =	ssyncset.done $0x0  }
0x1f: {  	[sflag:s23] =	ssyncadd.s32 $0xFFFFE000  }
0x20: {  	[spmem:s1] =	stream.indirect.scatter.add.f32 [tilespmem:s21], [sflag:$0x3], $0x80, s29, s18, $0xb8;
	[tilespmem:$0x1F800] =	vst v63  }
0x21: {  	_ =	swait.ge [sflag:s16], $0x2000  }
0x22: {  	[sflag:s16] =	ssyncset.done $0x0  }
0x23: {  	s2 =	sadd.s32 $0x1, s2;
	[sflag:s16] =	ssyncadd.s32 $0xFFFFE000  }
0x24: {  	p2 =	sne.s32 s2, s14;
	s29 =	simm.s32 @!p1 $0x1C03;
	[bflag:$0x0] =	sbarrier.arrive $0xFFFF  }
0x25: {  	[hbm:s13], [sflag:s29] =	dma.local @!p1 [spmem:s15], $0x28000  }
.Ltmp1:
0x26: {  	_ = 	snop;
	(pc) =	sbr.rel @!p2 .LBB2_13-.Ltmp1, $4  }
0x27: {  	s29 =	simm.s32 @!p1 $0x3  }
0x28: {  	_ =	swait.ge @!p1 [sflag:s29], $0x28000  }
0x29: {  	[sflag:s29] =	ssyncset.done @!p1 $0x0  }
0x2a: {  	[sflag:s29] =	ssyncadd.s32 @!p1 $0xFFFD8000  }
.LBB2_1:
0x2b: {  	s29 =	simm.s32 @!p1 $0x1C03  }
0x2c: {  	[spmem:s15], [sflag:s29] =	dma.local @!p1 [hbm:s4], $0x28000  }
0x2d: {  	s29 =	simm.s32 @!p1 $0x3  }
.Ltmp2:
0x2e: {  	_ =	swait.ge @!p1 [sflag:s29], $0x28000;
	(pc) =	sbr.rel @!p0 .LBB2_2-.Ltmp2, $4  }
0x2f: {  	[sflag:s29] =	ssyncset.done @!p1 $0x0  }
0x30: {  	[sflag:s29] =	ssyncadd.s32 @!p1 $0xFFFD8000  }
0x31: {  	[bflag:$0x0] =	sbarrier.arrive $0xFFFF  }
0x32: {  	s29 =	simm.s32 $0x0  }
0x33: {  	[tilespmem:s29], [sflag:$0x3] =	stream.linear.gather [hbm4b:s9+s29], $0x1500, $0x38;
	[tilespmem:$0x1F800] =	vst v63  }
0x34: {  	_ =	swait.ge [sflag:s16], $0x1500  }
0x35: {  	[sflag:s16] =	ssyncset.done $0x0  }
0x36: {  	[sflag:s16] =	ssyncadd.s32 $0xFFFFEB00  }
0x37: {  	[tilespmem:s17], [sflag:$0x3] =	stream.linear.gather [hbm4b:s10+s29], $0x1500, $0x38;
	[tilespmem:$0x1F800] =	vst v63  }
0x38: {  	_ =	swait.ge [sflag:s16], $0x1500  }
0x39: {  	[sflag:s16] =	ssyncset.done $0x0  }
0x3a: {  	[sflag:s16] =	ssyncadd.s32 $0xFFFFEB00  }
0x3b: {  	[tilespmem:s19], [sflag:$0x1] =	stream.indirect.gather [hbm4b:s3+s18], $0x80, s29, s18, $0xb8;
	[tilespmem:$0x1F800] =	vst v63  }
0x3c: {  	_ = 	snop  }
0x3d: {  	[tilespmem:s21], [sflag:$0x2] =	stream.indirect.gather [hbm4b:s3+s18], $0x80, s20, s18, $0xb8;
	[tilespmem:$0x1F800] =	vst v63  }
0x3e: {  	_ =	swait.ge [sflag:s22], $0x2000  }
0x3f: {  	[sflag:s22] =	ssyncset.done $0x0  }
0x40: {  	s29 =	simm.s32 $0x3C00;
	[sflag:s22] =	ssyncadd.s32 $0xFFFFE000  }
0x41: {  	[spmem:s1] =	stream.indirect.scatter.add.f32 [tilespmem:s19], [sflag:$0x3], $0x80, s29, s18, $0xb8;
	[tilespmem:$0x1F800] =	vst v63  }
0x42: {  	_ =	swait.ge [sflag:s16], $0x2000  }
0x43: {  	[sflag:s16] =	ssyncset.done $0x0  }
0x44: {  	s29 =	simm.s32 $0x100;
	[sflag:s16] =	ssyncadd.s32 $0xFFFFE000  }
0x45: {  	[tilespmem:s19], [sflag:$0x1] =	stream.indirect.gather [hbm4b:s3+s18], $0x80, s29, s18, $0xb8;
	[tilespmem:$0x1F800] =	vst v63  }
0x46: {  	_ =	swait.ge [sflag:s23], $0x2000  }
0x47: {  	[sflag:s23] =	ssyncset.done $0x0  }
0x48: {  	s29 =	simm.s32 $0x3C80;
	[sflag:s23] =	ssyncadd.s32 $0xFFFFE000  }
0x49: {  	[spmem:s1] =	stream.indirect.scatter.add.f32 [tilespmem:s21], [sflag:$0x3], $0x80, s29, s18, $0xb8;
	[tilespmem:$0x1F800] =	vst v63  }
0x4a: {  	_ =	swait.ge [sflag:s16], $0x2000  }
0x4b: {  	[sflag:s16] =	ssyncset.done $0x0  }
0x4c: {  	s30 =	simm.s32 $0x180;
	s29 =	simm.s32 $0x400;
	[sflag:s16] =	ssyncadd.s32 $0xFFFFE000  }
.LBB2_8:
0x4d: {  	[tilespmem:s21], [sflag:$0x2] =	stream.indirect.gather [hbm4b:s3+s18], $0x80, s30, s18, $0xb8;
	[tilespmem:$0x1F800] =	vst v63  }
0x4e: {  	s30 =	smov.u32 s29  }
0x4f: {  	p2 =	sne.s32 s29, $0x4C00;
	s29 =	sadd.s32 $0x400, s29;
	_ =	swait.ge [sflag:s22], $0x2000  }
0x50: {  	s30 =	sshra.s32 s30, $0x2;
	[sflag:s22] =	ssyncset.done $0x0  }
0x51: {  	s31 =	sadd.s32 $0x3C00, s30;
	[sflag:s22] =	ssyncadd.s32 $0xFFFFE000  }
0x52: {  	[spmem:s1] =	stream.indirect.scatter.add.f32 [tilespmem:s19], [sflag:$0x3], $0x80, s31, s18, $0xb8;
	[tilespmem:$0x1F800] =	vst v63  }
0x53: {  	_ =	swait.ge [sflag:s16], $0x2000  }
0x54: {  	[sflag:s16] =	ssyncset.done $0x0  }
0x55: {  	s31 =	sadd.s32 $0x100, s30;
	[sflag:s16] =	ssyncadd.s32 $0xFFFFE000  }
0x56: {  	[tilespmem:s19], [sflag:$0x1] =	stream.indirect.gather [hbm4b:s3+s18], $0x80, s31, s18, $0xb8;
	[tilespmem:$0x1F800] =	vst v63  }
0x57: {  	_ =	swait.ge [sflag:s23], $0x2000  }
0x58: {  	[sflag:s23] =	ssyncset.done $0x0  }
.Ltmp3:
0x59: {  	s31 =	sadd.s32 $0x3C80, s30;
	[sflag:s23] =	ssyncadd.s32 $0xFFFFE000;
	(pc) =	sbr.rel @p2 .LBB2_8-.Ltmp3, $4  }
0x5a: {  	[spmem:s1] =	stream.indirect.scatter.add.f32 [tilespmem:s21], [sflag:$0x3], $0x80, s31, s18, $0xb8;
	[tilespmem:$0x1F800] =	vst v63  }
0x5b: {  	_ =	swait.ge [sflag:s16], $0x2000  }
0x5c: {  	[sflag:s16] =	ssyncset.done $0x0  }
0x5d: {  	s30 =	sadd.s32 $0x180, s30;
	[sflag:s16] =	ssyncadd.s32 $0xFFFFE000  }
0x5e: {  	[tilespmem:s21], [sflag:$0x2] =	stream.indirect.gather [hbm4b:s3+s18], $0x80, s30, s18, $0xb8;
	[tilespmem:$0x1F800] =	vst v63  }
0x5f: {  	_ =	swait.ge [sflag:s22], $0x2000  }
0x60: {  	[sflag:s22] =	ssyncset.done $0x0  }
0x61: {  	[sflag:s22] =	ssyncadd.s32 $0xFFFFE000  }
0x62: {  	[spmem:s1] =	stream.indirect.scatter.add.f32 [tilespmem:s19], [sflag:$0x3], $0x80, s24, s18, $0xb8;
	[tilespmem:$0x1F800] =	vst v63  }
0x63: {  	_ =	swait.ge [sflag:s16], $0x2000  }
0x64: {  	[sflag:s16] =	ssyncset.done $0x0  }
0x65: {  	[sflag:s16] =	ssyncadd.s32 $0xFFFFE000  }
0x66: {  	_ =	swait.ge [sflag:s23], $0x2000  }
0x67: {  	[sflag:s23] =	ssyncset.done $0x0  }
0x68: {  	[sflag:s23] =	ssyncadd.s32 $0xFFFFE000  }
0x69: {  	[spmem:s1] =	stream.indirect.scatter.add.f32 [tilespmem:s21], [sflag:$0x3], $0x80, s25, s18, $0xb8;
	[tilespmem:$0x1F800] =	vst v63  }
0x6a: {  	_ =	swait.ge [sflag:s16], $0x2000  }
0x6b: {  	[sflag:s16] =	ssyncset.done $0x0  }
0x6c: {  	s29 =	simm.s32 $0x0;
	[sflag:s16] =	ssyncadd.s32 $0xFFFFE000  }
0x6d: {  	[tilespmem:s29], [sflag:$0x3] =	stream.linear.gather [hbm4b:s11+s29], $0x1500, $0x38;
	[tilespmem:$0x1F800] =	vst v63  }
0x6e: {  	_ =	swait.ge [sflag:s16], $0x1500  }
0x6f: {  	[sflag:s16] =	ssyncset.done $0x0  }
0x70: {  	[sflag:s16] =	ssyncadd.s32 $0xFFFFEB00  }
0x71: {  	[tilespmem:s17], [sflag:$0x3] =	stream.linear.gather [hbm4b:s12+s29], $0x1500, $0x38;
	[tilespmem:$0x1F800] =	vst v63  }
0x72: {  	_ =	swait.ge [sflag:s16], $0x1500  }
0x73: {  	[sflag:s16] =	ssyncset.done $0x0  }
0x74: {  	[sflag:s16] =	ssyncadd.s32 $0xFFFFEB00  }
0x75: {  	[tilespmem:s19], [sflag:$0x1] =	stream.indirect.gather [hbm4b:s3+s18], $0x80, s29, s18, $0xb8;
	[tilespmem:$0x1F800] =	vst v63  }
0x76: {  	_ = 	snop  }
0x77: {  	[tilespmem:s21], [sflag:$0x2] =	stream.indirect.gather [hbm4b:s3+s18], $0x80, s20, s18, $0xb8;
	[tilespmem:$0x1F800] =	vst v63  }
0x78: {  	_ =	swait.ge [sflag:s22], $0x2000  }
0x79: {  	[sflag:s22] =	ssyncset.done $0x0  }
0x7a: {  	s29 =	simm.s32 $0x3C00;
	[sflag:s22] =	ssyncadd.s32 $0xFFFFE000  }
0x7b: {  	[spmem:s1] =	stream.indirect.scatter.add.f32 [tilespmem:s19], [sflag:$0x3], $0x80, s29, s18, $0xb8;
	[tilespmem:$0x1F800] =	vst v63  }
0x7c: {  	_ =	swait.ge [sflag:s16], $0x2000  }
0x7d: {  	[sflag:s16] =	ssyncset.done $0x0  }
0x7e: {  	s29 =	simm.s32 $0x100;
	[sflag:s16] =	ssyncadd.s32 $0xFFFFE000  }
0x7f: {  	[tilespmem:s19], [sflag:$0x1] =	stream.indirect.gather [hbm4b:s3+s18], $0x80, s29, s18, $0xb8;
	[tilespmem:$0x1F800] =	vst v63  }
0x80: {  	_ =	swait.ge [sflag:s23], $0x2000  }
0x81: {  	[sflag:s23] =	ssyncset.done $0x0  }
0x82: {  	s29 =	simm.s32 $0x3C80;
	[sflag:s23] =	ssyncadd.s32 $0xFFFFE000  }
0x83: {  	[spmem:s1] =	stream.indirect.scatter.add.f32 [tilespmem:s21], [sflag:$0x3], $0x80, s29, s18, $0xb8;
	[tilespmem:$0x1F800] =	vst v63  }
0x84: {  	_ =	swait.ge [sflag:s16], $0x2000  }
0x85: {  	[sflag:s16] =	ssyncset.done $0x0  }
0x86: {  	s30 =	simm.s32 $0x180;
	s29 =	simm.s32 $0x400;
	[sflag:s16] =	ssyncadd.s32 $0xFFFFE000  }
.LBB2_10:
0x87: {  	[tilespmem:s21], [sflag:$0x2] =	stream.indirect.gather [hbm4b:s3+s18], $0x80, s30, s18, $0xb8;
	[tilespmem:$0x1F800] =	vst v63  }
0x88: {  	s30 =	smov.u32 s29  }
0x89: {  	p2 =	sne.s32 s29, $0x4C00;
	s29 =	sadd.s32 $0x400, s29;
	_ =	swait.ge [sflag:s22], $0x2000  }
0x8a: {  	s30 =	sshra.s32 s30, $0x2;
	[sflag:s22] =	ssyncset.done $0x0  }
0x8b: {  	s31 =	sadd.s32 $0x3C00, s30;
	[sflag:s22] =	ssyncadd.s32 $0xFFFFE000  }
0x8c: {  	[spmem:s1] =	stream.indirect.scatter.add.f32 [tilespmem:s19], [sflag:$0x3], $0x80, s31, s18, $0xb8;
	[tilespmem:$0x1F800] =	vst v63  }
0x8d: {  	_ =	swait.ge [sflag:s16], $0x2000  }
0x8e: {  	[sflag:s16] =	ssyncset.done $0x0  }
0x8f: {  	s31 =	sadd.s32 $0x100, s30;
	[sflag:s16] =	ssyncadd.s32 $0xFFFFE000  }
0x90: {  	[tilespmem:s19], [sflag:$0x1] =	stream.indirect.gather [hbm4b:s3+s18], $0x80, s31, s18, $0xb8;
	[tilespmem:$0x1F800] =	vst v63  }
0x91: {  	_ =	swait.ge [sflag:s23], $0x2000  }
0x92: {  	[sflag:s23] =	ssyncset.done $0x0  }
.Ltmp4:
0x93: {  	s31 =	sadd.s32 $0x3C80, s30;
	[sflag:s23] =	ssyncadd.s32 $0xFFFFE000;
	(pc) =	sbr.rel @p2 .LBB2_10-.Ltmp4, $4  }
0x94: {  	[spmem:s1] =	stream.indirect.scatter.add.f32 [tilespmem:s21], [sflag:$0x3], $0x80, s31, s18, $0xb8;
	[tilespmem:$0x1F800] =	vst v63  }
0x95: {  	_ =	swait.ge [sflag:s16], $0x2000  }
0x96: {  	[sflag:s16] =	ssyncset.done $0x0  }
0x97: {  	s30 =	sadd.s32 $0x180, s30;
	[sflag:s16] =	ssyncadd.s32 $0xFFFFE000  }
.Ltmp5:
0x98: {  	(pc) =	sbr.rel .LBB2_12-.Ltmp5, $3  }
0x99: {  	_ =	sdelay $0x1  }
0x9a: {  	[tilespmem:s21], [sflag:$0x2] =	stream.indirect.gather [hbm4b:s3+s18], $0x80, s30, s18, $0xb8;
	[tilespmem:$0x1F800] =	vst v63  }
0x9b: {  	s29 =	simm.s32 $0x5080;
	s30 =	simm.s32 $0x5000  }
.LBB2_2:
0x9c: {  	[tilespmem:s29], [sflag:$0x3] =	stream.linear.gather [hbm4b:s5+s29], $0x3B00, $0x38;
	[tilespmem:$0x1F800] =	vst v63  }
0x9d: {  	_ =	swait.ge [sflag:s16], $0x3B00  }
0x9e: {  	[sflag:s16] =	ssyncset.done $0x0  }
0x9f: {  	[sflag:s16] =	ssyncadd.s32 $0xFFFFC500  }
0xa0: {  	[tilespmem:s17], [sflag:$0x3] =	stream.linear.gather [hbm4b:s6+s29], $0x3B00, $0x38;
	[tilespmem:$0x1F800] =	vst v63  }
0xa1: {  	_ =	swait.ge [sflag:s16], $0x3B00  }
0xa2: {  	[sflag:s16] =	ssyncset.done $0x0  }
0xa3: {  	[sflag:s16] =	ssyncadd.s32 $0xFFFFC500  }
0xa4: {  	[tilespmem:s19], [sflag:$0x1] =	stream.indirect.gather [hbm4b:s3+s18], $0x80, s29, s18, $0xb8;
	[tilespmem:$0x1F800] =	vst v63  }
0xa5: {  	_ = 	snop  }
0xa6: {  	[tilespmem:s21], [sflag:$0x2] =	stream.indirect.gather [hbm4b:s3+s18], $0x80, s20, s18, $0xb8;
	[tilespmem:$0x1F800] =	vst v63  }
0xa7: {  	_ =	swait.ge [sflag:s22], $0x2000  }
0xa8: {  	[sflag:s22] =	ssyncset.done $0x0  }
0xa9: {  	s29 =	simm.s32 $0x3C00;
	[sflag:s22] =	ssyncadd.s32 $0xFFFFE000  }
0xaa: {  	[spmem:s1] =	stream.indirect.scatter.add.f32 [tilespmem:s19], [sflag:$0x3], $0x80, s29, s18, $0xb8;
	[tilespmem:$0x1F800] =	vst v63  }
0xab: {  	_ =	swait.ge [sflag:s16], $0x2000  }
0xac: {  	[sflag:s16] =	ssyncset.done $0x0  }
0xad: {  	s29 =	simm.s32 $0x100;
	[sflag:s16] =	ssyncadd.s32 $0xFFFFE000  }
0xae: {  	[tilespmem:s19], [sflag:$0x1] =	stream.indirect.gather [hbm4b:s3+s18], $0x80, s29, s18, $0xb8;
	[tilespmem:$0x1F800] =	vst v63  }
0xaf: {  	_ =	swait.ge [sflag:s23], $0x2000  }
0xb0: {  	[sflag:s23] =	ssyncset.done $0x0  }
0xb1: {  	s29 =	simm.s32 $0x3C80;
	[sflag:s23] =	ssyncadd.s32 $0xFFFFE000  }
0xb2: {  	[spmem:s1] =	stream.indirect.scatter.add.f32 [tilespmem:s21], [sflag:$0x3], $0x80, s29, s18, $0xb8;
	[tilespmem:$0x1F800] =	vst v63  }
0xb3: {  	_ =	swait.ge [sflag:s16], $0x2000  }
0xb4: {  	[sflag:s16] =	ssyncset.done $0x0  }
0xb5: {  	s30 =	simm.s32 $0x180;
	s29 =	simm.s32 $0x400;
	[sflag:s16] =	ssyncadd.s32 $0xFFFFE000  }
.LBB2_3:
0xb6: {  	[tilespmem:s21], [sflag:$0x2] =	stream.indirect.gather [hbm4b:s3+s18], $0x80, s30, s18, $0xb8;
	[tilespmem:$0x1F800] =	vst v63  }
0xb7: {  	s30 =	smov.u32 s29  }
0xb8: {  	p2 =	sne.s32 s29, $0xE400;
	s29 =	sadd.s32 $0x400, s29;
	_ =	swait.ge [sflag:s22], $0x2000  }
0xb9: {  	s30 =	sshra.s32 s30, $0x2;
	[sflag:s22] =	ssyncset.done $0x0  }
0xba: {  	s31 =	sadd.s32 $0x3C00, s30;
	[sflag:s22] =	ssyncadd.s32 $0xFFFFE000  }
0xbb: {  	[spmem:s1] =	stream.indirect.scatter.add.f32 [tilespmem:s19], [sflag:$0x3], $0x80, s31, s18, $0xb8;
	[tilespmem:$0x1F800] =	vst v63  }
0xbc: {  	_ =	swait.ge [sflag:s16], $0x2000  }
0xbd: {  	[sflag:s16] =	ssyncset.done $0x0  }
0xbe: {  	s31 =	sadd.s32 $0x100, s30;
	[sflag:s16] =	ssyncadd.s32 $0xFFFFE000  }
0xbf: {  	[tilespmem:s19], [sflag:$0x1] =	stream.indirect.gather [hbm4b:s3+s18], $0x80, s31, s18, $0xb8;
	[tilespmem:$0x1F800] =	vst v63  }
0xc0: {  	_ =	swait.ge [sflag:s23], $0x2000  }
0xc1: {  	[sflag:s23] =	ssyncset.done $0x0  }
.Ltmp6:
0xc2: {  	s31 =	sadd.s32 $0x3C80, s30;
	[sflag:s23] =	ssyncadd.s32 $0xFFFFE000;
	(pc) =	sbr.rel @p2 .LBB2_3-.Ltmp6, $4  }
0xc3: {  	[spmem:s1] =	stream.indirect.scatter.add.f32 [tilespmem:s21], [sflag:$0x3], $0x80, s31, s18, $0xb8;
	[tilespmem:$0x1F800] =	vst v63  }
0xc4: {  	_ =	swait.ge [sflag:s16], $0x2000  }
0xc5: {  	[sflag:s16] =	ssyncset.done $0x0  }
0xc6: {  	s30 =	sadd.s32 $0x180, s30;
	[sflag:s16] =	ssyncadd.s32 $0xFFFFE000  }
0xc7: {  	[tilespmem:s21], [sflag:$0x2] =	stream.indirect.gather [hbm4b:s3+s18], $0x80, s30, s18, $0xb8;
	[tilespmem:$0x1F800] =	vst v63  }
0xc8: {  	_ =	swait.ge [sflag:s22], $0x2000  }
0xc9: {  	[sflag:s22] =	ssyncset.done $0x0  }
0xca: {  	[sflag:s22] =	ssyncadd.s32 $0xFFFFE000  }
0xcb: {  	[spmem:s1] =	stream.indirect.scatter.add.f32 [tilespmem:s19], [sflag:$0x3], $0x80, s26, s18, $0xb8;
	[tilespmem:$0x1F800] =	vst v63  }
0xcc: {  	_ =	swait.ge [sflag:s16], $0x2000  }
0xcd: {  	[sflag:s16] =	ssyncset.done $0x0  }
0xce: {  	[sflag:s16] =	ssyncadd.s32 $0xFFFFE000  }
0xcf: {  	_ =	swait.ge [sflag:s23], $0x2000  }
0xd0: {  	[sflag:s23] =	ssyncset.done $0x0  }
0xd1: {  	[sflag:s23] =	ssyncadd.s32 $0xFFFFE000  }
0xd2: {  	[spmem:s1] =	stream.indirect.scatter.add.f32 [tilespmem:s21], [sflag:$0x3], $0x80, s28, s18, $0xb8;
	[tilespmem:$0x1F800] =	vst v63  }
0xd3: {  	_ =	swait.ge [sflag:s16], $0x2000  }
0xd4: {  	[sflag:s16] =	ssyncset.done $0x0  }
0xd5: {  	s29 =	simm.s32 $0x0;
	[sflag:s16] =	ssyncadd.s32 $0xFFFFE000  }
0xd6: {  	[tilespmem:s29], [sflag:$0x3] =	stream.linear.gather [hbm4b:s7+s29], $0x3B00, $0x38;
	[tilespmem:$0x1F800] =	vst v63  }
0xd7: {  	_ =	swait.ge [sflag:s16], $0x3B00  }
0xd8: {  	[sflag:s16] =	ssyncset.done $0x0  }
0xd9: {  	[sflag:s16] =	ssyncadd.s32 $0xFFFFC500  }
0xda: {  	[tilespmem:s17], [sflag:$0x3] =	stream.linear.gather [hbm4b:s8+s29], $0x3B00, $0x38;
	[tilespmem:$0x1F800] =	vst v63  }
0xdb: {  	_ =	swait.ge [sflag:s16], $0x3B00  }
0xdc: {  	[sflag:s16] =	ssyncset.done $0x0  }
0xdd: {  	[sflag:s16] =	ssyncadd.s32 $0xFFFFC500  }
0xde: {  	[tilespmem:s19], [sflag:$0x1] =	stream.indirect.gather [hbm4b:s3+s18], $0x80, s29, s18, $0xb8;
	[tilespmem:$0x1F800] =	vst v63  }
0xdf: {  	_ = 	snop  }
0xe0: {  	[tilespmem:s21], [sflag:$0x2] =	stream.indirect.gather [hbm4b:s3+s18], $0x80, s20, s18, $0xb8;
	[tilespmem:$0x1F800] =	vst v63  }
0xe1: {  	_ =	swait.ge [sflag:s22], $0x2000  }
0xe2: {  	[sflag:s22] =	ssyncset.done $0x0  }
0xe3: {  	s29 =	simm.s32 $0x3C00;
	[sflag:s22] =	ssyncadd.s32 $0xFFFFE000  }
0xe4: {  	[spmem:s1] =	stream.indirect.scatter.add.f32 [tilespmem:s19], [sflag:$0x3], $0x80, s29, s18, $0xb8;
	[tilespmem:$0x1F800] =	vst v63  }
0xe5: {  	_ =	swait.ge [sflag:s16], $0x2000  }
0xe6: {  	[sflag:s16] =	ssyncset.done $0x0  }
0xe7: {  	s29 =	simm.s32 $0x100;
	[sflag:s16] =	ssyncadd.s32 $0xFFFFE000  }
0xe8: {  	[tilespmem:s19], [sflag:$0x1] =	stream.indirect.gather [hbm4b:s3+s18], $0x80, s29, s18, $0xb8;
	[tilespmem:$0x1F800] =	vst v63  }
0xe9: {  	_ =	swait.ge [sflag:s23], $0x2000  }
0xea: {  	p2 =	por $0x0, $0x0;
	[sflag:s23] =	ssyncset.done $0x0  }
.Ltmp7:
0xeb: {  	s29 =	simm.s32 $0x3C80;
	[sflag:s23] =	ssyncadd.s32 $0xFFFFE000;
	(pc) =	sbr.rel @p2 .LBB2_6-.Ltmp7, $4  }
0xec: {  	[spmem:s1] =	stream.indirect.scatter.add.f32 [tilespmem:s21], [sflag:$0x3], $0x80, s29, s18, $0xb8;
	[tilespmem:$0x1F800] =	vst v63  }
0xed: {  	_ =	swait.ge [sflag:s16], $0x2000  }
0xee: {  	[sflag:s16] =	ssyncset.done $0x0  }
0xef: {  	s30 =	simm.s32 $0x180;
	s29 =	simm.s32 $0x400;
	[sflag:s16] =	ssyncadd.s32 $0xFFFFE000  }
.LBB2_5:
0xf0: {  	[tilespmem:s21], [sflag:$0x2] =	stream.indirect.gather [hbm4b:s3+s18], $0x80, s30, s18, $0xb8;
	[tilespmem:$0x1F800] =	vst v63  }
0xf1: {  	s30 =	smov.u32 s29  }
0xf2: {  	p2 =	seq.s32 s29, $0xE400;
	s29 =	sadd.s32 $0x400, s29;
	_ =	swait.ge [sflag:s22], $0x2000  }
0xf3: {  	s30 =	sshra.s32 s30, $0x2;
	[sflag:s22] =	ssyncset.done $0x0  }
0xf4: {  	s31 =	sadd.s32 $0x3C00, s30;
	[sflag:s22] =	ssyncadd.s32 $0xFFFFE000  }
0xf5: {  	[spmem:s1] =	stream.indirect.scatter.add.f32 [tilespmem:s19], [sflag:$0x3], $0x80, s31, s18, $0xb8;
	[tilespmem:$0x1F800] =	vst v63  }
0xf6: {  	_ =	swait.ge [sflag:s16], $0x2000  }
0xf7: {  	[sflag:s16] =	ssyncset.done $0x0  }
0xf8: {  	s31 =	sadd.s32 $0x100, s30;
	[sflag:s16] =	ssyncadd.s32 $0xFFFFE000  }
0xf9: {  	[tilespmem:s19], [sflag:$0x1] =	stream.indirect.gather [hbm4b:s3+s18], $0x80, s31, s18, $0xb8;
	[tilespmem:$0x1F800] =	vst v63  }
0xfa: {  	_ =	swait.ge [sflag:s23], $0x2000  }
0xfb: {  	[sflag:s23] =	ssyncset.done $0x0  }
.Ltmp8:
0xfc: {  	s31 =	sadd.s32 $0x3C80, s30;
	[sflag:s23] =	ssyncadd.s32 $0xFFFFE000;
	(pc) =	sbr.rel @!p2 .LBB2_5-.Ltmp8, $4  }
0xfd: {  	[spmem:s1] =	stream.indirect.scatter.add.f32 [tilespmem:s21], [sflag:$0x3], $0x80, s31, s18, $0xb8;
	[tilespmem:$0x1F800] =	vst v63  }
0xfe: {  	_ =	swait.ge [sflag:s16], $0x2000  }
0xff: {  	[sflag:s16] =	ssyncset.done $0x0  }
0x100: {  	s30 =	sadd.s32 $0x180, s30;
	[sflag:s16] =	ssyncadd.s32 $0xFFFFE000  }
.Ltmp9:
0x101: {  	_ = 	snop;
	(pc) =	sbr.rel .LBB2_6-.Ltmp9, $1  }
0x102: {  	_ =	sdelay $0x3  }
.LBB2_13:
0x103: {  	_ =	sfence.sel $0x180000  }
0x104: {  	[bflag:$0x0] =	sbarrier.arrive $0xFFFF  }
0x105: {  	_ =	strace $0x90000050  }
0x106: {  	s0 =	sadd.s32 @!p1 $0x100000, s0;
	[bflag:$0x2] =	sbarrier.arrive $0xFFFF  }
0x107: {  	[sflag:s0] =	ssyncadd.tile.s32 @!p1 $0x1;
	_ =	shalt  }
.Lfunc_end2:
_tile_overlayer_lowered:
.L_overlay_start_2:
0x108: {  	(tag) =	ssettag $0x2  }
0x109: {  	s0 =	rddreg [dreg:$0x0];
	s2 =	stileid.u32  }
0x10a: {  	s1 =	rddreg [dreg:$0x1];
	p0 =	sne.s32 s2, $0x0  }
0x10b: {  	s3 =	rddreg [dreg:$0x2];
	[bflag:$0x3] =	sbarrier.arrive $0xFFFF;
	s2 =	simm.s32 @!p0 $0x1C03  }
0x10c: {  	[timem:s3], [sflag:s2] =	dma.local @!p0 [hbm:s0], s1  }
0x10d: {  	s0 =	simm.s32 @!p0 $0x3  }
0x10e: {  	_ =	swait.ge @!p0 [sflag:s0], s1  }
0x10f: {  	s1 =	ssub.s32 @!p0 $0x0, s1;
	[sflag:s0] =	ssyncset.done @!p0 $0x0  }
0x110: {  	[sflag:s0] =	ssyncadd.s32 @!p0 s1  }
0x111: {  	[bflag:$0x3] =	sbarrier.arrive $0xFFFF  }
0x112: {  	_ =	shalt  }

</sc_bundles>
